<compile_context>
chip_gen: v7x
topology: tpu7x:2x2x1
jax: 0.10.2.dev20260603
libtpu: 0.0.44.dev20260713+nightly
codegen_flags: <defaults>
</compile_context>

<pallas_src>
import functools

import jax
import jax.numpy as jnp
from jax import lax
from jax.experimental import pallas as pl
from jax.experimental.pallas import tpu as pltpu
from jax.experimental.pallas import tpu_sc as plsc

_B, _S, _D = 4, 4096, 1024
_NW = 32
_S_PER_W = _S // _NW
_R = 8
_N_CHUNKS = _S_PER_W // _R

_mesh = plsc.VectorSubcoreMesh(core_axis_name="c", subcore_axis_name="s")


@functools.partial(
    pl.kernel,
    mesh=_mesh,
    out_type=jax.ShapeDtypeStruct((_B * _S, _D), jnp.float32),
    scratch_types=[
        pltpu.VMEM((8, _R, _D), jnp.float32),
        pltpu.VMEM((2, _R, _D), jnp.float32),
        pltpu.SemaphoreType.DMA((2, 4)),
        pltpu.SemaphoreType.DMA((2,)),
        pltpu.SemaphoreType.DMA((2, 4)),
    ],
)
def _sc_add(x_hbm, t_hbm, o_hbm, xbuf, tbuf, sx, st, so):
    wid = lax.axis_index("s") * 2 + lax.axis_index("c")
    s0 = wid * _S_PER_W

    def x_copy(g, p, bank):
        row = p * _S + s0 + g * _R
        return pltpu.make_async_copy(
            x_hbm.at[pl.ds(row, _R)], xbuf.at[bank * 4 + p], sx.at[bank, p])

    def o_copy(g, p, bank):
        row = p * _S + s0 + g * _R
        return pltpu.make_async_copy(
            xbuf.at[bank * 4 + p], o_hbm.at[pl.ds(row, _R)], so.at[bank, p])

    def t_copy(g, bank):
        return pltpu.make_async_copy(
            t_hbm.at[pl.ds(s0 + g * _R, _R)], tbuf.at[bank], st.at[bank])

    def phase(g, q):
        @pl.when(g < _N_CHUNKS - 1)
        def _():
            t_copy(g + 1, 1 - q).start()

        t_copy(g, q).wait()

        for p in range(_B):
            x_copy(g, p, q).wait()
            xs = q * 4 + p

            @plsc.parallel_loop(0, _R * _D // 128, unroll=4)
            def body(i, xs=xs):
                r = lax.shift_right_logical(i, 3)
                cb = lax.mul(lax.bitwise_and(i, 7), 128)
                for u in range(8):
                    sl = pl.ds(cb + u * 16, 16)
                    xbuf[xs, r, sl] = xbuf[xs, r, sl] + tbuf[q, r, sl]
            o_copy(g, p, q).start()

            @pl.when(g == 0)
            def _():
                x_copy(1, p, 1).start()

            @pl.when(jnp.logical_and(g >= 1, g < _N_CHUNKS - 1))
            def _():
                o_copy(g - 1, p, 1 - q).wait()
                x_copy(g + 1, p, 1 - q).start()

    t_copy(0, 0).start()
    for p in range(_B):
        x_copy(0, p, 0).start()

    def outer(gg, carry):
        phase(2 * gg, 0)
        phase(2 * gg + 1, 1)
        return carry

    lax.fori_loop(0, _N_CHUNKS // 2, outer, 0)

    for p in range(_B):
        o_copy(_N_CHUNKS - 2, p, 0).wait()
        o_copy(_N_CHUNKS - 1, p, 1).wait()


def kernel(x, pos_table):
    out = _sc_add(x.reshape(_B * _S, _D), pos_table)
    return out.reshape(x.shape)

# --- scband reference (transcript-rebuilt; emitter-appended) ---
"""Pipeline reference for scband-absolute-positional-encoding-72464688218471 (READ-ONLY COPY).

The authoritative reference and input builder live on the scoring server;
editing this copy changes nothing except your own understanding.
"""

import jax, jax.numpy as jnp
import numpy as np

D_HID = 1024
N_POSITION = 4096

def setup_inputs(seed: int = 0) -> dict:
    key = jax.random.key(seed)
    k1, k2 = jax.random.split(key)
    x = jax.random.normal(k1, (4, 4096, 1024), dtype=jnp.float32)
    # nn.Embedding default init: N(0, 1)
    pos_table = jax.random.normal(k2, (N_POSITION, D_HID), dtype=jnp.float32)
    return {"x": x, "pos_table": pos_table}

def reference(x, pos_table):
    seq_len = x.shape[1]
    position = jnp.arange(seq_len, dtype=jnp.int32)[None, :]  # [1, S]
    position_embeds = jnp.take(pos_table, position, axis=0)   # [1, S, d_hid]
    return x + position_embeds

if __name__ == "__main__":
    import jax
    _d = setup_inputs()
    print(jax.jit(kernel)(*tuple(_d.values())))

</pallas_src>

<mosaic_0001>
#map = affine_map<(d0, d1) -> (0, 0)>
module attributes {stable_mosaic.version = 14 : i64} {
  func.func @_sc_add(%arg0: i32, %arg1: i32, %arg2: memref<16384x1024xf32, #tpu.memory_space<hbm>>, %arg3: memref<4096x1024xf32, #tpu.memory_space<hbm>>, %arg4: memref<16384x1024xf32, #tpu.memory_space<hbm>>, %arg5: memref<8x8x1024xf32, #tpu.memory_space<vmem>>, %arg6: memref<2x8x1024xf32, #tpu.memory_space<vmem>>, %arg7: memref<2x4x!tpu.dma_semaphore, #tpu.memory_space<semaphore_mem>>, %arg8: memref<2x!tpu.dma_semaphore, #tpu.memory_space<semaphore_mem>>, %arg9: memref<2x4x!tpu.dma_semaphore, #tpu.memory_space<semaphore_mem>>) attributes {dimension_semantics = [#tpu.dimension_semantics<core_parallel>, #tpu.dimension_semantics<subcore_parallel>], iteration_bounds = array<i64: 2, 16>, scalar_prefetch = 0 : i64, scratch_operands = 5 : i64, tpu.core_type = #tpu.core_type<sc_vector_subcore>, window_params = [{transform_indices = #map}, {transform_indices = #map}, {transform_indices = #map}]} {
    %mul3A = arith.constant 2 : i32
    %mul3A_0 = arith.muli %arg1, %mul3A : i32
    %add3A = arith.addi %mul3A_0, %arg0 : i32
    %mul3A_1 = arith.constant 128 : i32
    %mul3A_2 = arith.muli %add3A, %mul3A_1 : i32
    %add3A_3 = arith.constant 0 : i32
    %add3A_4 = arith.addi %mul3A_2, %add3A_3 : i32
    %dma_start3A = arith.constant 0 : i32
    %dma_start3A_5 = arith.constant 0 : i32
    %dma_start3A_6 = arith.constant 0 : i32
    %dma_start3A_7 = arith.constant 0 : i32
    %dma_start3A_8 = tpu.memref_slice %arg6[%dma_start3A, %dma_start3A_6, %dma_start3A_7] : memref<2x8x1024xf32, #tpu.memory_space<vmem>> -> memref<1x8x1024xf32, #tpu.memory_space<vmem>>
    %dma_start3A_9 = tpu.memref_squeeze %dma_start3A_8 : memref<1x8x1024xf32, #tpu.memory_space<vmem>> -> memref<8x1024xf32, #tpu.memory_space<vmem>>
    %dma_start3A_10 = arith.constant 0 : i32
    %dma_start3A_11 = tpu.memref_slice %arg3[%add3A_4, %dma_start3A_10] : memref<4096x1024xf32, #tpu.memory_space<hbm>> -> memref<8x1024xf32, #tpu.memory_space<hbm>>
    %dma_start3A_12 = tpu.memref_slice %arg8[%dma_start3A_5] : memref<2x!tpu.dma_semaphore, #tpu.memory_space<semaphore_mem>> -> memref<1x!tpu.dma_semaphore, #tpu.memory_space<semaphore_mem>>
    %dma_start3A_13 = tpu.memref_squeeze %dma_start3A_12 : memref<1x!tpu.dma_semaphore, #tpu.memory_space<semaphore_mem>> -> memref<!tpu.dma_semaphore, #tpu.memory_space<semaphore_mem>>
    %dma_start3A_14 = arith.constant 0 : i32
    %dma_start3A_15 = arith.constant 0 : i32
    %dma_start3A_16 = tpu.memref_slice %arg6[%dma_start3A, %dma_start3A_14, %dma_start3A_15] : memref<2x8x1024xf32, #tpu.memory_space<vmem>> -> memref<1x8x1024xf32, #tpu.memory_space<vmem>>
    %dma_start3A_17 = tpu.memref_squeeze %dma_start3A_16 : memref<1x8x1024xf32, #tpu.memory_space<vmem>> -> memref<8x1024xf32, #tpu.memory_space<vmem>>
    %dma_start3A_18 = arith.constant 0 : i32
    %dma_start3A_19 = tpu.memref_slice %arg3[%add3A_4, %dma_start3A_18] : memref<4096x1024xf32, #tpu.memory_space<hbm>> -> memref<8x1024xf32, #tpu.memory_space<hbm>>
    tpu.enqueue_dma source(%dma_start3A_19 : memref<8x1024xf32, #tpu.memory_space<hbm>>) target(%dma_start3A_17 : memref<8x1024xf32, #tpu.memory_space<vmem>>) target_semaphore(%dma_start3A_13 : memref<!tpu.dma_semaphore, #tpu.memory_space<semaphore_mem>>)
    %add3A_20 = arith.constant 0 : i32
    %add3A_21 = arith.addi %add3A_20, %mul3A_2 : i32
    %add3A_22 = arith.constant 0 : i32
    %add3A_23 = arith.addi %add3A_21, %add3A_22 : i32
    %dma_start3A_24 = arith.constant 0 : i32
    %dma_start3A_25 = arith.constant 0 : i32
    %dma_start3A_26 = arith.constant 0 : i32
    %dma_start3A_27 = arith.constant 0 : i32
    %dma_start3A_28 = arith.constant 0 : i32
    %dma_start3A_29 = tpu.memref_slice %arg5[%dma_start3A_24, %dma_start3A_27, %dma_start3A_28] : memref<8x8x1024xf32, #tpu.memory_space<vmem>> -> memref<1x8x1024xf32, #tpu.memory_space<vmem>>
    %dma_start3A_30 = tpu.memref_squeeze %dma_start3A_29 : memref<1x8x1024xf32, #tpu.memory_space<vmem>> -> memref<8x1024xf32, #tpu.memory_space<vmem>>
    %dma_start3A_31 = arith.constant 0 : i32
    %dma_start3A_32 = tpu.memref_slice %arg2[%add3A_23, %dma_start3A_31] : memref<16384x1024xf32, #tpu.memory_space<hbm>> -> memref<8x1024xf32, #tpu.memory_space<hbm>>
    %dma_start3A_33 = tpu.memref_slice %arg7[%dma_start3A_25, %dma_start3A_26] : memref<2x4x!tpu.dma_semaphore, #tpu.memory_space<semaphore_mem>> -> memref<1x1x!tpu.dma_semaphore, #tpu.memory_space<semaphore_mem>>
    %dma_start3A_34 = tpu.memref_squeeze %dma_start3A_33 : memref<1x1x!tpu.dma_semaphore, #tpu.memory_space<semaphore_mem>> -> memref<!tpu.dma_semaphore, #tpu.memory_space<semaphore_mem>>
    %dma_start3A_35 = arith.constant 0 : i32
    %dma_start3A_36 = arith.constant 0 : i32
    %dma_start3A_37 = tpu.memref_slice %arg5[%dma_start3A_24, %dma_start3A_35, %dma_start3A_36] : memref<8x8x1024xf32, #tpu.memory_space<vmem>> -> memref<1x8x1024xf32, #tpu.memory_space<vmem>>
    %dma_start3A_38 = tpu.memref_squeeze %dma_start3A_37 : memref<1x8x1024xf32, #tpu.memory_space<vmem>> -> memref<8x1024xf32, #tpu.memory_space<vmem>>
    %dma_start3A_39 = arith.constant 0 : i32
    %dma_start3A_40 = tpu.memref_slice %arg2[%add3A_23, %dma_start3A_39] : memref<16384x1024xf32, #tpu.memory_space<hbm>> -> memref<8x1024xf32, #tpu.memory_space<hbm>>
    tpu.enqueue_dma source(%dma_start3A_40 : memref<8x1024xf32, #tpu.memory_space<hbm>>) target(%dma_start3A_38 : memref<8x1024xf32, #tpu.memory_space<vmem>>) target_semaphore(%dma_start3A_34 : memref<!tpu.dma_semaphore, #tpu.memory_space<semaphore_mem>>)
    %add3A_41 = arith.constant 4096 : i32
    %add3A_42 = arith.addi %add3A_41, %mul3A_2 : i32
    %add3A_43 = arith.constant 0 : i32
    %add3A_44 = arith.addi %add3A_42, %add3A_43 : i32
    %dma_start3A_45 = arith.constant 1 : i32
    %dma_start3A_46 = arith.constant 0 : i32
    %dma_start3A_47 = arith.constant 1 : i32
    %dma_start3A_48 = arith.constant 0 : i32
    %dma_start3A_49 = arith.constant 0 : i32
    %dma_start3A_50 = tpu.memref_slice %arg5[%dma_start3A_45, %dma_start3A_48, %dma_start3A_49] : memref<8x8x1024xf32, #tpu.memory_space<vmem>> -> memref<1x8x1024xf32, #tpu.memory_space<vmem>>
    %dma_start3A_51 = tpu.memref_squeeze %dma_start3A_50 : memref<1x8x1024xf32, #tpu.memory_space<vmem>> -> memref<8x1024xf32, #tpu.memory_space<vmem>>
    %dma_start3A_52 = arith.constant 0 : i32
    %dma_start3A_53 = tpu.memref_slice %arg2[%add3A_44, %dma_start3A_52] : memref<16384x1024xf32, #tpu.memory_space<hbm>> -> memref<8x1024xf32, #tpu.memory_space<hbm>>
    %dma_start3A_54 = tpu.memref_slice %arg7[%dma_start3A_46, %dma_start3A_47] : memref<2x4x!tpu.dma_semaphore, #tpu.memory_space<semaphore_mem>> -> memref<1x1x!tpu.dma_semaphore, #tpu.memory_space<semaphore_mem>>
    %dma_start3A_55 = tpu.memref_squeeze %dma_start3A_54 : memref<1x1x!tpu.dma_semaphore, #tpu.memory_space<semaphore_mem>> -> memref<!tpu.dma_semaphore, #tpu.memory_space<semaphore_mem>>
    %dma_start3A_56 = arith.constant 0 : i32
    %dma_start3A_57 = arith.constant 0 : i32
    %dma_start3A_58 = tpu.memref_slice %arg5[%dma_start3A_45, %dma_start3A_56, %dma_start3A_57] : memref<8x8x1024xf32, #tpu.memory_space<vmem>> -> memref<1x8x1024xf32, #tpu.memory_space<vmem>>
    %dma_start3A_59 = tpu.memref_squeeze %dma_start3A_58 : memref<1x8x1024xf32, #tpu.memory_space<vmem>> -> memref<8x1024xf32, #tpu.memory_space<vmem>>
    %dma_start3A_60 = arith.constant 0 : i32
    %dma_start3A_61 = tpu.memref_slice %arg2[%add3A_44, %dma_start3A_60] : memref<16384x1024xf32, #tpu.memory_space<hbm>> -> memref<8x1024xf32, #tpu.memory_space<hbm>>
    tpu.enqueue_dma source(%dma_start3A_61 : memref<8x1024xf32, #tpu.memory_space<hbm>>) target(%dma_start3A_59 : memref<8x1024xf32, #tpu.memory_space<vmem>>) target_semaphore(%dma_start3A_55 : memref<!tpu.dma_semaphore, #tpu.memory_space<semaphore_mem>>)
    %add3A_62 = arith.constant 8192 : i32
    %add3A_63 = arith.addi %add3A_62, %mul3A_2 : i32
    %add3A_64 = arith.constant 0 : i32
    %add3A_65 = arith.addi %add3A_63, %add3A_64 : i32
    %dma_start3A_66 = arith.constant 2 : i32
    %dma_start3A_67 = arith.constant 0 : i32
    %dma_start3A_68 = arith.constant 2 : i32
    %dma_start3A_69 = arith.constant 0 : i32
    %dma_start3A_70 = arith.constant 0 : i32
    %dma_start3A_71 = tpu.memref_slice %arg5[%dma_start3A_66, %dma_start3A_69, %dma_start3A_70] : memref<8x8x1024xf32, #tpu.memory_space<vmem>> -> memref<1x8x1024xf32, #tpu.memory_space<vmem>>
    %dma_start3A_72 = tpu.memref_squeeze %dma_start3A_71 : memref<1x8x1024xf32, #tpu.memory_space<vmem>> -> memref<8x1024xf32, #tpu.memory_space<vmem>>
    %dma_start3A_73 = arith.constant 0 : i32
    %dma_start3A_74 = tpu.memref_slice %arg2[%add3A_65, %dma_start3A_73] : memref<16384x1024xf32, #tpu.memory_space<hbm>> -> memref<8x1024xf32, #tpu.memory_space<hbm>>
    %dma_start3A_75 = tpu.memref_slice %arg7[%dma_start3A_67, %dma_start3A_68] : memref<2x4x!tpu.dma_semaphore, #tpu.memory_space<semaphore_mem>> -> memref<1x1x!tpu.dma_semaphore, #tpu.memory_space<semaphore_mem>>
    %dma_start3A_76 = tpu.memref_squeeze %dma_start3A_75 : memref<1x1x!tpu.dma_semaphore, #tpu.memory_space<semaphore_mem>> -> memref<!tpu.dma_semaphore, #tpu.memory_space<semaphore_mem>>
    %dma_start3A_77 = arith.constant 0 : i32
    %dma_start3A_78 = arith.constant 0 : i32
    %dma_start3A_79 = tpu.memref_slice %arg5[%dma_start3A_66, %dma_start3A_77, %dma_start3A_78] : memref<8x8x1024xf32, #tpu.memory_space<vmem>> -> memref<1x8x1024xf32, #tpu.memory_space<vmem>>
    %dma_start3A_80 = tpu.memref_squeeze %dma_start3A_79 : memref<1x8x1024xf32, #tpu.memory_space<vmem>> -> memref<8x1024xf32, #tpu.memory_space<vmem>>
    %dma_start3A_81 = arith.constant 0 : i32
    %dma_start3A_82 = tpu.memref_slice %arg2[%add3A_65, %dma_start3A_81] : memref<16384x1024xf32, #tpu.memory_space<hbm>> -> memref<8x1024xf32, #tpu.memory_space<hbm>>
    tpu.enqueue_dma source(%dma_start3A_82 : memref<8x1024xf32, #tpu.memory_space<hbm>>) target(%dma_start3A_80 : memref<8x1024xf32, #tpu.memory_space<vmem>>) target_semaphore(%dma_start3A_76 : memref<!tpu.dma_semaphore, #tpu.memory_space<semaphore_mem>>)
    %add3A_83 = arith.constant 12288 : i32
    %add3A_84 = arith.addi %add3A_83, %mul3A_2 : i32
    %add3A_85 = arith.constant 0 : i32
    %add3A_86 = arith.addi %add3A_84, %add3A_85 : i32
    %dma_start3A_87 = arith.constant 3 : i32
    %dma_start3A_88 = arith.constant 0 : i32
    %dma_start3A_89 = arith.constant 3 : i32
    %dma_start3A_90 = arith.constant 0 : i32
    %dma_start3A_91 = arith.constant 0 : i32
    %dma_start3A_92 = tpu.memref_slice %arg5[%dma_start3A_87, %dma_start3A_90, %dma_start3A_91] : memref<8x8x1024xf32, #tpu.memory_space<vmem>> -> memref<1x8x1024xf32, #tpu.memory_space<vmem>>
    %dma_start3A_93 = tpu.memref_squeeze %dma_start3A_92 : memref<1x8x1024xf32, #tpu.memory_space<vmem>> -> memref<8x1024xf32, #tpu.memory_space<vmem>>
    %dma_start3A_94 = arith.constant 0 : i32
    %dma_start3A_95 = tpu.memref_slice %arg2[%add3A_86, %dma_start3A_94] : memref<16384x1024xf32, #tpu.memory_space<hbm>> -> memref<8x1024xf32, #tpu.memory_space<hbm>>
    %dma_start3A_96 = tpu.memref_slice %arg7[%dma_start3A_88, %dma_start3A_89] : memref<2x4x!tpu.dma_semaphore, #tpu.memory_space<semaphore_mem>> -> memref<1x1x!tpu.dma_semaphore, #tpu.memory_space<semaphore_mem>>
    %dma_start3A_97 = tpu.memref_squeeze %dma_start3A_96 : memref<1x1x!tpu.dma_semaphore, #tpu.memory_space<semaphore_mem>> -> memref<!tpu.dma_semaphore, #tpu.memory_space<semaphore_mem>>
    %dma_start3A_98 = arith.constant 0 : i32
    %dma_start3A_99 = arith.constant 0 : i32
    %dma_start3A_100 = tpu.memref_slice %arg5[%dma_start3A_87, %dma_start3A_98, %dma_start3A_99] : memref<8x8x1024xf32, #tpu.memory_space<vmem>> -> memref<1x8x1024xf32, #tpu.memory_space<vmem>>
    %dma_start3A_101 = tpu.memref_squeeze %dma_start3A_100 : memref<1x8x1024xf32, #tpu.memory_space<vmem>> -> memref<8x1024xf32, #tpu.memory_space<vmem>>
    %dma_start3A_102 = arith.constant 0 : i32
    %dma_start3A_103 = tpu.memref_slice %arg2[%add3A_86, %dma_start3A_102] : memref<16384x1024xf32, #tpu.memory_space<hbm>> -> memref<8x1024xf32, #tpu.memory_space<hbm>>
    tpu.enqueue_dma source(%dma_start3A_103 : memref<8x1024xf32, #tpu.memory_space<hbm>>) target(%dma_start3A_101 : memref<8x1024xf32, #tpu.memory_space<vmem>>) target_semaphore(%dma_start3A_97 : memref<!tpu.dma_semaphore, #tpu.memory_space<semaphore_mem>>)
    %scan3A = arith.constant 0 : i32
    %scan3A_104 = arith.constant 0 : i32
    %scan3A_105 = arith.constant 8 : i32
    %scan3A_106 = arith.addi %scan3A_104, %scan3A_105 : i32
    %scan3A_107 = arith.constant 1 : i32
    scf.for %scan3A_276 = %scan3A_104 to %scan3A_106 step %scan3A_107  : i32 {
      %mul3A_277 = arith.constant 2 : i32
      %mul3A_278 = arith.muli %mul3A_277, %scan3A_276 : i32
      %lt3A = arith.constant 15 : i32
      %lt3A_279 = arith.cmpi slt, %mul3A_278, %lt3A : i32
      %convert_element_type3A = arith.extui %lt3A_279 : i1 to i32
      %cond3A = arith.constant 0 : i32
      %cond3A_280 = arith.cmpi ne, %convert_element_type3A, %cond3A : i32
      scf.if %cond3A_280 {
        %add3A_804 = arith.constant 1 : i32
        %add3A_805 = arith.addi %mul3A_278, %add3A_804 : i32
        %mul3A_806 = arith.constant 8 : i32
        %mul3A_807 = arith.muli %add3A_805, %mul3A_806 : i32
        %add3A_808 = arith.addi %mul3A_2, %mul3A_807 : i32
        %dma_start3A_809 = arith.constant 1 : i32
        %dma_start3A_810 = arith.constant 1 : i32
        %dma_start3A_811 = arith.constant 0 : i32
        %dma_start3A_812 = arith.constant 0 : i32
        %dma_start3A_813 = tpu.memref_slice %arg6[%dma_start3A_809, %dma_start3A_811, %dma_start3A_812] : memref<2x8x1024xf32, #tpu.memory_space<vmem>> -> memref<1x8x1024xf32, #tpu.memory_space<vmem>>
        %dma_start3A_814 = tpu.memref_squeeze %dma_start3A_813 : memref<1x8x1024xf32, #tpu.memory_space<vmem>> -> memref<8x1024xf32, #tpu.memory_space<vmem>>
        %dma_start3A_815 = arith.constant 0 : i32
        %dma_start3A_816 = tpu.memref_slice %arg3[%add3A_808, %dma_start3A_815] : memref<4096x1024xf32, #tpu.memory_space<hbm>> -> memref<8x1024xf32, #tpu.memory_space<hbm>>
        %dma_start3A_817 = tpu.memref_slice %arg8[%dma_start3A_810] : memref<2x!tpu.dma_semaphore, #tpu.memory_space<semaphore_mem>> -> memref<1x!tpu.dma_semaphore, #tpu.memory_space<semaphore_mem>>
        %dma_start3A_818 = tpu.memref_squeeze %dma_start3A_817 : memref<1x!tpu.dma_semaphore, #tpu.memory_space<semaphore_mem>> -> memref<!tpu.dma_semaphore, #tpu.memory_space<semaphore_mem>>
        %dma_start3A_819 = arith.constant 0 : i32
        %dma_start3A_820 = arith.constant 0 : i32
        %dma_start3A_821 = tpu.memref_slice %arg6[%dma_start3A_809, %dma_start3A_819, %dma_start3A_820] : memref<2x8x1024xf32, #tpu.memory_space<vmem>> -> memref<1x8x1024xf32, #tpu.memory_space<vmem>>
        %dma_start3A_822 = tpu.memref_squeeze %dma_start3A_821 : memref<1x8x1024xf32, #tpu.memory_space<vmem>> -> memref<8x1024xf32, #tpu.memory_space<vmem>>
        %dma_start3A_823 = arith.constant 0 : i32
        %dma_start3A_824 = tpu.memref_slice %arg3[%add3A_808, %dma_start3A_823] : memref<4096x1024xf32, #tpu.memory_space<hbm>> -> memref<8x1024xf32, #tpu.memory_space<hbm>>
        tpu.enqueue_dma source(%dma_start3A_824 : memref<8x1024xf32, #tpu.memory_space<hbm>>) target(%dma_start3A_822 : memref<8x1024xf32, #tpu.memory_space<vmem>>) target_semaphore(%dma_start3A_818 : memref<!tpu.dma_semaphore, #tpu.memory_space<semaphore_mem>>)
      } else {
      }
      %mul3A_281 = arith.constant 8 : i32
      %mul3A_282 = arith.muli %mul3A_278, %mul3A_281 : i32
      %add3A_283 = arith.addi %mul3A_2, %mul3A_282 : i32
      %dma_wait3A_284 = arith.constant 0 : i32
      %dma_wait3A_285 = arith.constant 0 : i32
      %dma_wait3A_286 = arith.constant 0 : i32
      %dma_wait3A_287 = arith.constant 0 : i32
      %dma_wait3A_288 = tpu.memref_slice %arg6[%dma_wait3A_284, %dma_wait3A_286, %dma_wait3A_287] : memref<2x8x1024xf32, #tpu.memory_space<vmem>> -> memref<1x8x1024xf32, #tpu.memory_space<vmem>>
      %dma_wait3A_289 = tpu.memref_squeeze %dma_wait3A_288 : memref<1x8x1024xf32, #tpu.memory_space<vmem>> -> memref<8x1024xf32, #tpu.memory_space<vmem>>
      %dma_wait3A_290 = arith.constant 0 : i32
      %dma_wait3A_291 = tpu.memref_slice %arg3[%add3A_283, %dma_wait3A_290] : memref<4096x1024xf32, #tpu.memory_space<hbm>> -> memref<8x1024xf32, #tpu.memory_space<hbm>>
      %dma_wait3A_292 = tpu.memref_slice %arg8[%dma_wait3A_285] : memref<2x!tpu.dma_semaphore, #tpu.memory_space<semaphore_mem>> -> memref<1x!tpu.dma_semaphore, #tpu.memory_space<semaphore_mem>>
      %dma_wait3A_293 = tpu.memref_squeeze %dma_wait3A_292 : memref<1x!tpu.dma_semaphore, #tpu.memory_space<semaphore_mem>> -> memref<!tpu.dma_semaphore, #tpu.memory_space<semaphore_mem>>
      %dma_wait3A_294 = arith.constant 0 : i32
      %dma_wait3A_295 = arith.constant 0 : i32
      %dma_wait3A_296 = tpu.memref_slice %arg6[%dma_wait3A_284, %dma_wait3A_294, %dma_wait3A_295] : memref<2x8x1024xf32, #tpu.memory_space<vmem>> -> memref<1x8x1024xf32, #tpu.memory_space<vmem>>
      %dma_wait3A_297 = tpu.memref_squeeze %dma_wait3A_296 : memref<1x8x1024xf32, #tpu.memory_space<vmem>> -> memref<8x1024xf32, #tpu.memory_space<vmem>>
      %dma_wait3A_298 = arith.constant 0 : i32
      %dma_wait3A_299 = tpu.memref_slice %arg3[%add3A_283, %dma_wait3A_298] : memref<4096x1024xf32, #tpu.memory_space<hbm>> -> memref<8x1024xf32, #tpu.memory_space<hbm>>
      tpu.wait_dma2 semaphore(%dma_wait3A_293 : memref<!tpu.dma_semaphore, #tpu.memory_space<semaphore_mem>>) src(%dma_wait3A_299 : memref<8x1024xf32, #tpu.memory_space<hbm>>) dst(%dma_wait3A_297 : memref<8x1024xf32, #tpu.memory_space<vmem>>)
      %add3A_300 = arith.constant 0 : i32
      %add3A_301 = arith.addi %add3A_300, %mul3A_2 : i32
      %mul3A_302 = arith.constant 8 : i32
      %mul3A_303 = arith.muli %mul3A_278, %mul3A_302 : i32
      %add3A_304 = arith.addi %add3A_301, %mul3A_303 : i32
      %dma_wait3A_305 = arith.constant 0 : i32
      %dma_wait3A_306 = arith.constant 0 : i32
      %dma_wait3A_307 = arith.constant 0 : i32
      %dma_wait3A_308 = arith.constant 0 : i32
      %dma_wait3A_309 = arith.constant 0 : i32
      %dma_wait3A_310 = tpu.memref_slice %arg5[%dma_wait3A_305, %dma_wait3A_308, %dma_wait3A_309] : memref<8x8x1024xf32, #tpu.memory_space<vmem>> -> memref<1x8x1024xf32, #tpu.memory_space<vmem>>
      %dma_wait3A_311 = tpu.memref_squeeze %dma_wait3A_310 : memref<1x8x1024xf32, #tpu.memory_space<vmem>> -> memref<8x1024xf32, #tpu.memory_space<vmem>>
      %dma_wait3A_312 = arith.constant 0 : i32
      %dma_wait3A_313 = tpu.memref_slice %arg2[%add3A_304, %dma_wait3A_312] : memref<16384x1024xf32, #tpu.memory_space<hbm>> -> memref<8x1024xf32, #tpu.memory_space<hbm>>
      %dma_wait3A_314 = tpu.memref_slice %arg7[%dma_wait3A_306, %dma_wait3A_307] : memref<2x4x!tpu.dma_semaphore, #tpu.memory_space<semaphore_mem>> -> memref<1x1x!tpu.dma_semaphore, #tpu.memory_space<semaphore_mem>>
      %dma_wait3A_315 = tpu.memref_squeeze %dma_wait3A_314 : memref<1x1x!tpu.dma_semaphore, #tpu.memory_space<semaphore_mem>> -> memref<!tpu.dma_semaphore, #tpu.memory_space<semaphore_mem>>
      %dma_wait3A_316 = arith.constant 0 : i32
      %dma_wait3A_317 = arith.constant 0 : i32
      %dma_wait3A_318 = tpu.memref_slice %arg5[%dma_wait3A_305, %dma_wait3A_316, %dma_wait3A_317] : memref<8x8x1024xf32, #tpu.memory_space<vmem>> -> memref<1x8x1024xf32, #tpu.memory_space<vmem>>
      %dma_wait3A_319 = tpu.memref_squeeze %dma_wait3A_318 : memref<1x8x1024xf32, #tpu.memory_space<vmem>> -> memref<8x1024xf32, #tpu.memory_space<vmem>>
      %dma_wait3A_320 = arith.constant 0 : i32
      %dma_wait3A_321 = tpu.memref_slice %arg2[%add3A_304, %dma_wait3A_320] : memref<16384x1024xf32, #tpu.memory_space<hbm>> -> memref<8x1024xf32, #tpu.memory_space<hbm>>
      tpu.wait_dma2 semaphore(%dma_wait3A_315 : memref<!tpu.dma_semaphore, #tpu.memory_space<semaphore_mem>>) src(%dma_wait3A_321 : memref<8x1024xf32, #tpu.memory_space<hbm>>) dst(%dma_wait3A_319 : memref<8x1024xf32, #tpu.memory_space<vmem>>)
      %parallel_loop3A = arith.constant 0 : i32
      %parallel_loop3A_322 = arith.constant 64 : i32
      %parallel_loop3A_323 = arith.constant 1 : i32
      scf.for %parallel_loop3A_804 = %parallel_loop3A to %parallel_loop3A_322 step %parallel_loop3A_323  : i32 {
        %parallel_loop3A_805 = arith.constant 3 : i32
        %parallel_loop3A_806 = arith.shrui %parallel_loop3A_804, %parallel_loop3A_805 : i32
        %parallel_loop3A_807 = arith.constant 7 : i32
        %parallel_loop3A_808 = arith.andi %parallel_loop3A_804, %parallel_loop3A_807 : i32
        %parallel_loop3A_809 = arith.constant 128 : i32
        %parallel_loop3A_810 = arith.muli %parallel_loop3A_808, %parallel_loop3A_809 : i32
        %parallel_loop3A_811 = arith.constant 0 : i32
        %parallel_loop3A_812 = arith.addi %parallel_loop3A_810, %parallel_loop3A_811 : i32
        %parallel_loop3A_813 = arith.constant 0 : i32
        %parallel_loop3A_814 = arith.index_cast %parallel_loop3A_813 : i32 to index
        %parallel_loop3A_815 = arith.index_cast %parallel_loop3A_806 : i32 to index
        %parallel_loop3A_816 = arith.index_cast %parallel_loop3A_812 : i32 to index
        %parallel_loop3A_817 = tpu.vector_load %arg5[%parallel_loop3A_814, %parallel_loop3A_815, %parallel_loop3A_816] {strides = array<i32>} : memref<8x8x1024xf32, #tpu.memory_space<vmem>>, vector<1x1x16xf32>,
        %parallel_loop3A_818 = vector.shape_cast %parallel_loop3A_817 : vector<1x1x16xf32> to vector<16xf32>
        %parallel_loop3A_819 = arith.constant 0 : i32
        %parallel_loop3A_820 = arith.index_cast %parallel_loop3A_819 : i32 to index
        %parallel_loop3A_821 = arith.index_cast %parallel_loop3A_806 : i32 to index
        %parallel_loop3A_822 = arith.index_cast %parallel_loop3A_812 : i32 to index
        %parallel_loop3A_823 = tpu.vector_load %arg6[%parallel_loop3A_820, %parallel_loop3A_821, %parallel_loop3A_822] {strides = array<i32>} : memref<2x8x1024xf32, #tpu.memory_space<vmem>>, vector<1x1x16xf32>,
        %parallel_loop3A_824 = vector.shape_cast %parallel_loop3A_823 : vector<1x1x16xf32> to vector<16xf32>
        %parallel_loop3A_825 = arith.addf %parallel_loop3A_818, %parallel_loop3A_824 : vector<16xf32>
        %parallel_loop3A_826 = arith.constant 0 : i32
        %parallel_loop3A_827 = arith.index_cast %parallel_loop3A_826 : i32 to index
        %parallel_loop3A_828 = arith.index_cast %parallel_loop3A_806 : i32 to index
        %parallel_loop3A_829 = arith.index_cast %parallel_loop3A_812 : i32 to index
        %parallel_loop3A_830 = tpu.vector_load %arg5[%parallel_loop3A_827, %parallel_loop3A_828, %parallel_loop3A_829] {strides = array<i32>} : memref<8x8x1024xf32, #tpu.memory_space<vmem>>, vector<1x1x16xf32>,
        %parallel_loop3A_831 = vector.shape_cast %parallel_loop3A_830 : vector<1x1x16xf32> to vector<16xf32>
        %parallel_loop3A_832 = vector.shape_cast %parallel_loop3A_825 : vector<16xf32> to vector<1x1x16xf32>
        tpu.vector_store %arg5[%parallel_loop3A_827, %parallel_loop3A_828, %parallel_loop3A_829], %parallel_loop3A_832 {strides = array<i32>} : memref<8x8x1024xf32, #tpu.memory_space<vmem>>, vector<1x1x16xf32>,
        %parallel_loop3A_833 = arith.constant 16 : i32
        %parallel_loop3A_834 = arith.addi %parallel_loop3A_810, %parallel_loop3A_833 : i32
        %parallel_loop3A_835 = arith.constant 0 : i32
        %parallel_loop3A_836 = arith.index_cast %parallel_loop3A_835 : i32 to index
        %parallel_loop3A_837 = arith.index_cast %parallel_loop3A_806 : i32 to index
        %parallel_loop3A_838 = arith.index_cast %parallel_loop3A_834 : i32 to index
        %parallel_loop3A_839 = tpu.vector_load %arg5[%parallel_loop3A_836, %parallel_loop3A_837, %parallel_loop3A_838] {strides = array<i32>} : memref<8x8x1024xf32, #tpu.memory_space<vmem>>, vector<1x1x16xf32>,
        %parallel_loop3A_840 = vector.shape_cast %parallel_loop3A_839 : vector<1x1x16xf32> to vector<16xf32>
        %parallel_loop3A_841 = arith.constant 0 : i32
        %parallel_loop3A_842 = arith.index_cast %parallel_loop3A_841 : i32 to index
        %parallel_loop3A_843 = arith.index_cast %parallel_loop3A_806 : i32 to index
        %parallel_loop3A_844 = arith.index_cast %parallel_loop3A_834 : i32 to index
        %parallel_loop3A_845 = tpu.vector_load %arg6[%parallel_loop3A_842, %parallel_loop3A_843, %parallel_loop3A_844] {strides = array<i32>} : memref<2x8x1024xf32, #tpu.memory_space<vmem>>, vector<1x1x16xf32>,
        %parallel_loop3A_846 = vector.shape_cast %parallel_loop3A_845 : vector<1x1x16xf32> to vector<16xf32>
        %parallel_loop3A_847 = arith.addf %parallel_loop3A_840, %parallel_loop3A_846 : vector<16xf32>
        %parallel_loop3A_848 = arith.constant 0 : i32
        %parallel_loop3A_849 = arith.index_cast %parallel_loop3A_848 : i32 to index
        %parallel_loop3A_850 = arith.index_cast %parallel_loop3A_806 : i32 to index
        %parallel_loop3A_851 = arith.index_cast %parallel_loop3A_834 : i32 to index
        %parallel_loop3A_852 = tpu.vector_load %arg5[%parallel_loop3A_849, %parallel_loop3A_850, %parallel_loop3A_851] {strides = array<i32>} : memref<8x8x1024xf32, #tpu.memory_space<vmem>>, vector<1x1x16xf32>,
        %parallel_loop3A_853 = vector.shape_cast %parallel_loop3A_852 : vector<1x1x16xf32> to vector<16xf32>
        %parallel_loop3A_854 = vector.shape_cast %parallel_loop3A_847 : vector<16xf32> to vector<1x1x16xf32>
        tpu.vector_store %arg5[%parallel_loop3A_849, %parallel_loop3A_850, %parallel_loop3A_851], %parallel_loop3A_854 {strides = array<i32>} : memref<8x8x1024xf32, #tpu.memory_space<vmem>>, vector<1x1x16xf32>,
        %parallel_loop3A_855 = arith.constant 32 : i32
        %parallel_loop3A_856 = arith.addi %parallel_loop3A_810, %parallel_loop3A_855 : i32
        %parallel_loop3A_857 = arith.constant 0 : i32
        %parallel_loop3A_858 = arith.index_cast %parallel_loop3A_857 : i32 to index
        %parallel_loop3A_859 = arith.index_cast %parallel_loop3A_806 : i32 to index
        %parallel_loop3A_860 = arith.index_cast %parallel_loop3A_856 : i32 to index
        %parallel_loop3A_861 = tpu.vector_load %arg5[%parallel_loop3A_858, %parallel_loop3A_859, %parallel_loop3A_860] {strides = array<i32>} : memref<8x8x1024xf32, #tpu.memory_space<vmem>>, vector<1x1x16xf32>,
        %parallel_loop3A_862 = vector.shape_cast %parallel_loop3A_861 : vector<1x1x16xf32> to vector<16xf32>
        %parallel_loop3A_863 = arith.constant 0 : i32
        %parallel_loop3A_864 = arith.index_cast %parallel_loop3A_863 : i32 to index
        %parallel_loop3A_865 = arith.index_cast %parallel_loop3A_806 : i32 to index
        %parallel_loop3A_866 = arith.index_cast %parallel_loop3A_856 : i32 to index
        %parallel_loop3A_867 = tpu.vector_load %arg6[%parallel_loop3A_864, %parallel_loop3A_865, %parallel_loop3A_866] {strides = array<i32>} : memref<2x8x1024xf32, #tpu.memory_space<vmem>>, vector<1x1x16xf32>,
        %parallel_loop3A_868 = vector.shape_cast %parallel_loop3A_867 : vector<1x1x16xf32> to vector<16xf32>
        %parallel_loop3A_869 = arith.addf %parallel_loop3A_862, %parallel_loop3A_868 : vector<16xf32>
        %parallel_loop3A_870 = arith.constant 0 : i32
        %parallel_loop3A_871 = arith.index_cast %parallel_loop3A_870 : i32 to index
        %parallel_loop3A_872 = arith.index_cast %parallel_loop3A_806 : i32 to index
        %parallel_loop3A_873 = arith.index_cast %parallel_loop3A_856 : i32 to index
        %parallel_loop3A_874 = tpu.vector_load %arg5[%parallel_loop3A_871, %parallel_loop3A_872, %parallel_loop3A_873] {strides = array<i32>} : memref<8x8x1024xf32, #tpu.memory_space<vmem>>, vector<1x1x16xf32>,
        %parallel_loop3A_875 = vector.shape_cast %parallel_loop3A_874 : vector<1x1x16xf32> to vector<16xf32>
        %parallel_loop3A_876 = vector.shape_cast %parallel_loop3A_869 : vector<16xf32> to vector<1x1x16xf32>
        tpu.vector_store %arg5[%parallel_loop3A_871, %parallel_loop3A_872, %parallel_loop3A_873], %parallel_loop3A_876 {strides = array<i32>} : memref<8x8x1024xf32, #tpu.memory_space<vmem>>, vector<1x1x16xf32>,
        %parallel_loop3A_877 = arith.constant 48 : i32
        %parallel_loop3A_878 = arith.addi %parallel_loop3A_810, %parallel_loop3A_877 : i32
        %parallel_loop3A_879 = arith.constant 0 : i32
        %parallel_loop3A_880 = arith.index_cast %parallel_loop3A_879 : i32 to index
        %parallel_loop3A_881 = arith.index_cast %parallel_loop3A_806 : i32 to index
        %parallel_loop3A_882 = arith.index_cast %parallel_loop3A_878 : i32 to index
        %parallel_loop3A_883 = tpu.vector_load %arg5[%parallel_loop3A_880, %parallel_loop3A_881, %parallel_loop3A_882] {strides = array<i32>} : memref<8x8x1024xf32, #tpu.memory_space<vmem>>, vector<1x1x16xf32>,
        %parallel_loop3A_884 = vector.shape_cast %parallel_loop3A_883 : vector<1x1x16xf32> to vector<16xf32>
        %parallel_loop3A_885 = arith.constant 0 : i32
        %parallel_loop3A_886 = arith.index_cast %parallel_loop3A_885 : i32 to index
        %parallel_loop3A_887 = arith.index_cast %parallel_loop3A_806 : i32 to index
        %parallel_loop3A_888 = arith.index_cast %parallel_loop3A_878 : i32 to index
        %parallel_loop3A_889 = tpu.vector_load %arg6[%parallel_loop3A_886, %parallel_loop3A_887, %parallel_loop3A_888] {strides = array<i32>} : memref<2x8x1024xf32, #tpu.memory_space<vmem>>, vector<1x1x16xf32>,
        %parallel_loop3A_890 = vector.shape_cast %parallel_loop3A_889 : vector<1x1x16xf32> to vector<16xf32>
        %parallel_loop3A_891 = arith.addf %parallel_loop3A_884, %parallel_loop3A_890 : vector<16xf32>
        %parallel_loop3A_892 = arith.constant 0 : i32
        %parallel_loop3A_893 = arith.index_cast %parallel_loop3A_892 : i32 to index
        %parallel_loop3A_894 = arith.index_cast %parallel_loop3A_806 : i32 to index
        %parallel_loop3A_895 = arith.index_cast %parallel_loop3A_878 : i32 to index
        %parallel_loop3A_896 = tpu.vector_load %arg5[%parallel_loop3A_893, %parallel_loop3A_894, %parallel_loop3A_895] {strides = array<i32>} : memref<8x8x1024xf32, #tpu.memory_space<vmem>>, vector<1x1x16xf32>,
        %parallel_loop3A_897 = vector.shape_cast %parallel_loop3A_896 : vector<1x1x16xf32> to vector<16xf32>
        %parallel_loop3A_898 = vector.shape_cast %parallel_loop3A_891 : vector<16xf32> to vector<1x1x16xf32>
        tpu.vector_store %arg5[%parallel_loop3A_893, %parallel_loop3A_894, %parallel_loop3A_895], %parallel_loop3A_898 {strides = array<i32>} : memref<8x8x1024xf32, #tpu.memory_space<vmem>>, vector<1x1x16xf32>,
        %parallel_loop3A_899 = arith.constant 64 : i32
        %parallel_loop3A_900 = arith.addi %parallel_loop3A_810, %parallel_loop3A_899 : i32
        %parallel_loop3A_901 = arith.constant 0 : i32
        %parallel_loop3A_902 = arith.index_cast %parallel_loop3A_901 : i32 to index
        %parallel_loop3A_903 = arith.index_cast %parallel_loop3A_806 : i32 to index
        %parallel_loop3A_904 = arith.index_cast %parallel_loop3A_900 : i32 to index
        %parallel_loop3A_905 = tpu.vector_load %arg5[%parallel_loop3A_902, %parallel_loop3A_903, %parallel_loop3A_904] {strides = array<i32>} : memref<8x8x1024xf32, #tpu.memory_space<vmem>>, vector<1x1x16xf32>,
        %parallel_loop3A_906 = vector.shape_cast %parallel_loop3A_905 : vector<1x1x16xf32> to vector<16xf32>
        %parallel_loop3A_907 = arith.constant 0 : i32
        %parallel_loop3A_908 = arith.index_cast %parallel_loop3A_907 : i32 to index
        %parallel_loop3A_909 = arith.index_cast %parallel_loop3A_806 : i32 to index
        %parallel_loop3A_910 = arith.index_cast %parallel_loop3A_900 : i32 to index
        %parallel_loop3A_911 = tpu.vector_load %arg6[%parallel_loop3A_908, %parallel_loop3A_909, %parallel_loop3A_910] {strides = array<i32>} : memref<2x8x1024xf32, #tpu.memory_space<vmem>>, vector<1x1x16xf32>,
        %parallel_loop3A_912 = vector.shape_cast %parallel_loop3A_911 : vector<1x1x16xf32> to vector<16xf32>
        %parallel_loop3A_913 = arith.addf %parallel_loop3A_906, %parallel_loop3A_912 : vector<16xf32>
        %parallel_loop3A_914 = arith.constant 0 : i32
        %parallel_loop3A_915 = arith.index_cast %parallel_loop3A_914 : i32 to index
        %parallel_loop3A_916 = arith.index_cast %parallel_loop3A_806 : i32 to index
        %parallel_loop3A_917 = arith.index_cast %parallel_loop3A_900 : i32 to index
        %parallel_loop3A_918 = tpu.vector_load %arg5[%parallel_loop3A_915, %parallel_loop3A_916, %parallel_loop3A_917] {strides = array<i32>} : memref<8x8x1024xf32, #tpu.memory_space<vmem>>, vector<1x1x16xf32>,
        %parallel_loop3A_919 = vector.shape_cast %parallel_loop3A_918 : vector<1x1x16xf32> to vector<16xf32>
        %parallel_loop3A_920 = vector.shape_cast %parallel_loop3A_913 : vector<16xf32> to vector<1x1x16xf32>
        tpu.vector_store %arg5[%parallel_loop3A_915, %parallel_loop3A_916, %parallel_loop3A_917], %parallel_loop3A_920 {strides = array<i32>} : memref<8x8x1024xf32, #tpu.memory_space<vmem>>, vector<1x1x16xf32>,
        %parallel_loop3A_921 = arith.constant 80 : i32
        %parallel_loop3A_922 = arith.addi %parallel_loop3A_810, %parallel_loop3A_921 : i32
        %parallel_loop3A_923 = arith.constant 0 : i32
        %parallel_loop3A_924 = arith.index_cast %parallel_loop3A_923 : i32 to index
        %parallel_loop3A_925 = arith.index_cast %parallel_loop3A_806 : i32 to index
        %parallel_loop3A_926 = arith.index_cast %parallel_loop3A_922 : i32 to index
        %parallel_loop3A_927 = tpu.vector_load %arg5[%parallel_loop3A_924, %parallel_loop3A_925, %parallel_loop3A_926] {strides = array<i32>} : memref<8x8x1024xf32, #tpu.memory_space<vmem>>, vector<1x1x16xf32>,
        %parallel_loop3A_928 = vector.shape_cast %parallel_loop3A_927 : vector<1x1x16xf32> to vector<16xf32>
        %parallel_loop3A_929 = arith.constant 0 : i32
        %parallel_loop3A_930 = arith.index_cast %parallel_loop3A_929 : i32 to index
        %parallel_loop3A_931 = arith.index_cast %parallel_loop3A_806 : i32 to index
        %parallel_loop3A_932 = arith.index_cast %parallel_loop3A_922 : i32 to index
        %parallel_loop3A_933 = tpu.vector_load %arg6[%parallel_loop3A_930, %parallel_loop3A_931, %parallel_loop3A_932] {strides = array<i32>} : memref<2x8x1024xf32, #tpu.memory_space<vmem>>, vector<1x1x16xf32>,
        %parallel_loop3A_934 = vector.shape_cast %parallel_loop3A_933 : vector<1x1x16xf32> to vector<16xf32>
        %parallel_loop3A_935 = arith.addf %parallel_loop3A_928, %parallel_loop3A_934 : vector<16xf32>
        %parallel_loop3A_936 = arith.constant 0 : i32
        %parallel_loop3A_937 = arith.index_cast %parallel_loop3A_936 : i32 to index
        %parallel_loop3A_938 = arith.index_cast %parallel_loop3A_806 : i32 to index
        %parallel_loop3A_939 = arith.index_cast %parallel_loop3A_922 : i32 to index
        %parallel_loop3A_940 = tpu.vector_load %arg5[%parallel_loop3A_937, %parallel_loop3A_938, %parallel_loop3A_939] {strides = array<i32>} : memref<8x8x1024xf32, #tpu.memory_space<vmem>>, vector<1x1x16xf32>,
        %parallel_loop3A_941 = vector.shape_cast %parallel_loop3A_940 : vector<1x1x16xf32> to vector<16xf32>
        %parallel_loop3A_942 = vector.shape_cast %parallel_loop3A_935 : vector<16xf32> to vector<1x1x16xf32>
        tpu.vector_store %arg5[%parallel_loop3A_937, %parallel_loop3A_938, %parallel_loop3A_939], %parallel_loop3A_942 {strides = array<i32>} : memref<8x8x1024xf32, #tpu.memory_space<vmem>>, vector<1x1x16xf32>,
        %parallel_loop3A_943 = arith.constant 96 : i32
        %parallel_loop3A_944 = arith.addi %parallel_loop3A_810, %parallel_loop3A_943 : i32
        %parallel_loop3A_945 = arith.constant 0 : i32
        %parallel_loop3A_946 = arith.index_cast %parallel_loop3A_945 : i32 to index
        %parallel_loop3A_947 = arith.index_cast %parallel_loop3A_806 : i32 to index
        %parallel_loop3A_948 = arith.index_cast %parallel_loop3A_944 : i32 to index
        %parallel_loop3A_949 = tpu.vector_load %arg5[%parallel_loop3A_946, %parallel_loop3A_947, %parallel_loop3A_948] {strides = array<i32>} : memref<8x8x1024xf32, #tpu.memory_space<vmem>>, vector<1x1x16xf32>,
        %parallel_loop3A_950 = vector.shape_cast %parallel_loop3A_949 : vector<1x1x16xf32> to vector<16xf32>
        %parallel_loop3A_951 = arith.constant 0 : i32
        %parallel_loop3A_952 = arith.index_cast %parallel_loop3A_951 : i32 to index
        %parallel_loop3A_953 = arith.index_cast %parallel_loop3A_806 : i32 to index
        %parallel_loop3A_954 = arith.index_cast %parallel_loop3A_944 : i32 to index
        %parallel_loop3A_955 = tpu.vector_load %arg6[%parallel_loop3A_952, %parallel_loop3A_953, %parallel_loop3A_954] {strides = array<i32>} : memref<2x8x1024xf32, #tpu.memory_space<vmem>>, vector<1x1x16xf32>,
        %parallel_loop3A_956 = vector.shape_cast %parallel_loop3A_955 : vector<1x1x16xf32> to vector<16xf32>
        %parallel_loop3A_957 = arith.addf %parallel_loop3A_950, %parallel_loop3A_956 : vector<16xf32>
        %parallel_loop3A_958 = arith.constant 0 : i32
        %parallel_loop3A_959 = arith.index_cast %parallel_loop3A_958 : i32 to index
        %parallel_loop3A_960 = arith.index_cast %parallel_loop3A_806 : i32 to index
        %parallel_loop3A_961 = arith.index_cast %parallel_loop3A_944 : i32 to index
        %parallel_loop3A_962 = tpu.vector_load %arg5[%parallel_loop3A_959, %parallel_loop3A_960, %parallel_loop3A_961] {strides = array<i32>} : memref<8x8x1024xf32, #tpu.memory_space<vmem>>, vector<1x1x16xf32>,
        %parallel_loop3A_963 = vector.shape_cast %parallel_loop3A_962 : vector<1x1x16xf32> to vector<16xf32>
        %parallel_loop3A_964 = vector.shape_cast %parallel_loop3A_957 : vector<16xf32> to vector<1x1x16xf32>
        tpu.vector_store %arg5[%parallel_loop3A_959, %parallel_loop3A_960, %parallel_loop3A_961], %parallel_loop3A_964 {strides = array<i32>} : memref<8x8x1024xf32, #tpu.memory_space<vmem>>, vector<1x1x16xf32>,
        %parallel_loop3A_965 = arith.constant 112 : i32
        %parallel_loop3A_966 = arith.addi %parallel_loop3A_810, %parallel_loop3A_965 : i32
        %parallel_loop3A_967 = arith.constant 0 : i32
        %parallel_loop3A_968 = arith.index_cast %parallel_loop3A_967 : i32 to index
        %parallel_loop3A_969 = arith.index_cast %parallel_loop3A_806 : i32 to index
        %parallel_loop3A_970 = arith.index_cast %parallel_loop3A_966 : i32 to index
        %parallel_loop3A_971 = tpu.vector_load %arg5[%parallel_loop3A_968, %parallel_loop3A_969, %parallel_loop3A_970] {strides = array<i32>} : memref<8x8x1024xf32, #tpu.memory_space<vmem>>, vector<1x1x16xf32>,
        %parallel_loop3A_972 = vector.shape_cast %parallel_loop3A_971 : vector<1x1x16xf32> to vector<16xf32>
        %parallel_loop3A_973 = arith.constant 0 : i32
        %parallel_loop3A_974 = arith.index_cast %parallel_loop3A_973 : i32 to index
        %parallel_loop3A_975 = arith.index_cast %parallel_loop3A_806 : i32 to index
        %parallel_loop3A_976 = arith.index_cast %parallel_loop3A_966 : i32 to index
        %parallel_loop3A_977 = tpu.vector_load %arg6[%parallel_loop3A_974, %parallel_loop3A_975, %parallel_loop3A_976] {strides = array<i32>} : memref<2x8x1024xf32, #tpu.memory_space<vmem>>, vector<1x1x16xf32>,
        %parallel_loop3A_978 = vector.shape_cast %parallel_loop3A_977 : vector<1x1x16xf32> to vector<16xf32>
        %parallel_loop3A_979 = arith.addf %parallel_loop3A_972, %parallel_loop3A_978 : vector<16xf32>
        %parallel_loop3A_980 = arith.constant 0 : i32
        %parallel_loop3A_981 = arith.index_cast %parallel_loop3A_980 : i32 to index
        %parallel_loop3A_982 = arith.index_cast %parallel_loop3A_806 : i32 to index
        %parallel_loop3A_983 = arith.index_cast %parallel_loop3A_966 : i32 to index
        %parallel_loop3A_984 = tpu.vector_load %arg5[%parallel_loop3A_981, %parallel_loop3A_982, %parallel_loop3A_983] {strides = array<i32>} : memref<8x8x1024xf32, #tpu.memory_space<vmem>>, vector<1x1x16xf32>,
        %parallel_loop3A_985 = vector.shape_cast %parallel_loop3A_984 : vector<1x1x16xf32> to vector<16xf32>
        %parallel_loop3A_986 = vector.shape_cast %parallel_loop3A_979 : vector<16xf32> to vector<1x1x16xf32>
        tpu.vector_store %arg5[%parallel_loop3A_981, %parallel_loop3A_982, %parallel_loop3A_983], %parallel_loop3A_986 {strides = array<i32>} : memref<8x8x1024xf32, #tpu.memory_space<vmem>>, vector<1x1x16xf32>,
      } {sc.loop_unroll_factor = 4 : i64, sc.parallel_access}
      %add3A_324 = arith.constant 0 : i32
      %add3A_325 = arith.addi %add3A_324, %mul3A_2 : i32
      %mul3A_326 = arith.constant 8 : i32
      %mul3A_327 = arith.muli %mul3A_278, %mul3A_326 : i32
      %add3A_328 = arith.addi %add3A_325, %mul3A_327 : i32
      %dma_start3A_329 = arith.constant 0 : i32
      %dma_start3A_330 = arith.constant 0 : i32
      %dma_start3A_331 = arith.constant 0 : i32
      %dma_start3A_332 = arith.constant 0 : i32
      %dma_start3A_333 = arith.constant 0 : i32
      %dma_start3A_334 = tpu.memref_slice %arg5[%dma_start3A_329, %dma_start3A_332, %dma_start3A_333] : memref<8x8x1024xf32, #tpu.memory_space<vmem>> -> memref<1x8x1024xf32, #tpu.memory_space<vmem>>
      %dma_start3A_335 = tpu.memref_squeeze %dma_start3A_334 : memref<1x8x1024xf32, #tpu.memory_space<vmem>> -> memref<8x1024xf32, #tpu.memory_space<vmem>>
      %dma_start3A_336 = arith.constant 0 : i32
      %dma_start3A_337 = tpu.memref_slice %arg4[%add3A_328, %dma_start3A_336] : memref<16384x1024xf32, #tpu.memory_space<hbm>> -> memref<8x1024xf32, #tpu.memory_space<hbm>>
      %dma_start3A_338 = tpu.memref_slice %arg9[%dma_start3A_330, %dma_start3A_331] : memref<2x4x!tpu.dma_semaphore, #tpu.memory_space<semaphore_mem>> -> memref<1x1x!tpu.dma_semaphore, #tpu.memory_space<semaphore_mem>>
      %dma_start3A_339 = tpu.memref_squeeze %dma_start3A_338 : memref<1x1x!tpu.dma_semaphore, #tpu.memory_space<semaphore_mem>> -> memref<!tpu.dma_semaphore, #tpu.memory_space<semaphore_mem>>
      %dma_start3A_340 = arith.constant 0 : i32
      %dma_start3A_341 = tpu.memref_slice %arg4[%add3A_328, %dma_start3A_340] : memref<16384x1024xf32, #tpu.memory_space<hbm>> -> memref<8x1024xf32, #tpu.memory_space<hbm>>
      %dma_start3A_342 = arith.constant 0 : i32
      %dma_start3A_343 = arith.constant 0 : i32
      %dma_start3A_344 = tpu.memref_slice %arg5[%dma_start3A_329, %dma_start3A_342, %dma_start3A_343] : memref<8x8x1024xf32, #tpu.memory_space<vmem>> -> memref<1x8x1024xf32, #tpu.memory_space<vmem>>
      %dma_start3A_345 = tpu.memref_squeeze %dma_start3A_344 : memref<1x8x1024xf32, #tpu.memory_space<vmem>> -> memref<8x1024xf32, #tpu.memory_space<vmem>>
      tpu.enqueue_dma source(%dma_start3A_345 : memref<8x1024xf32, #tpu.memory_space<vmem>>) target(%dma_start3A_341 : memref<8x1024xf32, #tpu.memory_space<hbm>>) target_semaphore(%dma_start3A_339 : memref<!tpu.dma_semaphore, #tpu.memory_space<semaphore_mem>>)
      %eq3A = arith.constant 0 : i32
      %eq3A_346 = arith.cmpi eq, %mul3A_278, %eq3A : i32
      %convert_element_type3A_347 = arith.extui %eq3A_346 : i1 to i32
      %cond3A_348 = arith.constant 0 : i32
      %cond3A_349 = arith.cmpi ne, %convert_element_type3A_347, %cond3A_348 : i32
      scf.if %cond3A_349 {
        %add3A_804 = arith.constant 0 : i32
        %add3A_805 = arith.addi %add3A_804, %mul3A_2 : i32
        %add3A_806 = arith.constant 8 : i32
        %add3A_807 = arith.addi %add3A_805, %add3A_806 : i32
        %dma_start3A_808 = arith.constant 4 : i32
        %dma_start3A_809 = arith.constant 1 : i32
        %dma_start3A_810 = arith.constant 0 : i32
        %dma_start3A_811 = arith.constant 0 : i32
        %dma_start3A_812 = arith.constant 0 : i32
        %dma_start3A_813 = tpu.memref_slice %arg5[%dma_start3A_808, %dma_start3A_811, %dma_start3A_812] : memref<8x8x1024xf32, #tpu.memory_space<vmem>> -> memref<1x8x1024xf32, #tpu.memory_space<vmem>>
        %dma_start3A_814 = tpu.memref_squeeze %dma_start3A_813 : memref<1x8x1024xf32, #tpu.memory_space<vmem>> -> memref<8x1024xf32, #tpu.memory_space<vmem>>
        %dma_start3A_815 = arith.constant 0 : i32
        %dma_start3A_816 = tpu.memref_slice %arg2[%add3A_807, %dma_start3A_815] : memref<16384x1024xf32, #tpu.memory_space<hbm>> -> memref<8x1024xf32, #tpu.memory_space<hbm>>
        %dma_start3A_817 = tpu.memref_slice %arg7[%dma_start3A_809, %dma_start3A_810] : memref<2x4x!tpu.dma_semaphore, #tpu.memory_space<semaphore_mem>> -> memref<1x1x!tpu.dma_semaphore, #tpu.memory_space<semaphore_mem>>
        %dma_start3A_818 = tpu.memref_squeeze %dma_start3A_817 : memref<1x1x!tpu.dma_semaphore, #tpu.memory_space<semaphore_mem>> -> memref<!tpu.dma_semaphore, #tpu.memory_space<semaphore_mem>>
        %dma_start3A_819 = arith.constant 0 : i32
        %dma_start3A_820 = arith.constant 0 : i32
        %dma_start3A_821 = tpu.memref_slice %arg5[%dma_start3A_808, %dma_start3A_819, %dma_start3A_820] : memref<8x8x1024xf32, #tpu.memory_space<vmem>> -> memref<1x8x1024xf32, #tpu.memory_space<vmem>>
        %dma_start3A_822 = tpu.memref_squeeze %dma_start3A_821 : memref<1x8x1024xf32, #tpu.memory_space<vmem>> -> memref<8x1024xf32, #tpu.memory_space<vmem>>
        %dma_start3A_823 = arith.constant 0 : i32
        %dma_start3A_824 = tpu.memref_slice %arg2[%add3A_807, %dma_start3A_823] : memref<16384x1024xf32, #tpu.memory_space<hbm>> -> memref<8x1024xf32, #tpu.memory_space<hbm>>
        tpu.enqueue_dma source(%dma_start3A_824 : memref<8x1024xf32, #tpu.memory_space<hbm>>) target(%dma_start3A_822 : memref<8x1024xf32, #tpu.memory_space<vmem>>) target_semaphore(%dma_start3A_818 : memref<!tpu.dma_semaphore, #tpu.memory_space<semaphore_mem>>)
      } else {
      }
      %ge3A = arith.constant 1 : i32
      %ge3A_350 = arith.cmpi sge, %mul3A_278, %ge3A : i32
      %lt3A_351 = arith.constant 15 : i32
      %lt3A_352 = arith.cmpi slt, %mul3A_278, %lt3A_351 : i32
      %and3A = arith.andi %ge3A_350, %lt3A_352 : i1
      %convert_element_type3A_353 = arith.extui %and3A : i1 to i32
      %cond3A_354 = arith.constant 0 : i32
      %cond3A_355 = arith.cmpi ne, %convert_element_type3A_353, %cond3A_354 : i32
      scf.if %cond3A_355 {
        %sub3A = arith.constant 1 : i32
        %sub3A_804 = arith.subi %mul3A_278, %sub3A : i32
        %add3A_805 = arith.constant 0 : i32
        %add3A_806 = arith.addi %add3A_805, %mul3A_2 : i32
        %mul3A_807 = arith.constant 8 : i32
        %mul3A_808 = arith.muli %sub3A_804, %mul3A_807 : i32
        %add3A_809 = arith.addi %add3A_806, %mul3A_808 : i32
        %dma_wait3A_810 = arith.constant 4 : i32
        %dma_wait3A_811 = arith.constant 1 : i32
        %dma_wait3A_812 = arith.constant 0 : i32
        %dma_wait3A_813 = arith.constant 0 : i32
        %dma_wait3A_814 = arith.constant 0 : i32
        %dma_wait3A_815 = tpu.memref_slice %arg5[%dma_wait3A_810, %dma_wait3A_813, %dma_wait3A_814] : memref<8x8x1024xf32, #tpu.memory_space<vmem>> -> memref<1x8x1024xf32, #tpu.memory_space<vmem>>
        %dma_wait3A_816 = tpu.memref_squeeze %dma_wait3A_815 : memref<1x8x1024xf32, #tpu.memory_space<vmem>> -> memref<8x1024xf32, #tpu.memory_space<vmem>>
        %dma_wait3A_817 = arith.constant 0 : i32
        %dma_wait3A_818 = tpu.memref_slice %arg4[%add3A_809, %dma_wait3A_817] : memref<16384x1024xf32, #tpu.memory_space<hbm>> -> memref<8x1024xf32, #tpu.memory_space<hbm>>
        %dma_wait3A_819 = tpu.memref_slice %arg9[%dma_wait3A_811, %dma_wait3A_812] : memref<2x4x!tpu.dma_semaphore, #tpu.memory_space<semaphore_mem>> -> memref<1x1x!tpu.dma_semaphore, #tpu.memory_space<semaphore_mem>>
        %dma_wait3A_820 = tpu.memref_squeeze %dma_wait3A_819 : memref<1x1x!tpu.dma_semaphore, #tpu.memory_space<semaphore_mem>> -> memref<!tpu.dma_semaphore, #tpu.memory_space<semaphore_mem>>
        %dma_wait3A_821 = arith.constant 0 : i32
        %dma_wait3A_822 = tpu.memref_slice %arg4[%add3A_809, %dma_wait3A_821] : memref<16384x1024xf32, #tpu.memory_space<hbm>> -> memref<8x1024xf32, #tpu.memory_space<hbm>>
        %dma_wait3A_823 = arith.constant 0 : i32
        %dma_wait3A_824 = arith.constant 0 : i32
        %dma_wait3A_825 = tpu.memref_slice %arg5[%dma_wait3A_810, %dma_wait3A_823, %dma_wait3A_824] : memref<8x8x1024xf32, #tpu.memory_space<vmem>> -> memref<1x8x1024xf32, #tpu.memory_space<vmem>>
        %dma_wait3A_826 = tpu.memref_squeeze %dma_wait3A_825 : memref<1x8x1024xf32, #tpu.memory_space<vmem>> -> memref<8x1024xf32, #tpu.memory_space<vmem>>
        tpu.wait_dma2 semaphore(%dma_wait3A_820 : memref<!tpu.dma_semaphore, #tpu.memory_space<semaphore_mem>>) src(%dma_wait3A_826 : memref<8x1024xf32, #tpu.memory_space<vmem>>) dst(%dma_wait3A_822 : memref<8x1024xf32, #tpu.memory_space<hbm>>)
        %add3A_827 = arith.constant 1 : i32
        %add3A_828 = arith.addi %mul3A_278, %add3A_827 : i32
        %add3A_829 = arith.constant 0 : i32
        %add3A_830 = arith.addi %add3A_829, %mul3A_2 : i32
        %mul3A_831 = arith.constant 8 : i32
        %mul3A_832 = arith.muli %add3A_828, %mul3A_831 : i32
        %add3A_833 = arith.addi %add3A_830, %mul3A_832 : i32
        %dma_start3A_834 = arith.constant 4 : i32
        %dma_start3A_835 = arith.constant 1 : i32
        %dma_start3A_836 = arith.constant 0 : i32
        %dma_start3A_837 = arith.constant 0 : i32
        %dma_start3A_838 = arith.constant 0 : i32
        %dma_start3A_839 = tpu.memref_slice %arg5[%dma_start3A_834, %dma_start3A_837, %dma_start3A_838] : memref<8x8x1024xf32, #tpu.memory_space<vmem>> -> memref<1x8x1024xf32, #tpu.memory_space<vmem>>
        %dma_start3A_840 = tpu.memref_squeeze %dma_start3A_839 : memref<1x8x1024xf32, #tpu.memory_space<vmem>> -> memref<8x1024xf32, #tpu.memory_space<vmem>>
        %dma_start3A_841 = arith.constant 0 : i32
        %dma_start3A_842 = tpu.memref_slice %arg2[%add3A_833, %dma_start3A_841] : memref<16384x1024xf32, #tpu.memory_space<hbm>> -> memref<8x1024xf32, #tpu.memory_space<hbm>>
        %dma_start3A_843 = tpu.memref_slice %arg7[%dma_start3A_835, %dma_start3A_836] : memref<2x4x!tpu.dma_semaphore, #tpu.memory_space<semaphore_mem>> -> memref<1x1x!tpu.dma_semaphore, #tpu.memory_space<semaphore_mem>>
        %dma_start3A_844 = tpu.memref_squeeze %dma_start3A_843 : memref<1x1x!tpu.dma_semaphore, #tpu.memory_space<semaphore_mem>> -> memref<!tpu.dma_semaphore, #tpu.memory_space<semaphore_mem>>
        %dma_start3A_845 = arith.constant 0 : i32
        %dma_start3A_846 = arith.constant 0 : i32
        %dma_start3A_847 = tpu.memref_slice %arg5[%dma_start3A_834, %dma_start3A_845, %dma_start3A_846] : memref<8x8x1024xf32, #tpu.memory_space<vmem>> -> memref<1x8x1024xf32, #tpu.memory_space<vmem>>
        %dma_start3A_848 = tpu.memref_squeeze %dma_start3A_847 : memref<1x8x1024xf32, #tpu.memory_space<vmem>> -> memref<8x1024xf32, #tpu.memory_space<vmem>>
        %dma_start3A_849 = arith.constant 0 : i32
        %dma_start3A_850 = tpu.memref_slice %arg2[%add3A_833, %dma_start3A_849] : memref<16384x1024xf32, #tpu.memory_space<hbm>> -> memref<8x1024xf32, #tpu.memory_space<hbm>>
        tpu.enqueue_dma source(%dma_start3A_850 : memref<8x1024xf32, #tpu.memory_space<hbm>>) target(%dma_start3A_848 : memref<8x1024xf32, #tpu.memory_space<vmem>>) target_semaphore(%dma_start3A_844 : memref<!tpu.dma_semaphore, #tpu.memory_space<semaphore_mem>>)
      } else {
      }
      %add3A_356 = arith.constant 4096 : i32
      %add3A_357 = arith.addi %add3A_356, %mul3A_2 : i32
      %mul3A_358 = arith.constant 8 : i32
      %mul3A_359 = arith.muli %mul3A_278, %mul3A_358 : i32
      %add3A_360 = arith.addi %add3A_357, %mul3A_359 : i32
      %dma_wait3A_361 = arith.constant 1 : i32
      %dma_wait3A_362 = arith.constant 0 : i32
      %dma_wait3A_363 = arith.constant 1 : i32
      %dma_wait3A_364 = arith.constant 0 : i32
      %dma_wait3A_365 = arith.constant 0 : i32
      %dma_wait3A_366 = tpu.memref_slice %arg5[%dma_wait3A_361, %dma_wait3A_364, %dma_wait3A_365] : memref<8x8x1024xf32, #tpu.memory_space<vmem>> -> memref<1x8x1024xf32, #tpu.memory_space<vmem>>
      %dma_wait3A_367 = tpu.memref_squeeze %dma_wait3A_366 : memref<1x8x1024xf32, #tpu.memory_space<vmem>> -> memref<8x1024xf32, #tpu.memory_space<vmem>>
      %dma_wait3A_368 = arith.constant 0 : i32
      %dma_wait3A_369 = tpu.memref_slice %arg2[%add3A_360, %dma_wait3A_368] : memref<16384x1024xf32, #tpu.memory_space<hbm>> -> memref<8x1024xf32, #tpu.memory_space<hbm>>
      %dma_wait3A_370 = tpu.memref_slice %arg7[%dma_wait3A_362, %dma_wait3A_363] : memref<2x4x!tpu.dma_semaphore, #tpu.memory_space<semaphore_mem>> -> memref<1x1x!tpu.dma_semaphore, #tpu.memory_space<semaphore_mem>>
      %dma_wait3A_371 = tpu.memref_squeeze %dma_wait3A_370 : memref<1x1x!tpu.dma_semaphore, #tpu.memory_space<semaphore_mem>> -> memref<!tpu.dma_semaphore, #tpu.memory_space<semaphore_mem>>
      %dma_wait3A_372 = arith.constant 0 : i32
      %dma_wait3A_373 = arith.constant 0 : i32
      %dma_wait3A_374 = tpu.memref_slice %arg5[%dma_wait3A_361, %dma_wait3A_372, %dma_wait3A_373] : memref<8x8x1024xf32, #tpu.memory_space<vmem>> -> memref<1x8x1024xf32, #tpu.memory_space<vmem>>
      %dma_wait3A_375 = tpu.memref_squeeze %dma_wait3A_374 : memref<1x8x1024xf32, #tpu.memory_space<vmem>> -> memref<8x1024xf32, #tpu.memory_space<vmem>>
      %dma_wait3A_376 = arith.constant 0 : i32
      %dma_wait3A_377 = tpu.memref_slice %arg2[%add3A_360, %dma_wait3A_376] : memref<16384x1024xf32, #tpu.memory_space<hbm>> -> memref<8x1024xf32, #tpu.memory_space<hbm>>
      tpu.wait_dma2 semaphore(%dma_wait3A_371 : memref<!tpu.dma_semaphore, #tpu.memory_space<semaphore_mem>>) src(%dma_wait3A_377 : memref<8x1024xf32, #tpu.memory_space<hbm>>) dst(%dma_wait3A_375 : memref<8x1024xf32, #tpu.memory_space<vmem>>)
      %parallel_loop3A_378 = arith.constant 0 : i32
      %parallel_loop3A_379 = arith.constant 64 : i32
      %parallel_loop3A_380 = arith.constant 1 : i32
      scf.for %parallel_loop3A_804 = %parallel_loop3A_378 to %parallel_loop3A_379 step %parallel_loop3A_380  : i32 {
        %parallel_loop3A_805 = arith.constant 3 : i32
        %parallel_loop3A_806 = arith.shrui %parallel_loop3A_804, %parallel_loop3A_805 : i32
        %parallel_loop3A_807 = arith.constant 7 : i32
        %parallel_loop3A_808 = arith.andi %parallel_loop3A_804, %parallel_loop3A_807 : i32
        %parallel_loop3A_809 = arith.constant 128 : i32
        %parallel_loop3A_810 = arith.muli %parallel_loop3A_808, %parallel_loop3A_809 : i32
        %parallel_loop3A_811 = arith.constant 0 : i32
        %parallel_loop3A_812 = arith.addi %parallel_loop3A_810, %parallel_loop3A_811 : i32
        %parallel_loop3A_813 = arith.constant 1 : i32
        %parallel_loop3A_814 = arith.index_cast %parallel_loop3A_813 : i32 to index
        %parallel_loop3A_815 = arith.index_cast %parallel_loop3A_806 : i32 to index
        %parallel_loop3A_816 = arith.index_cast %parallel_loop3A_812 : i32 to index
        %parallel_loop3A_817 = tpu.vector_load %arg5[%parallel_loop3A_814, %parallel_loop3A_815, %parallel_loop3A_816] {strides = array<i32>} : memref<8x8x1024xf32, #tpu.memory_space<vmem>>, vector<1x1x16xf32>,
        %parallel_loop3A_818 = vector.shape_cast %parallel_loop3A_817 : vector<1x1x16xf32> to vector<16xf32>
        %parallel_loop3A_819 = arith.constant 0 : i32
        %parallel_loop3A_820 = arith.index_cast %parallel_loop3A_819 : i32 to index
        %parallel_loop3A_821 = arith.index_cast %parallel_loop3A_806 : i32 to index
        %parallel_loop3A_822 = arith.index_cast %parallel_loop3A_812 : i32 to index
        %parallel_loop3A_823 = tpu.vector_load %arg6[%parallel_loop3A_820, %parallel_loop3A_821, %parallel_loop3A_822] {strides = array<i32>} : memref<2x8x1024xf32, #tpu.memory_space<vmem>>, vector<1x1x16xf32>,
        %parallel_loop3A_824 = vector.shape_cast %parallel_loop3A_823 : vector<1x1x16xf32> to vector<16xf32>
        %parallel_loop3A_825 = arith.addf %parallel_loop3A_818, %parallel_loop3A_824 : vector<16xf32>
        %parallel_loop3A_826 = arith.constant 1 : i32
        %parallel_loop3A_827 = arith.index_cast %parallel_loop3A_826 : i32 to index
        %parallel_loop3A_828 = arith.index_cast %parallel_loop3A_806 : i32 to index
        %parallel_loop3A_829 = arith.index_cast %parallel_loop3A_812 : i32 to index
        %parallel_loop3A_830 = tpu.vector_load %arg5[%parallel_loop3A_827, %parallel_loop3A_828, %parallel_loop3A_829] {strides = array<i32>} : memref<8x8x1024xf32, #tpu.memory_space<vmem>>, vector<1x1x16xf32>,
        %parallel_loop3A_831 = vector.shape_cast %parallel_loop3A_830 : vector<1x1x16xf32> to vector<16xf32>
        %parallel_loop3A_832 = vector.shape_cast %parallel_loop3A_825 : vector<16xf32> to vector<1x1x16xf32>
        tpu.vector_store %arg5[%parallel_loop3A_827, %parallel_loop3A_828, %parallel_loop3A_829], %parallel_loop3A_832 {strides = array<i32>} : memref<8x8x1024xf32, #tpu.memory_space<vmem>>, vector<1x1x16xf32>,
        %parallel_loop3A_833 = arith.constant 16 : i32
        %parallel_loop3A_834 = arith.addi %parallel_loop3A_810, %parallel_loop3A_833 : i32
        %parallel_loop3A_835 = arith.constant 1 : i32
        %parallel_loop3A_836 = arith.index_cast %parallel_loop3A_835 : i32 to index
        %parallel_loop3A_837 = arith.index_cast %parallel_loop3A_806 : i32 to index
        %parallel_loop3A_838 = arith.index_cast %parallel_loop3A_834 : i32 to index
        %parallel_loop3A_839 = tpu.vector_load %arg5[%parallel_loop3A_836, %parallel_loop3A_837, %parallel_loop3A_838] {strides = array<i32>} : memref<8x8x1024xf32, #tpu.memory_space<vmem>>, vector<1x1x16xf32>,
        %parallel_loop3A_840 = vector.shape_cast %parallel_loop3A_839 : vector<1x1x16xf32> to vector<16xf32>
        %parallel_loop3A_841 = arith.constant 0 : i32
        %parallel_loop3A_842 = arith.index_cast %parallel_loop3A_841 : i32 to index
        %parallel_loop3A_843 = arith.index_cast %parallel_loop3A_806 : i32 to index
        %parallel_loop3A_844 = arith.index_cast %parallel_loop3A_834 : i32 to index
        %parallel_loop3A_845 = tpu.vector_load %arg6[%parallel_loop3A_842, %parallel_loop3A_843, %parallel_loop3A_844] {strides = array<i32>} : memref<2x8x1024xf32, #tpu.memory_space<vmem>>, vector<1x1x16xf32>,
        %parallel_loop3A_846 = vector.shape_cast %parallel_loop3A_845 : vector<1x1x16xf32> to vector<16xf32>
        %parallel_loop3A_847 = arith.addf %parallel_loop3A_840, %parallel_loop3A_846 : vector<16xf32>
        %parallel_loop3A_848 = arith.constant 1 : i32
        %parallel_loop3A_849 = arith.index_cast %parallel_loop3A_848 : i32 to index
        %parallel_loop3A_850 = arith.index_cast %parallel_loop3A_806 : i32 to index
        %parallel_loop3A_851 = arith.index_cast %parallel_loop3A_834 : i32 to index
        %parallel_loop3A_852 = tpu.vector_load %arg5[%parallel_loop3A_849, %parallel_loop3A_850, %parallel_loop3A_851] {strides = array<i32>} : memref<8x8x1024xf32, #tpu.memory_space<vmem>>, vector<1x1x16xf32>,
        %parallel_loop3A_853 = vector.shape_cast %parallel_loop3A_852 : vector<1x1x16xf32> to vector<16xf32>
        %parallel_loop3A_854 = vector.shape_cast %parallel_loop3A_847 : vector<16xf32> to vector<1x1x16xf32>
        tpu.vector_store %arg5[%parallel_loop3A_849, %parallel_loop3A_850, %parallel_loop3A_851], %parallel_loop3A_854 {strides = array<i32>} : memref<8x8x1024xf32, #tpu.memory_space<vmem>>, vector<1x1x16xf32>,
        %parallel_loop3A_855 = arith.constant 32 : i32
        %parallel_loop3A_856 = arith.addi %parallel_loop3A_810, %parallel_loop3A_855 : i32
        %parallel_loop3A_857 = arith.constant 1 : i32
        %parallel_loop3A_858 = arith.index_cast %parallel_loop3A_857 : i32 to index
        %parallel_loop3A_859 = arith.index_cast %parallel_loop3A_806 : i32 to index
        %parallel_loop3A_860 = arith.index_cast %parallel_loop3A_856 : i32 to index
        %parallel_loop3A_861 = tpu.vector_load %arg5[%parallel_loop3A_858, %parallel_loop3A_859, %parallel_loop3A_860] {strides = array<i32>} : memref<8x8x1024xf32, #tpu.memory_space<vmem>>, vector<1x1x16xf32>,
        %parallel_loop3A_862 = vector.shape_cast %parallel_loop3A_861 : vector<1x1x16xf32> to vector<16xf32>
        %parallel_loop3A_863 = arith.constant 0 : i32
        %parallel_loop3A_864 = arith.index_cast %parallel_loop3A_863 : i32 to index
        %parallel_loop3A_865 = arith.index_cast %parallel_loop3A_806 : i32 to index
        %parallel_loop3A_866 = arith.index_cast %parallel_loop3A_856 : i32 to index
        %parallel_loop3A_867 = tpu.vector_load %arg6[%parallel_loop3A_864, %parallel_loop3A_865, %parallel_loop3A_866] {strides = array<i32>} : memref<2x8x1024xf32, #tpu.memory_space<vmem>>, vector<1x1x16xf32>,
        %parallel_loop3A_868 = vector.shape_cast %parallel_loop3A_867 : vector<1x1x16xf32> to vector<16xf32>
        %parallel_loop3A_869 = arith.addf %parallel_loop3A_862, %parallel_loop3A_868 : vector<16xf32>
        %parallel_loop3A_870 = arith.constant 1 : i32
        %parallel_loop3A_871 = arith.index_cast %parallel_loop3A_870 : i32 to index
        %parallel_loop3A_872 = arith.index_cast %parallel_loop3A_806 : i32 to index
        %parallel_loop3A_873 = arith.index_cast %parallel_loop3A_856 : i32 to index
        %parallel_loop3A_874 = tpu.vector_load %arg5[%parallel_loop3A_871, %parallel_loop3A_872, %parallel_loop3A_873] {strides = array<i32>} : memref<8x8x1024xf32, #tpu.memory_space<vmem>>, vector<1x1x16xf32>,
        %parallel_loop3A_875 = vector.shape_cast %parallel_loop3A_874 : vector<1x1x16xf32> to vector<16xf32>
        %parallel_loop3A_876 = vector.shape_cast %parallel_loop3A_869 : vector<16xf32> to vector<1x1x16xf32>
        tpu.vector_store %arg5[%parallel_loop3A_871, %parallel_loop3A_872, %parallel_loop3A_873], %parallel_loop3A_876 {strides = array<i32>} : memref<8x8x1024xf32, #tpu.memory_space<vmem>>, vector<1x1x16xf32>,
        %parallel_loop3A_877 = arith.constant 48 : i32
        %parallel_loop3A_878 = arith.addi %parallel_loop3A_810, %parallel_loop3A_877 : i32
        %parallel_loop3A_879 = arith.constant 1 : i32
        %parallel_loop3A_880 = arith.index_cast %parallel_loop3A_879 : i32 to index
        %parallel_loop3A_881 = arith.index_cast %parallel_loop3A_806 : i32 to index
        %parallel_loop3A_882 = arith.index_cast %parallel_loop3A_878 : i32 to index
        %parallel_loop3A_883 = tpu.vector_load %arg5[%parallel_loop3A_880, %parallel_loop3A_881, %parallel_loop3A_882] {strides = array<i32>} : memref<8x8x1024xf32, #tpu.memory_space<vmem>>, vector<1x1x16xf32>,
        %parallel_loop3A_884 = vector.shape_cast %parallel_loop3A_883 : vector<1x1x16xf32> to vector<16xf32>
        %parallel_loop3A_885 = arith.constant 0 : i32
        %parallel_loop3A_886 = arith.index_cast %parallel_loop3A_885 : i32 to index
        %parallel_loop3A_887 = arith.index_cast %parallel_loop3A_806 : i32 to index
        %parallel_loop3A_888 = arith.index_cast %parallel_loop3A_878 : i32 to index
        %parallel_loop3A_889 = tpu.vector_load %arg6[%parallel_loop3A_886, %parallel_loop3A_887, %parallel_loop3A_888] {strides = array<i32>} : memref<2x8x1024xf32, #tpu.memory_space<vmem>>, vector<1x1x16xf32>,
        %parallel_loop3A_890 = vector.shape_cast %parallel_loop3A_889 : vector<1x1x16xf32> to vector<16xf32>
        %parallel_loop3A_891 = arith.addf %parallel_loop3A_884, %parallel_loop3A_890 : vector<16xf32>
        %parallel_loop3A_892 = arith.constant 1 : i32
        %parallel_loop3A_893 = arith.index_cast %parallel_loop3A_892 : i32 to index
        %parallel_loop3A_894 = arith.index_cast %parallel_loop3A_806 : i32 to index
        %parallel_loop3A_895 = arith.index_cast %parallel_loop3A_878 : i32 to index
        %parallel_loop3A_896 = tpu.vector_load %arg5[%parallel_loop3A_893, %parallel_loop3A_894, %parallel_loop3A_895] {strides = array<i32>} : memref<8x8x1024xf32, #tpu.memory_space<vmem>>, vector<1x1x16xf32>,
        %parallel_loop3A_897 = vector.shape_cast %parallel_loop3A_896 : vector<1x1x16xf32> to vector<16xf32>
        %parallel_loop3A_898 = vector.shape_cast %parallel_loop3A_891 : vector<16xf32> to vector<1x1x16xf32>
        tpu.vector_store %arg5[%parallel_loop3A_893, %parallel_loop3A_894, %parallel_loop3A_895], %parallel_loop3A_898 {strides = array<i32>} : memref<8x8x1024xf32, #tpu.memory_space<vmem>>, vector<1x1x16xf32>,
        %parallel_loop3A_899 = arith.constant 64 : i32
        %parallel_loop3A_900 = arith.addi %parallel_loop3A_810, %parallel_loop3A_899 : i32
        %parallel_loop3A_901 = arith.constant 1 : i32
        %parallel_loop3A_902 = arith.index_cast %parallel_loop3A_901 : i32 to index
        %parallel_loop3A_903 = arith.index_cast %parallel_loop3A_806 : i32 to index
        %parallel_loop3A_904 = arith.index_cast %parallel_loop3A_900 : i32 to index
        %parallel_loop3A_905 = tpu.vector_load %arg5[%parallel_loop3A_902, %parallel_loop3A_903, %parallel_loop3A_904] {strides = array<i32>} : memref<8x8x1024xf32, #tpu.memory_space<vmem>>, vector<1x1x16xf32>,
        %parallel_loop3A_906 = vector.shape_cast %parallel_loop3A_905 : vector<1x1x16xf32> to vector<16xf32>
        %parallel_loop3A_907 = arith.constant 0 : i32
        %parallel_loop3A_908 = arith.index_cast %parallel_loop3A_907 : i32 to index
        %parallel_loop3A_909 = arith.index_cast %parallel_loop3A_806 : i32 to index
        %parallel_loop3A_910 = arith.index_cast %parallel_loop3A_900 : i32 to index
        %parallel_loop3A_911 = tpu.vector_load %arg6[%parallel_loop3A_908, %parallel_loop3A_909, %parallel_loop3A_910] {strides = array<i32>} : memref<2x8x1024xf32, #tpu.memory_space<vmem>>, vector<1x1x16xf32>,
        %parallel_loop3A_912 = vector.shape_cast %parallel_loop3A_911 : vector<1x1x16xf32> to vector<16xf32>
        %parallel_loop3A_913 = arith.addf %parallel_loop3A_906, %parallel_loop3A_912 : vector<16xf32>
        %parallel_loop3A_914 = arith.constant 1 : i32
        %parallel_loop3A_915 = arith.index_cast %parallel_loop3A_914 : i32 to index
        %parallel_loop3A_916 = arith.index_cast %parallel_loop3A_806 : i32 to index
        %parallel_loop3A_917 = arith.index_cast %parallel_loop3A_900 : i32 to index
        %parallel_loop3A_918 = tpu.vector_load %arg5[%parallel_loop3A_915, %parallel_loop3A_916, %parallel_loop3A_917] {strides = array<i32>} : memref<8x8x1024xf32, #tpu.memory_space<vmem>>, vector<1x1x16xf32>,
        %parallel_loop3A_919 = vector.shape_cast %parallel_loop3A_918 : vector<1x1x16xf32> to vector<16xf32>
        %parallel_loop3A_920 = vector.shape_cast %parallel_loop3A_913 : vector<16xf32> to vector<1x1x16xf32>
        tpu.vector_store %arg5[%parallel_loop3A_915, %parallel_loop3A_916, %parallel_loop3A_917], %parallel_loop3A_920 {strides = array<i32>} : memref<8x8x1024xf32, #tpu.memory_space<vmem>>, vector<1x1x16xf32>,
        %parallel_loop3A_921 = arith.constant 80 : i32
        %parallel_loop3A_922 = arith.addi %parallel_loop3A_810, %parallel_loop3A_921 : i32
        %parallel_loop3A_923 = arith.constant 1 : i32
        %parallel_loop3A_924 = arith.index_cast %parallel_loop3A_923 : i32 to index
        %parallel_loop3A_925 = arith.index_cast %parallel_loop3A_806 : i32 to index
        %parallel_loop3A_926 = arith.index_cast %parallel_loop3A_922 : i32 to index
        %parallel_loop3A_927 = tpu.vector_load %arg5[%parallel_loop3A_924, %parallel_loop3A_925, %parallel_loop3A_926] {strides = array<i32>} : memref<8x8x1024xf32, #tpu.memory_space<vmem>>, vector<1x1x16xf32>,
        %parallel_loop3A_928 = vector.shape_cast %parallel_loop3A_927 : vector<1x1x16xf32> to vector<16xf32>
        %parallel_loop3A_929 = arith.constant 0 : i32
        %parallel_loop3A_930 = arith.index_cast %parallel_loop3A_929 : i32 to index
        %parallel_loop3A_931 = arith.index_cast %parallel_loop3A_806 : i32 to index
        %parallel_loop3A_932 = arith.index_cast %parallel_loop3A_922 : i32 to index
        %parallel_loop3A_933 = tpu.vector_load %arg6[%parallel_loop3A_930, %parallel_loop3A_931, %parallel_loop3A_932] {strides = array<i32>} : memref<2x8x1024xf32, #tpu.memory_space<vmem>>, vector<1x1x16xf32>,
        %parallel_loop3A_934 = vector.shape_cast %parallel_loop3A_933 : vector<1x1x16xf32> to vector<16xf32>
        %parallel_loop3A_935 = arith.addf %parallel_loop3A_928, %parallel_loop3A_934 : vector<16xf32>
        %parallel_loop3A_936 = arith.constant 1 : i32
        %parallel_loop3A_937 = arith.index_cast %parallel_loop3A_936 : i32 to index
        %parallel_loop3A_938 = arith.index_cast %parallel_loop3A_806 : i32 to index
        %parallel_loop3A_939 = arith.index_cast %parallel_loop3A_922 : i32 to index
        %parallel_loop3A_940 = tpu.vector_load %arg5[%parallel_loop3A_937, %parallel_loop3A_938, %parallel_loop3A_939] {strides = array<i32>} : memref<8x8x1024xf32, #tpu.memory_space<vmem>>, vector<1x1x16xf32>,
        %parallel_loop3A_941 = vector.shape_cast %parallel_loop3A_940 : vector<1x1x16xf32> to vector<16xf32>
        %parallel_loop3A_942 = vector.shape_cast %parallel_loop3A_935 : vector<16xf32> to vector<1x1x16xf32>
        tpu.vector_store %arg5[%parallel_loop3A_937, %parallel_loop3A_938, %parallel_loop3A_939], %parallel_loop3A_942 {strides = array<i32>} : memref<8x8x1024xf32, #tpu.memory_space<vmem>>, vector<1x1x16xf32>,
        %parallel_loop3A_943 = arith.constant 96 : i32
        %parallel_loop3A_944 = arith.addi %parallel_loop3A_810, %parallel_loop3A_943 : i32
        %parallel_loop3A_945 = arith.constant 1 : i32
        %parallel_loop3A_946 = arith.index_cast %parallel_loop3A_945 : i32 to index
        %parallel_loop3A_947 = arith.index_cast %parallel_loop3A_806 : i32 to index
        %parallel_loop3A_948 = arith.index_cast %parallel_loop3A_944 : i32 to index
        %parallel_loop3A_949 = tpu.vector_load %arg5[%parallel_loop3A_946, %parallel_loop3A_947, %parallel_loop3A_948] {strides = array<i32>} : memref<8x8x1024xf32, #tpu.memory_space<vmem>>, vector<1x1x16xf32>,
        %parallel_loop3A_950 = vector.shape_cast %parallel_loop3A_949 : vector<1x1x16xf32> to vector<16xf32>
        %parallel_loop3A_951 = arith.constant 0 : i32
        %parallel_loop3A_952 = arith.index_cast %parallel_loop3A_951 : i32 to index
        %parallel_loop3A_953 = arith.index_cast %parallel_loop3A_806 : i32 to index
        %parallel_loop3A_954 = arith.index_cast %parallel_loop3A_944 : i32 to index
        %parallel_loop3A_955 = tpu.vector_load %arg6[%parallel_loop3A_952, %parallel_loop3A_953, %parallel_loop3A_954] {strides = array<i32>} : memref<2x8x1024xf32, #tpu.memory_space<vmem>>, vector<1x1x16xf32>,
        %parallel_loop3A_956 = vector.shape_cast %parallel_loop3A_955 : vector<1x1x16xf32> to vector<16xf32>
        %parallel_loop3A_957 = arith.addf %parallel_loop3A_950, %parallel_loop3A_956 : vector<16xf32>
        %parallel_loop3A_958 = arith.constant 1 : i32
        %parallel_loop3A_959 = arith.index_cast %parallel_loop3A_958 : i32 to index
        %parallel_loop3A_960 = arith.index_cast %parallel_loop3A_806 : i32 to index
        %parallel_loop3A_961 = arith.index_cast %parallel_loop3A_944 : i32 to index
        %parallel_loop3A_962 = tpu.vector_load %arg5[%parallel_loop3A_959, %parallel_loop3A_960, %parallel_loop3A_961] {strides = array<i32>} : memref<8x8x1024xf32, #tpu.memory_space<vmem>>, vector<1x1x16xf32>,
        %parallel_loop3A_963 = vector.shape_cast %parallel_loop3A_962 : vector<1x1x16xf32> to vector<16xf32>
        %parallel_loop3A_964 = vector.shape_cast %parallel_loop3A_957 : vector<16xf32> to vector<1x1x16xf32>
        tpu.vector_store %arg5[%parallel_loop3A_959, %parallel_loop3A_960, %parallel_loop3A_961], %parallel_loop3A_964 {strides = array<i32>} : memref<8x8x1024xf32, #tpu.memory_space<vmem>>, vector<1x1x16xf32>,
        %parallel_loop3A_965 = arith.constant 112 : i32
        %parallel_loop3A_966 = arith.addi %parallel_loop3A_810, %parallel_loop3A_965 : i32
        %parallel_loop3A_967 = arith.constant 1 : i32
        %parallel_loop3A_968 = arith.index_cast %parallel_loop3A_967 : i32 to index
        %parallel_loop3A_969 = arith.index_cast %parallel_loop3A_806 : i32 to index
        %parallel_loop3A_970 = arith.index_cast %parallel_loop3A_966 : i32 to index
        %parallel_loop3A_971 = tpu.vector_load %arg5[%parallel_loop3A_968, %parallel_loop3A_969, %parallel_loop3A_970] {strides = array<i32>} : memref<8x8x1024xf32, #tpu.memory_space<vmem>>, vector<1x1x16xf32>,
        %parallel_loop3A_972 = vector.shape_cast %parallel_loop3A_971 : vector<1x1x16xf32> to vector<16xf32>
        %parallel_loop3A_973 = arith.constant 0 : i32
        %parallel_loop3A_974 = arith.index_cast %parallel_loop3A_973 : i32 to index
        %parallel_loop3A_975 = arith.index_cast %parallel_loop3A_806 : i32 to index
        %parallel_loop3A_976 = arith.index_cast %parallel_loop3A_966 : i32 to index
        %parallel_loop3A_977 = tpu.vector_load %arg6[%parallel_loop3A_974, %parallel_loop3A_975, %parallel_loop3A_976] {strides = array<i32>} : memref<2x8x1024xf32, #tpu.memory_space<vmem>>, vector<1x1x16xf32>,
        %parallel_loop3A_978 = vector.shape_cast %parallel_loop3A_977 : vector<1x1x16xf32> to vector<16xf32>
        %parallel_loop3A_979 = arith.addf %parallel_loop3A_972, %parallel_loop3A_978 : vector<16xf32>
        %parallel_loop3A_980 = arith.constant 1 : i32
        %parallel_loop3A_981 = arith.index_cast %parallel_loop3A_980 : i32 to index
        %parallel_loop3A_982 = arith.index_cast %parallel_loop3A_806 : i32 to index
        %parallel_loop3A_983 = arith.index_cast %parallel_loop3A_966 : i32 to index
        %parallel_loop3A_984 = tpu.vector_load %arg5[%parallel_loop3A_981, %parallel_loop3A_982, %parallel_loop3A_983] {strides = array<i32>} : memref<8x8x1024xf32, #tpu.memory_space<vmem>>, vector<1x1x16xf32>,
        %parallel_loop3A_985 = vector.shape_cast %parallel_loop3A_984 : vector<1x1x16xf32> to vector<16xf32>
        %parallel_loop3A_986 = vector.shape_cast %parallel_loop3A_979 : vector<16xf32> to vector<1x1x16xf32>
        tpu.vector_store %arg5[%parallel_loop3A_981, %parallel_loop3A_982, %parallel_loop3A_983], %parallel_loop3A_986 {strides = array<i32>} : memref<8x8x1024xf32, #tpu.memory_space<vmem>>, vector<1x1x16xf32>,
      } {sc.loop_unroll_factor = 4 : i64, sc.parallel_access}
      %add3A_381 = arith.constant 4096 : i32
      %add3A_382 = arith.addi %add3A_381, %mul3A_2 : i32
      %mul3A_383 = arith.constant 8 : i32
      %mul3A_384 = arith.muli %mul3A_278, %mul3A_383 : i32
      %add3A_385 = arith.addi %add3A_382, %mul3A_384 : i32
      %dma_start3A_386 = arith.constant 1 : i32
      %dma_start3A_387 = arith.constant 0 : i32
      %dma_start3A_388 = arith.constant 1 : i32
      %dma_start3A_389 = arith.constant 0 : i32
      %dma_start3A_390 = arith.constant 0 : i32
      %dma_start3A_391 = tpu.memref_slice %arg5[%dma_start3A_386, %dma_start3A_389, %dma_start3A_390] : memref<8x8x1024xf32, #tpu.memory_space<vmem>> -> memref<1x8x1024xf32, #tpu.memory_space<vmem>>
      %dma_start3A_392 = tpu.memref_squeeze %dma_start3A_391 : memref<1x8x1024xf32, #tpu.memory_space<vmem>> -> memref<8x1024xf32, #tpu.memory_space<vmem>>
      %dma_start3A_393 = arith.constant 0 : i32
      %dma_start3A_394 = tpu.memref_slice %arg4[%add3A_385, %dma_start3A_393] : memref<16384x1024xf32, #tpu.memory_space<hbm>> -> memref<8x1024xf32, #tpu.memory_space<hbm>>
      %dma_start3A_395 = tpu.memref_slice %arg9[%dma_start3A_387, %dma_start3A_388] : memref<2x4x!tpu.dma_semaphore, #tpu.memory_space<semaphore_mem>> -> memref<1x1x!tpu.dma_semaphore, #tpu.memory_space<semaphore_mem>>
      %dma_start3A_396 = tpu.memref_squeeze %dma_start3A_395 : memref<1x1x!tpu.dma_semaphore, #tpu.memory_space<semaphore_mem>> -> memref<!tpu.dma_semaphore, #tpu.memory_space<semaphore_mem>>
      %dma_start3A_397 = arith.constant 0 : i32
      %dma_start3A_398 = tpu.memref_slice %arg4[%add3A_385, %dma_start3A_397] : memref<16384x1024xf32, #tpu.memory_space<hbm>> -> memref<8x1024xf32, #tpu.memory_space<hbm>>
      %dma_start3A_399 = arith.constant 0 : i32
      %dma_start3A_400 = arith.constant 0 : i32
      %dma_start3A_401 = tpu.memref_slice %arg5[%dma_start3A_386, %dma_start3A_399, %dma_start3A_400] : memref<8x8x1024xf32, #tpu.memory_space<vmem>> -> memref<1x8x1024xf32, #tpu.memory_space<vmem>>
      %dma_start3A_402 = tpu.memref_squeeze %dma_start3A_401 : memref<1x8x1024xf32, #tpu.memory_space<vmem>> -> memref<8x1024xf32, #tpu.memory_space<vmem>>
      tpu.enqueue_dma source(%dma_start3A_402 : memref<8x1024xf32, #tpu.memory_space<vmem>>) target(%dma_start3A_398 : memref<8x1024xf32, #tpu.memory_space<hbm>>) target_semaphore(%dma_start3A_396 : memref<!tpu.dma_semaphore, #tpu.memory_space<semaphore_mem>>)
      %eq3A_403 = arith.constant 0 : i32
      %eq3A_404 = arith.cmpi eq, %mul3A_278, %eq3A_403 : i32
      %convert_element_type3A_405 = arith.extui %eq3A_404 : i1 to i32
      %cond3A_406 = arith.constant 0 : i32
      %cond3A_407 = arith.cmpi ne, %convert_element_type3A_405, %cond3A_406 : i32
      scf.if %cond3A_407 {
        %add3A_804 = arith.constant 4096 : i32
        %add3A_805 = arith.addi %add3A_804, %mul3A_2 : i32
        %add3A_806 = arith.constant 8 : i32
        %add3A_807 = arith.addi %add3A_805, %add3A_806 : i32
        %dma_start3A_808 = arith.constant 5 : i32
        %dma_start3A_809 = arith.constant 1 : i32
        %dma_start3A_810 = arith.constant 1 : i32
        %dma_start3A_811 = arith.constant 0 : i32
        %dma_start3A_812 = arith.constant 0 : i32
        %dma_start3A_813 = tpu.memref_slice %arg5[%dma_start3A_808, %dma_start3A_811, %dma_start3A_812] : memref<8x8x1024xf32, #tpu.memory_space<vmem>> -> memref<1x8x1024xf32, #tpu.memory_space<vmem>>
        %dma_start3A_814 = tpu.memref_squeeze %dma_start3A_813 : memref<1x8x1024xf32, #tpu.memory_space<vmem>> -> memref<8x1024xf32, #tpu.memory_space<vmem>>
        %dma_start3A_815 = arith.constant 0 : i32
        %dma_start3A_816 = tpu.memref_slice %arg2[%add3A_807, %dma_start3A_815] : memref<16384x1024xf32, #tpu.memory_space<hbm>> -> memref<8x1024xf32, #tpu.memory_space<hbm>>
        %dma_start3A_817 = tpu.memref_slice %arg7[%dma_start3A_809, %dma_start3A_810] : memref<2x4x!tpu.dma_semaphore, #tpu.memory_space<semaphore_mem>> -> memref<1x1x!tpu.dma_semaphore, #tpu.memory_space<semaphore_mem>>
        %dma_start3A_818 = tpu.memref_squeeze %dma_start3A_817 : memref<1x1x!tpu.dma_semaphore, #tpu.memory_space<semaphore_mem>> -> memref<!tpu.dma_semaphore, #tpu.memory_space<semaphore_mem>>
        %dma_start3A_819 = arith.constant 0 : i32
        %dma_start3A_820 = arith.constant 0 : i32
        %dma_start3A_821 = tpu.memref_slice %arg5[%dma_start3A_808, %dma_start3A_819, %dma_start3A_820] : memref<8x8x1024xf32, #tpu.memory_space<vmem>> -> memref<1x8x1024xf32, #tpu.memory_space<vmem>>
        %dma_start3A_822 = tpu.memref_squeeze %dma_start3A_821 : memref<1x8x1024xf32, #tpu.memory_space<vmem>> -> memref<8x1024xf32, #tpu.memory_space<vmem>>
        %dma_start3A_823 = arith.constant 0 : i32
        %dma_start3A_824 = tpu.memref_slice %arg2[%add3A_807, %dma_start3A_823] : memref<16384x1024xf32, #tpu.memory_space<hbm>> -> memref<8x1024xf32, #tpu.memory_space<hbm>>
        tpu.enqueue_dma source(%dma_start3A_824 : memref<8x1024xf32, #tpu.memory_space<hbm>>) target(%dma_start3A_822 : memref<8x1024xf32, #tpu.memory_space<vmem>>) target_semaphore(%dma_start3A_818 : memref<!tpu.dma_semaphore, #tpu.memory_space<semaphore_mem>>)
      } else {
      }
      %ge3A_408 = arith.constant 1 : i32
      %ge3A_409 = arith.cmpi sge, %mul3A_278, %ge3A_408 : i32
      %lt3A_410 = arith.constant 15 : i32
      %lt3A_411 = arith.cmpi slt, %mul3A_278, %lt3A_410 : i32
      %and3A_412 = arith.andi %ge3A_409, %lt3A_411 : i1
      %convert_element_type3A_413 = arith.extui %and3A_412 : i1 to i32
      %cond3A_414 = arith.constant 0 : i32
      %cond3A_415 = arith.cmpi ne, %convert_element_type3A_413, %cond3A_414 : i32
      scf.if %cond3A_415 {
        %sub3A = arith.constant 1 : i32
        %sub3A_804 = arith.subi %mul3A_278, %sub3A : i32
        %add3A_805 = arith.constant 4096 : i32
        %add3A_806 = arith.addi %add3A_805, %mul3A_2 : i32
        %mul3A_807 = arith.constant 8 : i32
        %mul3A_808 = arith.muli %sub3A_804, %mul3A_807 : i32
        %add3A_809 = arith.addi %add3A_806, %mul3A_808 : i32
        %dma_wait3A_810 = arith.constant 5 : i32
        %dma_wait3A_811 = arith.constant 1 : i32
        %dma_wait3A_812 = arith.constant 1 : i32
        %dma_wait3A_813 = arith.constant 0 : i32
        %dma_wait3A_814 = arith.constant 0 : i32
        %dma_wait3A_815 = tpu.memref_slice %arg5[%dma_wait3A_810, %dma_wait3A_813, %dma_wait3A_814] : memref<8x8x1024xf32, #tpu.memory_space<vmem>> -> memref<1x8x1024xf32, #tpu.memory_space<vmem>>
        %dma_wait3A_816 = tpu.memref_squeeze %dma_wait3A_815 : memref<1x8x1024xf32, #tpu.memory_space<vmem>> -> memref<8x1024xf32, #tpu.memory_space<vmem>>
        %dma_wait3A_817 = arith.constant 0 : i32
        %dma_wait3A_818 = tpu.memref_slice %arg4[%add3A_809, %dma_wait3A_817] : memref<16384x1024xf32, #tpu.memory_space<hbm>> -> memref<8x1024xf32, #tpu.memory_space<hbm>>
        %dma_wait3A_819 = tpu.memref_slice %arg9[%dma_wait3A_811, %dma_wait3A_812] : memref<2x4x!tpu.dma_semaphore, #tpu.memory_space<semaphore_mem>> -> memref<1x1x!tpu.dma_semaphore, #tpu.memory_space<semaphore_mem>>
        %dma_wait3A_820 = tpu.memref_squeeze %dma_wait3A_819 : memref<1x1x!tpu.dma_semaphore, #tpu.memory_space<semaphore_mem>> -> memref<!tpu.dma_semaphore, #tpu.memory_space<semaphore_mem>>
        %dma_wait3A_821 = arith.constant 0 : i32
        %dma_wait3A_822 = tpu.memref_slice %arg4[%add3A_809, %dma_wait3A_821] : memref<16384x1024xf32, #tpu.memory_space<hbm>> -> memref<8x1024xf32, #tpu.memory_space<hbm>>
        %dma_wait3A_823 = arith.constant 0 : i32
        %dma_wait3A_824 = arith.constant 0 : i32
        %dma_wait3A_825 = tpu.memref_slice %arg5[%dma_wait3A_810, %dma_wait3A_823, %dma_wait3A_824] : memref<8x8x1024xf32, #tpu.memory_space<vmem>> -> memref<1x8x1024xf32, #tpu.memory_space<vmem>>
        %dma_wait3A_826 = tpu.memref_squeeze %dma_wait3A_825 : memref<1x8x1024xf32, #tpu.memory_space<vmem>> -> memref<8x1024xf32, #tpu.memory_space<vmem>>
        tpu.wait_dma2 semaphore(%dma_wait3A_820 : memref<!tpu.dma_semaphore, #tpu.memory_space<semaphore_mem>>) src(%dma_wait3A_826 : memref<8x1024xf32, #tpu.memory_space<vmem>>) dst(%dma_wait3A_822 : memref<8x1024xf32, #tpu.memory_space<hbm>>)
        %add3A_827 = arith.constant 1 : i32
        %add3A_828 = arith.addi %mul3A_278, %add3A_827 : i32
        %add3A_829 = arith.constant 4096 : i32
        %add3A_830 = arith.addi %add3A_829, %mul3A_2 : i32
        %mul3A_831 = arith.constant 8 : i32
        %mul3A_832 = arith.muli %add3A_828, %mul3A_831 : i32
        %add3A_833 = arith.addi %add3A_830, %mul3A_832 : i32
        %dma_start3A_834 = arith.constant 5 : i32
        %dma_start3A_835 = arith.constant 1 : i32
        %dma_start3A_836 = arith.constant 1 : i32
        %dma_start3A_837 = arith.constant 0 : i32
        %dma_start3A_838 = arith.constant 0 : i32
        %dma_start3A_839 = tpu.memref_slice %arg5[%dma_start3A_834, %dma_start3A_837, %dma_start3A_838] : memref<8x8x1024xf32, #tpu.memory_space<vmem>> -> memref<1x8x1024xf32, #tpu.memory_space<vmem>>
        %dma_start3A_840 = tpu.memref_squeeze %dma_start3A_839 : memref<1x8x1024xf32, #tpu.memory_space<vmem>> -> memref<8x1024xf32, #tpu.memory_space<vmem>>
        %dma_start3A_841 = arith.constant 0 : i32
        %dma_start3A_842 = tpu.memref_slice %arg2[%add3A_833, %dma_start3A_841] : memref<16384x1024xf32, #tpu.memory_space<hbm>> -> memref<8x1024xf32, #tpu.memory_space<hbm>>
        %dma_start3A_843 = tpu.memref_slice %arg7[%dma_start3A_835, %dma_start3A_836] : memref<2x4x!tpu.dma_semaphore, #tpu.memory_space<semaphore_mem>> -> memref<1x1x!tpu.dma_semaphore, #tpu.memory_space<semaphore_mem>>
        %dma_start3A_844 = tpu.memref_squeeze %dma_start3A_843 : memref<1x1x!tpu.dma_semaphore, #tpu.memory_space<semaphore_mem>> -> memref<!tpu.dma_semaphore, #tpu.memory_space<semaphore_mem>>
        %dma_start3A_845 = arith.constant 0 : i32
        %dma_start3A_846 = arith.constant 0 : i32
        %dma_start3A_847 = tpu.memref_slice %arg5[%dma_start3A_834, %dma_start3A_845, %dma_start3A_846] : memref<8x8x1024xf32, #tpu.memory_space<vmem>> -> memref<1x8x1024xf32, #tpu.memory_space<vmem>>
        %dma_start3A_848 = tpu.memref_squeeze %dma_start3A_847 : memref<1x8x1024xf32, #tpu.memory_space<vmem>> -> memref<8x1024xf32, #tpu.memory_space<vmem>>
        %dma_start3A_849 = arith.constant 0 : i32
        %dma_start3A_850 = tpu.memref_slice %arg2[%add3A_833, %dma_start3A_849] : memref<16384x1024xf32, #tpu.memory_space<hbm>> -> memref<8x1024xf32, #tpu.memory_space<hbm>>
        tpu.enqueue_dma source(%dma_start3A_850 : memref<8x1024xf32, #tpu.memory_space<hbm>>) target(%dma_start3A_848 : memref<8x1024xf32, #tpu.memory_space<vmem>>) target_semaphore(%dma_start3A_844 : memref<!tpu.dma_semaphore, #tpu.memory_space<semaphore_mem>>)
      } else {
      }
      %add3A_416 = arith.constant 8192 : i32
      %add3A_417 = arith.addi %add3A_416, %mul3A_2 : i32
      %mul3A_418 = arith.constant 8 : i32
      %mul3A_419 = arith.muli %mul3A_278, %mul3A_418 : i32
      %add3A_420 = arith.addi %add3A_417, %mul3A_419 : i32
      %dma_wait3A_421 = arith.constant 2 : i32
      %dma_wait3A_422 = arith.constant 0 : i32
      %dma_wait3A_423 = arith.constant 2 : i32
      %dma_wait3A_424 = arith.constant 0 : i32
      %dma_wait3A_425 = arith.constant 0 : i32
      %dma_wait3A_426 = tpu.memref_slice %arg5[%dma_wait3A_421, %dma_wait3A_424, %dma_wait3A_425] : memref<8x8x1024xf32, #tpu.memory_space<vmem>> -> memref<1x8x1024xf32, #tpu.memory_space<vmem>>
      %dma_wait3A_427 = tpu.memref_squeeze %dma_wait3A_426 : memref<1x8x1024xf32, #tpu.memory_space<vmem>> -> memref<8x1024xf32, #tpu.memory_space<vmem>>
      %dma_wait3A_428 = arith.constant 0 : i32
      %dma_wait3A_429 = tpu.memref_slice %arg2[%add3A_420, %dma_wait3A_428] : memref<16384x1024xf32, #tpu.memory_space<hbm>> -> memref<8x1024xf32, #tpu.memory_space<hbm>>
      %dma_wait3A_430 = tpu.memref_slice %arg7[%dma_wait3A_422, %dma_wait3A_423] : memref<2x4x!tpu.dma_semaphore, #tpu.memory_space<semaphore_mem>> -> memref<1x1x!tpu.dma_semaphore, #tpu.memory_space<semaphore_mem>>
      %dma_wait3A_431 = tpu.memref_squeeze %dma_wait3A_430 : memref<1x1x!tpu.dma_semaphore, #tpu.memory_space<semaphore_mem>> -> memref<!tpu.dma_semaphore, #tpu.memory_space<semaphore_mem>>
      %dma_wait3A_432 = arith.constant 0 : i32
      %dma_wait3A_433 = arith.constant 0 : i32
      %dma_wait3A_434 = tpu.memref_slice %arg5[%dma_wait3A_421, %dma_wait3A_432, %dma_wait3A_433] : memref<8x8x1024xf32, #tpu.memory_space<vmem>> -> memref<1x8x1024xf32, #tpu.memory_space<vmem>>
      %dma_wait3A_435 = tpu.memref_squeeze %dma_wait3A_434 : memref<1x8x1024xf32, #tpu.memory_space<vmem>> -> memref<8x1024xf32, #tpu.memory_space<vmem>>
      %dma_wait3A_436 = arith.constant 0 : i32
      %dma_wait3A_437 = tpu.memref_slice %arg2[%add3A_420, %dma_wait3A_436] : memref<16384x1024xf32, #tpu.memory_space<hbm>> -> memref<8x1024xf32, #tpu.memory_space<hbm>>
      tpu.wait_dma2 semaphore(%dma_wait3A_431 : memref<!tpu.dma_semaphore, #tpu.memory_space<semaphore_mem>>) src(%dma_wait3A_437 : memref<8x1024xf32, #tpu.memory_space<hbm>>) dst(%dma_wait3A_435 : memref<8x1024xf32, #tpu.memory_space<vmem>>)
      %parallel_loop3A_438 = arith.constant 0 : i32
      %parallel_loop3A_439 = arith.constant 64 : i32
      %parallel_loop3A_440 = arith.constant 1 : i32
      scf.for %parallel_loop3A_804 = %parallel_loop3A_438 to %parallel_loop3A_439 step %parallel_loop3A_440  : i32 {
        %parallel_loop3A_805 = arith.constant 3 : i32
        %parallel_loop3A_806 = arith.shrui %parallel_loop3A_804, %parallel_loop3A_805 : i32
        %parallel_loop3A_807 = arith.constant 7 : i32
        %parallel_loop3A_808 = arith.andi %parallel_loop3A_804, %parallel_loop3A_807 : i32
        %parallel_loop3A_809 = arith.constant 128 : i32
        %parallel_loop3A_810 = arith.muli %parallel_loop3A_808, %parallel_loop3A_809 : i32
        %parallel_loop3A_811 = arith.constant 0 : i32
        %parallel_loop3A_812 = arith.addi %parallel_loop3A_810, %parallel_loop3A_811 : i32
        %parallel_loop3A_813 = arith.constant 2 : i32
        %parallel_loop3A_814 = arith.index_cast %parallel_loop3A_813 : i32 to index
        %parallel_loop3A_815 = arith.index_cast %parallel_loop3A_806 : i32 to index
        %parallel_loop3A_816 = arith.index_cast %parallel_loop3A_812 : i32 to index
        %parallel_loop3A_817 = tpu.vector_load %arg5[%parallel_loop3A_814, %parallel_loop3A_815, %parallel_loop3A_816] {strides = array<i32>} : memref<8x8x1024xf32, #tpu.memory_space<vmem>>, vector<1x1x16xf32>,
        %parallel_loop3A_818 = vector.shape_cast %parallel_loop3A_817 : vector<1x1x16xf32> to vector<16xf32>
        %parallel_loop3A_819 = arith.constant 0 : i32
        %parallel_loop3A_820 = arith.index_cast %parallel_loop3A_819 : i32 to index
        %parallel_loop3A_821 = arith.index_cast %parallel_loop3A_806 : i32 to index
        %parallel_loop3A_822 = arith.index_cast %parallel_loop3A_812 : i32 to index
        %parallel_loop3A_823 = tpu.vector_load %arg6[%parallel_loop3A_820, %parallel_loop3A_821, %parallel_loop3A_822] {strides = array<i32>} : memref<2x8x1024xf32, #tpu.memory_space<vmem>>, vector<1x1x16xf32>,
        %parallel_loop3A_824 = vector.shape_cast %parallel_loop3A_823 : vector<1x1x16xf32> to vector<16xf32>
        %parallel_loop3A_825 = arith.addf %parallel_loop3A_818, %parallel_loop3A_824 : vector<16xf32>
        %parallel_loop3A_826 = arith.constant 2 : i32
        %parallel_loop3A_827 = arith.index_cast %parallel_loop3A_826 : i32 to index
        %parallel_loop3A_828 = arith.index_cast %parallel_loop3A_806 : i32 to index
        %parallel_loop3A_829 = arith.index_cast %parallel_loop3A_812 : i32 to index
        %parallel_loop3A_830 = tpu.vector_load %arg5[%parallel_loop3A_827, %parallel_loop3A_828, %parallel_loop3A_829] {strides = array<i32>} : memref<8x8x1024xf32, #tpu.memory_space<vmem>>, vector<1x1x16xf32>,
        %parallel_loop3A_831 = vector.shape_cast %parallel_loop3A_830 : vector<1x1x16xf32> to vector<16xf32>
        %parallel_loop3A_832 = vector.shape_cast %parallel_loop3A_825 : vector<16xf32> to vector<1x1x16xf32>
        tpu.vector_store %arg5[%parallel_loop3A_827, %parallel_loop3A_828, %parallel_loop3A_829], %parallel_loop3A_832 {strides = array<i32>} : memref<8x8x1024xf32, #tpu.memory_space<vmem>>, vector<1x1x16xf32>,
        %parallel_loop3A_833 = arith.constant 16 : i32
        %parallel_loop3A_834 = arith.addi %parallel_loop3A_810, %parallel_loop3A_833 : i32
        %parallel_loop3A_835 = arith.constant 2 : i32
        %parallel_loop3A_836 = arith.index_cast %parallel_loop3A_835 : i32 to index
        %parallel_loop3A_837 = arith.index_cast %parallel_loop3A_806 : i32 to index
        %parallel_loop3A_838 = arith.index_cast %parallel_loop3A_834 : i32 to index
        %parallel_loop3A_839 = tpu.vector_load %arg5[%parallel_loop3A_836, %parallel_loop3A_837, %parallel_loop3A_838] {strides = array<i32>} : memref<8x8x1024xf32, #tpu.memory_space<vmem>>, vector<1x1x16xf32>,
        %parallel_loop3A_840 = vector.shape_cast %parallel_loop3A_839 : vector<1x1x16xf32> to vector<16xf32>
        %parallel_loop3A_841 = arith.constant 0 : i32
        %parallel_loop3A_842 = arith.index_cast %parallel_loop3A_841 : i32 to index
        %parallel_loop3A_843 = arith.index_cast %parallel_loop3A_806 : i32 to index
        %parallel_loop3A_844 = arith.index_cast %parallel_loop3A_834 : i32 to index
        %parallel_loop3A_845 = tpu.vector_load %arg6[%parallel_loop3A_842, %parallel_loop3A_843, %parallel_loop3A_844] {strides = array<i32>} : memref<2x8x1024xf32, #tpu.memory_space<vmem>>, vector<1x1x16xf32>,
        %parallel_loop3A_846 = vector.shape_cast %parallel_loop3A_845 : vector<1x1x16xf32> to vector<16xf32>
        %parallel_loop3A_847 = arith.addf %parallel_loop3A_840, %parallel_loop3A_846 : vector<16xf32>
        %parallel_loop3A_848 = arith.constant 2 : i32
        %parallel_loop3A_849 = arith.index_cast %parallel_loop3A_848 : i32 to index
        %parallel_loop3A_850 = arith.index_cast %parallel_loop3A_806 : i32 to index
        %parallel_loop3A_851 = arith.index_cast %parallel_loop3A_834 : i32 to index
        %parallel_loop3A_852 = tpu.vector_load %arg5[%parallel_loop3A_849, %parallel_loop3A_850, %parallel_loop3A_851] {strides = array<i32>} : memref<8x8x1024xf32, #tpu.memory_space<vmem>>, vector<1x1x16xf32>,
        %parallel_loop3A_853 = vector.shape_cast %parallel_loop3A_852 : vector<1x1x16xf32> to vector<16xf32>
        %parallel_loop3A_854 = vector.shape_cast %parallel_loop3A_847 : vector<16xf32> to vector<1x1x16xf32>
        tpu.vector_store %arg5[%parallel_loop3A_849, %parallel_loop3A_850, %parallel_loop3A_851], %parallel_loop3A_854 {strides = array<i32>} : memref<8x8x1024xf32, #tpu.memory_space<vmem>>, vector<1x1x16xf32>,
        %parallel_loop3A_855 = arith.constant 32 : i32
        %parallel_loop3A_856 = arith.addi %parallel_loop3A_810, %parallel_loop3A_855 : i32
        %parallel_loop3A_857 = arith.constant 2 : i32
        %parallel_loop3A_858 = arith.index_cast %parallel_loop3A_857 : i32 to index
        %parallel_loop3A_859 = arith.index_cast %parallel_loop3A_806 : i32 to index
        %parallel_loop3A_860 = arith.index_cast %parallel_loop3A_856 : i32 to index
        %parallel_loop3A_861 = tpu.vector_load %arg5[%parallel_loop3A_858, %parallel_loop3A_859, %parallel_loop3A_860] {strides = array<i32>} : memref<8x8x1024xf32, #tpu.memory_space<vmem>>, vector<1x1x16xf32>,
        %parallel_loop3A_862 = vector.shape_cast %parallel_loop3A_861 : vector<1x1x16xf32> to vector<16xf32>
        %parallel_loop3A_863 = arith.constant 0 : i32
        %parallel_loop3A_864 = arith.index_cast %parallel_loop3A_863 : i32 to index
        %parallel_loop3A_865 = arith.index_cast %parallel_loop3A_806 : i32 to index
        %parallel_loop3A_866 = arith.index_cast %parallel_loop3A_856 : i32 to index
        %parallel_loop3A_867 = tpu.vector_load %arg6[%parallel_loop3A_864, %parallel_loop3A_865, %parallel_loop3A_866] {strides = array<i32>} : memref<2x8x1024xf32, #tpu.memory_space<vmem>>, vector<1x1x16xf32>,
        %parallel_loop3A_868 = vector.shape_cast %parallel_loop3A_867 : vector<1x1x16xf32> to vector<16xf32>
        %parallel_loop3A_869 = arith.addf %parallel_loop3A_862, %parallel_loop3A_868 : vector<16xf32>
        %parallel_loop3A_870 = arith.constant 2 : i32
        %parallel_loop3A_871 = arith.index_cast %parallel_loop3A_870 : i32 to index
        %parallel_loop3A_872 = arith.index_cast %parallel_loop3A_806 : i32 to index
        %parallel_loop3A_873 = arith.index_cast %parallel_loop3A_856 : i32 to index
        %parallel_loop3A_874 = tpu.vector_load %arg5[%parallel_loop3A_871, %parallel_loop3A_872, %parallel_loop3A_873] {strides = array<i32>} : memref<8x8x1024xf32, #tpu.memory_space<vmem>>, vector<1x1x16xf32>,
        %parallel_loop3A_875 = vector.shape_cast %parallel_loop3A_874 : vector<1x1x16xf32> to vector<16xf32>
        %parallel_loop3A_876 = vector.shape_cast %parallel_loop3A_869 : vector<16xf32> to vector<1x1x16xf32>
        tpu.vector_store %arg5[%parallel_loop3A_871, %parallel_loop3A_872, %parallel_loop3A_873], %parallel_loop3A_876 {strides = array<i32>} : memref<8x8x1024xf32, #tpu.memory_space<vmem>>, vector<1x1x16xf32>,
        %parallel_loop3A_877 = arith.constant 48 : i32
        %parallel_loop3A_878 = arith.addi %parallel_loop3A_810, %parallel_loop3A_877 : i32
        %parallel_loop3A_879 = arith.constant 2 : i32
        %parallel_loop3A_880 = arith.index_cast %parallel_loop3A_879 : i32 to index
        %parallel_loop3A_881 = arith.index_cast %parallel_loop3A_806 : i32 to index
        %parallel_loop3A_882 = arith.index_cast %parallel_loop3A_878 : i32 to index
        %parallel_loop3A_883 = tpu.vector_load %arg5[%parallel_loop3A_880, %parallel_loop3A_881, %parallel_loop3A_882] {strides = array<i32>} : memref<8x8x1024xf32, #tpu.memory_space<vmem>>, vector<1x1x16xf32>,
        %parallel_loop3A_884 = vector.shape_cast %parallel_loop3A_883 : vector<1x1x16xf32> to vector<16xf32>
        %parallel_loop3A_885 = arith.constant 0 : i32
        %parallel_loop3A_886 = arith.index_cast %parallel_loop3A_885 : i32 to index
        %parallel_loop3A_887 = arith.index_cast %parallel_loop3A_806 : i32 to index
        %parallel_loop3A_888 = arith.index_cast %parallel_loop3A_878 : i32 to index
        %parallel_loop3A_889 = tpu.vector_load %arg6[%parallel_loop3A_886, %parallel_loop3A_887, %parallel_loop3A_888] {strides = array<i32>} : memref<2x8x1024xf32, #tpu.memory_space<vmem>>, vector<1x1x16xf32>,
        %parallel_loop3A_890 = vector.shape_cast %parallel_loop3A_889 : vector<1x1x16xf32> to vector<16xf32>
        %parallel_loop3A_891 = arith.addf %parallel_loop3A_884, %parallel_loop3A_890 : vector<16xf32>
        %parallel_loop3A_892 = arith.constant 2 : i32
        %parallel_loop3A_893 = arith.index_cast %parallel_loop3A_892 : i32 to index
        %parallel_loop3A_894 = arith.index_cast %parallel_loop3A_806 : i32 to index
        %parallel_loop3A_895 = arith.index_cast %parallel_loop3A_878 : i32 to index
        %parallel_loop3A_896 = tpu.vector_load %arg5[%parallel_loop3A_893, %parallel_loop3A_894, %parallel_loop3A_895] {strides = array<i32>} : memref<8x8x1024xf32, #tpu.memory_space<vmem>>, vector<1x1x16xf32>,
        %parallel_loop3A_897 = vector.shape_cast %parallel_loop3A_896 : vector<1x1x16xf32> to vector<16xf32>
        %parallel_loop3A_898 = vector.shape_cast %parallel_loop3A_891 : vector<16xf32> to vector<1x1x16xf32>
        tpu.vector_store %arg5[%parallel_loop3A_893, %parallel_loop3A_894, %parallel_loop3A_895], %parallel_loop3A_898 {strides = array<i32>} : memref<8x8x1024xf32, #tpu.memory_space<vmem>>, vector<1x1x16xf32>,
        %parallel_loop3A_899 = arith.constant 64 : i32
        %parallel_loop3A_900 = arith.addi %parallel_loop3A_810, %parallel_loop3A_899 : i32
        %parallel_loop3A_901 = arith.constant 2 : i32
        %parallel_loop3A_902 = arith.index_cast %parallel_loop3A_901 : i32 to index
        %parallel_loop3A_903 = arith.index_cast %parallel_loop3A_806 : i32 to index
        %parallel_loop3A_904 = arith.index_cast %parallel_loop3A_900 : i32 to index
        %parallel_loop3A_905 = tpu.vector_load %arg5[%parallel_loop3A_902, %parallel_loop3A_903, %parallel_loop3A_904] {strides = array<i32>} : memref<8x8x1024xf32, #tpu.memory_space<vmem>>, vector<1x1x16xf32>,
        %parallel_loop3A_906 = vector.shape_cast %parallel_loop3A_905 : vector<1x1x16xf32> to vector<16xf32>
        %parallel_loop3A_907 = arith.constant 0 : i32
        %parallel_loop3A_908 = arith.index_cast %parallel_loop3A_907 : i32 to index
        %parallel_loop3A_909 = arith.index_cast %parallel_loop3A_806 : i32 to index
        %parallel_loop3A_910 = arith.index_cast %parallel_loop3A_900 : i32 to index
        %parallel_loop3A_911 = tpu.vector_load %arg6[%parallel_loop3A_908, %parallel_loop3A_909, %parallel_loop3A_910] {strides = array<i32>} : memref<2x8x1024xf32, #tpu.memory_space<vmem>>, vector<1x1x16xf32>,
        %parallel_loop3A_912 = vector.shape_cast %parallel_loop3A_911 : vector<1x1x16xf32> to vector<16xf32>
        %parallel_loop3A_913 = arith.addf %parallel_loop3A_906, %parallel_loop3A_912 : vector<16xf32>
        %parallel_loop3A_914 = arith.constant 2 : i32
        %parallel_loop3A_915 = arith.index_cast %parallel_loop3A_914 : i32 to index
        %parallel_loop3A_916 = arith.index_cast %parallel_loop3A_806 : i32 to index
        %parallel_loop3A_917 = arith.index_cast %parallel_loop3A_900 : i32 to index
        %parallel_loop3A_918 = tpu.vector_load %arg5[%parallel_loop3A_915, %parallel_loop3A_916, %parallel_loop3A_917] {strides = array<i32>} : memref<8x8x1024xf32, #tpu.memory_space<vmem>>, vector<1x1x16xf32>,
        %parallel_loop3A_919 = vector.shape_cast %parallel_loop3A_918 : vector<1x1x16xf32> to vector<16xf32>
        %parallel_loop3A_920 = vector.shape_cast %parallel_loop3A_913 : vector<16xf32> to vector<1x1x16xf32>
        tpu.vector_store %arg5[%parallel_loop3A_915, %parallel_loop3A_916, %parallel_loop3A_917], %parallel_loop3A_920 {strides = array<i32>} : memref<8x8x1024xf32, #tpu.memory_space<vmem>>, vector<1x1x16xf32>,
        %parallel_loop3A_921 = arith.constant 80 : i32
        %parallel_loop3A_922 = arith.addi %parallel_loop3A_810, %parallel_loop3A_921 : i32
        %parallel_loop3A_923 = arith.constant 2 : i32
        %parallel_loop3A_924 = arith.index_cast %parallel_loop3A_923 : i32 to index
        %parallel_loop3A_925 = arith.index_cast %parallel_loop3A_806 : i32 to index
        %parallel_loop3A_926 = arith.index_cast %parallel_loop3A_922 : i32 to index
        %parallel_loop3A_927 = tpu.vector_load %arg5[%parallel_loop3A_924, %parallel_loop3A_925, %parallel_loop3A_926] {strides = array<i32>} : memref<8x8x1024xf32, #tpu.memory_space<vmem>>, vector<1x1x16xf32>,
        %parallel_loop3A_928 = vector.shape_cast %parallel_loop3A_927 : vector<1x1x16xf32> to vector<16xf32>
        %parallel_loop3A_929 = arith.constant 0 : i32
        %parallel_loop3A_930 = arith.index_cast %parallel_loop3A_929 : i32 to index
        %parallel_loop3A_931 = arith.index_cast %parallel_loop3A_806 : i32 to index
        %parallel_loop3A_932 = arith.index_cast %parallel_loop3A_922 : i32 to index
        %parallel_loop3A_933 = tpu.vector_load %arg6[%parallel_loop3A_930, %parallel_loop3A_931, %parallel_loop3A_932] {strides = array<i32>} : memref<2x8x1024xf32, #tpu.memory_space<vmem>>, vector<1x1x16xf32>,
        %parallel_loop3A_934 = vector.shape_cast %parallel_loop3A_933 : vector<1x1x16xf32> to vector<16xf32>
        %parallel_loop3A_935 = arith.addf %parallel_loop3A_928, %parallel_loop3A_934 : vector<16xf32>
        %parallel_loop3A_936 = arith.constant 2 : i32
        %parallel_loop3A_937 = arith.index_cast %parallel_loop3A_936 : i32 to index
        %parallel_loop3A_938 = arith.index_cast %parallel_loop3A_806 : i32 to index
        %parallel_loop3A_939 = arith.index_cast %parallel_loop3A_922 : i32 to index
        %parallel_loop3A_940 = tpu.vector_load %arg5[%parallel_loop3A_937, %parallel_loop3A_938, %parallel_loop3A_939] {strides = array<i32>} : memref<8x8x1024xf32, #tpu.memory_space<vmem>>, vector<1x1x16xf32>,
        %parallel_loop3A_941 = vector.shape_cast %parallel_loop3A_940 : vector<1x1x16xf32> to vector<16xf32>
        %parallel_loop3A_942 = vector.shape_cast %parallel_loop3A_935 : vector<16xf32> to vector<1x1x16xf32>
        tpu.vector_store %arg5[%parallel_loop3A_937, %parallel_loop3A_938, %parallel_loop3A_939], %parallel_loop3A_942 {strides = array<i32>} : memref<8x8x1024xf32, #tpu.memory_space<vmem>>, vector<1x1x16xf32>,
        %parallel_loop3A_943 = arith.constant 96 : i32
        %parallel_loop3A_944 = arith.addi %parallel_loop3A_810, %parallel_loop3A_943 : i32
        %parallel_loop3A_945 = arith.constant 2 : i32
        %parallel_loop3A_946 = arith.index_cast %parallel_loop3A_945 : i32 to index
        %parallel_loop3A_947 = arith.index_cast %parallel_loop3A_806 : i32 to index
        %parallel_loop3A_948 = arith.index_cast %parallel_loop3A_944 : i32 to index
        %parallel_loop3A_949 = tpu.vector_load %arg5[%parallel_loop3A_946, %parallel_loop3A_947, %parallel_loop3A_948] {strides = array<i32>} : memref<8x8x1024xf32, #tpu.memory_space<vmem>>, vector<1x1x16xf32>,
        %parallel_loop3A_950 = vector.shape_cast %parallel_loop3A_949 : vector<1x1x16xf32> to vector<16xf32>
        %parallel_loop3A_951 = arith.constant 0 : i32
        %parallel_loop3A_952 = arith.index_cast %parallel_loop3A_951 : i32 to index
        %parallel_loop3A_953 = arith.index_cast %parallel_loop3A_806 : i32 to index
        %parallel_loop3A_954 = arith.index_cast %parallel_loop3A_944 : i32 to index
        %parallel_loop3A_955 = tpu.vector_load %arg6[%parallel_loop3A_952, %parallel_loop3A_953, %parallel_loop3A_954] {strides = array<i32>} : memref<2x8x1024xf32, #tpu.memory_space<vmem>>, vector<1x1x16xf32>,
        %parallel_loop3A_956 = vector.shape_cast %parallel_loop3A_955 : vector<1x1x16xf32> to vector<16xf32>
        %parallel_loop3A_957 = arith.addf %parallel_loop3A_950, %parallel_loop3A_956 : vector<16xf32>
        %parallel_loop3A_958 = arith.constant 2 : i32
        %parallel_loop3A_959 = arith.index_cast %parallel_loop3A_958 : i32 to index
        %parallel_loop3A_960 = arith.index_cast %parallel_loop3A_806 : i32 to index
        %parallel_loop3A_961 = arith.index_cast %parallel_loop3A_944 : i32 to index
        %parallel_loop3A_962 = tpu.vector_load %arg5[%parallel_loop3A_959, %parallel_loop3A_960, %parallel_loop3A_961] {strides = array<i32>} : memref<8x8x1024xf32, #tpu.memory_space<vmem>>, vector<1x1x16xf32>,
        %parallel_loop3A_963 = vector.shape_cast %parallel_loop3A_962 : vector<1x1x16xf32> to vector<16xf32>
        %parallel_loop3A_964 = vector.shape_cast %parallel_loop3A_957 : vector<16xf32> to vector<1x1x16xf32>
        tpu.vector_store %arg5[%parallel_loop3A_959, %parallel_loop3A_960, %parallel_loop3A_961], %parallel_loop3A_964 {strides = array<i32>} : memref<8x8x1024xf32, #tpu.memory_space<vmem>>, vector<1x1x16xf32>,
        %parallel_loop3A_965 = arith.constant 112 : i32
        %parallel_loop3A_966 = arith.addi %parallel_loop3A_810, %parallel_loop3A_965 : i32
        %parallel_loop3A_967 = arith.constant 2 : i32
        %parallel_loop3A_968 = arith.index_cast %parallel_loop3A_967 : i32 to index
        %parallel_loop3A_969 = arith.index_cast %parallel_loop3A_806 : i32 to index
        %parallel_loop3A_970 = arith.index_cast %parallel_loop3A_966 : i32 to index
        %parallel_loop3A_971 = tpu.vector_load %arg5[%parallel_loop3A_968, %parallel_loop3A_969, %parallel_loop3A_970] {strides = array<i32>} : memref<8x8x1024xf32, #tpu.memory_space<vmem>>, vector<1x1x16xf32>,
        %parallel_loop3A_972 = vector.shape_cast %parallel_loop3A_971 : vector<1x1x16xf32> to vector<16xf32>
        %parallel_loop3A_973 = arith.constant 0 : i32
        %parallel_loop3A_974 = arith.index_cast %parallel_loop3A_973 : i32 to index
        %parallel_loop3A_975 = arith.index_cast %parallel_loop3A_806 : i32 to index
        %parallel_loop3A_976 = arith.index_cast %parallel_loop3A_966 : i32 to index
        %parallel_loop3A_977 = tpu.vector_load %arg6[%parallel_loop3A_974, %parallel_loop3A_975, %parallel_loop3A_976] {strides = array<i32>} : memref<2x8x1024xf32, #tpu.memory_space<vmem>>, vector<1x1x16xf32>,
        %parallel_loop3A_978 = vector.shape_cast %parallel_loop3A_977 : vector<1x1x16xf32> to vector<16xf32>
        %parallel_loop3A_979 = arith.addf %parallel_loop3A_972, %parallel_loop3A_978 : vector<16xf32>
        %parallel_loop3A_980 = arith.constant 2 : i32
        %parallel_loop3A_981 = arith.index_cast %parallel_loop3A_980 : i32 to index
        %parallel_loop3A_982 = arith.index_cast %parallel_loop3A_806 : i32 to index
        %parallel_loop3A_983 = arith.index_cast %parallel_loop3A_966 : i32 to index
        %parallel_loop3A_984 = tpu.vector_load %arg5[%parallel_loop3A_981, %parallel_loop3A_982, %parallel_loop3A_983] {strides = array<i32>} : memref<8x8x1024xf32, #tpu.memory_space<vmem>>, vector<1x1x16xf32>,
        %parallel_loop3A_985 = vector.shape_cast %parallel_loop3A_984 : vector<1x1x16xf32> to vector<16xf32>
        %parallel_loop3A_986 = vector.shape_cast %parallel_loop3A_979 : vector<16xf32> to vector<1x1x16xf32>
        tpu.vector_store %arg5[%parallel_loop3A_981, %parallel_loop3A_982, %parallel_loop3A_983], %parallel_loop3A_986 {strides = array<i32>} : memref<8x8x1024xf32, #tpu.memory_space<vmem>>, vector<1x1x16xf32>,
      } {sc.loop_unroll_factor = 4 : i64, sc.parallel_access}
      %add3A_441 = arith.constant 8192 : i32
      %add3A_442 = arith.addi %add3A_441, %mul3A_2 : i32
      %mul3A_443 = arith.constant 8 : i32
      %mul3A_444 = arith.muli %mul3A_278, %mul3A_443 : i32
      %add3A_445 = arith.addi %add3A_442, %mul3A_444 : i32
      %dma_start3A_446 = arith.constant 2 : i32
      %dma_start3A_447 = arith.constant 0 : i32
      %dma_start3A_448 = arith.constant 2 : i32
      %dma_start3A_449 = arith.constant 0 : i32
      %dma_start3A_450 = arith.constant 0 : i32
      %dma_start3A_451 = tpu.memref_slice %arg5[%dma_start3A_446, %dma_start3A_449, %dma_start3A_450] : memref<8x8x1024xf32, #tpu.memory_space<vmem>> -> memref<1x8x1024xf32, #tpu.memory_space<vmem>>
      %dma_start3A_452 = tpu.memref_squeeze %dma_start3A_451 : memref<1x8x1024xf32, #tpu.memory_space<vmem>> -> memref<8x1024xf32, #tpu.memory_space<vmem>>
      %dma_start3A_453 = arith.constant 0 : i32
      %dma_start3A_454 = tpu.memref_slice %arg4[%add3A_445, %dma_start3A_453] : memref<16384x1024xf32, #tpu.memory_space<hbm>> -> memref<8x1024xf32, #tpu.memory_space<hbm>>
      %dma_start3A_455 = tpu.memref_slice %arg9[%dma_start3A_447, %dma_start3A_448] : memref<2x4x!tpu.dma_semaphore, #tpu.memory_space<semaphore_mem>> -> memref<1x1x!tpu.dma_semaphore, #tpu.memory_space<semaphore_mem>>
      %dma_start3A_456 = tpu.memref_squeeze %dma_start3A_455 : memref<1x1x!tpu.dma_semaphore, #tpu.memory_space<semaphore_mem>> -> memref<!tpu.dma_semaphore, #tpu.memory_space<semaphore_mem>>
      %dma_start3A_457 = arith.constant 0 : i32
      %dma_start3A_458 = tpu.memref_slice %arg4[%add3A_445, %dma_start3A_457] : memref<16384x1024xf32, #tpu.memory_space<hbm>> -> memref<8x1024xf32, #tpu.memory_space<hbm>>
      %dma_start3A_459 = arith.constant 0 : i32
      %dma_start3A_460 = arith.constant 0 : i32
      %dma_start3A_461 = tpu.memref_slice %arg5[%dma_start3A_446, %dma_start3A_459, %dma_start3A_460] : memref<8x8x1024xf32, #tpu.memory_space<vmem>> -> memref<1x8x1024xf32, #tpu.memory_space<vmem>>
      %dma_start3A_462 = tpu.memref_squeeze %dma_start3A_461 : memref<1x8x1024xf32, #tpu.memory_space<vmem>> -> memref<8x1024xf32, #tpu.memory_space<vmem>>
      tpu.enqueue_dma source(%dma_start3A_462 : memref<8x1024xf32, #tpu.memory_space<vmem>>) target(%dma_start3A_458 : memref<8x1024xf32, #tpu.memory_space<hbm>>) target_semaphore(%dma_start3A_456 : memref<!tpu.dma_semaphore, #tpu.memory_space<semaphore_mem>>)
      %eq3A_463 = arith.constant 0 : i32
      %eq3A_464 = arith.cmpi eq, %mul3A_278, %eq3A_463 : i32
      %convert_element_type3A_465 = arith.extui %eq3A_464 : i1 to i32
      %cond3A_466 = arith.constant 0 : i32
      %cond3A_467 = arith.cmpi ne, %convert_element_type3A_465, %cond3A_466 : i32
      scf.if %cond3A_467 {
        %add3A_804 = arith.constant 8192 : i32
        %add3A_805 = arith.addi %add3A_804, %mul3A_2 : i32
        %add3A_806 = arith.constant 8 : i32
        %add3A_807 = arith.addi %add3A_805, %add3A_806 : i32
        %dma_start3A_808 = arith.constant 6 : i32
        %dma_start3A_809 = arith.constant 1 : i32
        %dma_start3A_810 = arith.constant 2 : i32
        %dma_start3A_811 = arith.constant 0 : i32
        %dma_start3A_812 = arith.constant 0 : i32
        %dma_start3A_813 = tpu.memref_slice %arg5[%dma_start3A_808, %dma_start3A_811, %dma_start3A_812] : memref<8x8x1024xf32, #tpu.memory_space<vmem>> -> memref<1x8x1024xf32, #tpu.memory_space<vmem>>
        %dma_start3A_814 = tpu.memref_squeeze %dma_start3A_813 : memref<1x8x1024xf32, #tpu.memory_space<vmem>> -> memref<8x1024xf32, #tpu.memory_space<vmem>>
        %dma_start3A_815 = arith.constant 0 : i32
        %dma_start3A_816 = tpu.memref_slice %arg2[%add3A_807, %dma_start3A_815] : memref<16384x1024xf32, #tpu.memory_space<hbm>> -> memref<8x1024xf32, #tpu.memory_space<hbm>>
        %dma_start3A_817 = tpu.memref_slice %arg7[%dma_start3A_809, %dma_start3A_810] : memref<2x4x!tpu.dma_semaphore, #tpu.memory_space<semaphore_mem>> -> memref<1x1x!tpu.dma_semaphore, #tpu.memory_space<semaphore_mem>>
        %dma_start3A_818 = tpu.memref_squeeze %dma_start3A_817 : memref<1x1x!tpu.dma_semaphore, #tpu.memory_space<semaphore_mem>> -> memref<!tpu.dma_semaphore, #tpu.memory_space<semaphore_mem>>
        %dma_start3A_819 = arith.constant 0 : i32
        %dma_start3A_820 = arith.constant 0 : i32
        %dma_start3A_821 = tpu.memref_slice %arg5[%dma_start3A_808, %dma_start3A_819, %dma_start3A_820] : memref<8x8x1024xf32, #tpu.memory_space<vmem>> -> memref<1x8x1024xf32, #tpu.memory_space<vmem>>
        %dma_start3A_822 = tpu.memref_squeeze %dma_start3A_821 : memref<1x8x1024xf32, #tpu.memory_space<vmem>> -> memref<8x1024xf32, #tpu.memory_space<vmem>>
        %dma_start3A_823 = arith.constant 0 : i32
        %dma_start3A_824 = tpu.memref_slice %arg2[%add3A_807, %dma_start3A_823] : memref<16384x1024xf32, #tpu.memory_space<hbm>> -> memref<8x1024xf32, #tpu.memory_space<hbm>>
        tpu.enqueue_dma source(%dma_start3A_824 : memref<8x1024xf32, #tpu.memory_space<hbm>>) target(%dma_start3A_822 : memref<8x1024xf32, #tpu.memory_space<vmem>>) target_semaphore(%dma_start3A_818 : memref<!tpu.dma_semaphore, #tpu.memory_space<semaphore_mem>>)
      } else {
      }
      %ge3A_468 = arith.constant 1 : i32
      %ge3A_469 = arith.cmpi sge, %mul3A_278, %ge3A_468 : i32
      %lt3A_470 = arith.constant 15 : i32
      %lt3A_471 = arith.cmpi slt, %mul3A_278, %lt3A_470 : i32
      %and3A_472 = arith.andi %ge3A_469, %lt3A_471 : i1
      %convert_element_type3A_473 = arith.extui %and3A_472 : i1 to i32
      %cond3A_474 = arith.constant 0 : i32
      %cond3A_475 = arith.cmpi ne, %convert_element_type3A_473, %cond3A_474 : i32
      scf.if %cond3A_475 {
        %sub3A = arith.constant 1 : i32
        %sub3A_804 = arith.subi %mul3A_278, %sub3A : i32
        %add3A_805 = arith.constant 8192 : i32
        %add3A_806 = arith.addi %add3A_805, %mul3A_2 : i32
        %mul3A_807 = arith.constant 8 : i32
        %mul3A_808 = arith.muli %sub3A_804, %mul3A_807 : i32
        %add3A_809 = arith.addi %add3A_806, %mul3A_808 : i32
        %dma_wait3A_810 = arith.constant 6 : i32
        %dma_wait3A_811 = arith.constant 1 : i32
        %dma_wait3A_812 = arith.constant 2 : i32
        %dma_wait3A_813 = arith.constant 0 : i32
        %dma_wait3A_814 = arith.constant 0 : i32
        %dma_wait3A_815 = tpu.memref_slice %arg5[%dma_wait3A_810, %dma_wait3A_813, %dma_wait3A_814] : memref<8x8x1024xf32, #tpu.memory_space<vmem>> -> memref<1x8x1024xf32, #tpu.memory_space<vmem>>
        %dma_wait3A_816 = tpu.memref_squeeze %dma_wait3A_815 : memref<1x8x1024xf32, #tpu.memory_space<vmem>> -> memref<8x1024xf32, #tpu.memory_space<vmem>>
        %dma_wait3A_817 = arith.constant 0 : i32
        %dma_wait3A_818 = tpu.memref_slice %arg4[%add3A_809, %dma_wait3A_817] : memref<16384x1024xf32, #tpu.memory_space<hbm>> -> memref<8x1024xf32, #tpu.memory_space<hbm>>
        %dma_wait3A_819 = tpu.memref_slice %arg9[%dma_wait3A_811, %dma_wait3A_812] : memref<2x4x!tpu.dma_semaphore, #tpu.memory_space<semaphore_mem>> -> memref<1x1x!tpu.dma_semaphore, #tpu.memory_space<semaphore_mem>>
        %dma_wait3A_820 = tpu.memref_squeeze %dma_wait3A_819 : memref<1x1x!tpu.dma_semaphore, #tpu.memory_space<semaphore_mem>> -> memref<!tpu.dma_semaphore, #tpu.memory_space<semaphore_mem>>
        %dma_wait3A_821 = arith.constant 0 : i32
        %dma_wait3A_822 = tpu.memref_slice %arg4[%add3A_809, %dma_wait3A_821] : memref<16384x1024xf32, #tpu.memory_space<hbm>> -> memref<8x1024xf32, #tpu.memory_space<hbm>>
        %dma_wait3A_823 = arith.constant 0 : i32
        %dma_wait3A_824 = arith.constant 0 : i32
        %dma_wait3A_825 = tpu.memref_slice %arg5[%dma_wait3A_810, %dma_wait3A_823, %dma_wait3A_824] : memref<8x8x1024xf32, #tpu.memory_space<vmem>> -> memref<1x8x1024xf32, #tpu.memory_space<vmem>>
        %dma_wait3A_826 = tpu.memref_squeeze %dma_wait3A_825 : memref<1x8x1024xf32, #tpu.memory_space<vmem>> -> memref<8x1024xf32, #tpu.memory_space<vmem>>
        tpu.wait_dma2 semaphore(%dma_wait3A_820 : memref<!tpu.dma_semaphore, #tpu.memory_space<semaphore_mem>>) src(%dma_wait3A_826 : memref<8x1024xf32, #tpu.memory_space<vmem>>) dst(%dma_wait3A_822 : memref<8x1024xf32, #tpu.memory_space<hbm>>)
        %add3A_827 = arith.constant 1 : i32
        %add3A_828 = arith.addi %mul3A_278, %add3A_827 : i32
        %add3A_829 = arith.constant 8192 : i32
        %add3A_830 = arith.addi %add3A_829, %mul3A_2 : i32
        %mul3A_831 = arith.constant 8 : i32
        %mul3A_832 = arith.muli %add3A_828, %mul3A_831 : i32
        %add3A_833 = arith.addi %add3A_830, %mul3A_832 : i32
        %dma_start3A_834 = arith.constant 6 : i32
        %dma_start3A_835 = arith.constant 1 : i32
        %dma_start3A_836 = arith.constant 2 : i32
        %dma_start3A_837 = arith.constant 0 : i32
        %dma_start3A_838 = arith.constant 0 : i32
        %dma_start3A_839 = tpu.memref_slice %arg5[%dma_start3A_834, %dma_start3A_837, %dma_start3A_838] : memref<8x8x1024xf32, #tpu.memory_space<vmem>> -> memref<1x8x1024xf32, #tpu.memory_space<vmem>>
        %dma_start3A_840 = tpu.memref_squeeze %dma_start3A_839 : memref<1x8x1024xf32, #tpu.memory_space<vmem>> -> memref<8x1024xf32, #tpu.memory_space<vmem>>
        %dma_start3A_841 = arith.constant 0 : i32
        %dma_start3A_842 = tpu.memref_slice %arg2[%add3A_833, %dma_start3A_841] : memref<16384x1024xf32, #tpu.memory_space<hbm>> -> memref<8x1024xf32, #tpu.memory_space<hbm>>
        %dma_start3A_843 = tpu.memref_slice %arg7[%dma_start3A_835, %dma_start3A_836] : memref<2x4x!tpu.dma_semaphore, #tpu.memory_space<semaphore_mem>> -> memref<1x1x!tpu.dma_semaphore, #tpu.memory_space<semaphore_mem>>
        %dma_start3A_844 = tpu.memref_squeeze %dma_start3A_843 : memref<1x1x!tpu.dma_semaphore, #tpu.memory_space<semaphore_mem>> -> memref<!tpu.dma_semaphore, #tpu.memory_space<semaphore_mem>>
        %dma_start3A_845 = arith.constant 0 : i32
        %dma_start3A_846 = arith.constant 0 : i32
        %dma_start3A_847 = tpu.memref_slice %arg5[%dma_start3A_834, %dma_start3A_845, %dma_start3A_846] : memref<8x8x1024xf32, #tpu.memory_space<vmem>> -> memref<1x8x1024xf32, #tpu.memory_space<vmem>>
        %dma_start3A_848 = tpu.memref_squeeze %dma_start3A_847 : memref<1x8x1024xf32, #tpu.memory_space<vmem>> -> memref<8x1024xf32, #tpu.memory_space<vmem>>
        %dma_start3A_849 = arith.constant 0 : i32
        %dma_start3A_850 = tpu.memref_slice %arg2[%add3A_833, %dma_start3A_849] : memref<16384x1024xf32, #tpu.memory_space<hbm>> -> memref<8x1024xf32, #tpu.memory_space<hbm>>
        tpu.enqueue_dma source(%dma_start3A_850 : memref<8x1024xf32, #tpu.memory_space<hbm>>) target(%dma_start3A_848 : memref<8x1024xf32, #tpu.memory_space<vmem>>) target_semaphore(%dma_start3A_844 : memref<!tpu.dma_semaphore, #tpu.memory_space<semaphore_mem>>)
      } else {
      }
      %add3A_476 = arith.constant 12288 : i32
      %add3A_477 = arith.addi %add3A_476, %mul3A_2 : i32
      %mul3A_478 = arith.constant 8 : i32
      %mul3A_479 = arith.muli %mul3A_278, %mul3A_478 : i32
      %add3A_480 = arith.addi %add3A_477, %mul3A_479 : i32
      %dma_wait3A_481 = arith.constant 3 : i32
      %dma_wait3A_482 = arith.constant 0 : i32
      %dma_wait3A_483 = arith.constant 3 : i32
      %dma_wait3A_484 = arith.constant 0 : i32
      %dma_wait3A_485 = arith.constant 0 : i32
      %dma_wait3A_486 = tpu.memref_slice %arg5[%dma_wait3A_481, %dma_wait3A_484, %dma_wait3A_485] : memref<8x8x1024xf32, #tpu.memory_space<vmem>> -> memref<1x8x1024xf32, #tpu.memory_space<vmem>>
      %dma_wait3A_487 = tpu.memref_squeeze %dma_wait3A_486 : memref<1x8x1024xf32, #tpu.memory_space<vmem>> -> memref<8x1024xf32, #tpu.memory_space<vmem>>
      %dma_wait3A_488 = arith.constant 0 : i32
      %dma_wait3A_489 = tpu.memref_slice %arg2[%add3A_480, %dma_wait3A_488] : memref<16384x1024xf32, #tpu.memory_space<hbm>> -> memref<8x1024xf32, #tpu.memory_space<hbm>>
      %dma_wait3A_490 = tpu.memref_slice %arg7[%dma_wait3A_482, %dma_wait3A_483] : memref<2x4x!tpu.dma_semaphore, #tpu.memory_space<semaphore_mem>> -> memref<1x1x!tpu.dma_semaphore, #tpu.memory_space<semaphore_mem>>
      %dma_wait3A_491 = tpu.memref_squeeze %dma_wait3A_490 : memref<1x1x!tpu.dma_semaphore, #tpu.memory_space<semaphore_mem>> -> memref<!tpu.dma_semaphore, #tpu.memory_space<semaphore_mem>>
      %dma_wait3A_492 = arith.constant 0 : i32
      %dma_wait3A_493 = arith.constant 0 : i32
      %dma_wait3A_494 = tpu.memref_slice %arg5[%dma_wait3A_481, %dma_wait3A_492, %dma_wait3A_493] : memref<8x8x1024xf32, #tpu.memory_space<vmem>> -> memref<1x8x1024xf32, #tpu.memory_space<vmem>>
      %dma_wait3A_495 = tpu.memref_squeeze %dma_wait3A_494 : memref<1x8x1024xf32, #tpu.memory_space<vmem>> -> memref<8x1024xf32, #tpu.memory_space<vmem>>
      %dma_wait3A_496 = arith.constant 0 : i32
      %dma_wait3A_497 = tpu.memref_slice %arg2[%add3A_480, %dma_wait3A_496] : memref<16384x1024xf32, #tpu.memory_space<hbm>> -> memref<8x1024xf32, #tpu.memory_space<hbm>>
      tpu.wait_dma2 semaphore(%dma_wait3A_491 : memref<!tpu.dma_semaphore, #tpu.memory_space<semaphore_mem>>) src(%dma_wait3A_497 : memref<8x1024xf32, #tpu.memory_space<hbm>>) dst(%dma_wait3A_495 : memref<8x1024xf32, #tpu.memory_space<vmem>>)
      %parallel_loop3A_498 = arith.constant 0 : i32
      %parallel_loop3A_499 = arith.constant 64 : i32
      %parallel_loop3A_500 = arith.constant 1 : i32
      scf.for %parallel_loop3A_804 = %parallel_loop3A_498 to %parallel_loop3A_499 step %parallel_loop3A_500  : i32 {
        %parallel_loop3A_805 = arith.constant 3 : i32
        %parallel_loop3A_806 = arith.shrui %parallel_loop3A_804, %parallel_loop3A_805 : i32
        %parallel_loop3A_807 = arith.constant 7 : i32
        %parallel_loop3A_808 = arith.andi %parallel_loop3A_804, %parallel_loop3A_807 : i32
        %parallel_loop3A_809 = arith.constant 128 : i32
        %parallel_loop3A_810 = arith.muli %parallel_loop3A_808, %parallel_loop3A_809 : i32
        %parallel_loop3A_811 = arith.constant 0 : i32
        %parallel_loop3A_812 = arith.addi %parallel_loop3A_810, %parallel_loop3A_811 : i32
        %parallel_loop3A_813 = arith.constant 3 : i32
        %parallel_loop3A_814 = arith.index_cast %parallel_loop3A_813 : i32 to index
        %parallel_loop3A_815 = arith.index_cast %parallel_loop3A_806 : i32 to index
        %parallel_loop3A_816 = arith.index_cast %parallel_loop3A_812 : i32 to index
        %parallel_loop3A_817 = tpu.vector_load %arg5[%parallel_loop3A_814, %parallel_loop3A_815, %parallel_loop3A_816] {strides = array<i32>} : memref<8x8x1024xf32, #tpu.memory_space<vmem>>, vector<1x1x16xf32>,
        %parallel_loop3A_818 = vector.shape_cast %parallel_loop3A_817 : vector<1x1x16xf32> to vector<16xf32>
        %parallel_loop3A_819 = arith.constant 0 : i32
        %parallel_loop3A_820 = arith.index_cast %parallel_loop3A_819 : i32 to index
        %parallel_loop3A_821 = arith.index_cast %parallel_loop3A_806 : i32 to index
        %parallel_loop3A_822 = arith.index_cast %parallel_loop3A_812 : i32 to index
        %parallel_loop3A_823 = tpu.vector_load %arg6[%parallel_loop3A_820, %parallel_loop3A_821, %parallel_loop3A_822] {strides = array<i32>} : memref<2x8x1024xf32, #tpu.memory_space<vmem>>, vector<1x1x16xf32>,
        %parallel_loop3A_824 = vector.shape_cast %parallel_loop3A_823 : vector<1x1x16xf32> to vector<16xf32>
        %parallel_loop3A_825 = arith.addf %parallel_loop3A_818, %parallel_loop3A_824 : vector<16xf32>
        %parallel_loop3A_826 = arith.constant 3 : i32
        %parallel_loop3A_827 = arith.index_cast %parallel_loop3A_826 : i32 to index
        %parallel_loop3A_828 = arith.index_cast %parallel_loop3A_806 : i32 to index
        %parallel_loop3A_829 = arith.index_cast %parallel_loop3A_812 : i32 to index
        %parallel_loop3A_830 = tpu.vector_load %arg5[%parallel_loop3A_827, %parallel_loop3A_828, %parallel_loop3A_829] {strides = array<i32>} : memref<8x8x1024xf32, #tpu.memory_space<vmem>>, vector<1x1x16xf32>,
        %parallel_loop3A_831 = vector.shape_cast %parallel_loop3A_830 : vector<1x1x16xf32> to vector<16xf32>
        %parallel_loop3A_832 = vector.shape_cast %parallel_loop3A_825 : vector<16xf32> to vector<1x1x16xf32>
        tpu.vector_store %arg5[%parallel_loop3A_827, %parallel_loop3A_828, %parallel_loop3A_829], %parallel_loop3A_832 {strides = array<i32>} : memref<8x8x1024xf32, #tpu.memory_space<vmem>>, vector<1x1x16xf32>,
        %parallel_loop3A_833 = arith.constant 16 : i32
        %parallel_loop3A_834 = arith.addi %parallel_loop3A_810, %parallel_loop3A_833 : i32
        %parallel_loop3A_835 = arith.constant 3 : i32
        %parallel_loop3A_836 = arith.index_cast %parallel_loop3A_835 : i32 to index
        %parallel_loop3A_837 = arith.index_cast %parallel_loop3A_806 : i32 to index
        %parallel_loop3A_838 = arith.index_cast %parallel_loop3A_834 : i32 to index
        %parallel_loop3A_839 = tpu.vector_load %arg5[%parallel_loop3A_836, %parallel_loop3A_837, %parallel_loop3A_838] {strides = array<i32>} : memref<8x8x1024xf32, #tpu.memory_space<vmem>>, vector<1x1x16xf32>,
        %parallel_loop3A_840 = vector.shape_cast %parallel_loop3A_839 : vector<1x1x16xf32> to vector<16xf32>
        %parallel_loop3A_841 = arith.constant 0 : i32
        %parallel_loop3A_842 = arith.index_cast %parallel_loop3A_841 : i32 to index
        %parallel_loop3A_843 = arith.index_cast %parallel_loop3A_806 : i32 to index
        %parallel_loop3A_844 = arith.index_cast %parallel_loop3A_834 : i32 to index
        %parallel_loop3A_845 = tpu.vector_load %arg6[%parallel_loop3A_842, %parallel_loop3A_843, %parallel_loop3A_844] {strides = array<i32>} : memref<2x8x1024xf32, #tpu.memory_space<vmem>>, vector<1x1x16xf32>,
        %parallel_loop3A_846 = vector.shape_cast %parallel_loop3A_845 : vector<1x1x16xf32> to vector<16xf32>
        %parallel_loop3A_847 = arith.addf %parallel_loop3A_840, %parallel_loop3A_846 : vector<16xf32>
        %parallel_loop3A_848 = arith.constant 3 : i32
        %parallel_loop3A_849 = arith.index_cast %parallel_loop3A_848 : i32 to index
        %parallel_loop3A_850 = arith.index_cast %parallel_loop3A_806 : i32 to index
        %parallel_loop3A_851 = arith.index_cast %parallel_loop3A_834 : i32 to index
        %parallel_loop3A_852 = tpu.vector_load %arg5[%parallel_loop3A_849, %parallel_loop3A_850, %parallel_loop3A_851] {strides = array<i32>} : memref<8x8x1024xf32, #tpu.memory_space<vmem>>, vector<1x1x16xf32>,
        %parallel_loop3A_853 = vector.shape_cast %parallel_loop3A_852 : vector<1x1x16xf32> to vector<16xf32>
        %parallel_loop3A_854 = vector.shape_cast %parallel_loop3A_847 : vector<16xf32> to vector<1x1x16xf32>
        tpu.vector_store %arg5[%parallel_loop3A_849, %parallel_loop3A_850, %parallel_loop3A_851], %parallel_loop3A_854 {strides = array<i32>} : memref<8x8x1024xf32, #tpu.memory_space<vmem>>, vector<1x1x16xf32>,
        %parallel_loop3A_855 = arith.constant 32 : i32
        %parallel_loop3A_856 = arith.addi %parallel_loop3A_810, %parallel_loop3A_855 : i32
        %parallel_loop3A_857 = arith.constant 3 : i32
        %parallel_loop3A_858 = arith.index_cast %parallel_loop3A_857 : i32 to index
        %parallel_loop3A_859 = arith.index_cast %parallel_loop3A_806 : i32 to index
        %parallel_loop3A_860 = arith.index_cast %parallel_loop3A_856 : i32 to index
        %parallel_loop3A_861 = tpu.vector_load %arg5[%parallel_loop3A_858, %parallel_loop3A_859, %parallel_loop3A_860] {strides = array<i32>} : memref<8x8x1024xf32, #tpu.memory_space<vmem>>, vector<1x1x16xf32>,
        %parallel_loop3A_862 = vector.shape_cast %parallel_loop3A_861 : vector<1x1x16xf32> to vector<16xf32>
        %parallel_loop3A_863 = arith.constant 0 : i32
        %parallel_loop3A_864 = arith.index_cast %parallel_loop3A_863 : i32 to index
        %parallel_loop3A_865 = arith.index_cast %parallel_loop3A_806 : i32 to index
        %parallel_loop3A_866 = arith.index_cast %parallel_loop3A_856 : i32 to index
        %parallel_loop3A_867 = tpu.vector_load %arg6[%parallel_loop3A_864, %parallel_loop3A_865, %parallel_loop3A_866] {strides = array<i32>} : memref<2x8x1024xf32, #tpu.memory_space<vmem>>, vector<1x1x16xf32>,
        %parallel_loop3A_868 = vector.shape_cast %parallel_loop3A_867 : vector<1x1x16xf32> to vector<16xf32>
        %parallel_loop3A_869 = arith.addf %parallel_loop3A_862, %parallel_loop3A_868 : vector<16xf32>
        %parallel_loop3A_870 = arith.constant 3 : i32
        %parallel_loop3A_871 = arith.index_cast %parallel_loop3A_870 : i32 to index
        %parallel_loop3A_872 = arith.index_cast %parallel_loop3A_806 : i32 to index
        %parallel_loop3A_873 = arith.index_cast %parallel_loop3A_856 : i32 to index
        %parallel_loop3A_874 = tpu.vector_load %arg5[%parallel_loop3A_871, %parallel_loop3A_872, %parallel_loop3A_873] {strides = array<i32>} : memref<8x8x1024xf32, #tpu.memory_space<vmem>>, vector<1x1x16xf32>,
        %parallel_loop3A_875 = vector.shape_cast %parallel_loop3A_874 : vector<1x1x16xf32> to vector<16xf32>
        %parallel_loop3A_876 = vector.shape_cast %parallel_loop3A_869 : vector<16xf32> to vector<1x1x16xf32>
        tpu.vector_store %arg5[%parallel_loop3A_871, %parallel_loop3A_872, %parallel_loop3A_873], %parallel_loop3A_876 {strides = array<i32>} : memref<8x8x1024xf32, #tpu.memory_space<vmem>>, vector<1x1x16xf32>,
        %parallel_loop3A_877 = arith.constant 48 : i32
        %parallel_loop3A_878 = arith.addi %parallel_loop3A_810, %parallel_loop3A_877 : i32
        %parallel_loop3A_879 = arith.constant 3 : i32
        %parallel_loop3A_880 = arith.index_cast %parallel_loop3A_879 : i32 to index
        %parallel_loop3A_881 = arith.index_cast %parallel_loop3A_806 : i32 to index
        %parallel_loop3A_882 = arith.index_cast %parallel_loop3A_878 : i32 to index
        %parallel_loop3A_883 = tpu.vector_load %arg5[%parallel_loop3A_880, %parallel_loop3A_881, %parallel_loop3A_882] {strides = array<i32>} : memref<8x8x1024xf32, #tpu.memory_space<vmem>>, vector<1x1x16xf32>,
        %parallel_loop3A_884 = vector.shape_cast %parallel_loop3A_883 : vector<1x1x16xf32> to vector<16xf32>
        %parallel_loop3A_885 = arith.constant 0 : i32
        %parallel_loop3A_886 = arith.index_cast %parallel_loop3A_885 : i32 to index
        %parallel_loop3A_887 = arith.index_cast %parallel_loop3A_806 : i32 to index
        %parallel_loop3A_888 = arith.index_cast %parallel_loop3A_878 : i32 to index
        %parallel_loop3A_889 = tpu.vector_load %arg6[%parallel_loop3A_886, %parallel_loop3A_887, %parallel_loop3A_888] {strides = array<i32>} : memref<2x8x1024xf32, #tpu.memory_space<vmem>>, vector<1x1x16xf32>,
        %parallel_loop3A_890 = vector.shape_cast %parallel_loop3A_889 : vector<1x1x16xf32> to vector<16xf32>
        %parallel_loop3A_891 = arith.addf %parallel_loop3A_884, %parallel_loop3A_890 : vector<16xf32>
        %parallel_loop3A_892 = arith.constant 3 : i32
        %parallel_loop3A_893 = arith.index_cast %parallel_loop3A_892 : i32 to index
        %parallel_loop3A_894 = arith.index_cast %parallel_loop3A_806 : i32 to index
        %parallel_loop3A_895 = arith.index_cast %parallel_loop3A_878 : i32 to index
        %parallel_loop3A_896 = tpu.vector_load %arg5[%parallel_loop3A_893, %parallel_loop3A_894, %parallel_loop3A_895] {strides = array<i32>} : memref<8x8x1024xf32, #tpu.memory_space<vmem>>, vector<1x1x16xf32>,
        %parallel_loop3A_897 = vector.shape_cast %parallel_loop3A_896 : vector<1x1x16xf32> to vector<16xf32>
        %parallel_loop3A_898 = vector.shape_cast %parallel_loop3A_891 : vector<16xf32> to vector<1x1x16xf32>
        tpu.vector_store %arg5[%parallel_loop3A_893, %parallel_loop3A_894, %parallel_loop3A_895], %parallel_loop3A_898 {strides = array<i32>} : memref<8x8x1024xf32, #tpu.memory_space<vmem>>, vector<1x1x16xf32>,
        %parallel_loop3A_899 = arith.constant 64 : i32
        %parallel_loop3A_900 = arith.addi %parallel_loop3A_810, %parallel_loop3A_899 : i32
        %parallel_loop3A_901 = arith.constant 3 : i32
        %parallel_loop3A_902 = arith.index_cast %parallel_loop3A_901 : i32 to index
        %parallel_loop3A_903 = arith.index_cast %parallel_loop3A_806 : i32 to index
        %parallel_loop3A_904 = arith.index_cast %parallel_loop3A_900 : i32 to index
        %parallel_loop3A_905 = tpu.vector_load %arg5[%parallel_loop3A_902, %parallel_loop3A_903, %parallel_loop3A_904] {strides = array<i32>} : memref<8x8x1024xf32, #tpu.memory_space<vmem>>, vector<1x1x16xf32>,
        %parallel_loop3A_906 = vector.shape_cast %parallel_loop3A_905 : vector<1x1x16xf32> to vector<16xf32>
        %parallel_loop3A_907 = arith.constant 0 : i32
        %parallel_loop3A_908 = arith.index_cast %parallel_loop3A_907 : i32 to index
        %parallel_loop3A_909 = arith.index_cast %parallel_loop3A_806 : i32 to index
        %parallel_loop3A_910 = arith.index_cast %parallel_loop3A_900 : i32 to index
        %parallel_loop3A_911 = tpu.vector_load %arg6[%parallel_loop3A_908, %parallel_loop3A_909, %parallel_loop3A_910] {strides = array<i32>} : memref<2x8x1024xf32, #tpu.memory_space<vmem>>, vector<1x1x16xf32>,
        %parallel_loop3A_912 = vector.shape_cast %parallel_loop3A_911 : vector<1x1x16xf32> to vector<16xf32>
        %parallel_loop3A_913 = arith.addf %parallel_loop3A_906, %parallel_loop3A_912 : vector<16xf32>
        %parallel_loop3A_914 = arith.constant 3 : i32
        %parallel_loop3A_915 = arith.index_cast %parallel_loop3A_914 : i32 to index
        %parallel_loop3A_916 = arith.index_cast %parallel_loop3A_806 : i32 to index
        %parallel_loop3A_917 = arith.index_cast %parallel_loop3A_900 : i32 to index
        %parallel_loop3A_918 = tpu.vector_load %arg5[%parallel_loop3A_915, %parallel_loop3A_916, %parallel_loop3A_917] {strides = array<i32>} : memref<8x8x1024xf32, #tpu.memory_space<vmem>>, vector<1x1x16xf32>,
        %parallel_loop3A_919 = vector.shape_cast %parallel_loop3A_918 : vector<1x1x16xf32> to vector<16xf32>
        %parallel_loop3A_920 = vector.shape_cast %parallel_loop3A_913 : vector<16xf32> to vector<1x1x16xf32>
        tpu.vector_store %arg5[%parallel_loop3A_915, %parallel_loop3A_916, %parallel_loop3A_917], %parallel_loop3A_920 {strides = array<i32>} : memref<8x8x1024xf32, #tpu.memory_space<vmem>>, vector<1x1x16xf32>,
        %parallel_loop3A_921 = arith.constant 80 : i32
        %parallel_loop3A_922 = arith.addi %parallel_loop3A_810, %parallel_loop3A_921 : i32
        %parallel_loop3A_923 = arith.constant 3 : i32
        %parallel_loop3A_924 = arith.index_cast %parallel_loop3A_923 : i32 to index
        %parallel_loop3A_925 = arith.index_cast %parallel_loop3A_806 : i32 to index
        %parallel_loop3A_926 = arith.index_cast %parallel_loop3A_922 : i32 to index
        %parallel_loop3A_927 = tpu.vector_load %arg5[%parallel_loop3A_924, %parallel_loop3A_925, %parallel_loop3A_926] {strides = array<i32>} : memref<8x8x1024xf32, #tpu.memory_space<vmem>>, vector<1x1x16xf32>,
        %parallel_loop3A_928 = vector.shape_cast %parallel_loop3A_927 : vector<1x1x16xf32> to vector<16xf32>
        %parallel_loop3A_929 = arith.constant 0 : i32
        %parallel_loop3A_930 = arith.index_cast %parallel_loop3A_929 : i32 to index
        %parallel_loop3A_931 = arith.index_cast %parallel_loop3A_806 : i32 to index
        %parallel_loop3A_932 = arith.index_cast %parallel_loop3A_922 : i32 to index
        %parallel_loop3A_933 = tpu.vector_load %arg6[%parallel_loop3A_930, %parallel_loop3A_931, %parallel_loop3A_932] {strides = array<i32>} : memref<2x8x1024xf32, #tpu.memory_space<vmem>>, vector<1x1x16xf32>,
        %parallel_loop3A_934 = vector.shape_cast %parallel_loop3A_933 : vector<1x1x16xf32> to vector<16xf32>
        %parallel_loop3A_935 = arith.addf %parallel_loop3A_928, %parallel_loop3A_934 : vector<16xf32>
        %parallel_loop3A_936 = arith.constant 3 : i32
        %parallel_loop3A_937 = arith.index_cast %parallel_loop3A_936 : i32 to index
        %parallel_loop3A_938 = arith.index_cast %parallel_loop3A_806 : i32 to index
        %parallel_loop3A_939 = arith.index_cast %parallel_loop3A_922 : i32 to index
        %parallel_loop3A_940 = tpu.vector_load %arg5[%parallel_loop3A_937, %parallel_loop3A_938, %parallel_loop3A_939] {strides = array<i32>} : memref<8x8x1024xf32, #tpu.memory_space<vmem>>, vector<1x1x16xf32>,
        %parallel_loop3A_941 = vector.shape_cast %parallel_loop3A_940 : vector<1x1x16xf32> to vector<16xf32>
        %parallel_loop3A_942 = vector.shape_cast %parallel_loop3A_935 : vector<16xf32> to vector<1x1x16xf32>
        tpu.vector_store %arg5[%parallel_loop3A_937, %parallel_loop3A_938, %parallel_loop3A_939], %parallel_loop3A_942 {strides = array<i32>} : memref<8x8x1024xf32, #tpu.memory_space<vmem>>, vector<1x1x16xf32>,
        %parallel_loop3A_943 = arith.constant 96 : i32
        %parallel_loop3A_944 = arith.addi %parallel_loop3A_810, %parallel_loop3A_943 : i32
        %parallel_loop3A_945 = arith.constant 3 : i32
        %parallel_loop3A_946 = arith.index_cast %parallel_loop3A_945 : i32 to index
        %parallel_loop3A_947 = arith.index_cast %parallel_loop3A_806 : i32 to index
        %parallel_loop3A_948 = arith.index_cast %parallel_loop3A_944 : i32 to index
        %parallel_loop3A_949 = tpu.vector_load %arg5[%parallel_loop3A_946, %parallel_loop3A_947, %parallel_loop3A_948] {strides = array<i32>} : memref<8x8x1024xf32, #tpu.memory_space<vmem>>, vector<1x1x16xf32>,
        %parallel_loop3A_950 = vector.shape_cast %parallel_loop3A_949 : vector<1x1x16xf32> to vector<16xf32>
        %parallel_loop3A_951 = arith.constant 0 : i32
        %parallel_loop3A_952 = arith.index_cast %parallel_loop3A_951 : i32 to index
        %parallel_loop3A_953 = arith.index_cast %parallel_loop3A_806 : i32 to index
        %parallel_loop3A_954 = arith.index_cast %parallel_loop3A_944 : i32 to index
        %parallel_loop3A_955 = tpu.vector_load %arg6[%parallel_loop3A_952, %parallel_loop3A_953, %parallel_loop3A_954] {strides = array<i32>} : memref<2x8x1024xf32, #tpu.memory_space<vmem>>, vector<1x1x16xf32>,
        %parallel_loop3A_956 = vector.shape_cast %parallel_loop3A_955 : vector<1x1x16xf32> to vector<16xf32>
        %parallel_loop3A_957 = arith.addf %parallel_loop3A_950, %parallel_loop3A_956 : vector<16xf32>
        %parallel_loop3A_958 = arith.constant 3 : i32
        %parallel_loop3A_959 = arith.index_cast %parallel_loop3A_958 : i32 to index
        %parallel_loop3A_960 = arith.index_cast %parallel_loop3A_806 : i32 to index
        %parallel_loop3A_961 = arith.index_cast %parallel_loop3A_944 : i32 to index
        %parallel_loop3A_962 = tpu.vector_load %arg5[%parallel_loop3A_959, %parallel_loop3A_960, %parallel_loop3A_961] {strides = array<i32>} : memref<8x8x1024xf32, #tpu.memory_space<vmem>>, vector<1x1x16xf32>,
        %parallel_loop3A_963 = vector.shape_cast %parallel_loop3A_962 : vector<1x1x16xf32> to vector<16xf32>
        %parallel_loop3A_964 = vector.shape_cast %parallel_loop3A_957 : vector<16xf32> to vector<1x1x16xf32>
        tpu.vector_store %arg5[%parallel_loop3A_959, %parallel_loop3A_960, %parallel_loop3A_961], %parallel_loop3A_964 {strides = array<i32>} : memref<8x8x1024xf32, #tpu.memory_space<vmem>>, vector<1x1x16xf32>,
        %parallel_loop3A_965 = arith.constant 112 : i32
        %parallel_loop3A_966 = arith.addi %parallel_loop3A_810, %parallel_loop3A_965 : i32
        %parallel_loop3A_967 = arith.constant 3 : i32
        %parallel_loop3A_968 = arith.index_cast %parallel_loop3A_967 : i32 to index
        %parallel_loop3A_969 = arith.index_cast %parallel_loop3A_806 : i32 to index
        %parallel_loop3A_970 = arith.index_cast %parallel_loop3A_966 : i32 to index
        %parallel_loop3A_971 = tpu.vector_load %arg5[%parallel_loop3A_968, %parallel_loop3A_969, %parallel_loop3A_970] {strides = array<i32>} : memref<8x8x1024xf32, #tpu.memory_space<vmem>>, vector<1x1x16xf32>,
        %parallel_loop3A_972 = vector.shape_cast %parallel_loop3A_971 : vector<1x1x16xf32> to vector<16xf32>
        %parallel_loop3A_973 = arith.constant 0 : i32
        %parallel_loop3A_974 = arith.index_cast %parallel_loop3A_973 : i32 to index
        %parallel_loop3A_975 = arith.index_cast %parallel_loop3A_806 : i32 to index
        %parallel_loop3A_976 = arith.index_cast %parallel_loop3A_966 : i32 to index
        %parallel_loop3A_977 = tpu.vector_load %arg6[%parallel_loop3A_974, %parallel_loop3A_975, %parallel_loop3A_976] {strides = array<i32>} : memref<2x8x1024xf32, #tpu.memory_space<vmem>>, vector<1x1x16xf32>,
        %parallel_loop3A_978 = vector.shape_cast %parallel_loop3A_977 : vector<1x1x16xf32> to vector<16xf32>
        %parallel_loop3A_979 = arith.addf %parallel_loop3A_972, %parallel_loop3A_978 : vector<16xf32>
        %parallel_loop3A_980 = arith.constant 3 : i32
        %parallel_loop3A_981 = arith.index_cast %parallel_loop3A_980 : i32 to index
        %parallel_loop3A_982 = arith.index_cast %parallel_loop3A_806 : i32 to index
        %parallel_loop3A_983 = arith.index_cast %parallel_loop3A_966 : i32 to index
        %parallel_loop3A_984 = tpu.vector_load %arg5[%parallel_loop3A_981, %parallel_loop3A_982, %parallel_loop3A_983] {strides = array<i32>} : memref<8x8x1024xf32, #tpu.memory_space<vmem>>, vector<1x1x16xf32>,
        %parallel_loop3A_985 = vector.shape_cast %parallel_loop3A_984 : vector<1x1x16xf32> to vector<16xf32>
        %parallel_loop3A_986 = vector.shape_cast %parallel_loop3A_979 : vector<16xf32> to vector<1x1x16xf32>
        tpu.vector_store %arg5[%parallel_loop3A_981, %parallel_loop3A_982, %parallel_loop3A_983], %parallel_loop3A_986 {strides = array<i32>} : memref<8x8x1024xf32, #tpu.memory_space<vmem>>, vector<1x1x16xf32>,
      } {sc.loop_unroll_factor = 4 : i64, sc.parallel_access}
      %add3A_501 = arith.constant 12288 : i32
      %add3A_502 = arith.addi %add3A_501, %mul3A_2 : i32
      %mul3A_503 = arith.constant 8 : i32
      %mul3A_504 = arith.muli %mul3A_278, %mul3A_503 : i32
      %add3A_505 = arith.addi %add3A_502, %mul3A_504 : i32
      %dma_start3A_506 = arith.constant 3 : i32
      %dma_start3A_507 = arith.constant 0 : i32
      %dma_start3A_508 = arith.constant 3 : i32
      %dma_start3A_509 = arith.constant 0 : i32
      %dma_start3A_510 = arith.constant 0 : i32
      %dma_start3A_511 = tpu.memref_slice %arg5[%dma_start3A_506, %dma_start3A_509, %dma_start3A_510] : memref<8x8x1024xf32, #tpu.memory_space<vmem>> -> memref<1x8x1024xf32, #tpu.memory_space<vmem>>
      %dma_start3A_512 = tpu.memref_squeeze %dma_start3A_511 : memref<1x8x1024xf32, #tpu.memory_space<vmem>> -> memref<8x1024xf32, #tpu.memory_space<vmem>>
      %dma_start3A_513 = arith.constant 0 : i32
      %dma_start3A_514 = tpu.memref_slice %arg4[%add3A_505, %dma_start3A_513] : memref<16384x1024xf32, #tpu.memory_space<hbm>> -> memref<8x1024xf32, #tpu.memory_space<hbm>>
      %dma_start3A_515 = tpu.memref_slice %arg9[%dma_start3A_507, %dma_start3A_508] : memref<2x4x!tpu.dma_semaphore, #tpu.memory_space<semaphore_mem>> -> memref<1x1x!tpu.dma_semaphore, #tpu.memory_space<semaphore_mem>>
      %dma_start3A_516 = tpu.memref_squeeze %dma_start3A_515 : memref<1x1x!tpu.dma_semaphore, #tpu.memory_space<semaphore_mem>> -> memref<!tpu.dma_semaphore, #tpu.memory_space<semaphore_mem>>
      %dma_start3A_517 = arith.constant 0 : i32
      %dma_start3A_518 = tpu.memref_slice %arg4[%add3A_505, %dma_start3A_517] : memref<16384x1024xf32, #tpu.memory_space<hbm>> -> memref<8x1024xf32, #tpu.memory_space<hbm>>
      %dma_start3A_519 = arith.constant 0 : i32
      %dma_start3A_520 = arith.constant 0 : i32
      %dma_start3A_521 = tpu.memref_slice %arg5[%dma_start3A_506, %dma_start3A_519, %dma_start3A_520] : memref<8x8x1024xf32, #tpu.memory_space<vmem>> -> memref<1x8x1024xf32, #tpu.memory_space<vmem>>
      %dma_start3A_522 = tpu.memref_squeeze %dma_start3A_521 : memref<1x8x1024xf32, #tpu.memory_space<vmem>> -> memref<8x1024xf32, #tpu.memory_space<vmem>>
      tpu.enqueue_dma source(%dma_start3A_522 : memref<8x1024xf32, #tpu.memory_space<vmem>>) target(%dma_start3A_518 : memref<8x1024xf32, #tpu.memory_space<hbm>>) target_semaphore(%dma_start3A_516 : memref<!tpu.dma_semaphore, #tpu.memory_space<semaphore_mem>>)
      %eq3A_523 = arith.constant 0 : i32
      %eq3A_524 = arith.cmpi eq, %mul3A_278, %eq3A_523 : i32
      %convert_element_type3A_525 = arith.extui %eq3A_524 : i1 to i32
      %cond3A_526 = arith.constant 0 : i32
      %cond3A_527 = arith.cmpi ne, %convert_element_type3A_525, %cond3A_526 : i32
      scf.if %cond3A_527 {
        %add3A_804 = arith.constant 12288 : i32
        %add3A_805 = arith.addi %add3A_804, %mul3A_2 : i32
        %add3A_806 = arith.constant 8 : i32
        %add3A_807 = arith.addi %add3A_805, %add3A_806 : i32
        %dma_start3A_808 = arith.constant 7 : i32
        %dma_start3A_809 = arith.constant 1 : i32
        %dma_start3A_810 = arith.constant 3 : i32
        %dma_start3A_811 = arith.constant 0 : i32
        %dma_start3A_812 = arith.constant 0 : i32
        %dma_start3A_813 = tpu.memref_slice %arg5[%dma_start3A_808, %dma_start3A_811, %dma_start3A_812] : memref<8x8x1024xf32, #tpu.memory_space<vmem>> -> memref<1x8x1024xf32, #tpu.memory_space<vmem>>
        %dma_start3A_814 = tpu.memref_squeeze %dma_start3A_813 : memref<1x8x1024xf32, #tpu.memory_space<vmem>> -> memref<8x1024xf32, #tpu.memory_space<vmem>>
        %dma_start3A_815 = arith.constant 0 : i32
        %dma_start3A_816 = tpu.memref_slice %arg2[%add3A_807, %dma_start3A_815] : memref<16384x1024xf32, #tpu.memory_space<hbm>> -> memref<8x1024xf32, #tpu.memory_space<hbm>>
        %dma_start3A_817 = tpu.memref_slice %arg7[%dma_start3A_809, %dma_start3A_810] : memref<2x4x!tpu.dma_semaphore, #tpu.memory_space<semaphore_mem>> -> memref<1x1x!tpu.dma_semaphore, #tpu.memory_space<semaphore_mem>>
        %dma_start3A_818 = tpu.memref_squeeze %dma_start3A_817 : memref<1x1x!tpu.dma_semaphore, #tpu.memory_space<semaphore_mem>> -> memref<!tpu.dma_semaphore, #tpu.memory_space<semaphore_mem>>
        %dma_start3A_819 = arith.constant 0 : i32
        %dma_start3A_820 = arith.constant 0 : i32
        %dma_start3A_821 = tpu.memref_slice %arg5[%dma_start3A_808, %dma_start3A_819, %dma_start3A_820] : memref<8x8x1024xf32, #tpu.memory_space<vmem>> -> memref<1x8x1024xf32, #tpu.memory_space<vmem>>
        %dma_start3A_822 = tpu.memref_squeeze %dma_start3A_821 : memref<1x8x1024xf32, #tpu.memory_space<vmem>> -> memref<8x1024xf32, #tpu.memory_space<vmem>>
        %dma_start3A_823 = arith.constant 0 : i32
        %dma_start3A_824 = tpu.memref_slice %arg2[%add3A_807, %dma_start3A_823] : memref<16384x1024xf32, #tpu.memory_space<hbm>> -> memref<8x1024xf32, #tpu.memory_space<hbm>>
        tpu.enqueue_dma source(%dma_start3A_824 : memref<8x1024xf32, #tpu.memory_space<hbm>>) target(%dma_start3A_822 : memref<8x1024xf32, #tpu.memory_space<vmem>>) target_semaphore(%dma_start3A_818 : memref<!tpu.dma_semaphore, #tpu.memory_space<semaphore_mem>>)
      } else {
      }
      %ge3A_528 = arith.constant 1 : i32
      %ge3A_529 = arith.cmpi sge, %mul3A_278, %ge3A_528 : i32
      %lt3A_530 = arith.constant 15 : i32
      %lt3A_531 = arith.cmpi slt, %mul3A_278, %lt3A_530 : i32
      %and3A_532 = arith.andi %ge3A_529, %lt3A_531 : i1
      %convert_element_type3A_533 = arith.extui %and3A_532 : i1 to i32
      %cond3A_534 = arith.constant 0 : i32
      %cond3A_535 = arith.cmpi ne, %convert_element_type3A_533, %cond3A_534 : i32
      scf.if %cond3A_535 {
        %sub3A = arith.constant 1 : i32
        %sub3A_804 = arith.subi %mul3A_278, %sub3A : i32
        %add3A_805 = arith.constant 12288 : i32
        %add3A_806 = arith.addi %add3A_805, %mul3A_2 : i32
        %mul3A_807 = arith.constant 8 : i32
        %mul3A_808 = arith.muli %sub3A_804, %mul3A_807 : i32
        %add3A_809 = arith.addi %add3A_806, %mul3A_808 : i32
        %dma_wait3A_810 = arith.constant 7 : i32
        %dma_wait3A_811 = arith.constant 1 : i32
        %dma_wait3A_812 = arith.constant 3 : i32
        %dma_wait3A_813 = arith.constant 0 : i32
        %dma_wait3A_814 = arith.constant 0 : i32
        %dma_wait3A_815 = tpu.memref_slice %arg5[%dma_wait3A_810, %dma_wait3A_813, %dma_wait3A_814] : memref<8x8x1024xf32, #tpu.memory_space<vmem>> -> memref<1x8x1024xf32, #tpu.memory_space<vmem>>
        %dma_wait3A_816 = tpu.memref_squeeze %dma_wait3A_815 : memref<1x8x1024xf32, #tpu.memory_space<vmem>> -> memref<8x1024xf32, #tpu.memory_space<vmem>>
        %dma_wait3A_817 = arith.constant 0 : i32
        %dma_wait3A_818 = tpu.memref_slice %arg4[%add3A_809, %dma_wait3A_817] : memref<16384x1024xf32, #tpu.memory_space<hbm>> -> memref<8x1024xf32, #tpu.memory_space<hbm>>
        %dma_wait3A_819 = tpu.memref_slice %arg9[%dma_wait3A_811, %dma_wait3A_812] : memref<2x4x!tpu.dma_semaphore, #tpu.memory_space<semaphore_mem>> -> memref<1x1x!tpu.dma_semaphore, #tpu.memory_space<semaphore_mem>>
        %dma_wait3A_820 = tpu.memref_squeeze %dma_wait3A_819 : memref<1x1x!tpu.dma_semaphore, #tpu.memory_space<semaphore_mem>> -> memref<!tpu.dma_semaphore, #tpu.memory_space<semaphore_mem>>
        %dma_wait3A_821 = arith.constant 0 : i32
        %dma_wait3A_822 = tpu.memref_slice %arg4[%add3A_809, %dma_wait3A_821] : memref<16384x1024xf32, #tpu.memory_space<hbm>> -> memref<8x1024xf32, #tpu.memory_space<hbm>>
        %dma_wait3A_823 = arith.constant 0 : i32
        %dma_wait3A_824 = arith.constant 0 : i32
        %dma_wait3A_825 = tpu.memref_slice %arg5[%dma_wait3A_810, %dma_wait3A_823, %dma_wait3A_824] : memref<8x8x1024xf32, #tpu.memory_space<vmem>> -> memref<1x8x1024xf32, #tpu.memory_space<vmem>>
        %dma_wait3A_826 = tpu.memref_squeeze %dma_wait3A_825 : memref<1x8x1024xf32, #tpu.memory_space<vmem>> -> memref<8x1024xf32, #tpu.memory_space<vmem>>
        tpu.wait_dma2 semaphore(%dma_wait3A_820 : memref<!tpu.dma_semaphore, #tpu.memory_space<semaphore_mem>>) src(%dma_wait3A_826 : memref<8x1024xf32, #tpu.memory_space<vmem>>) dst(%dma_wait3A_822 : memref<8x1024xf32, #tpu.memory_space<hbm>>)
        %add3A_827 = arith.constant 1 : i32
        %add3A_828 = arith.addi %mul3A_278, %add3A_827 : i32
        %add3A_829 = arith.constant 12288 : i32
        %add3A_830 = arith.addi %add3A_829, %mul3A_2 : i32
        %mul3A_831 = arith.constant 8 : i32
        %mul3A_832 = arith.muli %add3A_828, %mul3A_831 : i32
        %add3A_833 = arith.addi %add3A_830, %mul3A_832 : i32
        %dma_start3A_834 = arith.constant 7 : i32
        %dma_start3A_835 = arith.constant 1 : i32
        %dma_start3A_836 = arith.constant 3 : i32
        %dma_start3A_837 = arith.constant 0 : i32
        %dma_start3A_838 = arith.constant 0 : i32
        %dma_start3A_839 = tpu.memref_slice %arg5[%dma_start3A_834, %dma_start3A_837, %dma_start3A_838] : memref<8x8x1024xf32, #tpu.memory_space<vmem>> -> memref<1x8x1024xf32, #tpu.memory_space<vmem>>
        %dma_start3A_840 = tpu.memref_squeeze %dma_start3A_839 : memref<1x8x1024xf32, #tpu.memory_space<vmem>> -> memref<8x1024xf32, #tpu.memory_space<vmem>>
        %dma_start3A_841 = arith.constant 0 : i32
        %dma_start3A_842 = tpu.memref_slice %arg2[%add3A_833, %dma_start3A_841] : memref<16384x1024xf32, #tpu.memory_space<hbm>> -> memref<8x1024xf32, #tpu.memory_space<hbm>>
        %dma_start3A_843 = tpu.memref_slice %arg7[%dma_start3A_835, %dma_start3A_836] : memref<2x4x!tpu.dma_semaphore, #tpu.memory_space<semaphore_mem>> -> memref<1x1x!tpu.dma_semaphore, #tpu.memory_space<semaphore_mem>>
        %dma_start3A_844 = tpu.memref_squeeze %dma_start3A_843 : memref<1x1x!tpu.dma_semaphore, #tpu.memory_space<semaphore_mem>> -> memref<!tpu.dma_semaphore, #tpu.memory_space<semaphore_mem>>
        %dma_start3A_845 = arith.constant 0 : i32
        %dma_start3A_846 = arith.constant 0 : i32
        %dma_start3A_847 = tpu.memref_slice %arg5[%dma_start3A_834, %dma_start3A_845, %dma_start3A_846] : memref<8x8x1024xf32, #tpu.memory_space<vmem>> -> memref<1x8x1024xf32, #tpu.memory_space<vmem>>
        %dma_start3A_848 = tpu.memref_squeeze %dma_start3A_847 : memref<1x8x1024xf32, #tpu.memory_space<vmem>> -> memref<8x1024xf32, #tpu.memory_space<vmem>>
        %dma_start3A_849 = arith.constant 0 : i32
        %dma_start3A_850 = tpu.memref_slice %arg2[%add3A_833, %dma_start3A_849] : memref<16384x1024xf32, #tpu.memory_space<hbm>> -> memref<8x1024xf32, #tpu.memory_space<hbm>>
        tpu.enqueue_dma source(%dma_start3A_850 : memref<8x1024xf32, #tpu.memory_space<hbm>>) target(%dma_start3A_848 : memref<8x1024xf32, #tpu.memory_space<vmem>>) target_semaphore(%dma_start3A_844 : memref<!tpu.dma_semaphore, #tpu.memory_space<semaphore_mem>>)
      } else {
      }
      %mul3A_536 = arith.constant 2 : i32
      %mul3A_537 = arith.muli %mul3A_536, %scan3A_276 : i32
      %add3A_538 = arith.constant 1 : i32
      %add3A_539 = arith.addi %mul3A_537, %add3A_538 : i32
      %lt3A_540 = arith.constant 15 : i32
      %lt3A_541 = arith.cmpi slt, %add3A_539, %lt3A_540 : i32
      %convert_element_type3A_542 = arith.extui %lt3A_541 : i1 to i32
      %cond3A_543 = arith.constant 0 : i32
      %cond3A_544 = arith.cmpi ne, %convert_element_type3A_542, %cond3A_543 : i32
      scf.if %cond3A_544 {
        %add3A_804 = arith.constant 1 : i32
        %add3A_805 = arith.addi %add3A_539, %add3A_804 : i32
        %mul3A_806 = arith.constant 8 : i32
        %mul3A_807 = arith.muli %add3A_805, %mul3A_806 : i32
        %add3A_808 = arith.addi %mul3A_2, %mul3A_807 : i32
        %dma_start3A_809 = arith.constant 0 : i32
        %dma_start3A_810 = arith.constant 0 : i32
        %dma_start3A_811 = arith.constant 0 : i32
        %dma_start3A_812 = arith.constant 0 : i32
        %dma_start3A_813 = tpu.memref_slice %arg6[%dma_start3A_809, %dma_start3A_811, %dma_start3A_812] : memref<2x8x1024xf32, #tpu.memory_space<vmem>> -> memref<1x8x1024xf32, #tpu.memory_space<vmem>>
        %dma_start3A_814 = tpu.memref_squeeze %dma_start3A_813 : memref<1x8x1024xf32, #tpu.memory_space<vmem>> -> memref<8x1024xf32, #tpu.memory_space<vmem>>
        %dma_start3A_815 = arith.constant 0 : i32
        %dma_start3A_816 = tpu.memref_slice %arg3[%add3A_808, %dma_start3A_815] : memref<4096x1024xf32, #tpu.memory_space<hbm>> -> memref<8x1024xf32, #tpu.memory_space<hbm>>
        %dma_start3A_817 = tpu.memref_slice %arg8[%dma_start3A_810] : memref<2x!tpu.dma_semaphore, #tpu.memory_space<semaphore_mem>> -> memref<1x!tpu.dma_semaphore, #tpu.memory_space<semaphore_mem>>
        %dma_start3A_818 = tpu.memref_squeeze %dma_start3A_817 : memref<1x!tpu.dma_semaphore, #tpu.memory_space<semaphore_mem>> -> memref<!tpu.dma_semaphore, #tpu.memory_space<semaphore_mem>>
        %dma_start3A_819 = arith.constant 0 : i32
        %dma_start3A_820 = arith.constant 0 : i32
        %dma_start3A_821 = tpu.memref_slice %arg6[%dma_start3A_809, %dma_start3A_819, %dma_start3A_820] : memref<2x8x1024xf32, #tpu.memory_space<vmem>> -> memref<1x8x1024xf32, #tpu.memory_space<vmem>>
        %dma_start3A_822 = tpu.memref_squeeze %dma_start3A_821 : memref<1x8x1024xf32, #tpu.memory_space<vmem>> -> memref<8x1024xf32, #tpu.memory_space<vmem>>
        %dma_start3A_823 = arith.constant 0 : i32
        %dma_start3A_824 = tpu.memref_slice %arg3[%add3A_808, %dma_start3A_823] : memref<4096x1024xf32, #tpu.memory_space<hbm>> -> memref<8x1024xf32, #tpu.memory_space<hbm>>
        tpu.enqueue_dma source(%dma_start3A_824 : memref<8x1024xf32, #tpu.memory_space<hbm>>) target(%dma_start3A_822 : memref<8x1024xf32, #tpu.memory_space<vmem>>) target_semaphore(%dma_start3A_818 : memref<!tpu.dma_semaphore, #tpu.memory_space<semaphore_mem>>)
      } else {
      }
      %mul3A_545 = arith.constant 8 : i32
      %mul3A_546 = arith.muli %add3A_539, %mul3A_545 : i32
      %add3A_547 = arith.addi %mul3A_2, %mul3A_546 : i32
      %dma_wait3A_548 = arith.constant 1 : i32
      %dma_wait3A_549 = arith.constant 1 : i32
      %dma_wait3A_550 = arith.constant 0 : i32
      %dma_wait3A_551 = arith.constant 0 : i32
      %dma_wait3A_552 = tpu.memref_slice %arg6[%dma_wait3A_548, %dma_wait3A_550, %dma_wait3A_551] : memref<2x8x1024xf32, #tpu.memory_space<vmem>> -> memref<1x8x1024xf32, #tpu.memory_space<vmem>>
      %dma_wait3A_553 = tpu.memref_squeeze %dma_wait3A_552 : memref<1x8x1024xf32, #tpu.memory_space<vmem>> -> memref<8x1024xf32, #tpu.memory_space<vmem>>
      %dma_wait3A_554 = arith.constant 0 : i32
      %dma_wait3A_555 = tpu.memref_slice %arg3[%add3A_547, %dma_wait3A_554] : memref<4096x1024xf32, #tpu.memory_space<hbm>> -> memref<8x1024xf32, #tpu.memory_space<hbm>>
      %dma_wait3A_556 = tpu.memref_slice %arg8[%dma_wait3A_549] : memref<2x!tpu.dma_semaphore, #tpu.memory_space<semaphore_mem>> -> memref<1x!tpu.dma_semaphore, #tpu.memory_space<semaphore_mem>>
      %dma_wait3A_557 = tpu.memref_squeeze %dma_wait3A_556 : memref<1x!tpu.dma_semaphore, #tpu.memory_space<semaphore_mem>> -> memref<!tpu.dma_semaphore, #tpu.memory_space<semaphore_mem>>
      %dma_wait3A_558 = arith.constant 0 : i32
      %dma_wait3A_559 = arith.constant 0 : i32
      %dma_wait3A_560 = tpu.memref_slice %arg6[%dma_wait3A_548, %dma_wait3A_558, %dma_wait3A_559] : memref<2x8x1024xf32, #tpu.memory_space<vmem>> -> memref<1x8x1024xf32, #tpu.memory_space<vmem>>
      %dma_wait3A_561 = tpu.memref_squeeze %dma_wait3A_560 : memref<1x8x1024xf32, #tpu.memory_space<vmem>> -> memref<8x1024xf32, #tpu.memory_space<vmem>>
      %dma_wait3A_562 = arith.constant 0 : i32
      %dma_wait3A_563 = tpu.memref_slice %arg3[%add3A_547, %dma_wait3A_562] : memref<4096x1024xf32, #tpu.memory_space<hbm>> -> memref<8x1024xf32, #tpu.memory_space<hbm>>
      tpu.wait_dma2 semaphore(%dma_wait3A_557 : memref<!tpu.dma_semaphore, #tpu.memory_space<semaphore_mem>>) src(%dma_wait3A_563 : memref<8x1024xf32, #tpu.memory_space<hbm>>) dst(%dma_wait3A_561 : memref<8x1024xf32, #tpu.memory_space<vmem>>)
      %add3A_564 = arith.constant 0 : i32
      %add3A_565 = arith.addi %add3A_564, %mul3A_2 : i32
      %mul3A_566 = arith.constant 8 : i32
      %mul3A_567 = arith.muli %add3A_539, %mul3A_566 : i32
      %add3A_568 = arith.addi %add3A_565, %mul3A_567 : i32
      %dma_wait3A_569 = arith.constant 4 : i32
      %dma_wait3A_570 = arith.constant 1 : i32
      %dma_wait3A_571 = arith.constant 0 : i32
      %dma_wait3A_572 = arith.constant 0 : i32
      %dma_wait3A_573 = arith.constant 0 : i32
      %dma_wait3A_574 = tpu.memref_slice %arg5[%dma_wait3A_569, %dma_wait3A_572, %dma_wait3A_573] : memref<8x8x1024xf32, #tpu.memory_space<vmem>> -> memref<1x8x1024xf32, #tpu.memory_space<vmem>>
      %dma_wait3A_575 = tpu.memref_squeeze %dma_wait3A_574 : memref<1x8x1024xf32, #tpu.memory_space<vmem>> -> memref<8x1024xf32, #tpu.memory_space<vmem>>
      %dma_wait3A_576 = arith.constant 0 : i32
      %dma_wait3A_577 = tpu.memref_slice %arg2[%add3A_568, %dma_wait3A_576] : memref<16384x1024xf32, #tpu.memory_space<hbm>> -> memref<8x1024xf32, #tpu.memory_space<hbm>>
      %dma_wait3A_578 = tpu.memref_slice %arg7[%dma_wait3A_570, %dma_wait3A_571] : memref<2x4x!tpu.dma_semaphore, #tpu.memory_space<semaphore_mem>> -> memref<1x1x!tpu.dma_semaphore, #tpu.memory_space<semaphore_mem>>
      %dma_wait3A_579 = tpu.memref_squeeze %dma_wait3A_578 : memref<1x1x!tpu.dma_semaphore, #tpu.memory_space<semaphore_mem>> -> memref<!tpu.dma_semaphore, #tpu.memory_space<semaphore_mem>>
      %dma_wait3A_580 = arith.constant 0 : i32
      %dma_wait3A_581 = arith.constant 0 : i32
      %dma_wait3A_582 = tpu.memref_slice %arg5[%dma_wait3A_569, %dma_wait3A_580, %dma_wait3A_581] : memref<8x8x1024xf32, #tpu.memory_space<vmem>> -> memref<1x8x1024xf32, #tpu.memory_space<vmem>>
      %dma_wait3A_583 = tpu.memref_squeeze %dma_wait3A_582 : memref<1x8x1024xf32, #tpu.memory_space<vmem>> -> memref<8x1024xf32, #tpu.memory_space<vmem>>
      %dma_wait3A_584 = arith.constant 0 : i32
      %dma_wait3A_585 = tpu.memref_slice %arg2[%add3A_568, %dma_wait3A_584] : memref<16384x1024xf32, #tpu.memory_space<hbm>> -> memref<8x1024xf32, #tpu.memory_space<hbm>>
      tpu.wait_dma2 semaphore(%dma_wait3A_579 : memref<!tpu.dma_semaphore, #tpu.memory_space<semaphore_mem>>) src(%dma_wait3A_585 : memref<8x1024xf32, #tpu.memory_space<hbm>>) dst(%dma_wait3A_583 : memref<8x1024xf32, #tpu.memory_space<vmem>>)
      %parallel_loop3A_586 = arith.constant 0 : i32
      %parallel_loop3A_587 = arith.constant 64 : i32
      %parallel_loop3A_588 = arith.constant 1 : i32
      scf.for %parallel_loop3A_804 = %parallel_loop3A_586 to %parallel_loop3A_587 step %parallel_loop3A_588  : i32 {
        %parallel_loop3A_805 = arith.constant 3 : i32
        %parallel_loop3A_806 = arith.shrui %parallel_loop3A_804, %parallel_loop3A_805 : i32
        %parallel_loop3A_807 = arith.constant 7 : i32
        %parallel_loop3A_808 = arith.andi %parallel_loop3A_804, %parallel_loop3A_807 : i32
        %parallel_loop3A_809 = arith.constant 128 : i32
        %parallel_loop3A_810 = arith.muli %parallel_loop3A_808, %parallel_loop3A_809 : i32
        %parallel_loop3A_811 = arith.constant 0 : i32
        %parallel_loop3A_812 = arith.addi %parallel_loop3A_810, %parallel_loop3A_811 : i32
        %parallel_loop3A_813 = arith.constant 4 : i32
        %parallel_loop3A_814 = arith.index_cast %parallel_loop3A_813 : i32 to index
        %parallel_loop3A_815 = arith.index_cast %parallel_loop3A_806 : i32 to index
        %parallel_loop3A_816 = arith.index_cast %parallel_loop3A_812 : i32 to index
        %parallel_loop3A_817 = tpu.vector_load %arg5[%parallel_loop3A_814, %parallel_loop3A_815, %parallel_loop3A_816] {strides = array<i32>} : memref<8x8x1024xf32, #tpu.memory_space<vmem>>, vector<1x1x16xf32>,
        %parallel_loop3A_818 = vector.shape_cast %parallel_loop3A_817 : vector<1x1x16xf32> to vector<16xf32>
        %parallel_loop3A_819 = arith.constant 1 : i32
        %parallel_loop3A_820 = arith.index_cast %parallel_loop3A_819 : i32 to index
        %parallel_loop3A_821 = arith.index_cast %parallel_loop3A_806 : i32 to index
        %parallel_loop3A_822 = arith.index_cast %parallel_loop3A_812 : i32 to index
        %parallel_loop3A_823 = tpu.vector_load %arg6[%parallel_loop3A_820, %parallel_loop3A_821, %parallel_loop3A_822] {strides = array<i32>} : memref<2x8x1024xf32, #tpu.memory_space<vmem>>, vector<1x1x16xf32>,
        %parallel_loop3A_824 = vector.shape_cast %parallel_loop3A_823 : vector<1x1x16xf32> to vector<16xf32>
        %parallel_loop3A_825 = arith.addf %parallel_loop3A_818, %parallel_loop3A_824 : vector<16xf32>
        %parallel_loop3A_826 = arith.constant 4 : i32
        %parallel_loop3A_827 = arith.index_cast %parallel_loop3A_826 : i32 to index
        %parallel_loop3A_828 = arith.index_cast %parallel_loop3A_806 : i32 to index
        %parallel_loop3A_829 = arith.index_cast %parallel_loop3A_812 : i32 to index
        %parallel_loop3A_830 = tpu.vector_load %arg5[%parallel_loop3A_827, %parallel_loop3A_828, %parallel_loop3A_829] {strides = array<i32>} : memref<8x8x1024xf32, #tpu.memory_space<vmem>>, vector<1x1x16xf32>,
        %parallel_loop3A_831 = vector.shape_cast %parallel_loop3A_830 : vector<1x1x16xf32> to vector<16xf32>
        %parallel_loop3A_832 = vector.shape_cast %parallel_loop3A_825 : vector<16xf32> to vector<1x1x16xf32>
        tpu.vector_store %arg5[%parallel_loop3A_827, %parallel_loop3A_828, %parallel_loop3A_829], %parallel_loop3A_832 {strides = array<i32>} : memref<8x8x1024xf32, #tpu.memory_space<vmem>>, vector<1x1x16xf32>,
        %parallel_loop3A_833 = arith.constant 16 : i32
        %parallel_loop3A_834 = arith.addi %parallel_loop3A_810, %parallel_loop3A_833 : i32
        %parallel_loop3A_835 = arith.constant 4 : i32
        %parallel_loop3A_836 = arith.index_cast %parallel_loop3A_835 : i32 to index
        %parallel_loop3A_837 = arith.index_cast %parallel_loop3A_806 : i32 to index
        %parallel_loop3A_838 = arith.index_cast %parallel_loop3A_834 : i32 to index
        %parallel_loop3A_839 = tpu.vector_load %arg5[%parallel_loop3A_836, %parallel_loop3A_837, %parallel_loop3A_838] {strides = array<i32>} : memref<8x8x1024xf32, #tpu.memory_space<vmem>>, vector<1x1x16xf32>,
        %parallel_loop3A_840 = vector.shape_cast %parallel_loop3A_839 : vector<1x1x16xf32> to vector<16xf32>
        %parallel_loop3A_841 = arith.constant 1 : i32
        %parallel_loop3A_842 = arith.index_cast %parallel_loop3A_841 : i32 to index
        %parallel_loop3A_843 = arith.index_cast %parallel_loop3A_806 : i32 to index
        %parallel_loop3A_844 = arith.index_cast %parallel_loop3A_834 : i32 to index
        %parallel_loop3A_845 = tpu.vector_load %arg6[%parallel_loop3A_842, %parallel_loop3A_843, %parallel_loop3A_844] {strides = array<i32>} : memref<2x8x1024xf32, #tpu.memory_space<vmem>>, vector<1x1x16xf32>,
        %parallel_loop3A_846 = vector.shape_cast %parallel_loop3A_845 : vector<1x1x16xf32> to vector<16xf32>
        %parallel_loop3A_847 = arith.addf %parallel_loop3A_840, %parallel_loop3A_846 : vector<16xf32>
        %parallel_loop3A_848 = arith.constant 4 : i32
        %parallel_loop3A_849 = arith.index_cast %parallel_loop3A_848 : i32 to index
        %parallel_loop3A_850 = arith.index_cast %parallel_loop3A_806 : i32 to index
        %parallel_loop3A_851 = arith.index_cast %parallel_loop3A_834 : i32 to index
        %parallel_loop3A_852 = tpu.vector_load %arg5[%parallel_loop3A_849, %parallel_loop3A_850, %parallel_loop3A_851] {strides = array<i32>} : memref<8x8x1024xf32, #tpu.memory_space<vmem>>, vector<1x1x16xf32>,
        %parallel_loop3A_853 = vector.shape_cast %parallel_loop3A_852 : vector<1x1x16xf32> to vector<16xf32>
        %parallel_loop3A_854 = vector.shape_cast %parallel_loop3A_847 : vector<16xf32> to vector<1x1x16xf32>
        tpu.vector_store %arg5[%parallel_loop3A_849, %parallel_loop3A_850, %parallel_loop3A_851], %parallel_loop3A_854 {strides = array<i32>} : memref<8x8x1024xf32, #tpu.memory_space<vmem>>, vector<1x1x16xf32>,
        %parallel_loop3A_855 = arith.constant 32 : i32
        %parallel_loop3A_856 = arith.addi %parallel_loop3A_810, %parallel_loop3A_855 : i32
        %parallel_loop3A_857 = arith.constant 4 : i32
        %parallel_loop3A_858 = arith.index_cast %parallel_loop3A_857 : i32 to index
        %parallel_loop3A_859 = arith.index_cast %parallel_loop3A_806 : i32 to index
        %parallel_loop3A_860 = arith.index_cast %parallel_loop3A_856 : i32 to index
        %parallel_loop3A_861 = tpu.vector_load %arg5[%parallel_loop3A_858, %parallel_loop3A_859, %parallel_loop3A_860] {strides = array<i32>} : memref<8x8x1024xf32, #tpu.memory_space<vmem>>, vector<1x1x16xf32>,
        %parallel_loop3A_862 = vector.shape_cast %parallel_loop3A_861 : vector<1x1x16xf32> to vector<16xf32>
        %parallel_loop3A_863 = arith.constant 1 : i32
        %parallel_loop3A_864 = arith.index_cast %parallel_loop3A_863 : i32 to index
        %parallel_loop3A_865 = arith.index_cast %parallel_loop3A_806 : i32 to index
        %parallel_loop3A_866 = arith.index_cast %parallel_loop3A_856 : i32 to index
        %parallel_loop3A_867 = tpu.vector_load %arg6[%parallel_loop3A_864, %parallel_loop3A_865, %parallel_loop3A_866] {strides = array<i32>} : memref<2x8x1024xf32, #tpu.memory_space<vmem>>, vector<1x1x16xf32>,
        %parallel_loop3A_868 = vector.shape_cast %parallel_loop3A_867 : vector<1x1x16xf32> to vector<16xf32>
        %parallel_loop3A_869 = arith.addf %parallel_loop3A_862, %parallel_loop3A_868 : vector<16xf32>
        %parallel_loop3A_870 = arith.constant 4 : i32
        %parallel_loop3A_871 = arith.index_cast %parallel_loop3A_870 : i32 to index
        %parallel_loop3A_872 = arith.index_cast %parallel_loop3A_806 : i32 to index
        %parallel_loop3A_873 = arith.index_cast %parallel_loop3A_856 : i32 to index
        %parallel_loop3A_874 = tpu.vector_load %arg5[%parallel_loop3A_871, %parallel_loop3A_872, %parallel_loop3A_873] {strides = array<i32>} : memref<8x8x1024xf32, #tpu.memory_space<vmem>>, vector<1x1x16xf32>,
        %parallel_loop3A_875 = vector.shape_cast %parallel_loop3A_874 : vector<1x1x16xf32> to vector<16xf32>
        %parallel_loop3A_876 = vector.shape_cast %parallel_loop3A_869 : vector<16xf32> to vector<1x1x16xf32>
        tpu.vector_store %arg5[%parallel_loop3A_871, %parallel_loop3A_872, %parallel_loop3A_873], %parallel_loop3A_876 {strides = array<i32>} : memref<8x8x1024xf32, #tpu.memory_space<vmem>>, vector<1x1x16xf32>,
        %parallel_loop3A_877 = arith.constant 48 : i32
        %parallel_loop3A_878 = arith.addi %parallel_loop3A_810, %parallel_loop3A_877 : i32
        %parallel_loop3A_879 = arith.constant 4 : i32
        %parallel_loop3A_880 = arith.index_cast %parallel_loop3A_879 : i32 to index
        %parallel_loop3A_881 = arith.index_cast %parallel_loop3A_806 : i32 to index
        %parallel_loop3A_882 = arith.index_cast %parallel_loop3A_878 : i32 to index
        %parallel_loop3A_883 = tpu.vector_load %arg5[%parallel_loop3A_880, %parallel_loop3A_881, %parallel_loop3A_882] {strides = array<i32>} : memref<8x8x1024xf32, #tpu.memory_space<vmem>>, vector<1x1x16xf32>,
        %parallel_loop3A_884 = vector.shape_cast %parallel_loop3A_883 : vector<1x1x16xf32> to vector<16xf32>
        %parallel_loop3A_885 = arith.constant 1 : i32
        %parallel_loop3A_886 = arith.index_cast %parallel_loop3A_885 : i32 to index
        %parallel_loop3A_887 = arith.index_cast %parallel_loop3A_806 : i32 to index
        %parallel_loop3A_888 = arith.index_cast %parallel_loop3A_878 : i32 to index
        %parallel_loop3A_889 = tpu.vector_load %arg6[%parallel_loop3A_886, %parallel_loop3A_887, %parallel_loop3A_888] {strides = array<i32>} : memref<2x8x1024xf32, #tpu.memory_space<vmem>>, vector<1x1x16xf32>,
        %parallel_loop3A_890 = vector.shape_cast %parallel_loop3A_889 : vector<1x1x16xf32> to vector<16xf32>
        %parallel_loop3A_891 = arith.addf %parallel_loop3A_884, %parallel_loop3A_890 : vector<16xf32>
        %parallel_loop3A_892 = arith.constant 4 : i32
        %parallel_loop3A_893 = arith.index_cast %parallel_loop3A_892 : i32 to index
        %parallel_loop3A_894 = arith.index_cast %parallel_loop3A_806 : i32 to index
        %parallel_loop3A_895 = arith.index_cast %parallel_loop3A_878 : i32 to index
        %parallel_loop3A_896 = tpu.vector_load %arg5[%parallel_loop3A_893, %parallel_loop3A_894, %parallel_loop3A_895] {strides = array<i32>} : memref<8x8x1024xf32, #tpu.memory_space<vmem>>, vector<1x1x16xf32>,
        %parallel_loop3A_897 = vector.shape_cast %parallel_loop3A_896 : vector<1x1x16xf32> to vector<16xf32>
        %parallel_loop3A_898 = vector.shape_cast %parallel_loop3A_891 : vector<16xf32> to vector<1x1x16xf32>
        tpu.vector_store %arg5[%parallel_loop3A_893, %parallel_loop3A_894, %parallel_loop3A_895], %parallel_loop3A_898 {strides = array<i32>} : memref<8x8x1024xf32, #tpu.memory_space<vmem>>, vector<1x1x16xf32>,
        %parallel_loop3A_899 = arith.constant 64 : i32
        %parallel_loop3A_900 = arith.addi %parallel_loop3A_810, %parallel_loop3A_899 : i32
        %parallel_loop3A_901 = arith.constant 4 : i32
        %parallel_loop3A_902 = arith.index_cast %parallel_loop3A_901 : i32 to index
        %parallel_loop3A_903 = arith.index_cast %parallel_loop3A_806 : i32 to index
        %parallel_loop3A_904 = arith.index_cast %parallel_loop3A_900 : i32 to index
        %parallel_loop3A_905 = tpu.vector_load %arg5[%parallel_loop3A_902, %parallel_loop3A_903, %parallel_loop3A_904] {strides = array<i32>} : memref<8x8x1024xf32, #tpu.memory_space<vmem>>, vector<1x1x16xf32>,
        %parallel_loop3A_906 = vector.shape_cast %parallel_loop3A_905 : vector<1x1x16xf32> to vector<16xf32>
        %parallel_loop3A_907 = arith.constant 1 : i32
        %parallel_loop3A_908 = arith.index_cast %parallel_loop3A_907 : i32 to index
        %parallel_loop3A_909 = arith.index_cast %parallel_loop3A_806 : i32 to index
        %parallel_loop3A_910 = arith.index_cast %parallel_loop3A_900 : i32 to index
        %parallel_loop3A_911 = tpu.vector_load %arg6[%parallel_loop3A_908, %parallel_loop3A_909, %parallel_loop3A_910] {strides = array<i32>} : memref<2x8x1024xf32, #tpu.memory_space<vmem>>, vector<1x1x16xf32>,
        %parallel_loop3A_912 = vector.shape_cast %parallel_loop3A_911 : vector<1x1x16xf32> to vector<16xf32>
        %parallel_loop3A_913 = arith.addf %parallel_loop3A_906, %parallel_loop3A_912 : vector<16xf32>
        %parallel_loop3A_914 = arith.constant 4 : i32
        %parallel_loop3A_915 = arith.index_cast %parallel_loop3A_914 : i32 to index
        %parallel_loop3A_916 = arith.index_cast %parallel_loop3A_806 : i32 to index
        %parallel_loop3A_917 = arith.index_cast %parallel_loop3A_900 : i32 to index
        %parallel_loop3A_918 = tpu.vector_load %arg5[%parallel_loop3A_915, %parallel_loop3A_916, %parallel_loop3A_917] {strides = array<i32>} : memref<8x8x1024xf32, #tpu.memory_space<vmem>>, vector<1x1x16xf32>,
        %parallel_loop3A_919 = vector.shape_cast %parallel_loop3A_918 : vector<1x1x16xf32> to vector<16xf32>
        %parallel_loop3A_920 = vector.shape_cast %parallel_loop3A_913 : vector<16xf32> to vector<1x1x16xf32>
        tpu.vector_store %arg5[%parallel_loop3A_915, %parallel_loop3A_916, %parallel_loop3A_917], %parallel_loop3A_920 {strides = array<i32>} : memref<8x8x1024xf32, #tpu.memory_space<vmem>>, vector<1x1x16xf32>,
        %parallel_loop3A_921 = arith.constant 80 : i32
        %parallel_loop3A_922 = arith.addi %parallel_loop3A_810, %parallel_loop3A_921 : i32
        %parallel_loop3A_923 = arith.constant 4 : i32
        %parallel_loop3A_924 = arith.index_cast %parallel_loop3A_923 : i32 to index
        %parallel_loop3A_925 = arith.index_cast %parallel_loop3A_806 : i32 to index
        %parallel_loop3A_926 = arith.index_cast %parallel_loop3A_922 : i32 to index
        %parallel_loop3A_927 = tpu.vector_load %arg5[%parallel_loop3A_924, %parallel_loop3A_925, %parallel_loop3A_926] {strides = array<i32>} : memref<8x8x1024xf32, #tpu.memory_space<vmem>>, vector<1x1x16xf32>,
        %parallel_loop3A_928 = vector.shape_cast %parallel_loop3A_927 : vector<1x1x16xf32> to vector<16xf32>
        %parallel_loop3A_929 = arith.constant 1 : i32
        %parallel_loop3A_930 = arith.index_cast %parallel_loop3A_929 : i32 to index
        %parallel_loop3A_931 = arith.index_cast %parallel_loop3A_806 : i32 to index
        %parallel_loop3A_932 = arith.index_cast %parallel_loop3A_922 : i32 to index
        %parallel_loop3A_933 = tpu.vector_load %arg6[%parallel_loop3A_930, %parallel_loop3A_931, %parallel_loop3A_932] {strides = array<i32>} : memref<2x8x1024xf32, #tpu.memory_space<vmem>>, vector<1x1x16xf32>,
        %parallel_loop3A_934 = vector.shape_cast %parallel_loop3A_933 : vector<1x1x16xf32> to vector<16xf32>
        %parallel_loop3A_935 = arith.addf %parallel_loop3A_928, %parallel_loop3A_934 : vector<16xf32>
        %parallel_loop3A_936 = arith.constant 4 : i32
        %parallel_loop3A_937 = arith.index_cast %parallel_loop3A_936 : i32 to index
        %parallel_loop3A_938 = arith.index_cast %parallel_loop3A_806 : i32 to index
        %parallel_loop3A_939 = arith.index_cast %parallel_loop3A_922 : i32 to index
        %parallel_loop3A_940 = tpu.vector_load %arg5[%parallel_loop3A_937, %parallel_loop3A_938, %parallel_loop3A_939] {strides = array<i32>} : memref<8x8x1024xf32, #tpu.memory_space<vmem>>, vector<1x1x16xf32>,
        %parallel_loop3A_941 = vector.shape_cast %parallel_loop3A_940 : vector<1x1x16xf32> to vector<16xf32>
        %parallel_loop3A_942 = vector.shape_cast %parallel_loop3A_935 : vector<16xf32> to vector<1x1x16xf32>
        tpu.vector_store %arg5[%parallel_loop3A_937, %parallel_loop3A_938, %parallel_loop3A_939], %parallel_loop3A_942 {strides = array<i32>} : memref<8x8x1024xf32, #tpu.memory_space<vmem>>, vector<1x1x16xf32>,
        %parallel_loop3A_943 = arith.constant 96 : i32
        %parallel_loop3A_944 = arith.addi %parallel_loop3A_810, %parallel_loop3A_943 : i32
        %parallel_loop3A_945 = arith.constant 4 : i32
        %parallel_loop3A_946 = arith.index_cast %parallel_loop3A_945 : i32 to index
        %parallel_loop3A_947 = arith.index_cast %parallel_loop3A_806 : i32 to index
        %parallel_loop3A_948 = arith.index_cast %parallel_loop3A_944 : i32 to index
        %parallel_loop3A_949 = tpu.vector_load %arg5[%parallel_loop3A_946, %parallel_loop3A_947, %parallel_loop3A_948] {strides = array<i32>} : memref<8x8x1024xf32, #tpu.memory_space<vmem>>, vector<1x1x16xf32>,
        %parallel_loop3A_950 = vector.shape_cast %parallel_loop3A_949 : vector<1x1x16xf32> to vector<16xf32>
        %parallel_loop3A_951 = arith.constant 1 : i32
        %parallel_loop3A_952 = arith.index_cast %parallel_loop3A_951 : i32 to index
        %parallel_loop3A_953 = arith.index_cast %parallel_loop3A_806 : i32 to index
        %parallel_loop3A_954 = arith.index_cast %parallel_loop3A_944 : i32 to index
        %parallel_loop3A_955 = tpu.vector_load %arg6[%parallel_loop3A_952, %parallel_loop3A_953, %parallel_loop3A_954] {strides = array<i32>} : memref<2x8x1024xf32, #tpu.memory_space<vmem>>, vector<1x1x16xf32>,
        %parallel_loop3A_956 = vector.shape_cast %parallel_loop3A_955 : vector<1x1x16xf32> to vector<16xf32>
        %parallel_loop3A_957 = arith.addf %parallel_loop3A_950, %parallel_loop3A_956 : vector<16xf32>
        %parallel_loop3A_958 = arith.constant 4 : i32
        %parallel_loop3A_959 = arith.index_cast %parallel_loop3A_958 : i32 to index
        %parallel_loop3A_960 = arith.index_cast %parallel_loop3A_806 : i32 to index
        %parallel_loop3A_961 = arith.index_cast %parallel_loop3A_944 : i32 to index
        %parallel_loop3A_962 = tpu.vector_load %arg5[%parallel_loop3A_959, %parallel_loop3A_960, %parallel_loop3A_961] {strides = array<i32>} : memref<8x8x1024xf32, #tpu.memory_space<vmem>>, vector<1x1x16xf32>,
        %parallel_loop3A_963 = vector.shape_cast %parallel_loop3A_962 : vector<1x1x16xf32> to vector<16xf32>
        %parallel_loop3A_964 = vector.shape_cast %parallel_loop3A_957 : vector<16xf32> to vector<1x1x16xf32>
        tpu.vector_store %arg5[%parallel_loop3A_959, %parallel_loop3A_960, %parallel_loop3A_961], %parallel_loop3A_964 {strides = array<i32>} : memref<8x8x1024xf32, #tpu.memory_space<vmem>>, vector<1x1x16xf32>,
        %parallel_loop3A_965 = arith.constant 112 : i32
        %parallel_loop3A_966 = arith.addi %parallel_loop3A_810, %parallel_loop3A_965 : i32
        %parallel_loop3A_967 = arith.constant 4 : i32
        %parallel_loop3A_968 = arith.index_cast %parallel_loop3A_967 : i32 to index
        %parallel_loop3A_969 = arith.index_cast %parallel_loop3A_806 : i32 to index
        %parallel_loop3A_970 = arith.index_cast %parallel_loop3A_966 : i32 to index
        %parallel_loop3A_971 = tpu.vector_load %arg5[%parallel_loop3A_968, %parallel_loop3A_969, %parallel_loop3A_970] {strides = array<i32>} : memref<8x8x1024xf32, #tpu.memory_space<vmem>>, vector<1x1x16xf32>,
        %parallel_loop3A_972 = vector.shape_cast %parallel_loop3A_971 : vector<1x1x16xf32> to vector<16xf32>
        %parallel_loop3A_973 = arith.constant 1 : i32
        %parallel_loop3A_974 = arith.index_cast %parallel_loop3A_973 : i32 to index
        %parallel_loop3A_975 = arith.index_cast %parallel_loop3A_806 : i32 to index
        %parallel_loop3A_976 = arith.index_cast %parallel_loop3A_966 : i32 to index
        %parallel_loop3A_977 = tpu.vector_load %arg6[%parallel_loop3A_974, %parallel_loop3A_975, %parallel_loop3A_976] {strides = array<i32>} : memref<2x8x1024xf32, #tpu.memory_space<vmem>>, vector<1x1x16xf32>,
        %parallel_loop3A_978 = vector.shape_cast %parallel_loop3A_977 : vector<1x1x16xf32> to vector<16xf32>
        %parallel_loop3A_979 = arith.addf %parallel_loop3A_972, %parallel_loop3A_978 : vector<16xf32>
        %parallel_loop3A_980 = arith.constant 4 : i32
        %parallel_loop3A_981 = arith.index_cast %parallel_loop3A_980 : i32 to index
        %parallel_loop3A_982 = arith.index_cast %parallel_loop3A_806 : i32 to index
        %parallel_loop3A_983 = arith.index_cast %parallel_loop3A_966 : i32 to index
        %parallel_loop3A_984 = tpu.vector_load %arg5[%parallel_loop3A_981, %parallel_loop3A_982, %parallel_loop3A_983] {strides = array<i32>} : memref<8x8x1024xf32, #tpu.memory_space<vmem>>, vector<1x1x16xf32>,
        %parallel_loop3A_985 = vector.shape_cast %parallel_loop3A_984 : vector<1x1x16xf32> to vector<16xf32>
        %parallel_loop3A_986 = vector.shape_cast %parallel_loop3A_979 : vector<16xf32> to vector<1x1x16xf32>
        tpu.vector_store %arg5[%parallel_loop3A_981, %parallel_loop3A_982, %parallel_loop3A_983], %parallel_loop3A_986 {strides = array<i32>} : memref<8x8x1024xf32, #tpu.memory_space<vmem>>, vector<1x1x16xf32>,
      } {sc.loop_unroll_factor = 4 : i64, sc.parallel_access}
      %add3A_589 = arith.constant 0 : i32
      %add3A_590 = arith.addi %add3A_589, %mul3A_2 : i32
      %mul3A_591 = arith.constant 8 : i32
      %mul3A_592 = arith.muli %add3A_539, %mul3A_591 : i32
      %add3A_593 = arith.addi %add3A_590, %mul3A_592 : i32
      %dma_start3A_594 = arith.constant 4 : i32
      %dma_start3A_595 = arith.constant 1 : i32
      %dma_start3A_596 = arith.constant 0 : i32
      %dma_start3A_597 = arith.constant 0 : i32
      %dma_start3A_598 = arith.constant 0 : i32
      %dma_start3A_599 = tpu.memref_slice %arg5[%dma_start3A_594, %dma_start3A_597, %dma_start3A_598] : memref<8x8x1024xf32, #tpu.memory_space<vmem>> -> memref<1x8x1024xf32, #tpu.memory_space<vmem>>
      %dma_start3A_600 = tpu.memref_squeeze %dma_start3A_599 : memref<1x8x1024xf32, #tpu.memory_space<vmem>> -> memref<8x1024xf32, #tpu.memory_space<vmem>>
      %dma_start3A_601 = arith.constant 0 : i32
      %dma_start3A_602 = tpu.memref_slice %arg4[%add3A_593, %dma_start3A_601] : memref<16384x1024xf32, #tpu.memory_space<hbm>> -> memref<8x1024xf32, #tpu.memory_space<hbm>>
      %dma_start3A_603 = tpu.memref_slice %arg9[%dma_start3A_595, %dma_start3A_596] : memref<2x4x!tpu.dma_semaphore, #tpu.memory_space<semaphore_mem>> -> memref<1x1x!tpu.dma_semaphore, #tpu.memory_space<semaphore_mem>>
      %dma_start3A_604 = tpu.memref_squeeze %dma_start3A_603 : memref<1x1x!tpu.dma_semaphore, #tpu.memory_space<semaphore_mem>> -> memref<!tpu.dma_semaphore, #tpu.memory_space<semaphore_mem>>
      %dma_start3A_605 = arith.constant 0 : i32
      %dma_start3A_606 = tpu.memref_slice %arg4[%add3A_593, %dma_start3A_605] : memref<16384x1024xf32, #tpu.memory_space<hbm>> -> memref<8x1024xf32, #tpu.memory_space<hbm>>
      %dma_start3A_607 = arith.constant 0 : i32
      %dma_start3A_608 = arith.constant 0 : i32
      %dma_start3A_609 = tpu.memref_slice %arg5[%dma_start3A_594, %dma_start3A_607, %dma_start3A_608] : memref<8x8x1024xf32, #tpu.memory_space<vmem>> -> memref<1x8x1024xf32, #tpu.memory_space<vmem>>
      %dma_start3A_610 = tpu.memref_squeeze %dma_start3A_609 : memref<1x8x1024xf32, #tpu.memory_space<vmem>> -> memref<8x1024xf32, #tpu.memory_space<vmem>>
      tpu.enqueue_dma source(%dma_start3A_610 : memref<8x1024xf32, #tpu.memory_space<vmem>>) target(%dma_start3A_606 : memref<8x1024xf32, #tpu.memory_space<hbm>>) target_semaphore(%dma_start3A_604 : memref<!tpu.dma_semaphore, #tpu.memory_space<semaphore_mem>>)
      %eq3A_611 = arith.constant 0 : i32
      %eq3A_612 = arith.cmpi eq, %add3A_539, %eq3A_611 : i32
      %convert_element_type3A_613 = arith.extui %eq3A_612 : i1 to i32
      %cond3A_614 = arith.constant 0 : i32
      %cond3A_615 = arith.cmpi ne, %convert_element_type3A_613, %cond3A_614 : i32
      scf.if %cond3A_615 {
        %add3A_804 = arith.constant 0 : i32
        %add3A_805 = arith.addi %add3A_804, %mul3A_2 : i32
        %add3A_806 = arith.constant 8 : i32
        %add3A_807 = arith.addi %add3A_805, %add3A_806 : i32
        %dma_start3A_808 = arith.constant 4 : i32
        %dma_start3A_809 = arith.constant 1 : i32
        %dma_start3A_810 = arith.constant 0 : i32
        %dma_start3A_811 = arith.constant 0 : i32
        %dma_start3A_812 = arith.constant 0 : i32
        %dma_start3A_813 = tpu.memref_slice %arg5[%dma_start3A_808, %dma_start3A_811, %dma_start3A_812] : memref<8x8x1024xf32, #tpu.memory_space<vmem>> -> memref<1x8x1024xf32, #tpu.memory_space<vmem>>
        %dma_start3A_814 = tpu.memref_squeeze %dma_start3A_813 : memref<1x8x1024xf32, #tpu.memory_space<vmem>> -> memref<8x1024xf32, #tpu.memory_space<vmem>>
        %dma_start3A_815 = arith.constant 0 : i32
        %dma_start3A_816 = tpu.memref_slice %arg2[%add3A_807, %dma_start3A_815] : memref<16384x1024xf32, #tpu.memory_space<hbm>> -> memref<8x1024xf32, #tpu.memory_space<hbm>>
        %dma_start3A_817 = tpu.memref_slice %arg7[%dma_start3A_809, %dma_start3A_810] : memref<2x4x!tpu.dma_semaphore, #tpu.memory_space<semaphore_mem>> -> memref<1x1x!tpu.dma_semaphore, #tpu.memory_space<semaphore_mem>>
        %dma_start3A_818 = tpu.memref_squeeze %dma_start3A_817 : memref<1x1x!tpu.dma_semaphore, #tpu.memory_space<semaphore_mem>> -> memref<!tpu.dma_semaphore, #tpu.memory_space<semaphore_mem>>
        %dma_start3A_819 = arith.constant 0 : i32
        %dma_start3A_820 = arith.constant 0 : i32
        %dma_start3A_821 = tpu.memref_slice %arg5[%dma_start3A_808, %dma_start3A_819, %dma_start3A_820] : memref<8x8x1024xf32, #tpu.memory_space<vmem>> -> memref<1x8x1024xf32, #tpu.memory_space<vmem>>
        %dma_start3A_822 = tpu.memref_squeeze %dma_start3A_821 : memref<1x8x1024xf32, #tpu.memory_space<vmem>> -> memref<8x1024xf32, #tpu.memory_space<vmem>>
        %dma_start3A_823 = arith.constant 0 : i32
        %dma_start3A_824 = tpu.memref_slice %arg2[%add3A_807, %dma_start3A_823] : memref<16384x1024xf32, #tpu.memory_space<hbm>> -> memref<8x1024xf32, #tpu.memory_space<hbm>>
        tpu.enqueue_dma source(%dma_start3A_824 : memref<8x1024xf32, #tpu.memory_space<hbm>>) target(%dma_start3A_822 : memref<8x1024xf32, #tpu.memory_space<vmem>>) target_semaphore(%dma_start3A_818 : memref<!tpu.dma_semaphore, #tpu.memory_space<semaphore_mem>>)
      } else {
      }
      %ge3A_616 = arith.constant 1 : i32
      %ge3A_617 = arith.cmpi sge, %add3A_539, %ge3A_616 : i32
      %lt3A_618 = arith.constant 15 : i32
      %lt3A_619 = arith.cmpi slt, %add3A_539, %lt3A_618 : i32
      %and3A_620 = arith.andi %ge3A_617, %lt3A_619 : i1
      %convert_element_type3A_621 = arith.extui %and3A_620 : i1 to i32
      %cond3A_622 = arith.constant 0 : i32
      %cond3A_623 = arith.cmpi ne, %convert_element_type3A_621, %cond3A_622 : i32
      scf.if %cond3A_623 {
        %sub3A = arith.constant 1 : i32
        %sub3A_804 = arith.subi %add3A_539, %sub3A : i32
        %add3A_805 = arith.constant 0 : i32
        %add3A_806 = arith.addi %add3A_805, %mul3A_2 : i32
        %mul3A_807 = arith.constant 8 : i32
        %mul3A_808 = arith.muli %sub3A_804, %mul3A_807 : i32
        %add3A_809 = arith.addi %add3A_806, %mul3A_808 : i32
        %dma_wait3A_810 = arith.constant 0 : i32
        %dma_wait3A_811 = arith.constant 0 : i32
        %dma_wait3A_812 = arith.constant 0 : i32
        %dma_wait3A_813 = arith.constant 0 : i32
        %dma_wait3A_814 = arith.constant 0 : i32
        %dma_wait3A_815 = tpu.memref_slice %arg5[%dma_wait3A_810, %dma_wait3A_813, %dma_wait3A_814] : memref<8x8x1024xf32, #tpu.memory_space<vmem>> -> memref<1x8x1024xf32, #tpu.memory_space<vmem>>
        %dma_wait3A_816 = tpu.memref_squeeze %dma_wait3A_815 : memref<1x8x1024xf32, #tpu.memory_space<vmem>> -> memref<8x1024xf32, #tpu.memory_space<vmem>>
        %dma_wait3A_817 = arith.constant 0 : i32
        %dma_wait3A_818 = tpu.memref_slice %arg4[%add3A_809, %dma_wait3A_817] : memref<16384x1024xf32, #tpu.memory_space<hbm>> -> memref<8x1024xf32, #tpu.memory_space<hbm>>
        %dma_wait3A_819 = tpu.memref_slice %arg9[%dma_wait3A_811, %dma_wait3A_812] : memref<2x4x!tpu.dma_semaphore, #tpu.memory_space<semaphore_mem>> -> memref<1x1x!tpu.dma_semaphore, #tpu.memory_space<semaphore_mem>>
        %dma_wait3A_820 = tpu.memref_squeeze %dma_wait3A_819 : memref<1x1x!tpu.dma_semaphore, #tpu.memory_space<semaphore_mem>> -> memref<!tpu.dma_semaphore, #tpu.memory_space<semaphore_mem>>
        %dma_wait3A_821 = arith.constant 0 : i32
        %dma_wait3A_822 = tpu.memref_slice %arg4[%add3A_809, %dma_wait3A_821] : memref<16384x1024xf32, #tpu.memory_space<hbm>> -> memref<8x1024xf32, #tpu.memory_space<hbm>>
        %dma_wait3A_823 = arith.constant 0 : i32
        %dma_wait3A_824 = arith.constant 0 : i32
        %dma_wait3A_825 = tpu.memref_slice %arg5[%dma_wait3A_810, %dma_wait3A_823, %dma_wait3A_824] : memref<8x8x1024xf32, #tpu.memory_space<vmem>> -> memref<1x8x1024xf32, #tpu.memory_space<vmem>>
        %dma_wait3A_826 = tpu.memref_squeeze %dma_wait3A_825 : memref<1x8x1024xf32, #tpu.memory_space<vmem>> -> memref<8x1024xf32, #tpu.memory_space<vmem>>
        tpu.wait_dma2 semaphore(%dma_wait3A_820 : memref<!tpu.dma_semaphore, #tpu.memory_space<semaphore_mem>>) src(%dma_wait3A_826 : memref<8x1024xf32, #tpu.memory_space<vmem>>) dst(%dma_wait3A_822 : memref<8x1024xf32, #tpu.memory_space<hbm>>)
        %add3A_827 = arith.constant 1 : i32
        %add3A_828 = arith.addi %add3A_539, %add3A_827 : i32
        %add3A_829 = arith.constant 0 : i32
        %add3A_830 = arith.addi %add3A_829, %mul3A_2 : i32
        %mul3A_831 = arith.constant 8 : i32
        %mul3A_832 = arith.muli %add3A_828, %mul3A_831 : i32
        %add3A_833 = arith.addi %add3A_830, %mul3A_832 : i32
        %dma_start3A_834 = arith.constant 0 : i32
        %dma_start3A_835 = arith.constant 0 : i32
        %dma_start3A_836 = arith.constant 0 : i32
        %dma_start3A_837 = arith.constant 0 : i32
        %dma_start3A_838 = arith.constant 0 : i32
        %dma_start3A_839 = tpu.memref_slice %arg5[%dma_start3A_834, %dma_start3A_837, %dma_start3A_838] : memref<8x8x1024xf32, #tpu.memory_space<vmem>> -> memref<1x8x1024xf32, #tpu.memory_space<vmem>>
        %dma_start3A_840 = tpu.memref_squeeze %dma_start3A_839 : memref<1x8x1024xf32, #tpu.memory_space<vmem>> -> memref<8x1024xf32, #tpu.memory_space<vmem>>
        %dma_start3A_841 = arith.constant 0 : i32
        %dma_start3A_842 = tpu.memref_slice %arg2[%add3A_833, %dma_start3A_841] : memref<16384x1024xf32, #tpu.memory_space<hbm>> -> memref<8x1024xf32, #tpu.memory_space<hbm>>
        %dma_start3A_843 = tpu.memref_slice %arg7[%dma_start3A_835, %dma_start3A_836] : memref<2x4x!tpu.dma_semaphore, #tpu.memory_space<semaphore_mem>> -> memref<1x1x!tpu.dma_semaphore, #tpu.memory_space<semaphore_mem>>
        %dma_start3A_844 = tpu.memref_squeeze %dma_start3A_843 : memref<1x1x!tpu.dma_semaphore, #tpu.memory_space<semaphore_mem>> -> memref<!tpu.dma_semaphore, #tpu.memory_space<semaphore_mem>>
        %dma_start3A_845 = arith.constant 0 : i32
        %dma_start3A_846 = arith.constant 0 : i32
        %dma_start3A_847 = tpu.memref_slice %arg5[%dma_start3A_834, %dma_start3A_845, %dma_start3A_846] : memref<8x8x1024xf32, #tpu.memory_space<vmem>> -> memref<1x8x1024xf32, #tpu.memory_space<vmem>>
        %dma_start3A_848 = tpu.memref_squeeze %dma_start3A_847 : memref<1x8x1024xf32, #tpu.memory_space<vmem>> -> memref<8x1024xf32, #tpu.memory_space<vmem>>
        %dma_start3A_849 = arith.constant 0 : i32
        %dma_start3A_850 = tpu.memref_slice %arg2[%add3A_833, %dma_start3A_849] : memref<16384x1024xf32, #tpu.memory_space<hbm>> -> memref<8x1024xf32, #tpu.memory_space<hbm>>
        tpu.enqueue_dma source(%dma_start3A_850 : memref<8x1024xf32, #tpu.memory_space<hbm>>) target(%dma_start3A_848 : memref<8x1024xf32, #tpu.memory_space<vmem>>) target_semaphore(%dma_start3A_844 : memref<!tpu.dma_semaphore, #tpu.memory_space<semaphore_mem>>)
      } else {
      }
      %add3A_624 = arith.constant 4096 : i32
      %add3A_625 = arith.addi %add3A_624, %mul3A_2 : i32
      %mul3A_626 = arith.constant 8 : i32
      %mul3A_627 = arith.muli %add3A_539, %mul3A_626 : i32
      %add3A_628 = arith.addi %add3A_625, %mul3A_627 : i32
      %dma_wait3A_629 = arith.constant 5 : i32
      %dma_wait3A_630 = arith.constant 1 : i32
      %dma_wait3A_631 = arith.constant 1 : i32
      %dma_wait3A_632 = arith.constant 0 : i32
      %dma_wait3A_633 = arith.constant 0 : i32
      %dma_wait3A_634 = tpu.memref_slice %arg5[%dma_wait3A_629, %dma_wait3A_632, %dma_wait3A_633] : memref<8x8x1024xf32, #tpu.memory_space<vmem>> -> memref<1x8x1024xf32, #tpu.memory_space<vmem>>
      %dma_wait3A_635 = tpu.memref_squeeze %dma_wait3A_634 : memref<1x8x1024xf32, #tpu.memory_space<vmem>> -> memref<8x1024xf32, #tpu.memory_space<vmem>>
      %dma_wait3A_636 = arith.constant 0 : i32
      %dma_wait3A_637 = tpu.memref_slice %arg2[%add3A_628, %dma_wait3A_636] : memref<16384x1024xf32, #tpu.memory_space<hbm>> -> memref<8x1024xf32, #tpu.memory_space<hbm>>
      %dma_wait3A_638 = tpu.memref_slice %arg7[%dma_wait3A_630, %dma_wait3A_631] : memref<2x4x!tpu.dma_semaphore, #tpu.memory_space<semaphore_mem>> -> memref<1x1x!tpu.dma_semaphore, #tpu.memory_space<semaphore_mem>>
      %dma_wait3A_639 = tpu.memref_squeeze %dma_wait3A_638 : memref<1x1x!tpu.dma_semaphore, #tpu.memory_space<semaphore_mem>> -> memref<!tpu.dma_semaphore, #tpu.memory_space<semaphore_mem>>
      %dma_wait3A_640 = arith.constant 0 : i32
      %dma_wait3A_641 = arith.constant 0 : i32
      %dma_wait3A_642 = tpu.memref_slice %arg5[%dma_wait3A_629, %dma_wait3A_640, %dma_wait3A_641] : memref<8x8x1024xf32, #tpu.memory_space<vmem>> -> memref<1x8x1024xf32, #tpu.memory_space<vmem>>
      %dma_wait3A_643 = tpu.memref_squeeze %dma_wait3A_642 : memref<1x8x1024xf32, #tpu.memory_space<vmem>> -> memref<8x1024xf32, #tpu.memory_space<vmem>>
      %dma_wait3A_644 = arith.constant 0 : i32
      %dma_wait3A_645 = tpu.memref_slice %arg2[%add3A_628, %dma_wait3A_644] : memref<16384x1024xf32, #tpu.memory_space<hbm>> -> memref<8x1024xf32, #tpu.memory_space<hbm>>
      tpu.wait_dma2 semaphore(%dma_wait3A_639 : memref<!tpu.dma_semaphore, #tpu.memory_space<semaphore_mem>>) src(%dma_wait3A_645 : memref<8x1024xf32, #tpu.memory_space<hbm>>) dst(%dma_wait3A_643 : memref<8x1024xf32, #tpu.memory_space<vmem>>)
      %parallel_loop3A_646 = arith.constant 0 : i32
      %parallel_loop3A_647 = arith.constant 64 : i32
      %parallel_loop3A_648 = arith.constant 1 : i32
      scf.for %parallel_loop3A_804 = %parallel_loop3A_646 to %parallel_loop3A_647 step %parallel_loop3A_648  : i32 {
        %parallel_loop3A_805 = arith.constant 3 : i32
        %parallel_loop3A_806 = arith.shrui %parallel_loop3A_804, %parallel_loop3A_805 : i32
        %parallel_loop3A_807 = arith.constant 7 : i32
        %parallel_loop3A_808 = arith.andi %parallel_loop3A_804, %parallel_loop3A_807 : i32
        %parallel_loop3A_809 = arith.constant 128 : i32
        %parallel_loop3A_810 = arith.muli %parallel_loop3A_808, %parallel_loop3A_809 : i32
        %parallel_loop3A_811 = arith.constant 0 : i32
        %parallel_loop3A_812 = arith.addi %parallel_loop3A_810, %parallel_loop3A_811 : i32
        %parallel_loop3A_813 = arith.constant 5 : i32
        %parallel_loop3A_814 = arith.index_cast %parallel_loop3A_813 : i32 to index
        %parallel_loop3A_815 = arith.index_cast %parallel_loop3A_806 : i32 to index
        %parallel_loop3A_816 = arith.index_cast %parallel_loop3A_812 : i32 to index
        %parallel_loop3A_817 = tpu.vector_load %arg5[%parallel_loop3A_814, %parallel_loop3A_815, %parallel_loop3A_816] {strides = array<i32>} : memref<8x8x1024xf32, #tpu.memory_space<vmem>>, vector<1x1x16xf32>,
        %parallel_loop3A_818 = vector.shape_cast %parallel_loop3A_817 : vector<1x1x16xf32> to vector<16xf32>
        %parallel_loop3A_819 = arith.constant 1 : i32
        %parallel_loop3A_820 = arith.index_cast %parallel_loop3A_819 : i32 to index
        %parallel_loop3A_821 = arith.index_cast %parallel_loop3A_806 : i32 to index
        %parallel_loop3A_822 = arith.index_cast %parallel_loop3A_812 : i32 to index
        %parallel_loop3A_823 = tpu.vector_load %arg6[%parallel_loop3A_820, %parallel_loop3A_821, %parallel_loop3A_822] {strides = array<i32>} : memref<2x8x1024xf32, #tpu.memory_space<vmem>>, vector<1x1x16xf32>,
        %parallel_loop3A_824 = vector.shape_cast %parallel_loop3A_823 : vector<1x1x16xf32> to vector<16xf32>
        %parallel_loop3A_825 = arith.addf %parallel_loop3A_818, %parallel_loop3A_824 : vector<16xf32>
        %parallel_loop3A_826 = arith.constant 5 : i32
        %parallel_loop3A_827 = arith.index_cast %parallel_loop3A_826 : i32 to index
        %parallel_loop3A_828 = arith.index_cast %parallel_loop3A_806 : i32 to index
        %parallel_loop3A_829 = arith.index_cast %parallel_loop3A_812 : i32 to index
        %parallel_loop3A_830 = tpu.vector_load %arg5[%parallel_loop3A_827, %parallel_loop3A_828, %parallel_loop3A_829] {strides = array<i32>} : memref<8x8x1024xf32, #tpu.memory_space<vmem>>, vector<1x1x16xf32>,
        %parallel_loop3A_831 = vector.shape_cast %parallel_loop3A_830 : vector<1x1x16xf32> to vector<16xf32>
        %parallel_loop3A_832 = vector.shape_cast %parallel_loop3A_825 : vector<16xf32> to vector<1x1x16xf32>
        tpu.vector_store %arg5[%parallel_loop3A_827, %parallel_loop3A_828, %parallel_loop3A_829], %parallel_loop3A_832 {strides = array<i32>} : memref<8x8x1024xf32, #tpu.memory_space<vmem>>, vector<1x1x16xf32>,
        %parallel_loop3A_833 = arith.constant 16 : i32
        %parallel_loop3A_834 = arith.addi %parallel_loop3A_810, %parallel_loop3A_833 : i32
        %parallel_loop3A_835 = arith.constant 5 : i32
        %parallel_loop3A_836 = arith.index_cast %parallel_loop3A_835 : i32 to index
        %parallel_loop3A_837 = arith.index_cast %parallel_loop3A_806 : i32 to index
        %parallel_loop3A_838 = arith.index_cast %parallel_loop3A_834 : i32 to index
        %parallel_loop3A_839 = tpu.vector_load %arg5[%parallel_loop3A_836, %parallel_loop3A_837, %parallel_loop3A_838] {strides = array<i32>} : memref<8x8x1024xf32, #tpu.memory_space<vmem>>, vector<1x1x16xf32>,
        %parallel_loop3A_840 = vector.shape_cast %parallel_loop3A_839 : vector<1x1x16xf32> to vector<16xf32>
        %parallel_loop3A_841 = arith.constant 1 : i32
        %parallel_loop3A_842 = arith.index_cast %parallel_loop3A_841 : i32 to index
        %parallel_loop3A_843 = arith.index_cast %parallel_loop3A_806 : i32 to index
        %parallel_loop3A_844 = arith.index_cast %parallel_loop3A_834 : i32 to index
        %parallel_loop3A_845 = tpu.vector_load %arg6[%parallel_loop3A_842, %parallel_loop3A_843, %parallel_loop3A_844] {strides = array<i32>} : memref<2x8x1024xf32, #tpu.memory_space<vmem>>, vector<1x1x16xf32>,
        %parallel_loop3A_846 = vector.shape_cast %parallel_loop3A_845 : vector<1x1x16xf32> to vector<16xf32>
        %parallel_loop3A_847 = arith.addf %parallel_loop3A_840, %parallel_loop3A_846 : vector<16xf32>
        %parallel_loop3A_848 = arith.constant 5 : i32
        %parallel_loop3A_849 = arith.index_cast %parallel_loop3A_848 : i32 to index
        %parallel_loop3A_850 = arith.index_cast %parallel_loop3A_806 : i32 to index
        %parallel_loop3A_851 = arith.index_cast %parallel_loop3A_834 : i32 to index
        %parallel_loop3A_852 = tpu.vector_load %arg5[%parallel_loop3A_849, %parallel_loop3A_850, %parallel_loop3A_851] {strides = array<i32>} : memref<8x8x1024xf32, #tpu.memory_space<vmem>>, vector<1x1x16xf32>,
        %parallel_loop3A_853 = vector.shape_cast %parallel_loop3A_852 : vector<1x1x16xf32> to vector<16xf32>
        %parallel_loop3A_854 = vector.shape_cast %parallel_loop3A_847 : vector<16xf32> to vector<1x1x16xf32>
        tpu.vector_store %arg5[%parallel_loop3A_849, %parallel_loop3A_850, %parallel_loop3A_851], %parallel_loop3A_854 {strides = array<i32>} : memref<8x8x1024xf32, #tpu.memory_space<vmem>>, vector<1x1x16xf32>,
        %parallel_loop3A_855 = arith.constant 32 : i32
        %parallel_loop3A_856 = arith.addi %parallel_loop3A_810, %parallel_loop3A_855 : i32
        %parallel_loop3A_857 = arith.constant 5 : i32
        %parallel_loop3A_858 = arith.index_cast %parallel_loop3A_857 : i32 to index
        %parallel_loop3A_859 = arith.index_cast %parallel_loop3A_806 : i32 to index
        %parallel_loop3A_860 = arith.index_cast %parallel_loop3A_856 : i32 to index
        %parallel_loop3A_861 = tpu.vector_load %arg5[%parallel_loop3A_858, %parallel_loop3A_859, %parallel_loop3A_860] {strides = array<i32>} : memref<8x8x1024xf32, #tpu.memory_space<vmem>>, vector<1x1x16xf32>,
        %parallel_loop3A_862 = vector.shape_cast %parallel_loop3A_861 : vector<1x1x16xf32> to vector<16xf32>
        %parallel_loop3A_863 = arith.constant 1 : i32
        %parallel_loop3A_864 = arith.index_cast %parallel_loop3A_863 : i32 to index
        %parallel_loop3A_865 = arith.index_cast %parallel_loop3A_806 : i32 to index
        %parallel_loop3A_866 = arith.index_cast %parallel_loop3A_856 : i32 to index
        %parallel_loop3A_867 = tpu.vector_load %arg6[%parallel_loop3A_864, %parallel_loop3A_865, %parallel_loop3A_866] {strides = array<i32>} : memref<2x8x1024xf32, #tpu.memory_space<vmem>>, vector<1x1x16xf32>,
        %parallel_loop3A_868 = vector.shape_cast %parallel_loop3A_867 : vector<1x1x16xf32> to vector<16xf32>
        %parallel_loop3A_869 = arith.addf %parallel_loop3A_862, %parallel_loop3A_868 : vector<16xf32>
        %parallel_loop3A_870 = arith.constant 5 : i32
        %parallel_loop3A_871 = arith.index_cast %parallel_loop3A_870 : i32 to index
        %parallel_loop3A_872 = arith.index_cast %parallel_loop3A_806 : i32 to index
        %parallel_loop3A_873 = arith.index_cast %parallel_loop3A_856 : i32 to index
        %parallel_loop3A_874 = tpu.vector_load %arg5[%parallel_loop3A_871, %parallel_loop3A_872, %parallel_loop3A_873] {strides = array<i32>} : memref<8x8x1024xf32, #tpu.memory_space<vmem>>, vector<1x1x16xf32>,
        %parallel_loop3A_875 = vector.shape_cast %parallel_loop3A_874 : vector<1x1x16xf32> to vector<16xf32>
        %parallel_loop3A_876 = vector.shape_cast %parallel_loop3A_869 : vector<16xf32> to vector<1x1x16xf32>
        tpu.vector_store %arg5[%parallel_loop3A_871, %parallel_loop3A_872, %parallel_loop3A_873], %parallel_loop3A_876 {strides = array<i32>} : memref<8x8x1024xf32, #tpu.memory_space<vmem>>, vector<1x1x16xf32>,
        %parallel_loop3A_877 = arith.constant 48 : i32
        %parallel_loop3A_878 = arith.addi %parallel_loop3A_810, %parallel_loop3A_877 : i32
        %parallel_loop3A_879 = arith.constant 5 : i32
        %parallel_loop3A_880 = arith.index_cast %parallel_loop3A_879 : i32 to index
        %parallel_loop3A_881 = arith.index_cast %parallel_loop3A_806 : i32 to index
        %parallel_loop3A_882 = arith.index_cast %parallel_loop3A_878 : i32 to index
        %parallel_loop3A_883 = tpu.vector_load %arg5[%parallel_loop3A_880, %parallel_loop3A_881, %parallel_loop3A_882] {strides = array<i32>} : memref<8x8x1024xf32, #tpu.memory_space<vmem>>, vector<1x1x16xf32>,
        %parallel_loop3A_884 = vector.shape_cast %parallel_loop3A_883 : vector<1x1x16xf32> to vector<16xf32>
        %parallel_loop3A_885 = arith.constant 1 : i32
        %parallel_loop3A_886 = arith.index_cast %parallel_loop3A_885 : i32 to index
        %parallel_loop3A_887 = arith.index_cast %parallel_loop3A_806 : i32 to index
        %parallel_loop3A_888 = arith.index_cast %parallel_loop3A_878 : i32 to index
        %parallel_loop3A_889 = tpu.vector_load %arg6[%parallel_loop3A_886, %parallel_loop3A_887, %parallel_loop3A_888] {strides = array<i32>} : memref<2x8x1024xf32, #tpu.memory_space<vmem>>, vector<1x1x16xf32>,
        %parallel_loop3A_890 = vector.shape_cast %parallel_loop3A_889 : vector<1x1x16xf32> to vector<16xf32>
        %parallel_loop3A_891 = arith.addf %parallel_loop3A_884, %parallel_loop3A_890 : vector<16xf32>
        %parallel_loop3A_892 = arith.constant 5 : i32
        %parallel_loop3A_893 = arith.index_cast %parallel_loop3A_892 : i32 to index
        %parallel_loop3A_894 = arith.index_cast %parallel_loop3A_806 : i32 to index
        %parallel_loop3A_895 = arith.index_cast %parallel_loop3A_878 : i32 to index
        %parallel_loop3A_896 = tpu.vector_load %arg5[%parallel_loop3A_893, %parallel_loop3A_894, %parallel_loop3A_895] {strides = array<i32>} : memref<8x8x1024xf32, #tpu.memory_space<vmem>>, vector<1x1x16xf32>,
        %parallel_loop3A_897 = vector.shape_cast %parallel_loop3A_896 : vector<1x1x16xf32> to vector<16xf32>
        %parallel_loop3A_898 = vector.shape_cast %parallel_loop3A_891 : vector<16xf32> to vector<1x1x16xf32>
        tpu.vector_store %arg5[%parallel_loop3A_893, %parallel_loop3A_894, %parallel_loop3A_895], %parallel_loop3A_898 {strides = array<i32>} : memref<8x8x1024xf32, #tpu.memory_space<vmem>>, vector<1x1x16xf32>,
        %parallel_loop3A_899 = arith.constant 64 : i32
        %parallel_loop3A_900 = arith.addi %parallel_loop3A_810, %parallel_loop3A_899 : i32
        %parallel_loop3A_901 = arith.constant 5 : i32
        %parallel_loop3A_902 = arith.index_cast %parallel_loop3A_901 : i32 to index
        %parallel_loop3A_903 = arith.index_cast %parallel_loop3A_806 : i32 to index
        %parallel_loop3A_904 = arith.index_cast %parallel_loop3A_900 : i32 to index
        %parallel_loop3A_905 = tpu.vector_load %arg5[%parallel_loop3A_902, %parallel_loop3A_903, %parallel_loop3A_904] {strides = array<i32>} : memref<8x8x1024xf32, #tpu.memory_space<vmem>>, vector<1x1x16xf32>,
        %parallel_loop3A_906 = vector.shape_cast %parallel_loop3A_905 : vector<1x1x16xf32> to vector<16xf32>
        %parallel_loop3A_907 = arith.constant 1 : i32
        %parallel_loop3A_908 = arith.index_cast %parallel_loop3A_907 : i32 to index
        %parallel_loop3A_909 = arith.index_cast %parallel_loop3A_806 : i32 to index
        %parallel_loop3A_910 = arith.index_cast %parallel_loop3A_900 : i32 to index
        %parallel_loop3A_911 = tpu.vector_load %arg6[%parallel_loop3A_908, %parallel_loop3A_909, %parallel_loop3A_910] {strides = array<i32>} : memref<2x8x1024xf32, #tpu.memory_space<vmem>>, vector<1x1x16xf32>,
        %parallel_loop3A_912 = vector.shape_cast %parallel_loop3A_911 : vector<1x1x16xf32> to vector<16xf32>
        %parallel_loop3A_913 = arith.addf %parallel_loop3A_906, %parallel_loop3A_912 : vector<16xf32>
        %parallel_loop3A_914 = arith.constant 5 : i32
        %parallel_loop3A_915 = arith.index_cast %parallel_loop3A_914 : i32 to index
        %parallel_loop3A_916 = arith.index_cast %parallel_loop3A_806 : i32 to index
        %parallel_loop3A_917 = arith.index_cast %parallel_loop3A_900 : i32 to index
        %parallel_loop3A_918 = tpu.vector_load %arg5[%parallel_loop3A_915, %parallel_loop3A_916, %parallel_loop3A_917] {strides = array<i32>} : memref<8x8x1024xf32, #tpu.memory_space<vmem>>, vector<1x1x16xf32>,
        %parallel_loop3A_919 = vector.shape_cast %parallel_loop3A_918 : vector<1x1x16xf32> to vector<16xf32>
        %parallel_loop3A_920 = vector.shape_cast %parallel_loop3A_913 : vector<16xf32> to vector<1x1x16xf32>
        tpu.vector_store %arg5[%parallel_loop3A_915, %parallel_loop3A_916, %parallel_loop3A_917], %parallel_loop3A_920 {strides = array<i32>} : memref<8x8x1024xf32, #tpu.memory_space<vmem>>, vector<1x1x16xf32>,
        %parallel_loop3A_921 = arith.constant 80 : i32
        %parallel_loop3A_922 = arith.addi %parallel_loop3A_810, %parallel_loop3A_921 : i32
        %parallel_loop3A_923 = arith.constant 5 : i32
        %parallel_loop3A_924 = arith.index_cast %parallel_loop3A_923 : i32 to index
        %parallel_loop3A_925 = arith.index_cast %parallel_loop3A_806 : i32 to index
        %parallel_loop3A_926 = arith.index_cast %parallel_loop3A_922 : i32 to index
        %parallel_loop3A_927 = tpu.vector_load %arg5[%parallel_loop3A_924, %parallel_loop3A_925, %parallel_loop3A_926] {strides = array<i32>} : memref<8x8x1024xf32, #tpu.memory_space<vmem>>, vector<1x1x16xf32>,
        %parallel_loop3A_928 = vector.shape_cast %parallel_loop3A_927 : vector<1x1x16xf32> to vector<16xf32>
        %parallel_loop3A_929 = arith.constant 1 : i32
        %parallel_loop3A_930 = arith.index_cast %parallel_loop3A_929 : i32 to index
        %parallel_loop3A_931 = arith.index_cast %parallel_loop3A_806 : i32 to index
        %parallel_loop3A_932 = arith.index_cast %parallel_loop3A_922 : i32 to index
        %parallel_loop3A_933 = tpu.vector_load %arg6[%parallel_loop3A_930, %parallel_loop3A_931, %parallel_loop3A_932] {strides = array<i32>} : memref<2x8x1024xf32, #tpu.memory_space<vmem>>, vector<1x1x16xf32>,
        %parallel_loop3A_934 = vector.shape_cast %parallel_loop3A_933 : vector<1x1x16xf32> to vector<16xf32>
        %parallel_loop3A_935 = arith.addf %parallel_loop3A_928, %parallel_loop3A_934 : vector<16xf32>
        %parallel_loop3A_936 = arith.constant 5 : i32
        %parallel_loop3A_937 = arith.index_cast %parallel_loop3A_936 : i32 to index
        %parallel_loop3A_938 = arith.index_cast %parallel_loop3A_806 : i32 to index
        %parallel_loop3A_939 = arith.index_cast %parallel_loop3A_922 : i32 to index
        %parallel_loop3A_940 = tpu.vector_load %arg5[%parallel_loop3A_937, %parallel_loop3A_938, %parallel_loop3A_939] {strides = array<i32>} : memref<8x8x1024xf32, #tpu.memory_space<vmem>>, vector<1x1x16xf32>,
        %parallel_loop3A_941 = vector.shape_cast %parallel_loop3A_940 : vector<1x1x16xf32> to vector<16xf32>
        %parallel_loop3A_942 = vector.shape_cast %parallel_loop3A_935 : vector<16xf32> to vector<1x1x16xf32>
        tpu.vector_store %arg5[%parallel_loop3A_937, %parallel_loop3A_938, %parallel_loop3A_939], %parallel_loop3A_942 {strides = array<i32>} : memref<8x8x1024xf32, #tpu.memory_space<vmem>>, vector<1x1x16xf32>,
        %parallel_loop3A_943 = arith.constant 96 : i32
        %parallel_loop3A_944 = arith.addi %parallel_loop3A_810, %parallel_loop3A_943 : i32
        %parallel_loop3A_945 = arith.constant 5 : i32
        %parallel_loop3A_946 = arith.index_cast %parallel_loop3A_945 : i32 to index
        %parallel_loop3A_947 = arith.index_cast %parallel_loop3A_806 : i32 to index
        %parallel_loop3A_948 = arith.index_cast %parallel_loop3A_944 : i32 to index
        %parallel_loop3A_949 = tpu.vector_load %arg5[%parallel_loop3A_946, %parallel_loop3A_947, %parallel_loop3A_948] {strides = array<i32>} : memref<8x8x1024xf32, #tpu.memory_space<vmem>>, vector<1x1x16xf32>,
        %parallel_loop3A_950 = vector.shape_cast %parallel_loop3A_949 : vector<1x1x16xf32> to vector<16xf32>
        %parallel_loop3A_951 = arith.constant 1 : i32
        %parallel_loop3A_952 = arith.index_cast %parallel_loop3A_951 : i32 to index
        %parallel_loop3A_953 = arith.index_cast %parallel_loop3A_806 : i32 to index
        %parallel_loop3A_954 = arith.index_cast %parallel_loop3A_944 : i32 to index
        %parallel_loop3A_955 = tpu.vector_load %arg6[%parallel_loop3A_952, %parallel_loop3A_953, %parallel_loop3A_954] {strides = array<i32>} : memref<2x8x1024xf32, #tpu.memory_space<vmem>>, vector<1x1x16xf32>,
        %parallel_loop3A_956 = vector.shape_cast %parallel_loop3A_955 : vector<1x1x16xf32> to vector<16xf32>
        %parallel_loop3A_957 = arith.addf %parallel_loop3A_950, %parallel_loop3A_956 : vector<16xf32>
        %parallel_loop3A_958 = arith.constant 5 : i32
        %parallel_loop3A_959 = arith.index_cast %parallel_loop3A_958 : i32 to index
        %parallel_loop3A_960 = arith.index_cast %parallel_loop3A_806 : i32 to index
        %parallel_loop3A_961 = arith.index_cast %parallel_loop3A_944 : i32 to index
        %parallel_loop3A_962 = tpu.vector_load %arg5[%parallel_loop3A_959, %parallel_loop3A_960, %parallel_loop3A_961] {strides = array<i32>} : memref<8x8x1024xf32, #tpu.memory_space<vmem>>, vector<1x1x16xf32>,
        %parallel_loop3A_963 = vector.shape_cast %parallel_loop3A_962 : vector<1x1x16xf32> to vector<16xf32>
        %parallel_loop3A_964 = vector.shape_cast %parallel_loop3A_957 : vector<16xf32> to vector<1x1x16xf32>
        tpu.vector_store %arg5[%parallel_loop3A_959, %parallel_loop3A_960, %parallel_loop3A_961], %parallel_loop3A_964 {strides = array<i32>} : memref<8x8x1024xf32, #tpu.memory_space<vmem>>, vector<1x1x16xf32>,
        %parallel_loop3A_965 = arith.constant 112 : i32
        %parallel_loop3A_966 = arith.addi %parallel_loop3A_810, %parallel_loop3A_965 : i32
        %parallel_loop3A_967 = arith.constant 5 : i32
        %parallel_loop3A_968 = arith.index_cast %parallel_loop3A_967 : i32 to index
        %parallel_loop3A_969 = arith.index_cast %parallel_loop3A_806 : i32 to index
        %parallel_loop3A_970 = arith.index_cast %parallel_loop3A_966 : i32 to index
        %parallel_loop3A_971 = tpu.vector_load %arg5[%parallel_loop3A_968, %parallel_loop3A_969, %parallel_loop3A_970] {strides = array<i32>} : memref<8x8x1024xf32, #tpu.memory_space<vmem>>, vector<1x1x16xf32>,
        %parallel_loop3A_972 = vector.shape_cast %parallel_loop3A_971 : vector<1x1x16xf32> to vector<16xf32>
        %parallel_loop3A_973 = arith.constant 1 : i32
        %parallel_loop3A_974 = arith.index_cast %parallel_loop3A_973 : i32 to index
        %parallel_loop3A_975 = arith.index_cast %parallel_loop3A_806 : i32 to index
        %parallel_loop3A_976 = arith.index_cast %parallel_loop3A_966 : i32 to index
        %parallel_loop3A_977 = tpu.vector_load %arg6[%parallel_loop3A_974, %parallel_loop3A_975, %parallel_loop3A_976] {strides = array<i32>} : memref<2x8x1024xf32, #tpu.memory_space<vmem>>, vector<1x1x16xf32>,
        %parallel_loop3A_978 = vector.shape_cast %parallel_loop3A_977 : vector<1x1x16xf32> to vector<16xf32>
        %parallel_loop3A_979 = arith.addf %parallel_loop3A_972, %parallel_loop3A_978 : vector<16xf32>
        %parallel_loop3A_980 = arith.constant 5 : i32
        %parallel_loop3A_981 = arith.index_cast %parallel_loop3A_980 : i32 to index
        %parallel_loop3A_982 = arith.index_cast %parallel_loop3A_806 : i32 to index
        %parallel_loop3A_983 = arith.index_cast %parallel_loop3A_966 : i32 to index
        %parallel_loop3A_984 = tpu.vector_load %arg5[%parallel_loop3A_981, %parallel_loop3A_982, %parallel_loop3A_983] {strides = array<i32>} : memref<8x8x1024xf32, #tpu.memory_space<vmem>>, vector<1x1x16xf32>,
        %parallel_loop3A_985 = vector.shape_cast %parallel_loop3A_984 : vector<1x1x16xf32> to vector<16xf32>
        %parallel_loop3A_986 = vector.shape_cast %parallel_loop3A_979 : vector<16xf32> to vector<1x1x16xf32>
        tpu.vector_store %arg5[%parallel_loop3A_981, %parallel_loop3A_982, %parallel_loop3A_983], %parallel_loop3A_986 {strides = array<i32>} : memref<8x8x1024xf32, #tpu.memory_space<vmem>>, vector<1x1x16xf32>,
      } {sc.loop_unroll_factor = 4 : i64, sc.parallel_access}
      %add3A_649 = arith.constant 4096 : i32
      %add3A_650 = arith.addi %add3A_649, %mul3A_2 : i32
      %mul3A_651 = arith.constant 8 : i32
      %mul3A_652 = arith.muli %add3A_539, %mul3A_651 : i32
      %add3A_653 = arith.addi %add3A_650, %mul3A_652 : i32
      %dma_start3A_654 = arith.constant 5 : i32
      %dma_start3A_655 = arith.constant 1 : i32
      %dma_start3A_656 = arith.constant 1 : i32
      %dma_start3A_657 = arith.constant 0 : i32
      %dma_start3A_658 = arith.constant 0 : i32
      %dma_start3A_659 = tpu.memref_slice %arg5[%dma_start3A_654, %dma_start3A_657, %dma_start3A_658] : memref<8x8x1024xf32, #tpu.memory_space<vmem>> -> memref<1x8x1024xf32, #tpu.memory_space<vmem>>
      %dma_start3A_660 = tpu.memref_squeeze %dma_start3A_659 : memref<1x8x1024xf32, #tpu.memory_space<vmem>> -> memref<8x1024xf32, #tpu.memory_space<vmem>>
      %dma_start3A_661 = arith.constant 0 : i32
      %dma_start3A_662 = tpu.memref_slice %arg4[%add3A_653, %dma_start3A_661] : memref<16384x1024xf32, #tpu.memory_space<hbm>> -> memref<8x1024xf32, #tpu.memory_space<hbm>>
      %dma_start3A_663 = tpu.memref_slice %arg9[%dma_start3A_655, %dma_start3A_656] : memref<2x4x!tpu.dma_semaphore, #tpu.memory_space<semaphore_mem>> -> memref<1x1x!tpu.dma_semaphore, #tpu.memory_space<semaphore_mem>>
      %dma_start3A_664 = tpu.memref_squeeze %dma_start3A_663 : memref<1x1x!tpu.dma_semaphore, #tpu.memory_space<semaphore_mem>> -> memref<!tpu.dma_semaphore, #tpu.memory_space<semaphore_mem>>
      %dma_start3A_665 = arith.constant 0 : i32
      %dma_start3A_666 = tpu.memref_slice %arg4[%add3A_653, %dma_start3A_665] : memref<16384x1024xf32, #tpu.memory_space<hbm>> -> memref<8x1024xf32, #tpu.memory_space<hbm>>
      %dma_start3A_667 = arith.constant 0 : i32
      %dma_start3A_668 = arith.constant 0 : i32
      %dma_start3A_669 = tpu.memref_slice %arg5[%dma_start3A_654, %dma_start3A_667, %dma_start3A_668] : memref<8x8x1024xf32, #tpu.memory_space<vmem>> -> memref<1x8x1024xf32, #tpu.memory_space<vmem>>
      %dma_start3A_670 = tpu.memref_squeeze %dma_start3A_669 : memref<1x8x1024xf32, #tpu.memory_space<vmem>> -> memref<8x1024xf32, #tpu.memory_space<vmem>>
      tpu.enqueue_dma source(%dma_start3A_670 : memref<8x1024xf32, #tpu.memory_space<vmem>>) target(%dma_start3A_666 : memref<8x1024xf32, #tpu.memory_space<hbm>>) target_semaphore(%dma_start3A_664 : memref<!tpu.dma_semaphore, #tpu.memory_space<semaphore_mem>>)
      %eq3A_671 = arith.constant 0 : i32
      %eq3A_672 = arith.cmpi eq, %add3A_539, %eq3A_671 : i32
      %convert_element_type3A_673 = arith.extui %eq3A_672 : i1 to i32
      %cond3A_674 = arith.constant 0 : i32
      %cond3A_675 = arith.cmpi ne, %convert_element_type3A_673, %cond3A_674 : i32
      scf.if %cond3A_675 {
        %add3A_804 = arith.constant 4096 : i32
        %add3A_805 = arith.addi %add3A_804, %mul3A_2 : i32
        %add3A_806 = arith.constant 8 : i32
        %add3A_807 = arith.addi %add3A_805, %add3A_806 : i32
        %dma_start3A_808 = arith.constant 5 : i32
        %dma_start3A_809 = arith.constant 1 : i32
        %dma_start3A_810 = arith.constant 1 : i32
        %dma_start3A_811 = arith.constant 0 : i32
        %dma_start3A_812 = arith.constant 0 : i32
        %dma_start3A_813 = tpu.memref_slice %arg5[%dma_start3A_808, %dma_start3A_811, %dma_start3A_812] : memref<8x8x1024xf32, #tpu.memory_space<vmem>> -> memref<1x8x1024xf32, #tpu.memory_space<vmem>>
        %dma_start3A_814 = tpu.memref_squeeze %dma_start3A_813 : memref<1x8x1024xf32, #tpu.memory_space<vmem>> -> memref<8x1024xf32, #tpu.memory_space<vmem>>
        %dma_start3A_815 = arith.constant 0 : i32
        %dma_start3A_816 = tpu.memref_slice %arg2[%add3A_807, %dma_start3A_815] : memref<16384x1024xf32, #tpu.memory_space<hbm>> -> memref<8x1024xf32, #tpu.memory_space<hbm>>
        %dma_start3A_817 = tpu.memref_slice %arg7[%dma_start3A_809, %dma_start3A_810] : memref<2x4x!tpu.dma_semaphore, #tpu.memory_space<semaphore_mem>> -> memref<1x1x!tpu.dma_semaphore, #tpu.memory_space<semaphore_mem>>
        %dma_start3A_818 = tpu.memref_squeeze %dma_start3A_817 : memref<1x1x!tpu.dma_semaphore, #tpu.memory_space<semaphore_mem>> -> memref<!tpu.dma_semaphore, #tpu.memory_space<semaphore_mem>>
        %dma_start3A_819 = arith.constant 0 : i32
        %dma_start3A_820 = arith.constant 0 : i32
        %dma_start3A_821 = tpu.memref_slice %arg5[%dma_start3A_808, %dma_start3A_819, %dma_start3A_820] : memref<8x8x1024xf32, #tpu.memory_space<vmem>> -> memref<1x8x1024xf32, #tpu.memory_space<vmem>>
        %dma_start3A_822 = tpu.memref_squeeze %dma_start3A_821 : memref<1x8x1024xf32, #tpu.memory_space<vmem>> -> memref<8x1024xf32, #tpu.memory_space<vmem>>
        %dma_start3A_823 = arith.constant 0 : i32
        %dma_start3A_824 = tpu.memref_slice %arg2[%add3A_807, %dma_start3A_823] : memref<16384x1024xf32, #tpu.memory_space<hbm>> -> memref<8x1024xf32, #tpu.memory_space<hbm>>
        tpu.enqueue_dma source(%dma_start3A_824 : memref<8x1024xf32, #tpu.memory_space<hbm>>) target(%dma_start3A_822 : memref<8x1024xf32, #tpu.memory_space<vmem>>) target_semaphore(%dma_start3A_818 : memref<!tpu.dma_semaphore, #tpu.memory_space<semaphore_mem>>)
      } else {
      }
      %ge3A_676 = arith.constant 1 : i32
      %ge3A_677 = arith.cmpi sge, %add3A_539, %ge3A_676 : i32
      %lt3A_678 = arith.constant 15 : i32
      %lt3A_679 = arith.cmpi slt, %add3A_539, %lt3A_678 : i32
      %and3A_680 = arith.andi %ge3A_677, %lt3A_679 : i1
      %convert_element_type3A_681 = arith.extui %and3A_680 : i1 to i32
      %cond3A_682 = arith.constant 0 : i32
      %cond3A_683 = arith.cmpi ne, %convert_element_type3A_681, %cond3A_682 : i32
      scf.if %cond3A_683 {
        %sub3A = arith.constant 1 : i32
        %sub3A_804 = arith.subi %add3A_539, %sub3A : i32
        %add3A_805 = arith.constant 4096 : i32
        %add3A_806 = arith.addi %add3A_805, %mul3A_2 : i32
        %mul3A_807 = arith.constant 8 : i32
        %mul3A_808 = arith.muli %sub3A_804, %mul3A_807 : i32
        %add3A_809 = arith.addi %add3A_806, %mul3A_808 : i32
        %dma_wait3A_810 = arith.constant 1 : i32
        %dma_wait3A_811 = arith.constant 0 : i32
        %dma_wait3A_812 = arith.constant 1 : i32
        %dma_wait3A_813 = arith.constant 0 : i32
        %dma_wait3A_814 = arith.constant 0 : i32
        %dma_wait3A_815 = tpu.memref_slice %arg5[%dma_wait3A_810, %dma_wait3A_813, %dma_wait3A_814] : memref<8x8x1024xf32, #tpu.memory_space<vmem>> -> memref<1x8x1024xf32, #tpu.memory_space<vmem>>
        %dma_wait3A_816 = tpu.memref_squeeze %dma_wait3A_815 : memref<1x8x1024xf32, #tpu.memory_space<vmem>> -> memref<8x1024xf32, #tpu.memory_space<vmem>>
        %dma_wait3A_817 = arith.constant 0 : i32
        %dma_wait3A_818 = tpu.memref_slice %arg4[%add3A_809, %dma_wait3A_817] : memref<16384x1024xf32, #tpu.memory_space<hbm>> -> memref<8x1024xf32, #tpu.memory_space<hbm>>
        %dma_wait3A_819 = tpu.memref_slice %arg9[%dma_wait3A_811, %dma_wait3A_812] : memref<2x4x!tpu.dma_semaphore, #tpu.memory_space<semaphore_mem>> -> memref<1x1x!tpu.dma_semaphore, #tpu.memory_space<semaphore_mem>>
        %dma_wait3A_820 = tpu.memref_squeeze %dma_wait3A_819 : memref<1x1x!tpu.dma_semaphore, #tpu.memory_space<semaphore_mem>> -> memref<!tpu.dma_semaphore, #tpu.memory_space<semaphore_mem>>
        %dma_wait3A_821 = arith.constant 0 : i32
        %dma_wait3A_822 = tpu.memref_slice %arg4[%add3A_809, %dma_wait3A_821] : memref<16384x1024xf32, #tpu.memory_space<hbm>> -> memref<8x1024xf32, #tpu.memory_space<hbm>>
        %dma_wait3A_823 = arith.constant 0 : i32
        %dma_wait3A_824 = arith.constant 0 : i32
        %dma_wait3A_825 = tpu.memref_slice %arg5[%dma_wait3A_810, %dma_wait3A_823, %dma_wait3A_824] : memref<8x8x1024xf32, #tpu.memory_space<vmem>> -> memref<1x8x1024xf32, #tpu.memory_space<vmem>>
        %dma_wait3A_826 = tpu.memref_squeeze %dma_wait3A_825 : memref<1x8x1024xf32, #tpu.memory_space<vmem>> -> memref<8x1024xf32, #tpu.memory_space<vmem>>
        tpu.wait_dma2 semaphore(%dma_wait3A_820 : memref<!tpu.dma_semaphore, #tpu.memory_space<semaphore_mem>>) src(%dma_wait3A_826 : memref<8x1024xf32, #tpu.memory_space<vmem>>) dst(%dma_wait3A_822 : memref<8x1024xf32, #tpu.memory_space<hbm>>)
        %add3A_827 = arith.constant 1 : i32
        %add3A_828 = arith.addi %add3A_539, %add3A_827 : i32
        %add3A_829 = arith.constant 4096 : i32
        %add3A_830 = arith.addi %add3A_829, %mul3A_2 : i32
        %mul3A_831 = arith.constant 8 : i32
        %mul3A_832 = arith.muli %add3A_828, %mul3A_831 : i32
        %add3A_833 = arith.addi %add3A_830, %mul3A_832 : i32
        %dma_start3A_834 = arith.constant 1 : i32
        %dma_start3A_835 = arith.constant 0 : i32
        %dma_start3A_836 = arith.constant 1 : i32
        %dma_start3A_837 = arith.constant 0 : i32
        %dma_start3A_838 = arith.constant 0 : i32
        %dma_start3A_839 = tpu.memref_slice %arg5[%dma_start3A_834, %dma_start3A_837, %dma_start3A_838] : memref<8x8x1024xf32, #tpu.memory_space<vmem>> -> memref<1x8x1024xf32, #tpu.memory_space<vmem>>
        %dma_start3A_840 = tpu.memref_squeeze %dma_start3A_839 : memref<1x8x1024xf32, #tpu.memory_space<vmem>> -> memref<8x1024xf32, #tpu.memory_space<vmem>>
        %dma_start3A_841 = arith.constant 0 : i32
        %dma_start3A_842 = tpu.memref_slice %arg2[%add3A_833, %dma_start3A_841] : memref<16384x1024xf32, #tpu.memory_space<hbm>> -> memref<8x1024xf32, #tpu.memory_space<hbm>>
        %dma_start3A_843 = tpu.memref_slice %arg7[%dma_start3A_835, %dma_start3A_836] : memref<2x4x!tpu.dma_semaphore, #tpu.memory_space<semaphore_mem>> -> memref<1x1x!tpu.dma_semaphore, #tpu.memory_space<semaphore_mem>>
        %dma_start3A_844 = tpu.memref_squeeze %dma_start3A_843 : memref<1x1x!tpu.dma_semaphore, #tpu.memory_space<semaphore_mem>> -> memref<!tpu.dma_semaphore, #tpu.memory_space<semaphore_mem>>
        %dma_start3A_845 = arith.constant 0 : i32
        %dma_start3A_846 = arith.constant 0 : i32
        %dma_start3A_847 = tpu.memref_slice %arg5[%dma_start3A_834, %dma_start3A_845, %dma_start3A_846] : memref<8x8x1024xf32, #tpu.memory_space<vmem>> -> memref<1x8x1024xf32, #tpu.memory_space<vmem>>
        %dma_start3A_848 = tpu.memref_squeeze %dma_start3A_847 : memref<1x8x1024xf32, #tpu.memory_space<vmem>> -> memref<8x1024xf32, #tpu.memory_space<vmem>>
        %dma_start3A_849 = arith.constant 0 : i32
        %dma_start3A_850 = tpu.memref_slice %arg2[%add3A_833, %dma_start3A_849] : memref<16384x1024xf32, #tpu.memory_space<hbm>> -> memref<8x1024xf32, #tpu.memory_space<hbm>>
        tpu.enqueue_dma source(%dma_start3A_850 : memref<8x1024xf32, #tpu.memory_space<hbm>>) target(%dma_start3A_848 : memref<8x1024xf32, #tpu.memory_space<vmem>>) target_semaphore(%dma_start3A_844 : memref<!tpu.dma_semaphore, #tpu.memory_space<semaphore_mem>>)
      } else {
      }
      %add3A_684 = arith.constant 8192 : i32
      %add3A_685 = arith.addi %add3A_684, %mul3A_2 : i32
      %mul3A_686 = arith.constant 8 : i32
      %mul3A_687 = arith.muli %add3A_539, %mul3A_686 : i32
      %add3A_688 = arith.addi %add3A_685, %mul3A_687 : i32
      %dma_wait3A_689 = arith.constant 6 : i32
      %dma_wait3A_690 = arith.constant 1 : i32
      %dma_wait3A_691 = arith.constant 2 : i32
      %dma_wait3A_692 = arith.constant 0 : i32
      %dma_wait3A_693 = arith.constant 0 : i32
      %dma_wait3A_694 = tpu.memref_slice %arg5[%dma_wait3A_689, %dma_wait3A_692, %dma_wait3A_693] : memref<8x8x1024xf32, #tpu.memory_space<vmem>> -> memref<1x8x1024xf32, #tpu.memory_space<vmem>>
      %dma_wait3A_695 = tpu.memref_squeeze %dma_wait3A_694 : memref<1x8x1024xf32, #tpu.memory_space<vmem>> -> memref<8x1024xf32, #tpu.memory_space<vmem>>
      %dma_wait3A_696 = arith.constant 0 : i32
      %dma_wait3A_697 = tpu.memref_slice %arg2[%add3A_688, %dma_wait3A_696] : memref<16384x1024xf32, #tpu.memory_space<hbm>> -> memref<8x1024xf32, #tpu.memory_space<hbm>>
      %dma_wait3A_698 = tpu.memref_slice %arg7[%dma_wait3A_690, %dma_wait3A_691] : memref<2x4x!tpu.dma_semaphore, #tpu.memory_space<semaphore_mem>> -> memref<1x1x!tpu.dma_semaphore, #tpu.memory_space<semaphore_mem>>
      %dma_wait3A_699 = tpu.memref_squeeze %dma_wait3A_698 : memref<1x1x!tpu.dma_semaphore, #tpu.memory_space<semaphore_mem>> -> memref<!tpu.dma_semaphore, #tpu.memory_space<semaphore_mem>>
      %dma_wait3A_700 = arith.constant 0 : i32
      %dma_wait3A_701 = arith.constant 0 : i32
      %dma_wait3A_702 = tpu.memref_slice %arg5[%dma_wait3A_689, %dma_wait3A_700, %dma_wait3A_701] : memref<8x8x1024xf32, #tpu.memory_space<vmem>> -> memref<1x8x1024xf32, #tpu.memory_space<vmem>>
      %dma_wait3A_703 = tpu.memref_squeeze %dma_wait3A_702 : memref<1x8x1024xf32, #tpu.memory_space<vmem>> -> memref<8x1024xf32, #tpu.memory_space<vmem>>
      %dma_wait3A_704 = arith.constant 0 : i32
      %dma_wait3A_705 = tpu.memref_slice %arg2[%add3A_688, %dma_wait3A_704] : memref<16384x1024xf32, #tpu.memory_space<hbm>> -> memref<8x1024xf32, #tpu.memory_space<hbm>>
      tpu.wait_dma2 semaphore(%dma_wait3A_699 : memref<!tpu.dma_semaphore, #tpu.memory_space<semaphore_mem>>) src(%dma_wait3A_705 : memref<8x1024xf32, #tpu.memory_space<hbm>>) dst(%dma_wait3A_703 : memref<8x1024xf32, #tpu.memory_space<vmem>>)
      %parallel_loop3A_706 = arith.constant 0 : i32
      %parallel_loop3A_707 = arith.constant 64 : i32
      %parallel_loop3A_708 = arith.constant 1 : i32
      scf.for %parallel_loop3A_804 = %parallel_loop3A_706 to %parallel_loop3A_707 step %parallel_loop3A_708  : i32 {
        %parallel_loop3A_805 = arith.constant 3 : i32
        %parallel_loop3A_806 = arith.shrui %parallel_loop3A_804, %parallel_loop3A_805 : i32
        %parallel_loop3A_807 = arith.constant 7 : i32
        %parallel_loop3A_808 = arith.andi %parallel_loop3A_804, %parallel_loop3A_807 : i32
        %parallel_loop3A_809 = arith.constant 128 : i32
        %parallel_loop3A_810 = arith.muli %parallel_loop3A_808, %parallel_loop3A_809 : i32
        %parallel_loop3A_811 = arith.constant 0 : i32
        %parallel_loop3A_812 = arith.addi %parallel_loop3A_810, %parallel_loop3A_811 : i32
        %parallel_loop3A_813 = arith.constant 6 : i32
        %parallel_loop3A_814 = arith.index_cast %parallel_loop3A_813 : i32 to index
        %parallel_loop3A_815 = arith.index_cast %parallel_loop3A_806 : i32 to index
        %parallel_loop3A_816 = arith.index_cast %parallel_loop3A_812 : i32 to index
        %parallel_loop3A_817 = tpu.vector_load %arg5[%parallel_loop3A_814, %parallel_loop3A_815, %parallel_loop3A_816] {strides = array<i32>} : memref<8x8x1024xf32, #tpu.memory_space<vmem>>, vector<1x1x16xf32>,
        %parallel_loop3A_818 = vector.shape_cast %parallel_loop3A_817 : vector<1x1x16xf32> to vector<16xf32>
        %parallel_loop3A_819 = arith.constant 1 : i32
        %parallel_loop3A_820 = arith.index_cast %parallel_loop3A_819 : i32 to index
        %parallel_loop3A_821 = arith.index_cast %parallel_loop3A_806 : i32 to index
        %parallel_loop3A_822 = arith.index_cast %parallel_loop3A_812 : i32 to index
        %parallel_loop3A_823 = tpu.vector_load %arg6[%parallel_loop3A_820, %parallel_loop3A_821, %parallel_loop3A_822] {strides = array<i32>} : memref<2x8x1024xf32, #tpu.memory_space<vmem>>, vector<1x1x16xf32>,
        %parallel_loop3A_824 = vector.shape_cast %parallel_loop3A_823 : vector<1x1x16xf32> to vector<16xf32>
        %parallel_loop3A_825 = arith.addf %parallel_loop3A_818, %parallel_loop3A_824 : vector<16xf32>
        %parallel_loop3A_826 = arith.constant 6 : i32
        %parallel_loop3A_827 = arith.index_cast %parallel_loop3A_826 : i32 to index
        %parallel_loop3A_828 = arith.index_cast %parallel_loop3A_806 : i32 to index
        %parallel_loop3A_829 = arith.index_cast %parallel_loop3A_812 : i32 to index
        %parallel_loop3A_830 = tpu.vector_load %arg5[%parallel_loop3A_827, %parallel_loop3A_828, %parallel_loop3A_829] {strides = array<i32>} : memref<8x8x1024xf32, #tpu.memory_space<vmem>>, vector<1x1x16xf32>,
        %parallel_loop3A_831 = vector.shape_cast %parallel_loop3A_830 : vector<1x1x16xf32> to vector<16xf32>
        %parallel_loop3A_832 = vector.shape_cast %parallel_loop3A_825 : vector<16xf32> to vector<1x1x16xf32>
        tpu.vector_store %arg5[%parallel_loop3A_827, %parallel_loop3A_828, %parallel_loop3A_829], %parallel_loop3A_832 {strides = array<i32>} : memref<8x8x1024xf32, #tpu.memory_space<vmem>>, vector<1x1x16xf32>,
        %parallel_loop3A_833 = arith.constant 16 : i32
        %parallel_loop3A_834 = arith.addi %parallel_loop3A_810, %parallel_loop3A_833 : i32
        %parallel_loop3A_835 = arith.constant 6 : i32
        %parallel_loop3A_836 = arith.index_cast %parallel_loop3A_835 : i32 to index
        %parallel_loop3A_837 = arith.index_cast %parallel_loop3A_806 : i32 to index
        %parallel_loop3A_838 = arith.index_cast %parallel_loop3A_834 : i32 to index
        %parallel_loop3A_839 = tpu.vector_load %arg5[%parallel_loop3A_836, %parallel_loop3A_837, %parallel_loop3A_838] {strides = array<i32>} : memref<8x8x1024xf32, #tpu.memory_space<vmem>>, vector<1x1x16xf32>,
        %parallel_loop3A_840 = vector.shape_cast %parallel_loop3A_839 : vector<1x1x16xf32> to vector<16xf32>
        %parallel_loop3A_841 = arith.constant 1 : i32
        %parallel_loop3A_842 = arith.index_cast %parallel_loop3A_841 : i32 to index
        %parallel_loop3A_843 = arith.index_cast %parallel_loop3A_806 : i32 to index
        %parallel_loop3A_844 = arith.index_cast %parallel_loop3A_834 : i32 to index
        %parallel_loop3A_845 = tpu.vector_load %arg6[%parallel_loop3A_842, %parallel_loop3A_843, %parallel_loop3A_844] {strides = array<i32>} : memref<2x8x1024xf32, #tpu.memory_space<vmem>>, vector<1x1x16xf32>,
        %parallel_loop3A_846 = vector.shape_cast %parallel_loop3A_845 : vector<1x1x16xf32> to vector<16xf32>
        %parallel_loop3A_847 = arith.addf %parallel_loop3A_840, %parallel_loop3A_846 : vector<16xf32>
        %parallel_loop3A_848 = arith.constant 6 : i32
        %parallel_loop3A_849 = arith.index_cast %parallel_loop3A_848 : i32 to index
        %parallel_loop3A_850 = arith.index_cast %parallel_loop3A_806 : i32 to index
        %parallel_loop3A_851 = arith.index_cast %parallel_loop3A_834 : i32 to index
        %parallel_loop3A_852 = tpu.vector_load %arg5[%parallel_loop3A_849, %parallel_loop3A_850, %parallel_loop3A_851] {strides = array<i32>} : memref<8x8x1024xf32, #tpu.memory_space<vmem>>, vector<1x1x16xf32>,
        %parallel_loop3A_853 = vector.shape_cast %parallel_loop3A_852 : vector<1x1x16xf32> to vector<16xf32>
        %parallel_loop3A_854 = vector.shape_cast %parallel_loop3A_847 : vector<16xf32> to vector<1x1x16xf32>
        tpu.vector_store %arg5[%parallel_loop3A_849, %parallel_loop3A_850, %parallel_loop3A_851], %parallel_loop3A_854 {strides = array<i32>} : memref<8x8x1024xf32, #tpu.memory_space<vmem>>, vector<1x1x16xf32>,
        %parallel_loop3A_855 = arith.constant 32 : i32
        %parallel_loop3A_856 = arith.addi %parallel_loop3A_810, %parallel_loop3A_855 : i32
        %parallel_loop3A_857 = arith.constant 6 : i32
        %parallel_loop3A_858 = arith.index_cast %parallel_loop3A_857 : i32 to index
        %parallel_loop3A_859 = arith.index_cast %parallel_loop3A_806 : i32 to index
        %parallel_loop3A_860 = arith.index_cast %parallel_loop3A_856 : i32 to index
        %parallel_loop3A_861 = tpu.vector_load %arg5[%parallel_loop3A_858, %parallel_loop3A_859, %parallel_loop3A_860] {strides = array<i32>} : memref<8x8x1024xf32, #tpu.memory_space<vmem>>, vector<1x1x16xf32>,
        %parallel_loop3A_862 = vector.shape_cast %parallel_loop3A_861 : vector<1x1x16xf32> to vector<16xf32>
        %parallel_loop3A_863 = arith.constant 1 : i32
        %parallel_loop3A_864 = arith.index_cast %parallel_loop3A_863 : i32 to index
        %parallel_loop3A_865 = arith.index_cast %parallel_loop3A_806 : i32 to index
        %parallel_loop3A_866 = arith.index_cast %parallel_loop3A_856 : i32 to index
        %parallel_loop3A_867 = tpu.vector_load %arg6[%parallel_loop3A_864, %parallel_loop3A_865, %parallel_loop3A_866] {strides = array<i32>} : memref<2x8x1024xf32, #tpu.memory_space<vmem>>, vector<1x1x16xf32>,
        %parallel_loop3A_868 = vector.shape_cast %parallel_loop3A_867 : vector<1x1x16xf32> to vector<16xf32>
        %parallel_loop3A_869 = arith.addf %parallel_loop3A_862, %parallel_loop3A_868 : vector<16xf32>
        %parallel_loop3A_870 = arith.constant 6 : i32
        %parallel_loop3A_871 = arith.index_cast %parallel_loop3A_870 : i32 to index
        %parallel_loop3A_872 = arith.index_cast %parallel_loop3A_806 : i32 to index
        %parallel_loop3A_873 = arith.index_cast %parallel_loop3A_856 : i32 to index
        %parallel_loop3A_874 = tpu.vector_load %arg5[%parallel_loop3A_871, %parallel_loop3A_872, %parallel_loop3A_873] {strides = array<i32>} : memref<8x8x1024xf32, #tpu.memory_space<vmem>>, vector<1x1x16xf32>,
        %parallel_loop3A_875 = vector.shape_cast %parallel_loop3A_874 : vector<1x1x16xf32> to vector<16xf32>
        %parallel_loop3A_876 = vector.shape_cast %parallel_loop3A_869 : vector<16xf32> to vector<1x1x16xf32>
        tpu.vector_store %arg5[%parallel_loop3A_871, %parallel_loop3A_872, %parallel_loop3A_873], %parallel_loop3A_876 {strides = array<i32>} : memref<8x8x1024xf32, #tpu.memory_space<vmem>>, vector<1x1x16xf32>,
        %parallel_loop3A_877 = arith.constant 48 : i32
        %parallel_loop3A_878 = arith.addi %parallel_loop3A_810, %parallel_loop3A_877 : i32
        %parallel_loop3A_879 = arith.constant 6 : i32
        %parallel_loop3A_880 = arith.index_cast %parallel_loop3A_879 : i32 to index
        %parallel_loop3A_881 = arith.index_cast %parallel_loop3A_806 : i32 to index
        %parallel_loop3A_882 = arith.index_cast %parallel_loop3A_878 : i32 to index
        %parallel_loop3A_883 = tpu.vector_load %arg5[%parallel_loop3A_880, %parallel_loop3A_881, %parallel_loop3A_882] {strides = array<i32>} : memref<8x8x1024xf32, #tpu.memory_space<vmem>>, vector<1x1x16xf32>,
        %parallel_loop3A_884 = vector.shape_cast %parallel_loop3A_883 : vector<1x1x16xf32> to vector<16xf32>
        %parallel_loop3A_885 = arith.constant 1 : i32
        %parallel_loop3A_886 = arith.index_cast %parallel_loop3A_885 : i32 to index
        %parallel_loop3A_887 = arith.index_cast %parallel_loop3A_806 : i32 to index
        %parallel_loop3A_888 = arith.index_cast %parallel_loop3A_878 : i32 to index
        %parallel_loop3A_889 = tpu.vector_load %arg6[%parallel_loop3A_886, %parallel_loop3A_887, %parallel_loop3A_888] {strides = array<i32>} : memref<2x8x1024xf32, #tpu.memory_space<vmem>>, vector<1x1x16xf32>,
        %parallel_loop3A_890 = vector.shape_cast %parallel_loop3A_889 : vector<1x1x16xf32> to vector<16xf32>
        %parallel_loop3A_891 = arith.addf %parallel_loop3A_884, %parallel_loop3A_890 : vector<16xf32>
        %parallel_loop3A_892 = arith.constant 6 : i32
        %parallel_loop3A_893 = arith.index_cast %parallel_loop3A_892 : i32 to index
        %parallel_loop3A_894 = arith.index_cast %parallel_loop3A_806 : i32 to index
        %parallel_loop3A_895 = arith.index_cast %parallel_loop3A_878 : i32 to index
        %parallel_loop3A_896 = tpu.vector_load %arg5[%parallel_loop3A_893, %parallel_loop3A_894, %parallel_loop3A_895] {strides = array<i32>} : memref<8x8x1024xf32, #tpu.memory_space<vmem>>, vector<1x1x16xf32>,
        %parallel_loop3A_897 = vector.shape_cast %parallel_loop3A_896 : vector<1x1x16xf32> to vector<16xf32>
        %parallel_loop3A_898 = vector.shape_cast %parallel_loop3A_891 : vector<16xf32> to vector<1x1x16xf32>
        tpu.vector_store %arg5[%parallel_loop3A_893, %parallel_loop3A_894, %parallel_loop3A_895], %parallel_loop3A_898 {strides = array<i32>} : memref<8x8x1024xf32, #tpu.memory_space<vmem>>, vector<1x1x16xf32>,
        %parallel_loop3A_899 = arith.constant 64 : i32
        %parallel_loop3A_900 = arith.addi %parallel_loop3A_810, %parallel_loop3A_899 : i32
        %parallel_loop3A_901 = arith.constant 6 : i32
        %parallel_loop3A_902 = arith.index_cast %parallel_loop3A_901 : i32 to index
        %parallel_loop3A_903 = arith.index_cast %parallel_loop3A_806 : i32 to index
        %parallel_loop3A_904 = arith.index_cast %parallel_loop3A_900 : i32 to index
        %parallel_loop3A_905 = tpu.vector_load %arg5[%parallel_loop3A_902, %parallel_loop3A_903, %parallel_loop3A_904] {strides = array<i32>} : memref<8x8x1024xf32, #tpu.memory_space<vmem>>, vector<1x1x16xf32>,
        %parallel_loop3A_906 = vector.shape_cast %parallel_loop3A_905 : vector<1x1x16xf32> to vector<16xf32>
        %parallel_loop3A_907 = arith.constant 1 : i32
        %parallel_loop3A_908 = arith.index_cast %parallel_loop3A_907 : i32 to index
        %parallel_loop3A_909 = arith.index_cast %parallel_loop3A_806 : i32 to index
        %parallel_loop3A_910 = arith.index_cast %parallel_loop3A_900 : i32 to index
        %parallel_loop3A_911 = tpu.vector_load %arg6[%parallel_loop3A_908, %parallel_loop3A_909, %parallel_loop3A_910] {strides = array<i32>} : memref<2x8x1024xf32, #tpu.memory_space<vmem>>, vector<1x1x16xf32>,
        %parallel_loop3A_912 = vector.shape_cast %parallel_loop3A_911 : vector<1x1x16xf32> to vector<16xf32>
        %parallel_loop3A_913 = arith.addf %parallel_loop3A_906, %parallel_loop3A_912 : vector<16xf32>
        %parallel_loop3A_914 = arith.constant 6 : i32
        %parallel_loop3A_915 = arith.index_cast %parallel_loop3A_914 : i32 to index
        %parallel_loop3A_916 = arith.index_cast %parallel_loop3A_806 : i32 to index
        %parallel_loop3A_917 = arith.index_cast %parallel_loop3A_900 : i32 to index
        %parallel_loop3A_918 = tpu.vector_load %arg5[%parallel_loop3A_915, %parallel_loop3A_916, %parallel_loop3A_917] {strides = array<i32>} : memref<8x8x1024xf32, #tpu.memory_space<vmem>>, vector<1x1x16xf32>,
        %parallel_loop3A_919 = vector.shape_cast %parallel_loop3A_918 : vector<1x1x16xf32> to vector<16xf32>
        %parallel_loop3A_920 = vector.shape_cast %parallel_loop3A_913 : vector<16xf32> to vector<1x1x16xf32>
        tpu.vector_store %arg5[%parallel_loop3A_915, %parallel_loop3A_916, %parallel_loop3A_917], %parallel_loop3A_920 {strides = array<i32>} : memref<8x8x1024xf32, #tpu.memory_space<vmem>>, vector<1x1x16xf32>,
        %parallel_loop3A_921 = arith.constant 80 : i32
        %parallel_loop3A_922 = arith.addi %parallel_loop3A_810, %parallel_loop3A_921 : i32
        %parallel_loop3A_923 = arith.constant 6 : i32
        %parallel_loop3A_924 = arith.index_cast %parallel_loop3A_923 : i32 to index
        %parallel_loop3A_925 = arith.index_cast %parallel_loop3A_806 : i32 to index
        %parallel_loop3A_926 = arith.index_cast %parallel_loop3A_922 : i32 to index
        %parallel_loop3A_927 = tpu.vector_load %arg5[%parallel_loop3A_924, %parallel_loop3A_925, %parallel_loop3A_926] {strides = array<i32>} : memref<8x8x1024xf32, #tpu.memory_space<vmem>>, vector<1x1x16xf32>,
        %parallel_loop3A_928 = vector.shape_cast %parallel_loop3A_927 : vector<1x1x16xf32> to vector<16xf32>
        %parallel_loop3A_929 = arith.constant 1 : i32
        %parallel_loop3A_930 = arith.index_cast %parallel_loop3A_929 : i32 to index
        %parallel_loop3A_931 = arith.index_cast %parallel_loop3A_806 : i32 to index
        %parallel_loop3A_932 = arith.index_cast %parallel_loop3A_922 : i32 to index
        %parallel_loop3A_933 = tpu.vector_load %arg6[%parallel_loop3A_930, %parallel_loop3A_931, %parallel_loop3A_932] {strides = array<i32>} : memref<2x8x1024xf32, #tpu.memory_space<vmem>>, vector<1x1x16xf32>,
        %parallel_loop3A_934 = vector.shape_cast %parallel_loop3A_933 : vector<1x1x16xf32> to vector<16xf32>
        %parallel_loop3A_935 = arith.addf %parallel_loop3A_928, %parallel_loop3A_934 : vector<16xf32>
        %parallel_loop3A_936 = arith.constant 6 : i32
        %parallel_loop3A_937 = arith.index_cast %parallel_loop3A_936 : i32 to index
        %parallel_loop3A_938 = arith.index_cast %parallel_loop3A_806 : i32 to index
        %parallel_loop3A_939 = arith.index_cast %parallel_loop3A_922 : i32 to index
        %parallel_loop3A_940 = tpu.vector_load %arg5[%parallel_loop3A_937, %parallel_loop3A_938, %parallel_loop3A_939] {strides = array<i32>} : memref<8x8x1024xf32, #tpu.memory_space<vmem>>, vector<1x1x16xf32>,
        %parallel_loop3A_941 = vector.shape_cast %parallel_loop3A_940 : vector<1x1x16xf32> to vector<16xf32>
        %parallel_loop3A_942 = vector.shape_cast %parallel_loop3A_935 : vector<16xf32> to vector<1x1x16xf32>
        tpu.vector_store %arg5[%parallel_loop3A_937, %parallel_loop3A_938, %parallel_loop3A_939], %parallel_loop3A_942 {strides = array<i32>} : memref<8x8x1024xf32, #tpu.memory_space<vmem>>, vector<1x1x16xf32>,
        %parallel_loop3A_943 = arith.constant 96 : i32
        %parallel_loop3A_944 = arith.addi %parallel_loop3A_810, %parallel_loop3A_943 : i32
        %parallel_loop3A_945 = arith.constant 6 : i32
        %parallel_loop3A_946 = arith.index_cast %parallel_loop3A_945 : i32 to index
        %parallel_loop3A_947 = arith.index_cast %parallel_loop3A_806 : i32 to index
        %parallel_loop3A_948 = arith.index_cast %parallel_loop3A_944 : i32 to index
        %parallel_loop3A_949 = tpu.vector_load %arg5[%parallel_loop3A_946, %parallel_loop3A_947, %parallel_loop3A_948] {strides = array<i32>} : memref<8x8x1024xf32, #tpu.memory_space<vmem>>, vector<1x1x16xf32>,
        %parallel_loop3A_950 = vector.shape_cast %parallel_loop3A_949 : vector<1x1x16xf32> to vector<16xf32>
        %parallel_loop3A_951 = arith.constant 1 : i32
        %parallel_loop3A_952 = arith.index_cast %parallel_loop3A_951 : i32 to index
        %parallel_loop3A_953 = arith.index_cast %parallel_loop3A_806 : i32 to index
        %parallel_loop3A_954 = arith.index_cast %parallel_loop3A_944 : i32 to index
        %parallel_loop3A_955 = tpu.vector_load %arg6[%parallel_loop3A_952, %parallel_loop3A_953, %parallel_loop3A_954] {strides = array<i32>} : memref<2x8x1024xf32, #tpu.memory_space<vmem>>, vector<1x1x16xf32>,
        %parallel_loop3A_956 = vector.shape_cast %parallel_loop3A_955 : vector<1x1x16xf32> to vector<16xf32>
        %parallel_loop3A_957 = arith.addf %parallel_loop3A_950, %parallel_loop3A_956 : vector<16xf32>
        %parallel_loop3A_958 = arith.constant 6 : i32
        %parallel_loop3A_959 = arith.index_cast %parallel_loop3A_958 : i32 to index
        %parallel_loop3A_960 = arith.index_cast %parallel_loop3A_806 : i32 to index
        %parallel_loop3A_961 = arith.index_cast %parallel_loop3A_944 : i32 to index
        %parallel_loop3A_962 = tpu.vector_load %arg5[%parallel_loop3A_959, %parallel_loop3A_960, %parallel_loop3A_961] {strides = array<i32>} : memref<8x8x1024xf32, #tpu.memory_space<vmem>>, vector<1x1x16xf32>,
        %parallel_loop3A_963 = vector.shape_cast %parallel_loop3A_962 : vector<1x1x16xf32> to vector<16xf32>
        %parallel_loop3A_964 = vector.shape_cast %parallel_loop3A_957 : vector<16xf32> to vector<1x1x16xf32>
        tpu.vector_store %arg5[%parallel_loop3A_959, %parallel_loop3A_960, %parallel_loop3A_961], %parallel_loop3A_964 {strides = array<i32>} : memref<8x8x1024xf32, #tpu.memory_space<vmem>>, vector<1x1x16xf32>,
        %parallel_loop3A_965 = arith.constant 112 : i32
        %parallel_loop3A_966 = arith.addi %parallel_loop3A_810, %parallel_loop3A_965 : i32
        %parallel_loop3A_967 = arith.constant 6 : i32
        %parallel_loop3A_968 = arith.index_cast %parallel_loop3A_967 : i32 to index
        %parallel_loop3A_969 = arith.index_cast %parallel_loop3A_806 : i32 to index
        %parallel_loop3A_970 = arith.index_cast %parallel_loop3A_966 : i32 to index
        %parallel_loop3A_971 = tpu.vector_load %arg5[%parallel_loop3A_968, %parallel_loop3A_969, %parallel_loop3A_970] {strides = array<i32>} : memref<8x8x1024xf32, #tpu.memory_space<vmem>>, vector<1x1x16xf32>,
        %parallel_loop3A_972 = vector.shape_cast %parallel_loop3A_971 : vector<1x1x16xf32> to vector<16xf32>
        %parallel_loop3A_973 = arith.constant 1 : i32
        %parallel_loop3A_974 = arith.index_cast %parallel_loop3A_973 : i32 to index
        %parallel_loop3A_975 = arith.index_cast %parallel_loop3A_806 : i32 to index
        %parallel_loop3A_976 = arith.index_cast %parallel_loop3A_966 : i32 to index
        %parallel_loop3A_977 = tpu.vector_load %arg6[%parallel_loop3A_974, %parallel_loop3A_975, %parallel_loop3A_976] {strides = array<i32>} : memref<2x8x1024xf32, #tpu.memory_space<vmem>>, vector<1x1x16xf32>,
        %parallel_loop3A_978 = vector.shape_cast %parallel_loop3A_977 : vector<1x1x16xf32> to vector<16xf32>
        %parallel_loop3A_979 = arith.addf %parallel_loop3A_972, %parallel_loop3A_978 : vector<16xf32>
        %parallel_loop3A_980 = arith.constant 6 : i32
        %parallel_loop3A_981 = arith.index_cast %parallel_loop3A_980 : i32 to index
        %parallel_loop3A_982 = arith.index_cast %parallel_loop3A_806 : i32 to index
        %parallel_loop3A_983 = arith.index_cast %parallel_loop3A_966 : i32 to index
        %parallel_loop3A_984 = tpu.vector_load %arg5[%parallel_loop3A_981, %parallel_loop3A_982, %parallel_loop3A_983] {strides = array<i32>} : memref<8x8x1024xf32, #tpu.memory_space<vmem>>, vector<1x1x16xf32>,
        %parallel_loop3A_985 = vector.shape_cast %parallel_loop3A_984 : vector<1x1x16xf32> to vector<16xf32>
        %parallel_loop3A_986 = vector.shape_cast %parallel_loop3A_979 : vector<16xf32> to vector<1x1x16xf32>
        tpu.vector_store %arg5[%parallel_loop3A_981, %parallel_loop3A_982, %parallel_loop3A_983], %parallel_loop3A_986 {strides = array<i32>} : memref<8x8x1024xf32, #tpu.memory_space<vmem>>, vector<1x1x16xf32>,
      } {sc.loop_unroll_factor = 4 : i64, sc.parallel_access}
      %add3A_709 = arith.constant 8192 : i32
      %add3A_710 = arith.addi %add3A_709, %mul3A_2 : i32
      %mul3A_711 = arith.constant 8 : i32
      %mul3A_712 = arith.muli %add3A_539, %mul3A_711 : i32
      %add3A_713 = arith.addi %add3A_710, %mul3A_712 : i32
      %dma_start3A_714 = arith.constant 6 : i32
      %dma_start3A_715 = arith.constant 1 : i32
      %dma_start3A_716 = arith.constant 2 : i32
      %dma_start3A_717 = arith.constant 0 : i32
      %dma_start3A_718 = arith.constant 0 : i32
      %dma_start3A_719 = tpu.memref_slice %arg5[%dma_start3A_714, %dma_start3A_717, %dma_start3A_718] : memref<8x8x1024xf32, #tpu.memory_space<vmem>> -> memref<1x8x1024xf32, #tpu.memory_space<vmem>>
      %dma_start3A_720 = tpu.memref_squeeze %dma_start3A_719 : memref<1x8x1024xf32, #tpu.memory_space<vmem>> -> memref<8x1024xf32, #tpu.memory_space<vmem>>
      %dma_start3A_721 = arith.constant 0 : i32
      %dma_start3A_722 = tpu.memref_slice %arg4[%add3A_713, %dma_start3A_721] : memref<16384x1024xf32, #tpu.memory_space<hbm>> -> memref<8x1024xf32, #tpu.memory_space<hbm>>
      %dma_start3A_723 = tpu.memref_slice %arg9[%dma_start3A_715, %dma_start3A_716] : memref<2x4x!tpu.dma_semaphore, #tpu.memory_space<semaphore_mem>> -> memref<1x1x!tpu.dma_semaphore, #tpu.memory_space<semaphore_mem>>
      %dma_start3A_724 = tpu.memref_squeeze %dma_start3A_723 : memref<1x1x!tpu.dma_semaphore, #tpu.memory_space<semaphore_mem>> -> memref<!tpu.dma_semaphore, #tpu.memory_space<semaphore_mem>>
      %dma_start3A_725 = arith.constant 0 : i32
      %dma_start3A_726 = tpu.memref_slice %arg4[%add3A_713, %dma_start3A_725] : memref<16384x1024xf32, #tpu.memory_space<hbm>> -> memref<8x1024xf32, #tpu.memory_space<hbm>>
      %dma_start3A_727 = arith.constant 0 : i32
      %dma_start3A_728 = arith.constant 0 : i32
      %dma_start3A_729 = tpu.memref_slice %arg5[%dma_start3A_714, %dma_start3A_727, %dma_start3A_728] : memref<8x8x1024xf32, #tpu.memory_space<vmem>> -> memref<1x8x1024xf32, #tpu.memory_space<vmem>>
      %dma_start3A_730 = tpu.memref_squeeze %dma_start3A_729 : memref<1x8x1024xf32, #tpu.memory_space<vmem>> -> memref<8x1024xf32, #tpu.memory_space<vmem>>
      tpu.enqueue_dma source(%dma_start3A_730 : memref<8x1024xf32, #tpu.memory_space<vmem>>) target(%dma_start3A_726 : memref<8x1024xf32, #tpu.memory_space<hbm>>) target_semaphore(%dma_start3A_724 : memref<!tpu.dma_semaphore, #tpu.memory_space<semaphore_mem>>)
      %eq3A_731 = arith.constant 0 : i32
      %eq3A_732 = arith.cmpi eq, %add3A_539, %eq3A_731 : i32
      %convert_element_type3A_733 = arith.extui %eq3A_732 : i1 to i32
      %cond3A_734 = arith.constant 0 : i32
      %cond3A_735 = arith.cmpi ne, %convert_element_type3A_733, %cond3A_734 : i32
      scf.if %cond3A_735 {
        %add3A_804 = arith.constant 8192 : i32
        %add3A_805 = arith.addi %add3A_804, %mul3A_2 : i32
        %add3A_806 = arith.constant 8 : i32
        %add3A_807 = arith.addi %add3A_805, %add3A_806 : i32
        %dma_start3A_808 = arith.constant 6 : i32
        %dma_start3A_809 = arith.constant 1 : i32
        %dma_start3A_810 = arith.constant 2 : i32
        %dma_start3A_811 = arith.constant 0 : i32
        %dma_start3A_812 = arith.constant 0 : i32
        %dma_start3A_813 = tpu.memref_slice %arg5[%dma_start3A_808, %dma_start3A_811, %dma_start3A_812] : memref<8x8x1024xf32, #tpu.memory_space<vmem>> -> memref<1x8x1024xf32, #tpu.memory_space<vmem>>
        %dma_start3A_814 = tpu.memref_squeeze %dma_start3A_813 : memref<1x8x1024xf32, #tpu.memory_space<vmem>> -> memref<8x1024xf32, #tpu.memory_space<vmem>>
        %dma_start3A_815 = arith.constant 0 : i32
        %dma_start3A_816 = tpu.memref_slice %arg2[%add3A_807, %dma_start3A_815] : memref<16384x1024xf32, #tpu.memory_space<hbm>> -> memref<8x1024xf32, #tpu.memory_space<hbm>>
        %dma_start3A_817 = tpu.memref_slice %arg7[%dma_start3A_809, %dma_start3A_810] : memref<2x4x!tpu.dma_semaphore, #tpu.memory_space<semaphore_mem>> -> memref<1x1x!tpu.dma_semaphore, #tpu.memory_space<semaphore_mem>>
        %dma_start3A_818 = tpu.memref_squeeze %dma_start3A_817 : memref<1x1x!tpu.dma_semaphore, #tpu.memory_space<semaphore_mem>> -> memref<!tpu.dma_semaphore, #tpu.memory_space<semaphore_mem>>
        %dma_start3A_819 = arith.constant 0 : i32
        %dma_start3A_820 = arith.constant 0 : i32
        %dma_start3A_821 = tpu.memref_slice %arg5[%dma_start3A_808, %dma_start3A_819, %dma_start3A_820] : memref<8x8x1024xf32, #tpu.memory_space<vmem>> -> memref<1x8x1024xf32, #tpu.memory_space<vmem>>
        %dma_start3A_822 = tpu.memref_squeeze %dma_start3A_821 : memref<1x8x1024xf32, #tpu.memory_space<vmem>> -> memref<8x1024xf32, #tpu.memory_space<vmem>>
        %dma_start3A_823 = arith.constant 0 : i32
        %dma_start3A_824 = tpu.memref_slice %arg2[%add3A_807, %dma_start3A_823] : memref<16384x1024xf32, #tpu.memory_space<hbm>> -> memref<8x1024xf32, #tpu.memory_space<hbm>>
        tpu.enqueue_dma source(%dma_start3A_824 : memref<8x1024xf32, #tpu.memory_space<hbm>>) target(%dma_start3A_822 : memref<8x1024xf32, #tpu.memory_space<vmem>>) target_semaphore(%dma_start3A_818 : memref<!tpu.dma_semaphore, #tpu.memory_space<semaphore_mem>>)
      } else {
      }
      %ge3A_736 = arith.constant 1 : i32
      %ge3A_737 = arith.cmpi sge, %add3A_539, %ge3A_736 : i32
      %lt3A_738 = arith.constant 15 : i32
      %lt3A_739 = arith.cmpi slt, %add3A_539, %lt3A_738 : i32
      %and3A_740 = arith.andi %ge3A_737, %lt3A_739 : i1
      %convert_element_type3A_741 = arith.extui %and3A_740 : i1 to i32
      %cond3A_742 = arith.constant 0 : i32
      %cond3A_743 = arith.cmpi ne, %convert_element_type3A_741, %cond3A_742 : i32
      scf.if %cond3A_743 {
        %sub3A = arith.constant 1 : i32
        %sub3A_804 = arith.subi %add3A_539, %sub3A : i32
        %add3A_805 = arith.constant 8192 : i32
        %add3A_806 = arith.addi %add3A_805, %mul3A_2 : i32
        %mul3A_807 = arith.constant 8 : i32
        %mul3A_808 = arith.muli %sub3A_804, %mul3A_807 : i32
        %add3A_809 = arith.addi %add3A_806, %mul3A_808 : i32
        %dma_wait3A_810 = arith.constant 2 : i32
        %dma_wait3A_811 = arith.constant 0 : i32
        %dma_wait3A_812 = arith.constant 2 : i32
        %dma_wait3A_813 = arith.constant 0 : i32
        %dma_wait3A_814 = arith.constant 0 : i32
        %dma_wait3A_815 = tpu.memref_slice %arg5[%dma_wait3A_810, %dma_wait3A_813, %dma_wait3A_814] : memref<8x8x1024xf32, #tpu.memory_space<vmem>> -> memref<1x8x1024xf32, #tpu.memory_space<vmem>>
        %dma_wait3A_816 = tpu.memref_squeeze %dma_wait3A_815 : memref<1x8x1024xf32, #tpu.memory_space<vmem>> -> memref<8x1024xf32, #tpu.memory_space<vmem>>
        %dma_wait3A_817 = arith.constant 0 : i32
        %dma_wait3A_818 = tpu.memref_slice %arg4[%add3A_809, %dma_wait3A_817] : memref<16384x1024xf32, #tpu.memory_space<hbm>> -> memref<8x1024xf32, #tpu.memory_space<hbm>>
        %dma_wait3A_819 = tpu.memref_slice %arg9[%dma_wait3A_811, %dma_wait3A_812] : memref<2x4x!tpu.dma_semaphore, #tpu.memory_space<semaphore_mem>> -> memref<1x1x!tpu.dma_semaphore, #tpu.memory_space<semaphore_mem>>
        %dma_wait3A_820 = tpu.memref_squeeze %dma_wait3A_819 : memref<1x1x!tpu.dma_semaphore, #tpu.memory_space<semaphore_mem>> -> memref<!tpu.dma_semaphore, #tpu.memory_space<semaphore_mem>>
        %dma_wait3A_821 = arith.constant 0 : i32
        %dma_wait3A_822 = tpu.memref_slice %arg4[%add3A_809, %dma_wait3A_821] : memref<16384x1024xf32, #tpu.memory_space<hbm>> -> memref<8x1024xf32, #tpu.memory_space<hbm>>
        %dma_wait3A_823 = arith.constant 0 : i32
        %dma_wait3A_824 = arith.constant 0 : i32
        %dma_wait3A_825 = tpu.memref_slice %arg5[%dma_wait3A_810, %dma_wait3A_823, %dma_wait3A_824] : memref<8x8x1024xf32, #tpu.memory_space<vmem>> -> memref<1x8x1024xf32, #tpu.memory_space<vmem>>
        %dma_wait3A_826 = tpu.memref_squeeze %dma_wait3A_825 : memref<1x8x1024xf32, #tpu.memory_space<vmem>> -> memref<8x1024xf32, #tpu.memory_space<vmem>>
        tpu.wait_dma2 semaphore(%dma_wait3A_820 : memref<!tpu.dma_semaphore, #tpu.memory_space<semaphore_mem>>) src(%dma_wait3A_826 : memref<8x1024xf32, #tpu.memory_space<vmem>>) dst(%dma_wait3A_822 : memref<8x1024xf32, #tpu.memory_space<hbm>>)
        %add3A_827 = arith.constant 1 : i32
        %add3A_828 = arith.addi %add3A_539, %add3A_827 : i32
        %add3A_829 = arith.constant 8192 : i32
        %add3A_830 = arith.addi %add3A_829, %mul3A_2 : i32
        %mul3A_831 = arith.constant 8 : i32
        %mul3A_832 = arith.muli %add3A_828, %mul3A_831 : i32
        %add3A_833 = arith.addi %add3A_830, %mul3A_832 : i32
        %dma_start3A_834 = arith.constant 2 : i32
        %dma_start3A_835 = arith.constant 0 : i32
        %dma_start3A_836 = arith.constant 2 : i32
        %dma_start3A_837 = arith.constant 0 : i32
        %dma_start3A_838 = arith.constant 0 : i32
        %dma_start3A_839 = tpu.memref_slice %arg5[%dma_start3A_834, %dma_start3A_837, %dma_start3A_838] : memref<8x8x1024xf32, #tpu.memory_space<vmem>> -> memref<1x8x1024xf32, #tpu.memory_space<vmem>>
        %dma_start3A_840 = tpu.memref_squeeze %dma_start3A_839 : memref<1x8x1024xf32, #tpu.memory_space<vmem>> -> memref<8x1024xf32, #tpu.memory_space<vmem>>
        %dma_start3A_841 = arith.constant 0 : i32
        %dma_start3A_842 = tpu.memref_slice %arg2[%add3A_833, %dma_start3A_841] : memref<16384x1024xf32, #tpu.memory_space<hbm>> -> memref<8x1024xf32, #tpu.memory_space<hbm>>
        %dma_start3A_843 = tpu.memref_slice %arg7[%dma_start3A_835, %dma_start3A_836] : memref<2x4x!tpu.dma_semaphore, #tpu.memory_space<semaphore_mem>> -> memref<1x1x!tpu.dma_semaphore, #tpu.memory_space<semaphore_mem>>
        %dma_start3A_844 = tpu.memref_squeeze %dma_start3A_843 : memref<1x1x!tpu.dma_semaphore, #tpu.memory_space<semaphore_mem>> -> memref<!tpu.dma_semaphore, #tpu.memory_space<semaphore_mem>>
        %dma_start3A_845 = arith.constant 0 : i32
        %dma_start3A_846 = arith.constant 0 : i32
        %dma_start3A_847 = tpu.memref_slice %arg5[%dma_start3A_834, %dma_start3A_845, %dma_start3A_846] : memref<8x8x1024xf32, #tpu.memory_space<vmem>> -> memref<1x8x1024xf32, #tpu.memory_space<vmem>>
        %dma_start3A_848 = tpu.memref_squeeze %dma_start3A_847 : memref<1x8x1024xf32, #tpu.memory_space<vmem>> -> memref<8x1024xf32, #tpu.memory_space<vmem>>
        %dma_start3A_849 = arith.constant 0 : i32
        %dma_start3A_850 = tpu.memref_slice %arg2[%add3A_833, %dma_start3A_849] : memref<16384x1024xf32, #tpu.memory_space<hbm>> -> memref<8x1024xf32, #tpu.memory_space<hbm>>
        tpu.enqueue_dma source(%dma_start3A_850 : memref<8x1024xf32, #tpu.memory_space<hbm>>) target(%dma_start3A_848 : memref<8x1024xf32, #tpu.memory_space<vmem>>) target_semaphore(%dma_start3A_844 : memref<!tpu.dma_semaphore, #tpu.memory_space<semaphore_mem>>)
      } else {
      }
      %add3A_744 = arith.constant 12288 : i32
      %add3A_745 = arith.addi %add3A_744, %mul3A_2 : i32
      %mul3A_746 = arith.constant 8 : i32
      %mul3A_747 = arith.muli %add3A_539, %mul3A_746 : i32
      %add3A_748 = arith.addi %add3A_745, %mul3A_747 : i32
      %dma_wait3A_749 = arith.constant 7 : i32
      %dma_wait3A_750 = arith.constant 1 : i32
      %dma_wait3A_751 = arith.constant 3 : i32
      %dma_wait3A_752 = arith.constant 0 : i32
      %dma_wait3A_753 = arith.constant 0 : i32
      %dma_wait3A_754 = tpu.memref_slice %arg5[%dma_wait3A_749, %dma_wait3A_752, %dma_wait3A_753] : memref<8x8x1024xf32, #tpu.memory_space<vmem>> -> memref<1x8x1024xf32, #tpu.memory_space<vmem>>
      %dma_wait3A_755 = tpu.memref_squeeze %dma_wait3A_754 : memref<1x8x1024xf32, #tpu.memory_space<vmem>> -> memref<8x1024xf32, #tpu.memory_space<vmem>>
      %dma_wait3A_756 = arith.constant 0 : i32
      %dma_wait3A_757 = tpu.memref_slice %arg2[%add3A_748, %dma_wait3A_756] : memref<16384x1024xf32, #tpu.memory_space<hbm>> -> memref<8x1024xf32, #tpu.memory_space<hbm>>
      %dma_wait3A_758 = tpu.memref_slice %arg7[%dma_wait3A_750, %dma_wait3A_751] : memref<2x4x!tpu.dma_semaphore, #tpu.memory_space<semaphore_mem>> -> memref<1x1x!tpu.dma_semaphore, #tpu.memory_space<semaphore_mem>>
      %dma_wait3A_759 = tpu.memref_squeeze %dma_wait3A_758 : memref<1x1x!tpu.dma_semaphore, #tpu.memory_space<semaphore_mem>> -> memref<!tpu.dma_semaphore, #tpu.memory_space<semaphore_mem>>
      %dma_wait3A_760 = arith.constant 0 : i32
      %dma_wait3A_761 = arith.constant 0 : i32
      %dma_wait3A_762 = tpu.memref_slice %arg5[%dma_wait3A_749, %dma_wait3A_760, %dma_wait3A_761] : memref<8x8x1024xf32, #tpu.memory_space<vmem>> -> memref<1x8x1024xf32, #tpu.memory_space<vmem>>
      %dma_wait3A_763 = tpu.memref_squeeze %dma_wait3A_762 : memref<1x8x1024xf32, #tpu.memory_space<vmem>> -> memref<8x1024xf32, #tpu.memory_space<vmem>>
      %dma_wait3A_764 = arith.constant 0 : i32
      %dma_wait3A_765 = tpu.memref_slice %arg2[%add3A_748, %dma_wait3A_764] : memref<16384x1024xf32, #tpu.memory_space<hbm>> -> memref<8x1024xf32, #tpu.memory_space<hbm>>
      tpu.wait_dma2 semaphore(%dma_wait3A_759 : memref<!tpu.dma_semaphore, #tpu.memory_space<semaphore_mem>>) src(%dma_wait3A_765 : memref<8x1024xf32, #tpu.memory_space<hbm>>) dst(%dma_wait3A_763 : memref<8x1024xf32, #tpu.memory_space<vmem>>)
      %parallel_loop3A_766 = arith.constant 0 : i32
      %parallel_loop3A_767 = arith.constant 64 : i32
      %parallel_loop3A_768 = arith.constant 1 : i32
      scf.for %parallel_loop3A_804 = %parallel_loop3A_766 to %parallel_loop3A_767 step %parallel_loop3A_768  : i32 {
        %parallel_loop3A_805 = arith.constant 3 : i32
        %parallel_loop3A_806 = arith.shrui %parallel_loop3A_804, %parallel_loop3A_805 : i32
        %parallel_loop3A_807 = arith.constant 7 : i32
        %parallel_loop3A_808 = arith.andi %parallel_loop3A_804, %parallel_loop3A_807 : i32
        %parallel_loop3A_809 = arith.constant 128 : i32
        %parallel_loop3A_810 = arith.muli %parallel_loop3A_808, %parallel_loop3A_809 : i32
        %parallel_loop3A_811 = arith.constant 0 : i32
        %parallel_loop3A_812 = arith.addi %parallel_loop3A_810, %parallel_loop3A_811 : i32
        %parallel_loop3A_813 = arith.constant 7 : i32
        %parallel_loop3A_814 = arith.index_cast %parallel_loop3A_813 : i32 to index
        %parallel_loop3A_815 = arith.index_cast %parallel_loop3A_806 : i32 to index
        %parallel_loop3A_816 = arith.index_cast %parallel_loop3A_812 : i32 to index
        %parallel_loop3A_817 = tpu.vector_load %arg5[%parallel_loop3A_814, %parallel_loop3A_815, %parallel_loop3A_816] {strides = array<i32>} : memref<8x8x1024xf32, #tpu.memory_space<vmem>>, vector<1x1x16xf32>,
        %parallel_loop3A_818 = vector.shape_cast %parallel_loop3A_817 : vector<1x1x16xf32> to vector<16xf32>
        %parallel_loop3A_819 = arith.constant 1 : i32
        %parallel_loop3A_820 = arith.index_cast %parallel_loop3A_819 : i32 to index
        %parallel_loop3A_821 = arith.index_cast %parallel_loop3A_806 : i32 to index
        %parallel_loop3A_822 = arith.index_cast %parallel_loop3A_812 : i32 to index
        %parallel_loop3A_823 = tpu.vector_load %arg6[%parallel_loop3A_820, %parallel_loop3A_821, %parallel_loop3A_822] {strides = array<i32>} : memref<2x8x1024xf32, #tpu.memory_space<vmem>>, vector<1x1x16xf32>,
        %parallel_loop3A_824 = vector.shape_cast %parallel_loop3A_823 : vector<1x1x16xf32> to vector<16xf32>
        %parallel_loop3A_825 = arith.addf %parallel_loop3A_818, %parallel_loop3A_824 : vector<16xf32>
        %parallel_loop3A_826 = arith.constant 7 : i32
        %parallel_loop3A_827 = arith.index_cast %parallel_loop3A_826 : i32 to index
        %parallel_loop3A_828 = arith.index_cast %parallel_loop3A_806 : i32 to index
        %parallel_loop3A_829 = arith.index_cast %parallel_loop3A_812 : i32 to index
        %parallel_loop3A_830 = tpu.vector_load %arg5[%parallel_loop3A_827, %parallel_loop3A_828, %parallel_loop3A_829] {strides = array<i32>} : memref<8x8x1024xf32, #tpu.memory_space<vmem>>, vector<1x1x16xf32>,
        %parallel_loop3A_831 = vector.shape_cast %parallel_loop3A_830 : vector<1x1x16xf32> to vector<16xf32>
        %parallel_loop3A_832 = vector.shape_cast %parallel_loop3A_825 : vector<16xf32> to vector<1x1x16xf32>
        tpu.vector_store %arg5[%parallel_loop3A_827, %parallel_loop3A_828, %parallel_loop3A_829], %parallel_loop3A_832 {strides = array<i32>} : memref<8x8x1024xf32, #tpu.memory_space<vmem>>, vector<1x1x16xf32>,
        %parallel_loop3A_833 = arith.constant 16 : i32
        %parallel_loop3A_834 = arith.addi %parallel_loop3A_810, %parallel_loop3A_833 : i32
        %parallel_loop3A_835 = arith.constant 7 : i32
        %parallel_loop3A_836 = arith.index_cast %parallel_loop3A_835 : i32 to index
        %parallel_loop3A_837 = arith.index_cast %parallel_loop3A_806 : i32 to index
        %parallel_loop3A_838 = arith.index_cast %parallel_loop3A_834 : i32 to index
        %parallel_loop3A_839 = tpu.vector_load %arg5[%parallel_loop3A_836, %parallel_loop3A_837, %parallel_loop3A_838] {strides = array<i32>} : memref<8x8x1024xf32, #tpu.memory_space<vmem>>, vector<1x1x16xf32>,
        %parallel_loop3A_840 = vector.shape_cast %parallel_loop3A_839 : vector<1x1x16xf32> to vector<16xf32>
        %parallel_loop3A_841 = arith.constant 1 : i32
        %parallel_loop3A_842 = arith.index_cast %parallel_loop3A_841 : i32 to index
        %parallel_loop3A_843 = arith.index_cast %parallel_loop3A_806 : i32 to index
        %parallel_loop3A_844 = arith.index_cast %parallel_loop3A_834 : i32 to index
        %parallel_loop3A_845 = tpu.vector_load %arg6[%parallel_loop3A_842, %parallel_loop3A_843, %parallel_loop3A_844] {strides = array<i32>} : memref<2x8x1024xf32, #tpu.memory_space<vmem>>, vector<1x1x16xf32>,
        %parallel_loop3A_846 = vector.shape_cast %parallel_loop3A_845 : vector<1x1x16xf32> to vector<16xf32>
        %parallel_loop3A_847 = arith.addf %parallel_loop3A_840, %parallel_loop3A_846 : vector<16xf32>
        %parallel_loop3A_848 = arith.constant 7 : i32
        %parallel_loop3A_849 = arith.index_cast %parallel_loop3A_848 : i32 to index
        %parallel_loop3A_850 = arith.index_cast %parallel_loop3A_806 : i32 to index
        %parallel_loop3A_851 = arith.index_cast %parallel_loop3A_834 : i32 to index
        %parallel_loop3A_852 = tpu.vector_load %arg5[%parallel_loop3A_849, %parallel_loop3A_850, %parallel_loop3A_851] {strides = array<i32>} : memref<8x8x1024xf32, #tpu.memory_space<vmem>>, vector<1x1x16xf32>,
        %parallel_loop3A_853 = vector.shape_cast %parallel_loop3A_852 : vector<1x1x16xf32> to vector<16xf32>
        %parallel_loop3A_854 = vector.shape_cast %parallel_loop3A_847 : vector<16xf32> to vector<1x1x16xf32>
        tpu.vector_store %arg5[%parallel_loop3A_849, %parallel_loop3A_850, %parallel_loop3A_851], %parallel_loop3A_854 {strides = array<i32>} : memref<8x8x1024xf32, #tpu.memory_space<vmem>>, vector<1x1x16xf32>,
        %parallel_loop3A_855 = arith.constant 32 : i32
        %parallel_loop3A_856 = arith.addi %parallel_loop3A_810, %parallel_loop3A_855 : i32
        %parallel_loop3A_857 = arith.constant 7 : i32
        %parallel_loop3A_858 = arith.index_cast %parallel_loop3A_857 : i32 to index
        %parallel_loop3A_859 = arith.index_cast %parallel_loop3A_806 : i32 to index
        %parallel_loop3A_860 = arith.index_cast %parallel_loop3A_856 : i32 to index
        %parallel_loop3A_861 = tpu.vector_load %arg5[%parallel_loop3A_858, %parallel_loop3A_859, %parallel_loop3A_860] {strides = array<i32>} : memref<8x8x1024xf32, #tpu.memory_space<vmem>>, vector<1x1x16xf32>,
        %parallel_loop3A_862 = vector.shape_cast %parallel_loop3A_861 : vector<1x1x16xf32> to vector<16xf32>
        %parallel_loop3A_863 = arith.constant 1 : i32
        %parallel_loop3A_864 = arith.index_cast %parallel_loop3A_863 : i32 to index
        %parallel_loop3A_865 = arith.index_cast %parallel_loop3A_806 : i32 to index
        %parallel_loop3A_866 = arith.index_cast %parallel_loop3A_856 : i32 to index
        %parallel_loop3A_867 = tpu.vector_load %arg6[%parallel_loop3A_864, %parallel_loop3A_865, %parallel_loop3A_866] {strides = array<i32>} : memref<2x8x1024xf32, #tpu.memory_space<vmem>>, vector<1x1x16xf32>,
        %parallel_loop3A_868 = vector.shape_cast %parallel_loop3A_867 : vector<1x1x16xf32> to vector<16xf32>
        %parallel_loop3A_869 = arith.addf %parallel_loop3A_862, %parallel_loop3A_868 : vector<16xf32>
        %parallel_loop3A_870 = arith.constant 7 : i32
        %parallel_loop3A_871 = arith.index_cast %parallel_loop3A_870 : i32 to index
        %parallel_loop3A_872 = arith.index_cast %parallel_loop3A_806 : i32 to index
        %parallel_loop3A_873 = arith.index_cast %parallel_loop3A_856 : i32 to index
        %parallel_loop3A_874 = tpu.vector_load %arg5[%parallel_loop3A_871, %parallel_loop3A_872, %parallel_loop3A_873] {strides = array<i32>} : memref<8x8x1024xf32, #tpu.memory_space<vmem>>, vector<1x1x16xf32>,
        %parallel_loop3A_875 = vector.shape_cast %parallel_loop3A_874 : vector<1x1x16xf32> to vector<16xf32>
        %parallel_loop3A_876 = vector.shape_cast %parallel_loop3A_869 : vector<16xf32> to vector<1x1x16xf32>
        tpu.vector_store %arg5[%parallel_loop3A_871, %parallel_loop3A_872, %parallel_loop3A_873], %parallel_loop3A_876 {strides = array<i32>} : memref<8x8x1024xf32, #tpu.memory_space<vmem>>, vector<1x1x16xf32>,
        %parallel_loop3A_877 = arith.constant 48 : i32
        %parallel_loop3A_878 = arith.addi %parallel_loop3A_810, %parallel_loop3A_877 : i32
        %parallel_loop3A_879 = arith.constant 7 : i32
        %parallel_loop3A_880 = arith.index_cast %parallel_loop3A_879 : i32 to index
        %parallel_loop3A_881 = arith.index_cast %parallel_loop3A_806 : i32 to index
        %parallel_loop3A_882 = arith.index_cast %parallel_loop3A_878 : i32 to index
        %parallel_loop3A_883 = tpu.vector_load %arg5[%parallel_loop3A_880, %parallel_loop3A_881, %parallel_loop3A_882] {strides = array<i32>} : memref<8x8x1024xf32, #tpu.memory_space<vmem>>, vector<1x1x16xf32>,
        %parallel_loop3A_884 = vector.shape_cast %parallel_loop3A_883 : vector<1x1x16xf32> to vector<16xf32>
        %parallel_loop3A_885 = arith.constant 1 : i32
        %parallel_loop3A_886 = arith.index_cast %parallel_loop3A_885 : i32 to index
        %parallel_loop3A_887 = arith.index_cast %parallel_loop3A_806 : i32 to index
        %parallel_loop3A_888 = arith.index_cast %parallel_loop3A_878 : i32 to index
        %parallel_loop3A_889 = tpu.vector_load %arg6[%parallel_loop3A_886, %parallel_loop3A_887, %parallel_loop3A_888] {strides = array<i32>} : memref<2x8x1024xf32, #tpu.memory_space<vmem>>, vector<1x1x16xf32>,
        %parallel_loop3A_890 = vector.shape_cast %parallel_loop3A_889 : vector<1x1x16xf32> to vector<16xf32>
        %parallel_loop3A_891 = arith.addf %parallel_loop3A_884, %parallel_loop3A_890 : vector<16xf32>
        %parallel_loop3A_892 = arith.constant 7 : i32
        %parallel_loop3A_893 = arith.index_cast %parallel_loop3A_892 : i32 to index
        %parallel_loop3A_894 = arith.index_cast %parallel_loop3A_806 : i32 to index
        %parallel_loop3A_895 = arith.index_cast %parallel_loop3A_878 : i32 to index
        %parallel_loop3A_896 = tpu.vector_load %arg5[%parallel_loop3A_893, %parallel_loop3A_894, %parallel_loop3A_895] {strides = array<i32>} : memref<8x8x1024xf32, #tpu.memory_space<vmem>>, vector<1x1x16xf32>,
        %parallel_loop3A_897 = vector.shape_cast %parallel_loop3A_896 : vector<1x1x16xf32> to vector<16xf32>
        %parallel_loop3A_898 = vector.shape_cast %parallel_loop3A_891 : vector<16xf32> to vector<1x1x16xf32>
        tpu.vector_store %arg5[%parallel_loop3A_893, %parallel_loop3A_894, %parallel_loop3A_895], %parallel_loop3A_898 {strides = array<i32>} : memref<8x8x1024xf32, #tpu.memory_space<vmem>>, vector<1x1x16xf32>,
        %parallel_loop3A_899 = arith.constant 64 : i32
        %parallel_loop3A_900 = arith.addi %parallel_loop3A_810, %parallel_loop3A_899 : i32
        %parallel_loop3A_901 = arith.constant 7 : i32
        %parallel_loop3A_902 = arith.index_cast %parallel_loop3A_901 : i32 to index
        %parallel_loop3A_903 = arith.index_cast %parallel_loop3A_806 : i32 to index
        %parallel_loop3A_904 = arith.index_cast %parallel_loop3A_900 : i32 to index
        %parallel_loop3A_905 = tpu.vector_load %arg5[%parallel_loop3A_902, %parallel_loop3A_903, %parallel_loop3A_904] {strides = array<i32>} : memref<8x8x1024xf32, #tpu.memory_space<vmem>>, vector<1x1x16xf32>,
        %parallel_loop3A_906 = vector.shape_cast %parallel_loop3A_905 : vector<1x1x16xf32> to vector<16xf32>
        %parallel_loop3A_907 = arith.constant 1 : i32
        %parallel_loop3A_908 = arith.index_cast %parallel_loop3A_907 : i32 to index
        %parallel_loop3A_909 = arith.index_cast %parallel_loop3A_806 : i32 to index
        %parallel_loop3A_910 = arith.index_cast %parallel_loop3A_900 : i32 to index
        %parallel_loop3A_911 = tpu.vector_load %arg6[%parallel_loop3A_908, %parallel_loop3A_909, %parallel_loop3A_910] {strides = array<i32>} : memref<2x8x1024xf32, #tpu.memory_space<vmem>>, vector<1x1x16xf32>,
        %parallel_loop3A_912 = vector.shape_cast %parallel_loop3A_911 : vector<1x1x16xf32> to vector<16xf32>
        %parallel_loop3A_913 = arith.addf %parallel_loop3A_906, %parallel_loop3A_912 : vector<16xf32>
        %parallel_loop3A_914 = arith.constant 7 : i32
        %parallel_loop3A_915 = arith.index_cast %parallel_loop3A_914 : i32 to index
        %parallel_loop3A_916 = arith.index_cast %parallel_loop3A_806 : i32 to index
        %parallel_loop3A_917 = arith.index_cast %parallel_loop3A_900 : i32 to index
        %parallel_loop3A_918 = tpu.vector_load %arg5[%parallel_loop3A_915, %parallel_loop3A_916, %parallel_loop3A_917] {strides = array<i32>} : memref<8x8x1024xf32, #tpu.memory_space<vmem>>, vector<1x1x16xf32>,
        %parallel_loop3A_919 = vector.shape_cast %parallel_loop3A_918 : vector<1x1x16xf32> to vector<16xf32>
        %parallel_loop3A_920 = vector.shape_cast %parallel_loop3A_913 : vector<16xf32> to vector<1x1x16xf32>
        tpu.vector_store %arg5[%parallel_loop3A_915, %parallel_loop3A_916, %parallel_loop3A_917], %parallel_loop3A_920 {strides = array<i32>} : memref<8x8x1024xf32, #tpu.memory_space<vmem>>, vector<1x1x16xf32>,
        %parallel_loop3A_921 = arith.constant 80 : i32
        %parallel_loop3A_922 = arith.addi %parallel_loop3A_810, %parallel_loop3A_921 : i32
        %parallel_loop3A_923 = arith.constant 7 : i32
        %parallel_loop3A_924 = arith.index_cast %parallel_loop3A_923 : i32 to index
        %parallel_loop3A_925 = arith.index_cast %parallel_loop3A_806 : i32 to index
        %parallel_loop3A_926 = arith.index_cast %parallel_loop3A_922 : i32 to index
        %parallel_loop3A_927 = tpu.vector_load %arg5[%parallel_loop3A_924, %parallel_loop3A_925, %parallel_loop3A_926] {strides = array<i32>} : memref<8x8x1024xf32, #tpu.memory_space<vmem>>, vector<1x1x16xf32>,
        %parallel_loop3A_928 = vector.shape_cast %parallel_loop3A_927 : vector<1x1x16xf32> to vector<16xf32>
        %parallel_loop3A_929 = arith.constant 1 : i32
        %parallel_loop3A_930 = arith.index_cast %parallel_loop3A_929 : i32 to index
        %parallel_loop3A_931 = arith.index_cast %parallel_loop3A_806 : i32 to index
        %parallel_loop3A_932 = arith.index_cast %parallel_loop3A_922 : i32 to index
        %parallel_loop3A_933 = tpu.vector_load %arg6[%parallel_loop3A_930, %parallel_loop3A_931, %parallel_loop3A_932] {strides = array<i32>} : memref<2x8x1024xf32, #tpu.memory_space<vmem>>, vector<1x1x16xf32>,
        %parallel_loop3A_934 = vector.shape_cast %parallel_loop3A_933 : vector<1x1x16xf32> to vector<16xf32>
        %parallel_loop3A_935 = arith.addf %parallel_loop3A_928, %parallel_loop3A_934 : vector<16xf32>
        %parallel_loop3A_936 = arith.constant 7 : i32
        %parallel_loop3A_937 = arith.index_cast %parallel_loop3A_936 : i32 to index
        %parallel_loop3A_938 = arith.index_cast %parallel_loop3A_806 : i32 to index
        %parallel_loop3A_939 = arith.index_cast %parallel_loop3A_922 : i32 to index
        %parallel_loop3A_940 = tpu.vector_load %arg5[%parallel_loop3A_937, %parallel_loop3A_938, %parallel_loop3A_939] {strides = array<i32>} : memref<8x8x1024xf32, #tpu.memory_space<vmem>>, vector<1x1x16xf32>,
        %parallel_loop3A_941 = vector.shape_cast %parallel_loop3A_940 : vector<1x1x16xf32> to vector<16xf32>
        %parallel_loop3A_942 = vector.shape_cast %parallel_loop3A_935 : vector<16xf32> to vector<1x1x16xf32>
        tpu.vector_store %arg5[%parallel_loop3A_937, %parallel_loop3A_938, %parallel_loop3A_939], %parallel_loop3A_942 {strides = array<i32>} : memref<8x8x1024xf32, #tpu.memory_space<vmem>>, vector<1x1x16xf32>,
        %parallel_loop3A_943 = arith.constant 96 : i32
        %parallel_loop3A_944 = arith.addi %parallel_loop3A_810, %parallel_loop3A_943 : i32
        %parallel_loop3A_945 = arith.constant 7 : i32
        %parallel_loop3A_946 = arith.index_cast %parallel_loop3A_945 : i32 to index
        %parallel_loop3A_947 = arith.index_cast %parallel_loop3A_806 : i32 to index
        %parallel_loop3A_948 = arith.index_cast %parallel_loop3A_944 : i32 to index
        %parallel_loop3A_949 = tpu.vector_load %arg5[%parallel_loop3A_946, %parallel_loop3A_947, %parallel_loop3A_948] {strides = array<i32>} : memref<8x8x1024xf32, #tpu.memory_space<vmem>>, vector<1x1x16xf32>,
        %parallel_loop3A_950 = vector.shape_cast %parallel_loop3A_949 : vector<1x1x16xf32> to vector<16xf32>
        %parallel_loop3A_951 = arith.constant 1 : i32
        %parallel_loop3A_952 = arith.index_cast %parallel_loop3A_951 : i32 to index
        %parallel_loop3A_953 = arith.index_cast %parallel_loop3A_806 : i32 to index
        %parallel_loop3A_954 = arith.index_cast %parallel_loop3A_944 : i32 to index
        %parallel_loop3A_955 = tpu.vector_load %arg6[%parallel_loop3A_952, %parallel_loop3A_953, %parallel_loop3A_954] {strides = array<i32>} : memref<2x8x1024xf32, #tpu.memory_space<vmem>>, vector<1x1x16xf32>,
        %parallel_loop3A_956 = vector.shape_cast %parallel_loop3A_955 : vector<1x1x16xf32> to vector<16xf32>
        %parallel_loop3A_957 = arith.addf %parallel_loop3A_950, %parallel_loop3A_956 : vector<16xf32>
        %parallel_loop3A_958 = arith.constant 7 : i32
        %parallel_loop3A_959 = arith.index_cast %parallel_loop3A_958 : i32 to index
        %parallel_loop3A_960 = arith.index_cast %parallel_loop3A_806 : i32 to index
        %parallel_loop3A_961 = arith.index_cast %parallel_loop3A_944 : i32 to index
        %parallel_loop3A_962 = tpu.vector_load %arg5[%parallel_loop3A_959, %parallel_loop3A_960, %parallel_loop3A_961] {strides = array<i32>} : memref<8x8x1024xf32, #tpu.memory_space<vmem>>, vector<1x1x16xf32>,
        %parallel_loop3A_963 = vector.shape_cast %parallel_loop3A_962 : vector<1x1x16xf32> to vector<16xf32>
        %parallel_loop3A_964 = vector.shape_cast %parallel_loop3A_957 : vector<16xf32> to vector<1x1x16xf32>
        tpu.vector_store %arg5[%parallel_loop3A_959, %parallel_loop3A_960, %parallel_loop3A_961], %parallel_loop3A_964 {strides = array<i32>} : memref<8x8x1024xf32, #tpu.memory_space<vmem>>, vector<1x1x16xf32>,
        %parallel_loop3A_965 = arith.constant 112 : i32
        %parallel_loop3A_966 = arith.addi %parallel_loop3A_810, %parallel_loop3A_965 : i32
        %parallel_loop3A_967 = arith.constant 7 : i32
        %parallel_loop3A_968 = arith.index_cast %parallel_loop3A_967 : i32 to index
        %parallel_loop3A_969 = arith.index_cast %parallel_loop3A_806 : i32 to index
        %parallel_loop3A_970 = arith.index_cast %parallel_loop3A_966 : i32 to index
        %parallel_loop3A_971 = tpu.vector_load %arg5[%parallel_loop3A_968, %parallel_loop3A_969, %parallel_loop3A_970] {strides = array<i32>} : memref<8x8x1024xf32, #tpu.memory_space<vmem>>, vector<1x1x16xf32>,
        %parallel_loop3A_972 = vector.shape_cast %parallel_loop3A_971 : vector<1x1x16xf32> to vector<16xf32>
        %parallel_loop3A_973 = arith.constant 1 : i32
        %parallel_loop3A_974 = arith.index_cast %parallel_loop3A_973 : i32 to index
        %parallel_loop3A_975 = arith.index_cast %parallel_loop3A_806 : i32 to index
        %parallel_loop3A_976 = arith.index_cast %parallel_loop3A_966 : i32 to index
        %parallel_loop3A_977 = tpu.vector_load %arg6[%parallel_loop3A_974, %parallel_loop3A_975, %parallel_loop3A_976] {strides = array<i32>} : memref<2x8x1024xf32, #tpu.memory_space<vmem>>, vector<1x1x16xf32>,
        %parallel_loop3A_978 = vector.shape_cast %parallel_loop3A_977 : vector<1x1x16xf32> to vector<16xf32>
        %parallel_loop3A_979 = arith.addf %parallel_loop3A_972, %parallel_loop3A_978 : vector<16xf32>
        %parallel_loop3A_980 = arith.constant 7 : i32
        %parallel_loop3A_981 = arith.index_cast %parallel_loop3A_980 : i32 to index
        %parallel_loop3A_982 = arith.index_cast %parallel_loop3A_806 : i32 to index
        %parallel_loop3A_983 = arith.index_cast %parallel_loop3A_966 : i32 to index
        %parallel_loop3A_984 = tpu.vector_load %arg5[%parallel_loop3A_981, %parallel_loop3A_982, %parallel_loop3A_983] {strides = array<i32>} : memref<8x8x1024xf32, #tpu.memory_space<vmem>>, vector<1x1x16xf32>,
        %parallel_loop3A_985 = vector.shape_cast %parallel_loop3A_984 : vector<1x1x16xf32> to vector<16xf32>
        %parallel_loop3A_986 = vector.shape_cast %parallel_loop3A_979 : vector<16xf32> to vector<1x1x16xf32>
        tpu.vector_store %arg5[%parallel_loop3A_981, %parallel_loop3A_982, %parallel_loop3A_983], %parallel_loop3A_986 {strides = array<i32>} : memref<8x8x1024xf32, #tpu.memory_space<vmem>>, vector<1x1x16xf32>,
      } {sc.loop_unroll_factor = 4 : i64, sc.parallel_access}
      %add3A_769 = arith.constant 12288 : i32
      %add3A_770 = arith.addi %add3A_769, %mul3A_2 : i32
      %mul3A_771 = arith.constant 8 : i32
      %mul3A_772 = arith.muli %add3A_539, %mul3A_771 : i32
      %add3A_773 = arith.addi %add3A_770, %mul3A_772 : i32
      %dma_start3A_774 = arith.constant 7 : i32
      %dma_start3A_775 = arith.constant 1 : i32
      %dma_start3A_776 = arith.constant 3 : i32
      %dma_start3A_777 = arith.constant 0 : i32
      %dma_start3A_778 = arith.constant 0 : i32
      %dma_start3A_779 = tpu.memref_slice %arg5[%dma_start3A_774, %dma_start3A_777, %dma_start3A_778] : memref<8x8x1024xf32, #tpu.memory_space<vmem>> -> memref<1x8x1024xf32, #tpu.memory_space<vmem>>
      %dma_start3A_780 = tpu.memref_squeeze %dma_start3A_779 : memref<1x8x1024xf32, #tpu.memory_space<vmem>> -> memref<8x1024xf32, #tpu.memory_space<vmem>>
      %dma_start3A_781 = arith.constant 0 : i32
      %dma_start3A_782 = tpu.memref_slice %arg4[%add3A_773, %dma_start3A_781] : memref<16384x1024xf32, #tpu.memory_space<hbm>> -> memref<8x1024xf32, #tpu.memory_space<hbm>>
      %dma_start3A_783 = tpu.memref_slice %arg9[%dma_start3A_775, %dma_start3A_776] : memref<2x4x!tpu.dma_semaphore, #tpu.memory_space<semaphore_mem>> -> memref<1x1x!tpu.dma_semaphore, #tpu.memory_space<semaphore_mem>>
      %dma_start3A_784 = tpu.memref_squeeze %dma_start3A_783 : memref<1x1x!tpu.dma_semaphore, #tpu.memory_space<semaphore_mem>> -> memref<!tpu.dma_semaphore, #tpu.memory_space<semaphore_mem>>
      %dma_start3A_785 = arith.constant 0 : i32
      %dma_start3A_786 = tpu.memref_slice %arg4[%add3A_773, %dma_start3A_785] : memref<16384x1024xf32, #tpu.memory_space<hbm>> -> memref<8x1024xf32, #tpu.memory_space<hbm>>
      %dma_start3A_787 = arith.constant 0 : i32
      %dma_start3A_788 = arith.constant 0 : i32
      %dma_start3A_789 = tpu.memref_slice %arg5[%dma_start3A_774, %dma_start3A_787, %dma_start3A_788] : memref<8x8x1024xf32, #tpu.memory_space<vmem>> -> memref<1x8x1024xf32, #tpu.memory_space<vmem>>
      %dma_start3A_790 = tpu.memref_squeeze %dma_start3A_789 : memref<1x8x1024xf32, #tpu.memory_space<vmem>> -> memref<8x1024xf32, #tpu.memory_space<vmem>>
      tpu.enqueue_dma source(%dma_start3A_790 : memref<8x1024xf32, #tpu.memory_space<vmem>>) target(%dma_start3A_786 : memref<8x1024xf32, #tpu.memory_space<hbm>>) target_semaphore(%dma_start3A_784 : memref<!tpu.dma_semaphore, #tpu.memory_space<semaphore_mem>>)
      %eq3A_791 = arith.constant 0 : i32
      %eq3A_792 = arith.cmpi eq, %add3A_539, %eq3A_791 : i32
      %convert_element_type3A_793 = arith.extui %eq3A_792 : i1 to i32
      %cond3A_794 = arith.constant 0 : i32
      %cond3A_795 = arith.cmpi ne, %convert_element_type3A_793, %cond3A_794 : i32
      scf.if %cond3A_795 {
        %add3A_804 = arith.constant 12288 : i32
        %add3A_805 = arith.addi %add3A_804, %mul3A_2 : i32
        %add3A_806 = arith.constant 8 : i32
        %add3A_807 = arith.addi %add3A_805, %add3A_806 : i32
        %dma_start3A_808 = arith.constant 7 : i32
        %dma_start3A_809 = arith.constant 1 : i32
        %dma_start3A_810 = arith.constant 3 : i32
        %dma_start3A_811 = arith.constant 0 : i32
        %dma_start3A_812 = arith.constant 0 : i32
        %dma_start3A_813 = tpu.memref_slice %arg5[%dma_start3A_808, %dma_start3A_811, %dma_start3A_812] : memref<8x8x1024xf32, #tpu.memory_space<vmem>> -> memref<1x8x1024xf32, #tpu.memory_space<vmem>>
        %dma_start3A_814 = tpu.memref_squeeze %dma_start3A_813 : memref<1x8x1024xf32, #tpu.memory_space<vmem>> -> memref<8x1024xf32, #tpu.memory_space<vmem>>
        %dma_start3A_815 = arith.constant 0 : i32
        %dma_start3A_816 = tpu.memref_slice %arg2[%add3A_807, %dma_start3A_815] : memref<16384x1024xf32, #tpu.memory_space<hbm>> -> memref<8x1024xf32, #tpu.memory_space<hbm>>
        %dma_start3A_817 = tpu.memref_slice %arg7[%dma_start3A_809, %dma_start3A_810] : memref<2x4x!tpu.dma_semaphore, #tpu.memory_space<semaphore_mem>> -> memref<1x1x!tpu.dma_semaphore, #tpu.memory_space<semaphore_mem>>
        %dma_start3A_818 = tpu.memref_squeeze %dma_start3A_817 : memref<1x1x!tpu.dma_semaphore, #tpu.memory_space<semaphore_mem>> -> memref<!tpu.dma_semaphore, #tpu.memory_space<semaphore_mem>>
        %dma_start3A_819 = arith.constant 0 : i32
        %dma_start3A_820 = arith.constant 0 : i32
        %dma_start3A_821 = tpu.memref_slice %arg5[%dma_start3A_808, %dma_start3A_819, %dma_start3A_820] : memref<8x8x1024xf32, #tpu.memory_space<vmem>> -> memref<1x8x1024xf32, #tpu.memory_space<vmem>>
        %dma_start3A_822 = tpu.memref_squeeze %dma_start3A_821 : memref<1x8x1024xf32, #tpu.memory_space<vmem>> -> memref<8x1024xf32, #tpu.memory_space<vmem>>
        %dma_start3A_823 = arith.constant 0 : i32
        %dma_start3A_824 = tpu.memref_slice %arg2[%add3A_807, %dma_start3A_823] : memref<16384x1024xf32, #tpu.memory_space<hbm>> -> memref<8x1024xf32, #tpu.memory_space<hbm>>
        tpu.enqueue_dma source(%dma_start3A_824 : memref<8x1024xf32, #tpu.memory_space<hbm>>) target(%dma_start3A_822 : memref<8x1024xf32, #tpu.memory_space<vmem>>) target_semaphore(%dma_start3A_818 : memref<!tpu.dma_semaphore, #tpu.memory_space<semaphore_mem>>)
      } else {
      }
      %ge3A_796 = arith.constant 1 : i32
      %ge3A_797 = arith.cmpi sge, %add3A_539, %ge3A_796 : i32
      %lt3A_798 = arith.constant 15 : i32
      %lt3A_799 = arith.cmpi slt, %add3A_539, %lt3A_798 : i32
      %and3A_800 = arith.andi %ge3A_797, %lt3A_799 : i1
      %convert_element_type3A_801 = arith.extui %and3A_800 : i1 to i32
      %cond3A_802 = arith.constant 0 : i32
      %cond3A_803 = arith.cmpi ne, %convert_element_type3A_801, %cond3A_802 : i32
      scf.if %cond3A_803 {
        %sub3A = arith.constant 1 : i32
        %sub3A_804 = arith.subi %add3A_539, %sub3A : i32
        %add3A_805 = arith.constant 12288 : i32
        %add3A_806 = arith.addi %add3A_805, %mul3A_2 : i32
        %mul3A_807 = arith.constant 8 : i32
        %mul3A_808 = arith.muli %sub3A_804, %mul3A_807 : i32
        %add3A_809 = arith.addi %add3A_806, %mul3A_808 : i32
        %dma_wait3A_810 = arith.constant 3 : i32
        %dma_wait3A_811 = arith.constant 0 : i32
        %dma_wait3A_812 = arith.constant 3 : i32
        %dma_wait3A_813 = arith.constant 0 : i32
        %dma_wait3A_814 = arith.constant 0 : i32
        %dma_wait3A_815 = tpu.memref_slice %arg5[%dma_wait3A_810, %dma_wait3A_813, %dma_wait3A_814] : memref<8x8x1024xf32, #tpu.memory_space<vmem>> -> memref<1x8x1024xf32, #tpu.memory_space<vmem>>
        %dma_wait3A_816 = tpu.memref_squeeze %dma_wait3A_815 : memref<1x8x1024xf32, #tpu.memory_space<vmem>> -> memref<8x1024xf32, #tpu.memory_space<vmem>>
        %dma_wait3A_817 = arith.constant 0 : i32
        %dma_wait3A_818 = tpu.memref_slice %arg4[%add3A_809, %dma_wait3A_817] : memref<16384x1024xf32, #tpu.memory_space<hbm>> -> memref<8x1024xf32, #tpu.memory_space<hbm>>
        %dma_wait3A_819 = tpu.memref_slice %arg9[%dma_wait3A_811, %dma_wait3A_812] : memref<2x4x!tpu.dma_semaphore, #tpu.memory_space<semaphore_mem>> -> memref<1x1x!tpu.dma_semaphore, #tpu.memory_space<semaphore_mem>>
        %dma_wait3A_820 = tpu.memref_squeeze %dma_wait3A_819 : memref<1x1x!tpu.dma_semaphore, #tpu.memory_space<semaphore_mem>> -> memref<!tpu.dma_semaphore, #tpu.memory_space<semaphore_mem>>
        %dma_wait3A_821 = arith.constant 0 : i32
        %dma_wait3A_822 = tpu.memref_slice %arg4[%add3A_809, %dma_wait3A_821] : memref<16384x1024xf32, #tpu.memory_space<hbm>> -> memref<8x1024xf32, #tpu.memory_space<hbm>>
        %dma_wait3A_823 = arith.constant 0 : i32
        %dma_wait3A_824 = arith.constant 0 : i32
        %dma_wait3A_825 = tpu.memref_slice %arg5[%dma_wait3A_810, %dma_wait3A_823, %dma_wait3A_824] : memref<8x8x1024xf32, #tpu.memory_space<vmem>> -> memref<1x8x1024xf32, #tpu.memory_space<vmem>>
        %dma_wait3A_826 = tpu.memref_squeeze %dma_wait3A_825 : memref<1x8x1024xf32, #tpu.memory_space<vmem>> -> memref<8x1024xf32, #tpu.memory_space<vmem>>
        tpu.wait_dma2 semaphore(%dma_wait3A_820 : memref<!tpu.dma_semaphore, #tpu.memory_space<semaphore_mem>>) src(%dma_wait3A_826 : memref<8x1024xf32, #tpu.memory_space<vmem>>) dst(%dma_wait3A_822 : memref<8x1024xf32, #tpu.memory_space<hbm>>)
        %add3A_827 = arith.constant 1 : i32
        %add3A_828 = arith.addi %add3A_539, %add3A_827 : i32
        %add3A_829 = arith.constant 12288 : i32
        %add3A_830 = arith.addi %add3A_829, %mul3A_2 : i32
        %mul3A_831 = arith.constant 8 : i32
        %mul3A_832 = arith.muli %add3A_828, %mul3A_831 : i32
        %add3A_833 = arith.addi %add3A_830, %mul3A_832 : i32
        %dma_start3A_834 = arith.constant 3 : i32
        %dma_start3A_835 = arith.constant 0 : i32
        %dma_start3A_836 = arith.constant 3 : i32
        %dma_start3A_837 = arith.constant 0 : i32
        %dma_start3A_838 = arith.constant 0 : i32
        %dma_start3A_839 = tpu.memref_slice %arg5[%dma_start3A_834, %dma_start3A_837, %dma_start3A_838] : memref<8x8x1024xf32, #tpu.memory_space<vmem>> -> memref<1x8x1024xf32, #tpu.memory_space<vmem>>
        %dma_start3A_840 = tpu.memref_squeeze %dma_start3A_839 : memref<1x8x1024xf32, #tpu.memory_space<vmem>> -> memref<8x1024xf32, #tpu.memory_space<vmem>>
        %dma_start3A_841 = arith.constant 0 : i32
        %dma_start3A_842 = tpu.memref_slice %arg2[%add3A_833, %dma_start3A_841] : memref<16384x1024xf32, #tpu.memory_space<hbm>> -> memref<8x1024xf32, #tpu.memory_space<hbm>>
        %dma_start3A_843 = tpu.memref_slice %arg7[%dma_start3A_835, %dma_start3A_836] : memref<2x4x!tpu.dma_semaphore, #tpu.memory_space<semaphore_mem>> -> memref<1x1x!tpu.dma_semaphore, #tpu.memory_space<semaphore_mem>>
        %dma_start3A_844 = tpu.memref_squeeze %dma_start3A_843 : memref<1x1x!tpu.dma_semaphore, #tpu.memory_space<semaphore_mem>> -> memref<!tpu.dma_semaphore, #tpu.memory_space<semaphore_mem>>
        %dma_start3A_845 = arith.constant 0 : i32
        %dma_start3A_846 = arith.constant 0 : i32
        %dma_start3A_847 = tpu.memref_slice %arg5[%dma_start3A_834, %dma_start3A_845, %dma_start3A_846] : memref<8x8x1024xf32, #tpu.memory_space<vmem>> -> memref<1x8x1024xf32, #tpu.memory_space<vmem>>
        %dma_start3A_848 = tpu.memref_squeeze %dma_start3A_847 : memref<1x8x1024xf32, #tpu.memory_space<vmem>> -> memref<8x1024xf32, #tpu.memory_space<vmem>>
        %dma_start3A_849 = arith.constant 0 : i32
        %dma_start3A_850 = tpu.memref_slice %arg2[%add3A_833, %dma_start3A_849] : memref<16384x1024xf32, #tpu.memory_space<hbm>> -> memref<8x1024xf32, #tpu.memory_space<hbm>>
        tpu.enqueue_dma source(%dma_start3A_850 : memref<8x1024xf32, #tpu.memory_space<hbm>>) target(%dma_start3A_848 : memref<8x1024xf32, #tpu.memory_space<vmem>>) target_semaphore(%dma_start3A_844 : memref<!tpu.dma_semaphore, #tpu.memory_space<semaphore_mem>>)
      } else {
      }
    }
    %scan3A_108 = arith.constant 8 : i32
    %add3A_109 = arith.constant 0 : i32
    %add3A_110 = arith.addi %add3A_109, %mul3A_2 : i32
    %add3A_111 = arith.constant 112 : i32
    %add3A_112 = arith.addi %add3A_110, %add3A_111 : i32
    %dma_wait3A = arith.constant 0 : i32
    %dma_wait3A_113 = arith.constant 0 : i32
    %dma_wait3A_114 = arith.constant 0 : i32
    %dma_wait3A_115 = arith.constant 0 : i32
    %dma_wait3A_116 = arith.constant 0 : i32
    %dma_wait3A_117 = tpu.memref_slice %arg5[%dma_wait3A, %dma_wait3A_115, %dma_wait3A_116] : memref<8x8x1024xf32, #tpu.memory_space<vmem>> -> memref<1x8x1024xf32, #tpu.memory_space<vmem>>
    %dma_wait3A_118 = tpu.memref_squeeze %dma_wait3A_117 : memref<1x8x1024xf32, #tpu.memory_space<vmem>> -> memref<8x1024xf32, #tpu.memory_space<vmem>>
    %dma_wait3A_119 = arith.constant 0 : i32
    %dma_wait3A_120 = tpu.memref_slice %arg4[%add3A_112, %dma_wait3A_119] : memref<16384x1024xf32, #tpu.memory_space<hbm>> -> memref<8x1024xf32, #tpu.memory_space<hbm>>
    %dma_wait3A_121 = tpu.memref_slice %arg9[%dma_wait3A_113, %dma_wait3A_114] : memref<2x4x!tpu.dma_semaphore, #tpu.memory_space<semaphore_mem>> -> memref<1x1x!tpu.dma_semaphore, #tpu.memory_space<semaphore_mem>>
    %dma_wait3A_122 = tpu.memref_squeeze %dma_wait3A_121 : memref<1x1x!tpu.dma_semaphore, #tpu.memory_space<semaphore_mem>> -> memref<!tpu.dma_semaphore, #tpu.memory_space<semaphore_mem>>
    %dma_wait3A_123 = arith.constant 0 : i32
    %dma_wait3A_124 = tpu.memref_slice %arg4[%add3A_112, %dma_wait3A_123] : memref<16384x1024xf32, #tpu.memory_space<hbm>> -> memref<8x1024xf32, #tpu.memory_space<hbm>>
    %dma_wait3A_125 = arith.constant 0 : i32
    %dma_wait3A_126 = arith.constant 0 : i32
    %dma_wait3A_127 = tpu.memref_slice %arg5[%dma_wait3A, %dma_wait3A_125, %dma_wait3A_126] : memref<8x8x1024xf32, #tpu.memory_space<vmem>> -> memref<1x8x1024xf32, #tpu.memory_space<vmem>>
    %dma_wait3A_128 = tpu.memref_squeeze %dma_wait3A_127 : memref<1x8x1024xf32, #tpu.memory_space<vmem>> -> memref<8x1024xf32, #tpu.memory_space<vmem>>
    tpu.wait_dma2 semaphore(%dma_wait3A_122 : memref<!tpu.dma_semaphore, #tpu.memory_space<semaphore_mem>>) src(%dma_wait3A_128 : memref<8x1024xf32, #tpu.memory_space<vmem>>) dst(%dma_wait3A_124 : memref<8x1024xf32, #tpu.memory_space<hbm>>)
    %add3A_129 = arith.constant 0 : i32
    %add3A_130 = arith.addi %add3A_129, %mul3A_2 : i32
    %add3A_131 = arith.constant 120 : i32
    %add3A_132 = arith.addi %add3A_130, %add3A_131 : i32
    %dma_wait3A_133 = arith.constant 4 : i32
    %dma_wait3A_134 = arith.constant 1 : i32
    %dma_wait3A_135 = arith.constant 0 : i32
    %dma_wait3A_136 = arith.constant 0 : i32
    %dma_wait3A_137 = arith.constant 0 : i32
    %dma_wait3A_138 = tpu.memref_slice %arg5[%dma_wait3A_133, %dma_wait3A_136, %dma_wait3A_137] : memref<8x8x1024xf32, #tpu.memory_space<vmem>> -> memref<1x8x1024xf32, #tpu.memory_space<vmem>>
    %dma_wait3A_139 = tpu.memref_squeeze %dma_wait3A_138 : memref<1x8x1024xf32, #tpu.memory_space<vmem>> -> memref<8x1024xf32, #tpu.memory_space<vmem>>
    %dma_wait3A_140 = arith.constant 0 : i32
    %dma_wait3A_141 = tpu.memref_slice %arg4[%add3A_132, %dma_wait3A_140] : memref<16384x1024xf32, #tpu.memory_space<hbm>> -> memref<8x1024xf32, #tpu.memory_space<hbm>>
    %dma_wait3A_142 = tpu.memref_slice %arg9[%dma_wait3A_134, %dma_wait3A_135] : memref<2x4x!tpu.dma_semaphore, #tpu.memory_space<semaphore_mem>> -> memref<1x1x!tpu.dma_semaphore, #tpu.memory_space<semaphore_mem>>
    %dma_wait3A_143 = tpu.memref_squeeze %dma_wait3A_142 : memref<1x1x!tpu.dma_semaphore, #tpu.memory_space<semaphore_mem>> -> memref<!tpu.dma_semaphore, #tpu.memory_space<semaphore_mem>>
    %dma_wait3A_144 = arith.constant 0 : i32
    %dma_wait3A_145 = tpu.memref_slice %arg4[%add3A_132, %dma_wait3A_144] : memref<16384x1024xf32, #tpu.memory_space<hbm>> -> memref<8x1024xf32, #tpu.memory_space<hbm>>
    %dma_wait3A_146 = arith.constant 0 : i32
    %dma_wait3A_147 = arith.constant 0 : i32
    %dma_wait3A_148 = tpu.memref_slice %arg5[%dma_wait3A_133, %dma_wait3A_146, %dma_wait3A_147] : memref<8x8x1024xf32, #tpu.memory_space<vmem>> -> memref<1x8x1024xf32, #tpu.memory_space<vmem>>
    %dma_wait3A_149 = tpu.memref_squeeze %dma_wait3A_148 : memref<1x8x1024xf32, #tpu.memory_space<vmem>> -> memref<8x1024xf32, #tpu.memory_space<vmem>>
    tpu.wait_dma2 semaphore(%dma_wait3A_143 : memref<!tpu.dma_semaphore, #tpu.memory_space<semaphore_mem>>) src(%dma_wait3A_149 : memref<8x1024xf32, #tpu.memory_space<vmem>>) dst(%dma_wait3A_145 : memref<8x1024xf32, #tpu.memory_space<hbm>>)
    %add3A_150 = arith.constant 4096 : i32
    %add3A_151 = arith.addi %add3A_150, %mul3A_2 : i32
    %add3A_152 = arith.constant 112 : i32
    %add3A_153 = arith.addi %add3A_151, %add3A_152 : i32
    %dma_wait3A_154 = arith.constant 1 : i32
    %dma_wait3A_155 = arith.constant 0 : i32
    %dma_wait3A_156 = arith.constant 1 : i32
    %dma_wait3A_157 = arith.constant 0 : i32
    %dma_wait3A_158 = arith.constant 0 : i32
    %dma_wait3A_159 = tpu.memref_slice %arg5[%dma_wait3A_154, %dma_wait3A_157, %dma_wait3A_158] : memref<8x8x1024xf32, #tpu.memory_space<vmem>> -> memref<1x8x1024xf32, #tpu.memory_space<vmem>>
    %dma_wait3A_160 = tpu.memref_squeeze %dma_wait3A_159 : memref<1x8x1024xf32, #tpu.memory_space<vmem>> -> memref<8x1024xf32, #tpu.memory_space<vmem>>
    %dma_wait3A_161 = arith.constant 0 : i32
    %dma_wait3A_162 = tpu.memref_slice %arg4[%add3A_153, %dma_wait3A_161] : memref<16384x1024xf32, #tpu.memory_space<hbm>> -> memref<8x1024xf32, #tpu.memory_space<hbm>>
    %dma_wait3A_163 = tpu.memref_slice %arg9[%dma_wait3A_155, %dma_wait3A_156] : memref<2x4x!tpu.dma_semaphore, #tpu.memory_space<semaphore_mem>> -> memref<1x1x!tpu.dma_semaphore, #tpu.memory_space<semaphore_mem>>
    %dma_wait3A_164 = tpu.memref_squeeze %dma_wait3A_163 : memref<1x1x!tpu.dma_semaphore, #tpu.memory_space<semaphore_mem>> -> memref<!tpu.dma_semaphore, #tpu.memory_space<semaphore_mem>>
    %dma_wait3A_165 = arith.constant 0 : i32
    %dma_wait3A_166 = tpu.memref_slice %arg4[%add3A_153, %dma_wait3A_165] : memref<16384x1024xf32, #tpu.memory_space<hbm>> -> memref<8x1024xf32, #tpu.memory_space<hbm>>
    %dma_wait3A_167 = arith.constant 0 : i32
    %dma_wait3A_168 = arith.constant 0 : i32
    %dma_wait3A_169 = tpu.memref_slice %arg5[%dma_wait3A_154, %dma_wait3A_167, %dma_wait3A_168] : memref<8x8x1024xf32, #tpu.memory_space<vmem>> -> memref<1x8x1024xf32, #tpu.memory_space<vmem>>
    %dma_wait3A_170 = tpu.memref_squeeze %dma_wait3A_169 : memref<1x8x1024xf32, #tpu.memory_space<vmem>> -> memref<8x1024xf32, #tpu.memory_space<vmem>>
    tpu.wait_dma2 semaphore(%dma_wait3A_164 : memref<!tpu.dma_semaphore, #tpu.memory_space<semaphore_mem>>) src(%dma_wait3A_170 : memref<8x1024xf32, #tpu.memory_space<vmem>>) dst(%dma_wait3A_166 : memref<8x1024xf32, #tpu.memory_space<hbm>>)
    %add3A_171 = arith.constant 4096 : i32
    %add3A_172 = arith.addi %add3A_171, %mul3A_2 : i32
    %add3A_173 = arith.constant 120 : i32
    %add3A_174 = arith.addi %add3A_172, %add3A_173 : i32
    %dma_wait3A_175 = arith.constant 5 : i32
    %dma_wait3A_176 = arith.constant 1 : i32
    %dma_wait3A_177 = arith.constant 1 : i32
    %dma_wait3A_178 = arith.constant 0 : i32
    %dma_wait3A_179 = arith.constant 0 : i32
    %dma_wait3A_180 = tpu.memref_slice %arg5[%dma_wait3A_175, %dma_wait3A_178, %dma_wait3A_179] : memref<8x8x1024xf32, #tpu.memory_space<vmem>> -> memref<1x8x1024xf32, #tpu.memory_space<vmem>>
    %dma_wait3A_181 = tpu.memref_squeeze %dma_wait3A_180 : memref<1x8x1024xf32, #tpu.memory_space<vmem>> -> memref<8x1024xf32, #tpu.memory_space<vmem>>
    %dma_wait3A_182 = arith.constant 0 : i32
    %dma_wait3A_183 = tpu.memref_slice %arg4[%add3A_174, %dma_wait3A_182] : memref<16384x1024xf32, #tpu.memory_space<hbm>> -> memref<8x1024xf32, #tpu.memory_space<hbm>>
    %dma_wait3A_184 = tpu.memref_slice %arg9[%dma_wait3A_176, %dma_wait3A_177] : memref<2x4x!tpu.dma_semaphore, #tpu.memory_space<semaphore_mem>> -> memref<1x1x!tpu.dma_semaphore, #tpu.memory_space<semaphore_mem>>
    %dma_wait3A_185 = tpu.memref_squeeze %dma_wait3A_184 : memref<1x1x!tpu.dma_semaphore, #tpu.memory_space<semaphore_mem>> -> memref<!tpu.dma_semaphore, #tpu.memory_space<semaphore_mem>>
    %dma_wait3A_186 = arith.constant 0 : i32
    %dma_wait3A_187 = tpu.memref_slice %arg4[%add3A_174, %dma_wait3A_186] : memref<16384x1024xf32, #tpu.memory_space<hbm>> -> memref<8x1024xf32, #tpu.memory_space<hbm>>
    %dma_wait3A_188 = arith.constant 0 : i32
    %dma_wait3A_189 = arith.constant 0 : i32
    %dma_wait3A_190 = tpu.memref_slice %arg5[%dma_wait3A_175, %dma_wait3A_188, %dma_wait3A_189] : memref<8x8x1024xf32, #tpu.memory_space<vmem>> -> memref<1x8x1024xf32, #tpu.memory_space<vmem>>
    %dma_wait3A_191 = tpu.memref_squeeze %dma_wait3A_190 : memref<1x8x1024xf32, #tpu.memory_space<vmem>> -> memref<8x1024xf32, #tpu.memory_space<vmem>>
    tpu.wait_dma2 semaphore(%dma_wait3A_185 : memref<!tpu.dma_semaphore, #tpu.memory_space<semaphore_mem>>) src(%dma_wait3A_191 : memref<8x1024xf32, #tpu.memory_space<vmem>>) dst(%dma_wait3A_187 : memref<8x1024xf32, #tpu.memory_space<hbm>>)
    %add3A_192 = arith.constant 8192 : i32
    %add3A_193 = arith.addi %add3A_192, %mul3A_2 : i32
    %add3A_194 = arith.constant 112 : i32
    %add3A_195 = arith.addi %add3A_193, %add3A_194 : i32
    %dma_wait3A_196 = arith.constant 2 : i32
    %dma_wait3A_197 = arith.constant 0 : i32
    %dma_wait3A_198 = arith.constant 2 : i32
    %dma_wait3A_199 = arith.constant 0 : i32
    %dma_wait3A_200 = arith.constant 0 : i32
    %dma_wait3A_201 = tpu.memref_slice %arg5[%dma_wait3A_196, %dma_wait3A_199, %dma_wait3A_200] : memref<8x8x1024xf32, #tpu.memory_space<vmem>> -> memref<1x8x1024xf32, #tpu.memory_space<vmem>>
    %dma_wait3A_202 = tpu.memref_squeeze %dma_wait3A_201 : memref<1x8x1024xf32, #tpu.memory_space<vmem>> -> memref<8x1024xf32, #tpu.memory_space<vmem>>
    %dma_wait3A_203 = arith.constant 0 : i32
    %dma_wait3A_204 = tpu.memref_slice %arg4[%add3A_195, %dma_wait3A_203] : memref<16384x1024xf32, #tpu.memory_space<hbm>> -> memref<8x1024xf32, #tpu.memory_space<hbm>>
    %dma_wait3A_205 = tpu.memref_slice %arg9[%dma_wait3A_197, %dma_wait3A_198] : memref<2x4x!tpu.dma_semaphore, #tpu.memory_space<semaphore_mem>> -> memref<1x1x!tpu.dma_semaphore, #tpu.memory_space<semaphore_mem>>
    %dma_wait3A_206 = tpu.memref_squeeze %dma_wait3A_205 : memref<1x1x!tpu.dma_semaphore, #tpu.memory_space<semaphore_mem>> -> memref<!tpu.dma_semaphore, #tpu.memory_space<semaphore_mem>>
    %dma_wait3A_207 = arith.constant 0 : i32
    %dma_wait3A_208 = tpu.memref_slice %arg4[%add3A_195, %dma_wait3A_207] : memref<16384x1024xf32, #tpu.memory_space<hbm>> -> memref<8x1024xf32, #tpu.memory_space<hbm>>
    %dma_wait3A_209 = arith.constant 0 : i32
    %dma_wait3A_210 = arith.constant 0 : i32
    %dma_wait3A_211 = tpu.memref_slice %arg5[%dma_wait3A_196, %dma_wait3A_209, %dma_wait3A_210] : memref<8x8x1024xf32, #tpu.memory_space<vmem>> -> memref<1x8x1024xf32, #tpu.memory_space<vmem>>
    %dma_wait3A_212 = tpu.memref_squeeze %dma_wait3A_211 : memref<1x8x1024xf32, #tpu.memory_space<vmem>> -> memref<8x1024xf32, #tpu.memory_space<vmem>>
    tpu.wait_dma2 semaphore(%dma_wait3A_206 : memref<!tpu.dma_semaphore, #tpu.memory_space<semaphore_mem>>) src(%dma_wait3A_212 : memref<8x1024xf32, #tpu.memory_space<vmem>>) dst(%dma_wait3A_208 : memref<8x1024xf32, #tpu.memory_space<hbm>>)
    %add3A_213 = arith.constant 8192 : i32
    %add3A_214 = arith.addi %add3A_213, %mul3A_2 : i32
    %add3A_215 = arith.constant 120 : i32
    %add3A_216 = arith.addi %add3A_214, %add3A_215 : i32
    %dma_wait3A_217 = arith.constant 6 : i32
    %dma_wait3A_218 = arith.constant 1 : i32
    %dma_wait3A_219 = arith.constant 2 : i32
    %dma_wait3A_220 = arith.constant 0 : i32
    %dma_wait3A_221 = arith.constant 0 : i32
    %dma_wait3A_222 = tpu.memref_slice %arg5[%dma_wait3A_217, %dma_wait3A_220, %dma_wait3A_221] : memref<8x8x1024xf32, #tpu.memory_space<vmem>> -> memref<1x8x1024xf32, #tpu.memory_space<vmem>>
    %dma_wait3A_223 = tpu.memref_squeeze %dma_wait3A_222 : memref<1x8x1024xf32, #tpu.memory_space<vmem>> -> memref<8x1024xf32, #tpu.memory_space<vmem>>
    %dma_wait3A_224 = arith.constant 0 : i32
    %dma_wait3A_225 = tpu.memref_slice %arg4[%add3A_216, %dma_wait3A_224] : memref<16384x1024xf32, #tpu.memory_space<hbm>> -> memref<8x1024xf32, #tpu.memory_space<hbm>>
    %dma_wait3A_226 = tpu.memref_slice %arg9[%dma_wait3A_218, %dma_wait3A_219] : memref<2x4x!tpu.dma_semaphore, #tpu.memory_space<semaphore_mem>> -> memref<1x1x!tpu.dma_semaphore, #tpu.memory_space<semaphore_mem>>
    %dma_wait3A_227 = tpu.memref_squeeze %dma_wait3A_226 : memref<1x1x!tpu.dma_semaphore, #tpu.memory_space<semaphore_mem>> -> memref<!tpu.dma_semaphore, #tpu.memory_space<semaphore_mem>>
    %dma_wait3A_228 = arith.constant 0 : i32
    %dma_wait3A_229 = tpu.memref_slice %arg4[%add3A_216, %dma_wait3A_228] : memref<16384x1024xf32, #tpu.memory_space<hbm>> -> memref<8x1024xf32, #tpu.memory_space<hbm>>
    %dma_wait3A_230 = arith.constant 0 : i32
    %dma_wait3A_231 = arith.constant 0 : i32
    %dma_wait3A_232 = tpu.memref_slice %arg5[%dma_wait3A_217, %dma_wait3A_230, %dma_wait3A_231] : memref<8x8x1024xf32, #tpu.memory_space<vmem>> -> memref<1x8x1024xf32, #tpu.memory_space<vmem>>
    %dma_wait3A_233 = tpu.memref_squeeze %dma_wait3A_232 : memref<1x8x1024xf32, #tpu.memory_space<vmem>> -> memref<8x1024xf32, #tpu.memory_space<vmem>>
    tpu.wait_dma2 semaphore(%dma_wait3A_227 : memref<!tpu.dma_semaphore, #tpu.memory_space<semaphore_mem>>) src(%dma_wait3A_233 : memref<8x1024xf32, #tpu.memory_space<vmem>>) dst(%dma_wait3A_229 : memref<8x1024xf32, #tpu.memory_space<hbm>>)
    %add3A_234 = arith.constant 12288 : i32
    %add3A_235 = arith.addi %add3A_234, %mul3A_2 : i32
    %add3A_236 = arith.constant 112 : i32
    %add3A_237 = arith.addi %add3A_235, %add3A_236 : i32
    %dma_wait3A_238 = arith.constant 3 : i32
    %dma_wait3A_239 = arith.constant 0 : i32
    %dma_wait3A_240 = arith.constant 3 : i32
    %dma_wait3A_241 = arith.constant 0 : i32
    %dma_wait3A_242 = arith.constant 0 : i32
    %dma_wait3A_243 = tpu.memref_slice %arg5[%dma_wait3A_238, %dma_wait3A_241, %dma_wait3A_242] : memref<8x8x1024xf32, #tpu.memory_space<vmem>> -> memref<1x8x1024xf32, #tpu.memory_space<vmem>>
    %dma_wait3A_244 = tpu.memref_squeeze %dma_wait3A_243 : memref<1x8x1024xf32, #tpu.memory_space<vmem>> -> memref<8x1024xf32, #tpu.memory_space<vmem>>
    %dma_wait3A_245 = arith.constant 0 : i32
    %dma_wait3A_246 = tpu.memref_slice %arg4[%add3A_237, %dma_wait3A_245] : memref<16384x1024xf32, #tpu.memory_space<hbm>> -> memref<8x1024xf32, #tpu.memory_space<hbm>>
    %dma_wait3A_247 = tpu.memref_slice %arg9[%dma_wait3A_239, %dma_wait3A_240] : memref<2x4x!tpu.dma_semaphore, #tpu.memory_space<semaphore_mem>> -> memref<1x1x!tpu.dma_semaphore, #tpu.memory_space<semaphore_mem>>
    %dma_wait3A_248 = tpu.memref_squeeze %dma_wait3A_247 : memref<1x1x!tpu.dma_semaphore, #tpu.memory_space<semaphore_mem>> -> memref<!tpu.dma_semaphore, #tpu.memory_space<semaphore_mem>>
    %dma_wait3A_249 = arith.constant 0 : i32
    %dma_wait3A_250 = tpu.memref_slice %arg4[%add3A_237, %dma_wait3A_249] : memref<16384x1024xf32, #tpu.memory_space<hbm>> -> memref<8x1024xf32, #tpu.memory_space<hbm>>
    %dma_wait3A_251 = arith.constant 0 : i32
    %dma_wait3A_252 = arith.constant 0 : i32
    %dma_wait3A_253 = tpu.memref_slice %arg5[%dma_wait3A_238, %dma_wait3A_251, %dma_wait3A_252] : memref<8x8x1024xf32, #tpu.memory_space<vmem>> -> memref<1x8x1024xf32, #tpu.memory_space<vmem>>
    %dma_wait3A_254 = tpu.memref_squeeze %dma_wait3A_253 : memref<1x8x1024xf32, #tpu.memory_space<vmem>> -> memref<8x1024xf32, #tpu.memory_space<vmem>>
    tpu.wait_dma2 semaphore(%dma_wait3A_248 : memref<!tpu.dma_semaphore, #tpu.memory_space<semaphore_mem>>) src(%dma_wait3A_254 : memref<8x1024xf32, #tpu.memory_space<vmem>>) dst(%dma_wait3A_250 : memref<8x1024xf32, #tpu.memory_space<hbm>>)
    %add3A_255 = arith.constant 12288 : i32
    %add3A_256 = arith.addi %add3A_255, %mul3A_2 : i32
    %add3A_257 = arith.constant 120 : i32
    %add3A_258 = arith.addi %add3A_256, %add3A_257 : i32
    %dma_wait3A_259 = arith.constant 7 : i32
    %dma_wait3A_260 = arith.constant 1 : i32
    %dma_wait3A_261 = arith.constant 3 : i32
    %dma_wait3A_262 = arith.constant 0 : i32
    %dma_wait3A_263 = arith.constant 0 : i32
    %dma_wait3A_264 = tpu.memref_slice %arg5[%dma_wait3A_259, %dma_wait3A_262, %dma_wait3A_263] : memref<8x8x1024xf32, #tpu.memory_space<vmem>> -> memref<1x8x1024xf32, #tpu.memory_space<vmem>>
    %dma_wait3A_265 = tpu.memref_squeeze %dma_wait3A_264 : memref<1x8x1024xf32, #tpu.memory_space<vmem>> -> memref<8x1024xf32, #tpu.memory_space<vmem>>
    %dma_wait3A_266 = arith.constant 0 : i32
    %dma_wait3A_267 = tpu.memref_slice %arg4[%add3A_258, %dma_wait3A_266] : memref<16384x1024xf32, #tpu.memory_space<hbm>> -> memref<8x1024xf32, #tpu.memory_space<hbm>>
    %dma_wait3A_268 = tpu.memref_slice %arg9[%dma_wait3A_260, %dma_wait3A_261] : memref<2x4x!tpu.dma_semaphore, #tpu.memory_space<semaphore_mem>> -> memref<1x1x!tpu.dma_semaphore, #tpu.memory_space<semaphore_mem>>
    %dma_wait3A_269 = tpu.memref_squeeze %dma_wait3A_268 : memref<1x1x!tpu.dma_semaphore, #tpu.memory_space<semaphore_mem>> -> memref<!tpu.dma_semaphore, #tpu.memory_space<semaphore_mem>>
    %dma_wait3A_270 = arith.constant 0 : i32
    %dma_wait3A_271 = tpu.memref_slice %arg4[%add3A_258, %dma_wait3A_270] : memref<16384x1024xf32, #tpu.memory_space<hbm>> -> memref<8x1024xf32, #tpu.memory_space<hbm>>
    %dma_wait3A_272 = arith.constant 0 : i32
    %dma_wait3A_273 = arith.constant 0 : i32
    %dma_wait3A_274 = tpu.memref_slice %arg5[%dma_wait3A_259, %dma_wait3A_272, %dma_wait3A_273] : memref<8x8x1024xf32, #tpu.memory_space<vmem>> -> memref<1x8x1024xf32, #tpu.memory_space<vmem>>
    %dma_wait3A_275 = tpu.memref_squeeze %dma_wait3A_274 : memref<1x8x1024xf32, #tpu.memory_space<vmem>> -> memref<8x1024xf32, #tpu.memory_space<vmem>>
    tpu.wait_dma2 semaphore(%dma_wait3A_269 : memref<!tpu.dma_semaphore, #tpu.memory_space<semaphore_mem>>) src(%dma_wait3A_275 : memref<8x1024xf32, #tpu.memory_space<vmem>>) dst(%dma_wait3A_271 : memref<8x1024xf32, #tpu.memory_space<hbm>>)
    return
  }
}

</mosaic_0001>

<sc_bundles>
// kernel: kernel.3.cloned.1.call-start
scs
__scs_entry_jumppad:
0x0: {  	(pc) =	sbr.rel $0x88, $3  }
0x1: {  	(tag) =	ssettag $0x0;
	lr =	simm.s32 $0x1  }
0x2: {  	[smem:$0x3F9F] =	sst lr;
	_ =	strace $0xD0000000  }
0x3: {  	_ = 	snop  }
0x4: {  	_ = 	snop  }
0x5: {  	_ = 	snop  }
0x6: {  	_ = 	snop  }
0x7: {  	_ = 	snop  }
__scs_overlays_trampoline_lowered:
0x8: {  	[smem:$0x3FAE] =	sst s0  }
0x9: {  	[smem:$0x3FAF] =	sst s1  }
0xa: {  	[smem:$0x3FB0] =	sst s2  }
0xb: {  	[smem:$0x3FB1] =	sst s3  }
0xc: {  	[smem:$0x3FB2] =	sst s4  }
0xd: {  	[smem:$0x3FB3] =	sst s5  }
0xe: {  	[smem:$0x3FB4] =	sst s6  }
0xf: {  	[smem:$0x3FB5] =	sst s7  }
0x10: {  	[smem:$0x3FB6] =	sst s8  }
0x11: {  	[smem:$0x3FB7] =	sst s9;
	s0 =	simm.s32 @!p0 $0x0  }
0x12: {  	s1 =	sld [smem:$0x3F9D];
	s0 =	simm.s32 @p0 $0x1  }
0x13: {  	[smem:$0x3FB8] =	sst s0;
	s0 =	simm.s32 @!p1 $0x0  }
0x14: {  	s2 =	sld [smem:$0x3F9C];
	s0 =	simm.s32 @p1 $0x1  }
0x15: {  	[smem:$0x3FB9] =	sst s0;
	s0 =	simm.s32 @!p2 $0x0  }
0x16: {  	s3 =	sld [smem:$0x3FDB];
	s0 =	simm.s32 @p2 $0x1  }
0x17: {  	s4 =	simm.s32 $0x1BF5;
	[smem:$0x3FBB] =	sst s0  }
0x18: {  	s0 =	sld [smem:$0x3F9E];
	_ =	swait.ge [sflag:s4], $0x0  }
0x19: {  	s7 =	sld [smem:$0x3F9F]  }
0x1a: {  	s8 =	sadd.s32 $0xFFFFE003, lr  }
0x1b: {  	s9 =	sadd.s32 $0xFFFFFEF7, lr;
	s5 =	simm.s32 $0xFFFFFFFF;
	p2 =	slt.u32 s8, $0xFFFFF086  }
0x1c: {  	p1 =	slt.u32 s9, $0xF7A;
	s5 =	simm.s32 @!p2 $0x0  }
0x1d: {  	s5 =	simm.s32 @p1 $0x1;
	p0 =	seq.s32 s7, s2  }
0x1e: {  	s7 =	smul.u32 @!p0 $0xF7A, s2;
	p2 =	seq.s32 @!p0 s5, $0x0  }
0x1f: {  	s9 =	smul.u32 $0xF7A, s1;
	s8 =	simm.s32 @!p0 $0x1BF5;
	p2 =	por !p2, p0  }
0x20: {  	[sflag:s8] =	ssyncset.s32 @!p0 $0xFFFFF086;
	s6 =	sadd.s32 @!p0 s3, s7;
	s7 =	simm.s32 @!p0 $0x108  }
0x21: {  	s3 =	sadd.s32 s3, s9;
	s6 =	sadd.s32 @!p0 $0x88, s6;
	s7 =	simm.s32 @p2 $0x1082  }
0x22: {  	[simem:s7], [sflag:s8] =	dma.local @!p0 [hbm:s6], $0xF7A  }
0x23: {  	s9 =	sor.u32 $0xD0000000, s2;
	s6 =	simm.s32 $0x108;
	_ =	swait.ge @!p0 [sflag:s8], $0x0  }
0x24: {  	s3 =	sadd.s32 $0x88, s3;
	s6 =	simm.s32 @!p1 $0x1082;
	[sflag:s4] =	ssyncset.s32 $0xFFFFF086  }
0x25: {  	[simem:s6], [sflag:s4] =	dma.local [hbm:s3], $0xF7A  }
0x26: {  	[smem:$0x3F9F] =	sst s1;
	(tag) =	ssettag s2;
	_ =	strace s9  }
0x27: {  	s1 =	sld [smem:$0x3FAF]  }
0x28: {  	s2 =	sld [smem:$0x3FB0]  }
0x29: {  	s4 =	sld [smem:$0x3FB2]  }
0x2a: {  	p0 =	seq.s32 s5, $0x0;
	s5 =	sld [smem:$0x3FB3]  }
0x2b: {  	s6 =	sld [smem:$0x3FB4]  }
0x2c: {  	s7 =	sld [smem:$0x3FB5]  }
0x2d: {  	s3 =	simm.s32 $0x108;
	s8 =	sld [smem:$0x3FB6]  }
0x2e: {  	s3 =	simm.s32 @!p0 $0x1082;
	s9 =	sld [smem:$0x3FB7]  }
0x2f: {  	lr =	sadd.s32 s0, s3;
	s0 =	sld [smem:$0x3FAE]  }
0x30: {  	s3 =	sld [smem:$0x3FB1]  }
0x31: {  	[smem:$0x3FBA] =	sst s10  }
0x32: {  	s10 =	sld [smem:$0x3FB8];
	_ =	sdelay $0x3  }
0x33: {  	p0 =	seq.s32 s10, $0x1;
	s10 =	sld [smem:$0x3FBA];
	_ =	sdelay $0x3  }
0x34: {  	[smem:$0x3FBA] =	sst s10  }
0x35: {  	s10 =	sld [smem:$0x3FB9];
	_ =	sdelay $0x3  }
0x36: {  	p1 =	seq.s32 s10, $0x1;
	s10 =	sld [smem:$0x3FBA];
	_ =	sdelay $0x3  }
0x37: {  	[smem:$0x3FBA] =	sst s10  }
0x38: {  	s10 =	sld [smem:$0x3FBB]  }
0x39: {  	_ = 	snop;
	(pc) =	sbr.ind lr, $3  }
0x3a: {  	_ = 	snop  }
0x3b: {  	_ = 	snop  }
0x3c: {  	p2 =	seq.s32 s10, $0x1;
	s10 =	sld [smem:$0x3FBA]  }
0x3d: {  	_ =	shalt  }
0x3e: {  	_ =	shalt  }
0x3f: {  	_ =	shalt  }
0x40: {  	_ =	shalt  }
0x41: {  	_ =	shalt  }
0x42: {  	_ =	shalt  }
0x43: {  	_ =	shalt  }
0x44: {  	_ =	shalt  }
0x45: {  	_ =	shalt  }
0x46: {  	_ =	shalt  }
0x47: {  	_ =	shalt  }
0x48: {  	_ =	shalt  }
0x49: {  	_ =	shalt  }
0x4a: {  	_ =	shalt  }
0x4b: {  	_ =	shalt  }
0x4c: {  	_ =	shalt  }
0x4d: {  	_ =	shalt  }
0x4e: {  	_ =	shalt  }
0x4f: {  	_ =	shalt  }
0x50: {  	_ =	shalt  }
0x51: {  	_ =	shalt  }
0x52: {  	_ =	shalt  }
0x53: {  	_ =	shalt  }
0x54: {  	_ =	shalt  }
0x55: {  	_ =	shalt  }
0x56: {  	_ =	shalt  }
0x57: {  	_ =	shalt  }
0x58: {  	_ =	shalt  }
0x59: {  	_ =	shalt  }
0x5a: {  	_ =	shalt  }
0x5b: {  	_ =	shalt  }
0x5c: {  	_ =	shalt  }
0x5d: {  	_ =	shalt  }
0x5e: {  	_ =	shalt  }
0x5f: {  	_ =	shalt  }
0x60: {  	_ =	shalt  }
0x61: {  	_ =	shalt  }
0x62: {  	_ =	shalt  }
0x63: {  	_ =	shalt  }
0x64: {  	_ =	shalt  }
0x65: {  	_ =	shalt  }
0x66: {  	_ =	shalt  }
0x67: {  	_ =	shalt  }
0x68: {  	_ =	shalt  }
0x69: {  	_ =	shalt  }
0x6a: {  	_ =	shalt  }
0x6b: {  	_ =	shalt  }
0x6c: {  	_ =	shalt  }
0x6d: {  	_ =	shalt  }
0x6e: {  	_ =	shalt  }
0x6f: {  	_ =	shalt  }
0x70: {  	_ =	shalt  }
0x71: {  	_ =	shalt  }
0x72: {  	_ =	shalt  }
0x73: {  	_ =	shalt  }
0x74: {  	_ =	shalt  }
0x75: {  	_ =	shalt  }
0x76: {  	_ =	shalt  }
0x77: {  	_ =	shalt  }
0x78: {  	_ =	shalt  }
0x79: {  	_ =	shalt  }
0x7a: {  	_ =	shalt  }
0x7b: {  	_ =	shalt  }
0x7c: {  	_ =	shalt  }
0x7d: {  	_ =	shalt  }
0x7e: {  	_ =	shalt  }
0x7f: {  	_ =	shalt  }
0x80: {  	_ =	shalt  }
0x81: {  	_ =	shalt  }
0x82: {  	_ =	shalt  }
0x83: {  	_ =	shalt  }
0x84: {  	_ =	shalt  }
0x85: {  	_ =	shalt  }
0x86: {  	_ =	shalt  }
0x87: {  	_ =	shalt  }
.Lfunc_end0:
.L_simem_size_0:
called_computation_lowered:
.L_overlay_start_0:
0x88: {  	s2 =	sld [smem:$0x3FD9]  }
0x89: {  	s3 =	sld [smem:$0x3FFE];
	_ =	sdelay $0x1  }
0x8a: {  	s1 =	srdreg.scid  }
0x8b: {  	s0 =	sand.u32 $0x1, s1  }
0x8c: {  	s18 =	sshll.u32 s0, $0xA;
	s2 =	sadd.s32 s3, s2  }
0x8d: {  	s2 =	sadd.s32 s2, s18  }
0x8e: {  	[smem:$0x3FC6] =	sst s2  }
0x8f: {  	_ = 	snop  }
0x90: {  	s2 =	sld [smem:$0x3FC9]  }
0x91: {  	s19 =	sld [smem:$0x3FC8]  }
0x92: {  	s4 =	sld [smem:$0x3FD0];
	(tm) =	ssettm $0x1  }
0x93: {  	s5 =	sld [smem:$0x3FFB];
	_ =	sdelay $0x3  }
0x94: {  	_ =	strace s5  }
0x95: {  	s5 =	sld [smem:$0x3FFC];
	_ =	sdelay $0x3  }
0x96: {  	_ =	strace s5  }
0x97: {  	s5 =	sld [smem:$0x3FFD];
	_ =	sdelay $0x3  }
0x98: {  	_ =	strace s5  }
0x99: {  	_ =	strace $0x8FFFFFFF  }
0x9a: {  	s20 =	sld [smem:$0x3FDB];
	_ =	sdelay $0x1  }
0x9b: {  	s6 =	simm.s32 $_scs_section_size  }
0x9c: {  	s7 =	simm.s32 $_size__tile_overlayer_lowered;
	s8 =	simm.s32 $_tile_overlayer_lowered  }
0x9d: {  	s23 =	simm.s32 $0x1BFF;
	s22 =	sshll.u32 s8, $0x1;
	s5 =	sadd.s32 s6, s20  }
0x9e: {  	s9 =	simm.s32 $0x0;
	s21 =	sshll.u32 s7, $0x1;
	s7 =	sadd.s32 s22, s5  }
0x9f: {  	[timem:s9], [sflag:s23] =	dma.local [hbm:s7], s21  }
0xa0: {  	_ =	swait.ge [sflag:s23], s21  }
0xa1: {  	s6 =	ssub.s32 $0x0, s21;
	[sflag:s23] =	ssyncset.done $0x0  }
0xa2: {  	[sflag:s23] =	ssyncadd.s32 s6;
	_ =	sdelay $0x1  }
0xa3: {  	s24 =	simm.s32 $0x1B8B  }
0xa4: {  	_ =	swait.ge [sflag:s24], $0x1  }
0xa5: {  	[sflag:s24] =	ssyncset.done $0x0  }
0xa6: {  	s25 =	simm.s32 $0x1B8E;
	[sflag:s24] =	ssyncadd.s32 $0xFFFFFFFF  }
0xa7: {  	s26 =	simm.s32 $execute0_lowered;
	[smem:$0x3FD2] =	sst s25  }
0xa8: {  	s6 =	sshll.u32 s26, $0x1;
	_ =	strace $0x80000046;
	[dreg:$0x1] =	wrdreg $0xFFFFFFFF  }
0xa9: {  	s28 =	simm.s32 $_size_execute0_lowered;
	s5 =	sadd.s32 s5, s6;
	[dreg:$0x0] =	wrdreg $0x0  }
0xaa: {  	s6 =	sshll.u32 s28, $0x1;
	[dreg:$0x2] =	wrdreg s5  }
0xab: {  	[dreg:$0x3] =	wrdreg s6  }
0xac: {  	[dreg:$0x4] =	wrdreg $0xC0  }
0xad: {  	_ =	task [dreg:s9], $0x5FFFF  }
0xae: {  	[dreg:$0x1] =	wrdreg $0xFFFFFFFF  }
0xaf: {  	[dreg:$0x0] =	wrdreg $0x60  }
0xb0: {  	[dreg:$0x2] =	wrdreg s2  }
0xb1: {  	[dreg:$0x3] =	wrdreg s19  }
0xb2: {  	[dreg:$0x4] =	wrdreg s4  }
0xb3: {  	[dreg:$0x5] =	wrdreg $0x9  }
0xb4: {  	_ =	task.clear_ibuf [dreg:s9], $0x6FFFF;
	_ =	strace $0x90000046  }
0xb5: {  	s29 =	simm.s32 $0x9;
	_ =	strace $0x80000048  }
0xb6: {  	_ =	swait.ge [sflag:s29], $0x1  }
0xb7: {  	[sflag:s29] =	ssyncadd.s32 $0xFFFFFFFF  }
0xb8: {  	_ =	strace $0x90000048  }
0xb9: {  	_ =	sfence  }
0xba: {  	s30 =	sld [smem:$0x0];
	_ =	sdelay $0x2  }
0xbb: {  	s31 =	sshll.u32 s1, $0xD;
	s1 =	sshrl.u32 s1, $0x2  }
0xbc: {  	s3 =	sand.u32 $0x4000, s31;
	s1 =	sadd.s32 s1, s30  }
0xbd: {  	s0 =	sor.u32 s3, s0;
	s1 =	sshll.u32 s1, $0x11  }
0xbe: {  	s0 =	sor.u32 s1, s0  }
0xbf: {  	s0 =	sadd.s32 $0x8F2B, s0  }
0xc0: {  	[sflag:s0] =	ssyncadd.remote.s32 $0x1  }
0xc1: {  	_ =	sfence.sel $0xFFFF  }
0xc2: {  	[dreg:$0x0] =	wrdreg $0xFFFFFFFF;
	(pc) =	sbr.abs _section_cstart, $3  }
0xc3: {  	[dreg:$0x1] =	wrdreg $0xFFFFFFFF  }
0xc4: {  	_ =	task.clear_ibuf [dreg:s9], $0x2FFFF;
	_ =	strace $0x9FFFFFFF  }
0xc5: {  	(tm) =	ssettm $0x7FFFFFFF  }
tec
execute0_lowered:
.L_overlay_start_1:
0x0: {  	(tag) =	ssettag $0x1  }
0x1: {  	s10 =	rddreg [dreg:$0x0];
	s0 =	srdreg.scid  }
0x2: {  	s8 =	rddreg [dreg:$0x1];
	s3 =	stileid.u32;
	s0 =	sand.u32 $0x1, s0  }
0x3: {  	s3 =	sshll.u32 s3, $0x8;
	s2 =	ssub.s32 $0x2, s0;
	s0 =	sshll.u32 s0, $0x7  }
0x4: {  	s12 =	rddreg [dreg:$0x2];
	s5 =	simm.s32 $0x0;
	s11 =	sor.u32 s0, s3  }
0x5: {  	[smem:$0x7FF] =	sst s5;
	s28 =	sor.u32 $0x10, s11  }
0x6: {  	_ =	strace $0x80000047;
	s29 =	sor.u32 $0x1010, s11;
	[dreg:$0xe] =	wrdreg s28  }
0x7: {  	s30 =	sor.u32 $0x2010, s11;
	[dreg:$0xf] =	wrdreg s29  }
0x8: {  	s7 =	sshrl.u32 s2, $0x1;
	s31 =	sor.u32 $0x3010, s11;
	[dreg:$0x10] =	wrdreg s30  }
0x9: {  	s16 =	sshll.u32 s11, $0x7;
	s1 =	sor.u32 $0x3000, s11;
	[dreg:$0x11] =	wrdreg s31  }
0xa: {  	s15 =	ssub.s32 s2, s7;
	s17 =	sadd.s32 s8, s16;
	[dreg:$0x6] =	wrdreg s1  }
0xb: {  	s9 =	sor.u32 $0x1000, s11;
	s18 =	sadd.s32 s10, s16;
	[dreg:$0x4] =	wrdreg s17  }
0xc: {  	s19 =	sshll.u32 s9, $0x7;
	s0 =	smax.u32 s15, $0x1;
	[dreg:$0x5] =	wrdreg s18  }
0xd: {  	s21 =	sshll.u32 s1, $0x7;
	s2 =	sadd.s32 s10, s19;
	[dreg:$0x12] =	wrdreg s0  }
0xe: {  	s22 =	sadd.s32 s10, s21;
	[dreg:$0x7] =	wrdreg s2  }
0xf: {  	s23 =	sadd.s32 $0x80400, s18;
	[dreg:$0x9] =	wrdreg s22  }
0x10: {  	s24 =	sadd.s32 $0x400, s18;
	[dreg:$0xa] =	wrdreg s23  }
0x11: {  	s6 =	sor.u32 $0x2000, s11;
	s25 =	sadd.s32 $0x100400, s18;
	[dreg:$0xb] =	wrdreg s24  }
0x12: {  	s20 =	sshll.u32 s6, $0x7;
	s26 =	sadd.s32 $0x180400, s18;
	[dreg:$0xc] =	wrdreg s25  }
0x13: {  	s2 =	sadd.s32 s10, s20;
	[dreg:$0xd] =	wrdreg s26  }
0x14: {  	s3 =	simm.s32 $0x0;
	[dreg:$0x8] =	wrdreg s2  }
.LBB2_1:
0x15: {  	[dreg:$0x13] =	wrdreg s3  }
0x16: {  	s0 =	rddreg [dreg:$0x4];
	s2 =	simm.s32 $0x10000  }
0x17: {  	[tilespmem:s2], [sflag:$0x9] =	stream.linear.gather [hbm4b:s0+s5], $0x2000, $0x38;
	[tilespmem:$0x14000] =	vst v63  }
0x18: {  	s23 =	rddreg [dreg:$0x5]  }
0x19: {  	[tilespmem:s5], [sflag:$0x1] =	stream.linear.gather [hbm4b:s23+s5], $0x2000, $0x38;
	[tilespmem:$0x14000] =	vst v63  }
0x1a: {  	s24 =	rddreg [dreg:$0x7];
	s25 =	simm.s32 $0x2000  }
0x1b: {  	[tilespmem:s25], [sflag:$0x2] =	stream.linear.gather [hbm4b:s24+s5], $0x2000, $0x38;
	[tilespmem:$0x14000] =	vst v63  }
0x1c: {  	s26 =	rddreg [dreg:$0x8];
	s29 =	simm.s32 $0x4000  }
0x1d: {  	[tilespmem:s29], [sflag:$0x3] =	stream.linear.gather [hbm4b:s26+s5], $0x2000, $0x38;
	[tilespmem:$0x14000] =	vst v63  }
0x1e: {  	s30 =	rddreg [dreg:$0x9];
	s31 =	simm.s32 $0x6000;
	s28 =	simm.s32 $0x0  }
0x1f: {  	[tilespmem:s31], [sflag:$0x4] =	stream.linear.gather [hbm4b:s30+s5], $0x2000, $0x38;
	[tilespmem:$0x14000] =	vst v63  }
.LBB2_2:
0x20: {  	s2 =	sshll.u32 s28, $0x4  }
0x21: {  	s26 =	sor.u32 $0x8, s2  }
0x22: {  	s0 =	sor.u32 s11, s26  }
0x23: {  	s14 =	rddreg [dreg:$0x1];
	s3 =	simm.s32 $0x0;
	s15 =	sshll.u32 s0, $0x7  }
0x24: {  	s7 =	simm.s32 $0x12000;
	s16 =	simm.s32 $0x9;
	s0 =	sadd.s32 s14, s15  }
0x25: {  	[tilespmem:s7], [sflag:$0xA] =	stream.linear.gather [hbm4b:s0+s3], $0x2000, $0x38;
	[tilespmem:$0x14000] =	vst v63  }
0x26: {  	_ =	swait.ge [sflag:s16], $0x2000  }
0x27: {  	[sflag:s16] =	ssyncset.done $0x0  }
0x28: {  	s17 =	simm.s32 $0x1;
	[sflag:s16] =	ssyncadd.s32 $0xFFFFE000  }
0x29: {  	_ =	swait.ge [sflag:s17], $0x2000  }
0x2a: {  	s18 =	sand.u32 $0x1000, s3;
	s3 =	sand.u32 $0x380, s3;
	[sflag:s17] =	ssyncset.done $0x0  }
0x2b: {  	s0 =	sor.u32 s3, s18;
	[sflag:s17] =	ssyncadd.s32 $0xFFFFE000  }
0x2c: {  	v0 =	vld [tilespmem:s0+$0xC00]  }
0x2d: {  	v1 =	vld [tilespmem:s0+$0x10C00]  }
0x2e: {  	v2 =	vld [tilespmem:s0+$0xC10]  }
0x2f: {  	v3 =	vld [tilespmem:s0+$0x10C10]  }
0x30: {  	v4 =	vld [tilespmem:s0+$0xC20]  }
0x31: {  	v5 =	vld [tilespmem:s0+$0x10C20]  }
0x32: {  	v6 =	vld [tilespmem:s0+$0xC30]  }
0x33: {  	v7 =	vld [tilespmem:s0+$0x10C30]  }
0x34: {  	v8 =	vld [tilespmem:s0+$0x0]  }
0x35: {  	v9 =	vld [tilespmem:s0+$0x10000]  }
0x36: {  	v10 =	vld [tilespmem:s0+$0x400]  }
0x37: {  	v11 =	vld [tilespmem:s0+$0x10400]  }
0x38: {  	v12 =	vld [tilespmem:s0+$0x410]  }
0x39: {  	v13 =	vld [tilespmem:s0+$0x10410]  }
0x3a: {  	v14 =	vld [tilespmem:s0+$0x420]  }
0x3b: {  	v15 =	vld [tilespmem:s0+$0x10420]  }
0x3c: {  	s4 =	smov.u32 s10;
	s13 =	simm.s32 $0x1000;
	s18 =	simm.s32 $0x40;
	v16 =	vld [tilespmem:s0+$0x430]  }
0x3d: {  	s10 =	smov.u32 s11;
	s13 =	sand.u32 $0x1000, s13;
	s11 =	sand.u32 $0x380, s18;
	v17 =	vld [tilespmem:s0+$0x10430]  }
0x3e: {  	s11 =	sor.u32 s11, s13;
	v25 =	vld [tilespmem:s0+$0x800]  }
0x3f: {  	v27 =	vld [tilespmem:s11+$0xC10]  }
0x40: {  	v28 =	vld [tilespmem:s11+$0x10C10]  }
0x41: {  	v29 =	vld [tilespmem:s11+$0xC20]  }
0x42: {  	v30 =	vld [tilespmem:s11+$0x10C20]  }
0x43: {  	v31 =	vld [tilespmem:s11+$0xC30]  }
0x44: {  	v0 =	vadd.f32 v1, v0;
	v1 =	vld [tilespmem:s0+$0x10]  }
0x45: {  	p0 =	por $0x0, $0x0;
	s3 =	simm.s32 $0x1;
	v2 =	vadd.f32 v3, v2;
	v3 =	vld [tilespmem:s0+$0x10010]  }
0x46: {  	s3 =	simm.s32 @!p0 $0x0;
	[tilespmem:s0+$0xC00] =	vst v0;
	v0 =	vadd.f32 v5, v4;
	v4 =	vld [tilespmem:s0+$0x20]  }
0x47: {  	s3 =	sshll.u32 s3, $0xC;
	[tilespmem:s0+$0xC10] =	vst v2;
	v2 =	vadd.f32 v7, v6;
	v5 =	vld [tilespmem:s0+$0x10020]  }
0x48: {  	s17 =	sadd.s32 $0x0, s3;
	v7 =	vld [tilespmem:s0+$0x10030];
	[tilespmem:s0+$0xC20] =	vst v0  }
0x49: {  	s3 =	sor.u32 $0xC40, s17;
	v0 =	vld [tilespmem:s0+$0x30];
	[tilespmem:s0+$0xC30] =	vst v2  }
0x4a: {  	v2 =	vld [tilespmem:s3+$0x0]  }
0x4b: {  	v8 =	vadd.f32 v9, v8;
	v6 =	vld [tilespmem:s3+$0x10000]  }
0x4c: {  	v32 =	vld [tilespmem:s11+$0x10C30]  }
0x4d: {  	[tilespmem:s0+$0x0] =	vst v8;
	v8 =	vld [tilespmem:s0+$0x10830];
	v1 =	vadd.f32 v3, v1  }
0x4e: {  	v3 =	vld [tilespmem:s0+$0x10800];
	v4 =	vadd.f32 v5, v4  }
0x4f: {  	v5 =	vld [tilespmem:s0+$0x810];
	[tilespmem:s0+$0x10] =	vst v1;
	v0 =	vadd.f32 v7, v0  }
0x50: {  	[tilespmem:s0+$0x20] =	vst v4;
	v1 =	vadd.f32 v6, v2;
	v2 =	vld [tilespmem:s0+$0x10810]  }
0x51: {  	v4 =	vld [tilespmem:s0+$0x820];
	[tilespmem:s0+$0x30] =	vst v0;
	v0 =	vadd.f32 v13, v12  }
0x52: {  	v6 =	vld [tilespmem:s0+$0x10820];
	[tilespmem:s3+$0x0] =	vst v1;
	v1 =	vadd.f32 v11, v10  }
0x53: {  	v7 =	vld [tilespmem:s0+$0x830];
	[tilespmem:s0+$0x410] =	vst v0;
	v0 =	vadd.f32 v17, v16  }
0x54: {  	s19 =	sor.u32 $0xC50, s17;
	v33 =	vld [tilespmem:s11+$0x0];
	[tilespmem:s0+$0x400] =	vst v1;
	v1 =	vadd.f32 v15, v14  }
0x55: {  	v26 =	vld [tilespmem:s19+$0x0];
	[tilespmem:s0+$0x430] =	vst v0;
	v0 =	vadd.f32 v2, v5  }
0x56: {  	s20 =	sor.u32 $0x40, s17;
	[tilespmem:s0+$0x420] =	vst v1;
	v1 =	vadd.f32 v3, v25;
	v3 =	vld [tilespmem:s19+$0x10000]  }
0x57: {  	v2 =	vadd.f32 v6, v4;
	[tilespmem:s0+$0x810] =	vst v0;
	v0 =	vld [tilespmem:s20+$0x10000]  }
0x58: {  	s8 =	sor.u32 $0x440, s17;
	v4 =	vadd.f32 v8, v7;
	[tilespmem:s0+$0x800] =	vst v1;
	v1 =	vld [tilespmem:s20+$0x0]  }
0x59: {  	v5 =	vld [tilespmem:s8+$0x0];
	[tilespmem:s0+$0x820] =	vst v2  }
0x5a: {  	s21 =	sor.u32 $0x840, s17;
	v2 =	vld [tilespmem:s8+$0x10000];
	[tilespmem:s0+$0x830] =	vst v4  }
0x5b: {  	v4 =	vld [tilespmem:s21+$0x0];
	v3 =	vadd.f32 v3, v26  }
0x5c: {  	v6 =	vld [tilespmem:s21+$0x10000]  }
0x5d: {  	s22 =	sor.u32 $0xC60, s17;
	v34 =	vld [tilespmem:s11+$0x10000];
	[tilespmem:s19+$0x0] =	vst v3;
	v0 =	vadd.f32 v0, v1  }
0x5e: {  	v1 =	vld [tilespmem:s22+$0x0]  }
0x5f: {  	s23 =	sor.u32 $0x50, s17;
	v3 =	vld [tilespmem:s22+$0x10000];
	[tilespmem:s20+$0x0] =	vst v0;
	v0 =	vadd.f32 v2, v5  }
0x60: {  	v2 =	vld [tilespmem:s23+$0x0]  }
0x61: {  	s24 =	sor.u32 $0x450, s17;
	v5 =	vld [tilespmem:s23+$0x10000];
	[tilespmem:s8+$0x0] =	vst v0;
	v0 =	vadd.f32 v6, v4  }
0x62: {  	v4 =	vld [tilespmem:s24+$0x0]  }
0x63: {  	s25 =	sor.u32 $0x850, s17;
	v6 =	vld [tilespmem:s24+$0x10000];
	[tilespmem:s21+$0x0] =	vst v0  }
0x64: {  	v0 =	vadd.f32 v3, v1;
	v3 =	vld [tilespmem:s25+$0x0]  }
0x65: {  	v7 =	vld [tilespmem:s25+$0x10000]  }
0x66: {  	v35 =	vld [tilespmem:s11+$0x10010];
	v2 =	vadd.f32 v5, v2  }
0x67: {  	v36 =	vld [tilespmem:s11+$0x20]  }
0x68: {  	v38 =	vld [tilespmem:s11+$0x10020];
	[tilespmem:s23+$0x0] =	vst v2;
	v2 =	vadd.f32 v6, v4  }
0x69: {  	v8 =	vld [tilespmem:s11+$0x10C00]  }
0x6a: {  	[tilespmem:s24+$0x0] =	vst v2;
	v2 =	vadd.f32 v7, v3;
	v7 =	vld [tilespmem:s11+$0xC00]  }
0x6b: {  	v40 =	vld [tilespmem:s11+$0x10030]  }
0x6c: {  	v41 =	vld [tilespmem:s11+$0x400]  }
0x6d: {  	v18 =	vld [tilespmem:s11+$0x10400]  }
0x6e: {  	v19 =	vld [tilespmem:s11+$0x410];
	v9 =	vadd.f32 v28, v27  }
0x6f: {  	s5 =	smov.u32 s12;
	s12 =	simm.s32 $0x1;
	p0 =	por !p0, !p0;
	v20 =	vld [tilespmem:s11+$0x10410];
	v7 =	vadd.f32 v8, v7  }
0x70: {  	s12 =	simm.s32 @!p0 $0x0;
	v42 =	vld [tilespmem:s11+$0x420];
	v37 =	vadd.f32 v32, v31;
	[tilespmem:s11+$0xC10] =	vst v9  }
0x71: {  	s12 =	sshll.u32 s12, $0xC;
	v21 =	vld [tilespmem:s11+$0x10420];
	[tilespmem:s11+$0xC00] =	vst v7;
	v7 =	vadd.f32 v30, v29  }
0x72: {  	s12 =	sadd.s32 $0x40, s12;
	v23 =	vld [tilespmem:s11+$0x430];
	[tilespmem:s11+$0xC30] =	vst v37  }
0x73: {  	v24 =	vld [tilespmem:s11+$0x10430];
	s20 =	sor.u32 $0xC40, s12;
	[tilespmem:s11+$0xC20] =	vst v7  }
0x74: {  	v9 =	vld [tilespmem:s20+$0x0]  }
0x75: {  	v39 =	vld [tilespmem:s20+$0x10000]  }
0x76: {  	v43 =	vld [tilespmem:s11+$0x10800]  }
0x77: {  	v44 =	vld [tilespmem:s11+$0x810]  }
0x78: {  	v45 =	vld [tilespmem:s11+$0x10810]  }
0x79: {  	v46 =	vld [tilespmem:s11+$0x820]  }
0x7a: {  	v49 =	vld [tilespmem:s11+$0x10820];
	v9 =	vadd.f32 v39, v9  }
0x7b: {  	v51 =	vld [tilespmem:s11+$0x830]  }
0x7c: {  	v52 =	vld [tilespmem:s11+$0x10830];
	s21 =	sor.u32 $0xC50, s12;
	[tilespmem:s20+$0x0] =	vst v9  }
0x7d: {  	v9 =	vld [tilespmem:s21+$0x0]  }
0x7e: {  	v47 =	vadd.f32 v18, v41;
	v22 =	vld [tilespmem:s21+$0x10000]  }
0x7f: {  	v8 =	vld [tilespmem:s11+$0x10]  }
0x80: {  	v50 =	vadd.f32 v21, v42;
	[tilespmem:s11+$0x400] =	vst v47;
	v25 =	vld [tilespmem:s11+$0x800]  }
0x81: {  	v56 =	vadd.f32 v52, v51;
	s0 =	sor.u32 $0xC70, s17;
	[tilespmem:s22+$0x0] =	vst v0;
	v7 =	vld [tilespmem:s11+$0x30]  }
0x82: {  	[tilespmem:s11+$0x420] =	vst v50;
	v11 =	vadd.f32 v38, v36;
	v0 =	vld [tilespmem:s0+$0x0]  }
0x83: {  	s29 =	sor.u32 $0x60, s17;
	[tilespmem:s11+$0x830] =	vst v56;
	v1 =	vld [tilespmem:s0+$0x10000];
	v9 =	vadd.f32 v22, v9  }
0x84: {  	[tilespmem:s11+$0x20] =	vst v11;
	v4 =	vld [tilespmem:s29+$0x0];
	v8 =	vadd.f32 v35, v8  }
0x85: {  	v15 =	vadd.f32 v34, v33;
	s22 =	sor.u32 $0xC60, s12;
	v5 =	vld [tilespmem:s29+$0x10000];
	[tilespmem:s21+$0x0] =	vst v9  }
0x86: {  	[tilespmem:s11+$0x10] =	vst v8;
	v7 =	vadd.f32 v40, v7;
	v8 =	vld [tilespmem:s22+$0x0]  }
0x87: {  	s1 =	smov.u32 s6;
	s6 =	smov.u32 s9;
	s9 =	sor.u32 $0x460, s17;
	[tilespmem:s11+$0x0] =	vst v15;
	v48 =	vld [tilespmem:s22+$0x10000]  }
0x88: {  	v3 =	vld [tilespmem:s9+$0x0];
	[tilespmem:s11+$0x30] =	vst v7;
	v7 =	vadd.f32 v20, v19  }
0x89: {  	v10 =	vadd.f32 v45, v44;
	s19 =	sor.u32 $0x860, s17;
	v6 =	vld [tilespmem:s9+$0x10000];
	[tilespmem:s25+$0x0] =	vst v2  }
0x8a: {  	s14 =	sor.u32 $0x40, s12;
	v2 =	vld [tilespmem:s19+$0x0];
	[tilespmem:s11+$0x410] =	vst v7;
	v7 =	vadd.f32 v24, v23  }
0x8b: {  	[tilespmem:s11+$0x810] =	vst v10;
	v53 =	vadd.f32 v43, v25;
	v54 =	vld [tilespmem:s14+$0x0]  }
0x8c: {  	s16 =	sor.u32 $0x440, s12;
	[tilespmem:s11+$0x430] =	vst v7;
	v7 =	vadd.f32 v48, v8;
	v8 =	vld [tilespmem:s14+$0x10000]  }
0x8d: {  	[tilespmem:s11+$0x800] =	vst v53;
	v4 =	vadd.f32 v5, v4;
	v55 =	vld [tilespmem:s16+$0x0]  }
0x8e: {  	v9 =	vadd.f32 v49, v46;
	[tilespmem:s22+$0x0] =	vst v7;
	v7 =	vld [tilespmem:s16+$0x10000]  }
0x8f: {  	v59 =	vld [tilespmem:s19+$0x10000];
	[tilespmem:s29+$0x0] =	vst v4;
	s29 =	sor.u32 $0x70, s17  }
0x90: {  	s18 =	sor.u32 $0x840, s12;
	v62 =	vld [tilespmem:s29+$0x10000];
	[tilespmem:s11+$0x820] =	vst v9  }
0x91: {  	s23 =	sor.u32 $0xC70, s12;
	v60 =	vld [tilespmem:s18+$0x0];
	v8 =	vadd.f32 v8, v54  }
0x92: {  	v57 =	vld [tilespmem:s23+$0x0]  }
0x93: {  	s24 =	sor.u32 $0x50, s12;
	[tilespmem:s14+$0x0] =	vst v8;
	v7 =	vadd.f32 v7, v55;
	v8 =	vld [tilespmem:s18+$0x10000]  }
0x94: {  	v61 =	vld [tilespmem:s24+$0x0]  }
0x95: {  	s25 =	sor.u32 $0x450, s12;
	v5 =	vld [tilespmem:s24+$0x10000];
	[tilespmem:s16+$0x0] =	vst v7  }
0x96: {  	v3 =	vadd.f32 v6, v3;
	v7 =	vld [tilespmem:s25+$0x0]  }
0x97: {  	v4 =	vld [tilespmem:s25+$0x10000]  }
0x98: {  	[tilespmem:s9+$0x0] =	vst v3;
	v58 =	vld [tilespmem:s23+$0x10000];
	s16 =	sor.u32 $0x470, s17;
	v6 =	vadd.f32 v8, v60  }
0x99: {  	v3 =	vld [tilespmem:s16+$0x0]  }
0x9a: {  	s3 =	sor.u32 $0x850, s12;
	v8 =	vld [tilespmem:s29+$0x0];
	v5 =	vadd.f32 v5, v61;
	[tilespmem:s18+$0x0] =	vst v6  }
0x9b: {  	v1 =	vadd.f32 v1, v0;
	v63 =	vld [tilespmem:s3+$0x0]  }
0x9c: {  	s31 =	sor.u32 $0x60, s12;
	[tilespmem:s24+$0x0] =	vst v5;
	v4 =	vadd.f32 v4, v7;
	v5 =	vld [tilespmem:s3+$0x10000]  }
0x9d: {  	[tilespmem:s0+$0x0] =	vst v1;
	v2 =	vadd.f32 v59, v2;
	v0 =	vld [tilespmem:s31+$0x0]  }
0x9e: {  	s30 =	sor.u32 $0x460, s12;
	v6 =	vadd.f32 v58, v57;
	[tilespmem:s25+$0x0] =	vst v4;
	v4 =	vld [tilespmem:s31+$0x10000]  }
0x9f: {  	[tilespmem:s19+$0x0] =	vst v2;
	v7 =	vadd.f32 v62, v8;
	v1 =	vld [tilespmem:s30+$0x0]  }
0xa0: {  	s7 =	simm.s32 $0x2000;
	s13 =	sor.u32 $0x470, s12;
	[tilespmem:s23+$0x0] =	vst v6;
	v6 =	vld [tilespmem:s30+$0x10000]  }
0xa1: {  	s0 =	simm.s32 $0x80;
	s20 =	sor.u32 $0x70, s12;
	s17 =	sor.u32 $0x870, s17;
	v2 =	vld [tilespmem:s16+$0x10000];
	[tilespmem:s29+$0x0] =	vst v7;
	v7 =	vadd.f32 v5, v63  }
0xa2: {  	s21 =	sor.u32 $0x860, s12;
	s22 =	simm.s32 $0x4;
	s23 =	sor.u32 $0x870, s12;
	v5 =	vld [tilespmem:s17+$0x0]  }
.LBB2_3:
0xa3: {  	s8 =	sand.u32 $0x1000, s7;
	s11 =	sand.u32 $0x380, s0;
	v4 =	vadd.f32 v4, v0;
	[tilespmem:s3+$0x0] =	vst v7;
	v7 =	vld [tilespmem:s17+$0x10000]  }
0xa4: {  	s12 =	sor.u32 s11, s8;
	v0 =	vld [tilespmem:s21+$0x0]  }
0xa5: {  	v8 =	vld [tilespmem:s12+$0xC00];
	[tilespmem:s31+$0x0] =	vst v4;
	v1 =	vadd.f32 v6, v1  }
0xa6: {  	v4 =	vld [tilespmem:s12+$0x10C00];
	v2 =	vadd.f32 v2, v3  }
0xa7: {  	v3 =	vld [tilespmem:s12+$0xC10];
	[tilespmem:s30+$0x0] =	vst v1  }
0xa8: {  	v1 =	vld [tilespmem:s12+$0x10C10];
	[tilespmem:s16+$0x0] =	vst v2;
	v2 =	vadd.f32 v7, v5;
	s16 =	smov.u32 s13  }
0xa9: {  	v5 =	vld [tilespmem:s12+$0xC20]  }
0xaa: {  	v6 =	vld [tilespmem:s12+$0x10C20];
	[tilespmem:s17+$0x0] =	vst v2;
	s17 =	smov.u32 s23  }
0xab: {  	v2 =	vld [tilespmem:s12+$0xC30]  }
0xac: {  	v7 =	vld [tilespmem:s12+$0x10C30]  }
0xad: {  	v9 =	vld [tilespmem:s12+$0x0]  }
0xae: {  	s22 =	sadd.s32 $0x4, s22;
	v4 =	vadd.f32 v4, v8;
	v10 =	vld [tilespmem:s12+$0x10000]  }
0xaf: {  	p0 =	por !p0, !p0;
	s3 =	simm.s32 $0x1;
	p1 =	slt.u32 s22, $0x3C;
	v1 =	vadd.f32 v1, v3;
	v8 =	vld [tilespmem:s12+$0x10]  }
0xb0: {  	s3 =	simm.s32 @!p0 $0x0;
	v3 =	vld [tilespmem:s12+$0x10010];
	[tilespmem:s12+$0xC00] =	vst v4;
	v4 =	vadd.f32 v6, v5  }
0xb1: {  	s3 =	sshll.u32 s3, $0xC;
	v5 =	vld [tilespmem:s12+$0x20];
	[tilespmem:s12+$0xC10] =	vst v1;
	v1 =	vadd.f32 v7, v2  }
0xb2: {  	s11 =	sadd.s32 s3, s0;
	v2 =	vld [tilespmem:s12+$0x10020];
	[tilespmem:s12+$0xC20] =	vst v4  }
0xb3: {  	s25 =	sor.u32 $0x40, s11;
	s29 =	sor.u32 $0x440, s11;
	s9 =	sor.u32 $0xC40, s11;
	v4 =	vadd.f32 v10, v9;
	v6 =	vld [tilespmem:s12+$0x30];
	[tilespmem:s12+$0xC30] =	vst v1  }
0xb4: {  	s24 =	sor.u32 $0x50, s11;
	s14 =	sor.u32 $0x450, s11;
	s18 =	sor.u32 $0x840, s11;
	v1 =	vld [tilespmem:s9+$0x0]  }
0xb5: {  	s31 =	sor.u32 $0x60, s11;
	s30 =	sor.u32 $0x460, s11;
	s3 =	sor.u32 $0x850, s11;
	[tilespmem:s12+$0x0] =	vst v4;
	v3 =	vadd.f32 v3, v8;
	v4 =	vld [tilespmem:s9+$0x10000]  }
0xb6: {  	s8 =	sor.u32 $0x70, s11;
	s19 =	sor.u32 $0x860, s11;
	s13 =	sor.u32 $0x470, s11;
	v7 =	vld [tilespmem:s12+$0x10030]  }
0xb7: {  	s23 =	sor.u32 $0x870, s11;
	[tilespmem:s12+$0x10] =	vst v3;
	v2 =	vadd.f32 v2, v5;
	v3 =	vld [tilespmem:s12+$0x400]  }
0xb8: {  	v5 =	vld [tilespmem:s12+$0x10400]  }
0xb9: {  	[tilespmem:s12+$0x20] =	vst v2;
	v2 =	vld [tilespmem:s12+$0x410]  }
0xba: {  	v8 =	vld [tilespmem:s12+$0x10410];
	v1 =	vadd.f32 v4, v1  }
0xbb: {  	v4 =	vadd.f32 v7, v6;
	v6 =	vld [tilespmem:s12+$0x420]  }
0xbc: {  	v7 =	vld [tilespmem:s12+$0x10420];
	[tilespmem:s9+$0x0] =	vst v1;
	s9 =	sor.u32 $0xC50, s11  }
0xbd: {  	[tilespmem:s12+$0x30] =	vst v4;
	v1 =	vadd.f32 v5, v3;
	v3 =	vld [tilespmem:s9+$0x0]  }
0xbe: {  	v4 =	vld [tilespmem:s9+$0x10000]  }
0xbf: {  	[tilespmem:s12+$0x400] =	vst v1;
	v1 =	vadd.f32 v8, v2;
	v2 =	vld [tilespmem:s12+$0x430]  }
0xc0: {  	v5 =	vld [tilespmem:s12+$0x10430]  }
0xc1: {  	[tilespmem:s12+$0x410] =	vst v1;
	v1 =	vadd.f32 v7, v6;
	v6 =	vld [tilespmem:s12+$0x800]  }
0xc2: {  	v7 =	vld [tilespmem:s12+$0x10800]  }
0xc3: {  	[tilespmem:s12+$0x420] =	vst v1;
	v1 =	vld [tilespmem:s12+$0x810];
	v3 =	vadd.f32 v4, v3  }
0xc4: {  	v4 =	vld [tilespmem:s12+$0x10810]  }
0xc5: {  	v2 =	vadd.f32 v5, v2;
	v5 =	vld [tilespmem:s12+$0x820];
	[tilespmem:s9+$0x0] =	vst v3;
	s9 =	sor.u32 $0xC60, s11  }
0xc6: {  	v3 =	vld [tilespmem:s9+$0x0]  }
0xc7: {  	[tilespmem:s12+$0x430] =	vst v2;
	v2 =	vadd.f32 v7, v6;
	v6 =	vld [tilespmem:s9+$0x10000]  }
0xc8: {  	v7 =	vld [tilespmem:s12+$0x10820]  }
0xc9: {  	[tilespmem:s12+$0x800] =	vst v2;
	v1 =	vadd.f32 v4, v1;
	v2 =	vld [tilespmem:s12+$0x830]  }
0xca: {  	v4 =	vld [tilespmem:s12+$0x10830]  }
0xcb: {  	v8 =	vld [tilespmem:s25+$0x0];
	[tilespmem:s12+$0x810] =	vst v1  }
0xcc: {  	v1 =	vld [tilespmem:s25+$0x10000];
	v3 =	vadd.f32 v6, v3  }
0xcd: {  	v6 =	vld [tilespmem:s29+$0x0];
	v5 =	vadd.f32 v7, v5  }
0xce: {  	v7 =	vld [tilespmem:s29+$0x10000];
	[tilespmem:s9+$0x0] =	vst v3;
	s9 =	sor.u32 $0xC70, s11  }
0xcf: {  	[tilespmem:s12+$0x820] =	vst v5;
	v2 =	vadd.f32 v4, v2;
	v3 =	vld [tilespmem:s9+$0x0]  }
0xd0: {  	v4 =	vld [tilespmem:s9+$0x10000]  }
0xd1: {  	v1 =	vadd.f32 v1, v8;
	[tilespmem:s12+$0x830] =	vst v2;
	v2 =	vld [tilespmem:s21+$0x10000]  }
0xd2: {  	v5 =	vld [tilespmem:s18+$0x0]  }
0xd3: {  	[tilespmem:s25+$0x0] =	vst v1;
	v1 =	vadd.f32 v7, v6;
	v6 =	vld [tilespmem:s18+$0x10000]  }
0xd4: {  	v7 =	vld [tilespmem:s24+$0x0]  }
0xd5: {  	v8 =	vld [tilespmem:s24+$0x10000];
	[tilespmem:s29+$0x0] =	vst v1;
	v1 =	vadd.f32 v4, v3  }
0xd6: {  	v4 =	vld [tilespmem:s14+$0x0];
	v0 =	vadd.f32 v2, v0  }
0xd7: {  	v2 =	vld [tilespmem:s14+$0x10000];
	[tilespmem:s9+$0x0] =	vst v1  }
0xd8: {  	v1 =	vadd.f32 v6, v5;
	v5 =	vld [tilespmem:s20+$0x0];
	[tilespmem:s21+$0x0] =	vst v0;
	s21 =	smov.u32 s19  }
0xd9: {  	v6 =	vld [tilespmem:s20+$0x10000]  }
0xda: {  	v0 =	vadd.f32 v8, v7;
	[tilespmem:s18+$0x0] =	vst v1;
	v3 =	vld [tilespmem:s16+$0x0]  }
0xdb: {  	v7 =	vld [tilespmem:s3+$0x0]  }
0xdc: {  	[tilespmem:s24+$0x0] =	vst v0;
	v1 =	vadd.f32 v2, v4;
	v2 =	vld [tilespmem:s3+$0x10000]  }
0xdd: {  	v0 =	vld [tilespmem:s31+$0x0]  }
.Ltmp0:
0xde: {  	v4 =	vld [tilespmem:s31+$0x10000];
	[tilespmem:s14+$0x0] =	vst v1;
	v5 =	vadd.f32 v6, v5;
	(pc) =	sbr.rel @p1 .LBB2_3-.Ltmp0, $4  }
0xdf: {  	v1 =	vld [tilespmem:s30+$0x0]  }
0xe0: {  	v6 =	vld [tilespmem:s30+$0x10000];
	[tilespmem:s20+$0x0] =	vst v5;
	s20 =	smov.u32 s8  }
0xe1: {  	v7 =	vadd.f32 v2, v7;
	v2 =	vld [tilespmem:s16+$0x10000]  }
0xe2: {  	s7 =	sadd.s32 $0x1000, s7;
	s0 =	sadd.s32 $0x40, s0;
	v5 =	vld [tilespmem:s17+$0x0]  }
0xe3: {  	[tilespmem:s3+$0x0] =	vst v7  }
0xe4: {  	v7 =	vld [tilespmem:s21+$0x0]  }
0xe5: {  	v8 =	vld [tilespmem:s21+$0x10000]  }
0xe6: {  	v0 =	vadd.f32 v4, v0;
	_ =	sdelay $0x1  }
0xe7: {  	v4 =	vld [tilespmem:s17+$0x10000];
	[tilespmem:s31+$0x0] =	vst v0;
	v0 =	vadd.f32 v6, v1  }
0xe8: {  	v1 =	vld [tilespmem:s20+$0x0]  }
0xe9: {  	v6 =	vld [tilespmem:s20+$0x10000];
	[tilespmem:s30+$0x0] =	vst v0;
	v0 =	vadd.f32 v8, v7  }
0xea: {  	v7 =	vld [tilespmem:s13+$0x0]  }
0xeb: {  	[tilespmem:s21+$0x0] =	vst v0;
	v0 =	vld [tilespmem:s13+$0x10000]  }
0xec: {  	v8 =	vld [tilespmem:s23+$0x0]  }
0xed: {  	v9 =	vld [tilespmem:s23+$0x10000]  }
0xee: {  	v2 =	vadd.f32 v2, v3  }
0xef: {  	v3 =	vadd.f32 v4, v5  }
0xf0: {  	[tilespmem:s16+$0x0] =	vst v2;
	v1 =	vadd.f32 v6, v1  }
0xf1: {  	[tilespmem:s17+$0x0] =	vst v3;
	v0 =	vadd.f32 v0, v7  }
0xf2: {  	s0 =	sadd.s32 s10, s2;
	[tilespmem:s20+$0x0] =	vst v1;
	v1 =	vadd.f32 v9, v8  }
0xf3: {  	s12 =	smov.u32 s5;
	s0 =	sshll.u32 s0, $0x7;
	[tilespmem:s13+$0x0] =	vst v0  }
0xf4: {  	p0 =	seq.s32 s28, $0x0;
	s0 =	sadd.s32 s5, s0;
	s5 =	simm.s32 $0x0;
	[tilespmem:s23+$0x0] =	vst v1  }
0xf5: {  	[hbm4b:s0+s5] =	stream.linear.scatter [tilespmem:s5], [sflag:$0xB], $0x2000, $0x38;
	[tilespmem:$0x14000] =	vst v63  }
0xf6: {  	s0 =	simm.s32 @!p0 $0xF  }
0xf7: {  	_ =	swait.ge @!p0 [sflag:s0], $0x2000  }
0xf8: {  	s25 =	simm.s32 $0x0;
	[sflag:s0] =	ssyncset.done @!p0 $0x0  }
0xf9: {  	s3 =	sadd.s32 @!p0 s4, s15;
	[sflag:s0] =	ssyncadd.s32 @!p0 $0xFFFFE000;
	s0 =	rddreg [dreg:$0xb]  }
0xfa: {  	s29 =	simm.s32 $0x8000;
	s30 =	simm.s32 $0x2;
	s3 =	smov.u32 @p0 s0  }
0xfb: {  	[tilespmem:s29], [sflag:$0x5] =	stream.linear.gather [hbm4b:s3+s25], $0x2000, $0x38;
	[tilespmem:$0x14000] =	vst v63  }
0xfc: {  	_ =	swait.ge [sflag:s30], $0x2000  }
0xfd: {  	s31 =	sand.u32 $0x1000, s25;
	s0 =	sand.u32 $0x380, s25;
	[sflag:s30] =	ssyncset.done $0x0  }
0xfe: {  	s16 =	sor.u32 s0, s31;
	[sflag:s30] =	ssyncadd.s32 $0xFFFFE000  }
0xff: {  	v0 =	vld [tilespmem:s16+$0x2000]  }
0x100: {  	v1 =	vld [tilespmem:s16+$0x10000]  }
0x101: {  	v2 =	vld [tilespmem:s16+$0x2010]  }
0x102: {  	v3 =	vld [tilespmem:s16+$0x10010]  }
0x103: {  	v4 =	vld [tilespmem:s16+$0x2020]  }
0x104: {  	v5 =	vld [tilespmem:s16+$0x10020]  }
0x105: {  	v6 =	vld [tilespmem:s16+$0x10030]  }
0x106: {  	v7 =	vld [tilespmem:s16+$0x2C70]  }
0x107: {  	v8 =	vld [tilespmem:s16+$0x10C70]  }
0x108: {  	v45 =	vld [tilespmem:s16+$0x10060]  }
0x109: {  	v10 =	vld [tilespmem:s16+$0x2400]  }
0x10a: {  	v11 =	vld [tilespmem:s16+$0x10400]  }
0x10b: {  	v12 =	vld [tilespmem:s16+$0x2410]  }
0x10c: {  	v13 =	vld [tilespmem:s16+$0x10410]  }
0x10d: {  	v14 =	vld [tilespmem:s16+$0x2420]  }
0x10e: {  	v46 =	vld [tilespmem:s16+$0x2430]  }
0x10f: {  	v15 =	vld [tilespmem:s16+$0x2070]  }
0x110: {  	v48 =	vld [tilespmem:s16+$0x2440]  }
0x111: {  	v49 =	vld [tilespmem:s16+$0x10440]  }
0x112: {  	v16 =	vld [tilespmem:s16+$0x10070]  }
0x113: {  	v50 =	vld [tilespmem:s16+$0x2450]  }
0x114: {  	v17 =	vld [tilespmem:s16+$0x10450]  }
0x115: {  	v18 =	vld [tilespmem:s16+$0x2800]  }
0x116: {  	v19 =	vld [tilespmem:s16+$0x10800]  }
0x117: {  	v20 =	vld [tilespmem:s16+$0x2810]  }
0x118: {  	v21 =	vld [tilespmem:s16+$0x10810]  }
0x119: {  	v22 =	vld [tilespmem:s16+$0x2820]  }
0x11a: {  	v51 =	vld [tilespmem:s16+$0x10820]  }
0x11b: {  	v52 =	vld [tilespmem:s16+$0x2830]  }
0x11c: {  	v23 =	vld [tilespmem:s16+$0x2460]  }
0x11d: {  	v54 =	vld [tilespmem:s16+$0x2840]  }
0x11e: {  	v0 =	vadd.f32 v1, v0;
	v1 =	vld [tilespmem:s16+$0x2030]  }
0x11f: {  	v55 =	vld [tilespmem:s16+$0x10840]  }
0x120: {  	v56 =	vld [tilespmem:s16+$0x10460]  }
0x121: {  	v57 =	vld [tilespmem:s16+$0x2850];
	v10 =	vadd.f32 v11, v10  }
0x122: {  	v47 =	vadd.f32 v13, v12;
	[tilespmem:s16+$0x2000] =	vst v0;
	v0 =	vadd.f32 v3, v2;
	v2 =	vld [tilespmem:s16+$0x2040]  }
0x123: {  	[tilespmem:s16+$0x2400] =	vst v10;
	v1 =	vadd.f32 v6, v1;
	v6 =	vld [tilespmem:s16+$0x10420]  }
0x124: {  	v18 =	vadd.f32 v19, v18;
	v3 =	vld [tilespmem:s16+$0x10040];
	[tilespmem:s16+$0x2410] =	vst v47  }
0x125: {  	v53 =	vadd.f32 v21, v20;
	[tilespmem:s16+$0x2010] =	vst v0;
	v0 =	vadd.f32 v5, v4;
	v4 =	vld [tilespmem:s16+$0x2050]  }
0x126: {  	[tilespmem:s16+$0x2800] =	vst v18;
	v5 =	vld [tilespmem:s16+$0x10050]  }
0x127: {  	v58 =	vld [tilespmem:s16+$0x2470];
	v7 =	vadd.f32 v8, v7;
	[tilespmem:s16+$0x2810] =	vst v53  }
0x128: {  	[tilespmem:s16+$0x2020] =	vst v0;
	v0 =	vld [tilespmem:s16+$0x2060];
	v6 =	vadd.f32 v6, v14  }
0x129: {  	v59 =	vld [tilespmem:s16+$0x2860];
	[tilespmem:s16+$0x2C70] =	vst v7  }
0x12a: {  	v2 =	vadd.f32 v3, v2;
	[tilespmem:s16+$0x2420] =	vst v6;
	v6 =	vld [tilespmem:s16+$0x10830]  }
0x12b: {  	[tilespmem:s16+$0x2030] =	vst v1;
	v1 =	vld [tilespmem:s16+$0x10430];
	v3 =	vadd.f32 v5, v4  }
0x12c: {  	v8 =	vld [tilespmem:s16+$0x2870];
	[tilespmem:s16+$0x2040] =	vst v2;
	v14 =	vadd.f32 v51, v22  }
0x12d: {  	v2 =	vld [tilespmem:s16+$0x2C00];
	v0 =	vadd.f32 v45, v0;
	[tilespmem:s16+$0x2050] =	vst v3  }
0x12e: {  	v5 =	vld [tilespmem:s16+$0x10C00];
	v3 =	vadd.f32 v16, v15;
	[tilespmem:s16+$0x2820] =	vst v14  }
0x12f: {  	v4 =	vld [tilespmem:s16+$0x10870];
	[tilespmem:s16+$0x2060] =	vst v0;
	v6 =	vadd.f32 v6, v52  }
0x130: {  	v61 =	vld [tilespmem:s16+$0x10C10];
	v1 =	vadd.f32 v1, v46;
	[tilespmem:s16+$0x2070] =	vst v3  }
0x131: {  	v0 =	vadd.f32 v49, v48;
	[tilespmem:s16+$0x2830] =	vst v6;
	v6 =	vld [tilespmem:s16+$0x10470]  }
0x132: {  	v7 =	vld [tilespmem:s16+$0x2C10];
	v3 =	vadd.f32 v17, v50;
	[tilespmem:s16+$0x2430] =	vst v1  }
0x133: {  	v60 =	vld [tilespmem:s16+$0x10860];
	v5 =	vadd.f32 v5, v2;
	[tilespmem:s16+$0x2440] =	vst v0  }
0x134: {  	v1 =	vld [tilespmem:s16+$0x10850];
	v8 =	vadd.f32 v4, v8;
	[tilespmem:s16+$0x2450] =	vst v3  }
0x135: {  	v62 =	vld [tilespmem:s16+$0x2C20];
	v0 =	vadd.f32 v56, v23;
	[tilespmem:s16+$0x2C00] =	vst v5  }
0x136: {  	[tilespmem:s16+$0x2870] =	vst v8;
	v3 =	vadd.f32 v6, v58;
	v6 =	vld [tilespmem:s16+$0x10C20]  }
0x137: {  	v2 =	vld [tilespmem:s16+$0x10C30];
	v5 =	vadd.f32 v61, v7;
	[tilespmem:s16+$0x2460] =	vst v0  }
0x138: {  	v0 =	vld [tilespmem:s16+$0x2C30];
	[tilespmem:s16+$0x2470] =	vst v3;
	v3 =	vadd.f32 v55, v54  }
0x139: {  	v7 =	vadd.f32 v60, v59;
	[tilespmem:s16+$0x2C10] =	vst v5;
	v63 =	vadd.f32 v1, v57;
	v1 =	vld [tilespmem:s16+$0x2C40]  }
0x13a: {  	s11 =	smov.u32 s10;
	[tilespmem:s16+$0x2840] =	vst v3;
	v3 =	vld [tilespmem:s16+$0x10C40]  }
0x13b: {  	s10 =	smov.u32 s4;
	s7 =	simm.s32 $0x40;
	s14 =	simm.s32 $0xC000;
	v4 =	vld [tilespmem:s16+$0x2C50];
	[tilespmem:s16+$0x2860] =	vst v7;
	v6 =	vadd.f32 v6, v62  }
0x13c: {  	s15 =	sshll.u32 s28, $0x1;
	s13 =	simm.s32 $0x1000;
	s0 =	simm.s32 $0x0;
	v5 =	vld [tilespmem:s16+$0x10C50];
	[tilespmem:s16+$0x2850] =	vst v63  }
.LBB2_5:
0x13d: {  	s3 =	sand.u32 $0x1000, s13;
	s8 =	sand.u32 $0x380, s7;
	[tilespmem:s16+$0x2C20] =	vst v6;
	v0 =	vadd.f32 v2, v0;
	v2 =	vld [tilespmem:s16+$0x2C60]  }
0x13e: {  	s0 =	sadd.s32 $0x4, s0;
	s3 =	sor.u32 s8, s3;
	v6 =	vld [tilespmem:s16+$0x10C60]  }
0x13f: {  	p1 =	slt.u32 s0, $0x3C;
	v7 =	vld [tilespmem:s3+$0x2C70];
	[tilespmem:s16+$0x2C30] =	vst v0;
	v0 =	vadd.f32 v3, v1  }
0x140: {  	v1 =	vld [tilespmem:s3+$0x10C70]  }
0x141: {  	v3 =	vld [tilespmem:s3+$0x2000];
	[tilespmem:s16+$0x2C40] =	vst v0;
	v0 =	vadd.f32 v5, v4  }
0x142: {  	v4 =	vld [tilespmem:s3+$0x10000]  }
0x143: {  	v5 =	vld [tilespmem:s3+$0x2010];
	[tilespmem:s16+$0x2C50] =	vst v0;
	v0 =	vadd.f32 v6, v2  }
0x144: {  	v2 =	vld [tilespmem:s3+$0x10010]  }
0x145: {  	v6 =	vld [tilespmem:s3+$0x2020];
	v1 =	vadd.f32 v1, v7;
	[tilespmem:s16+$0x2C60] =	vst v0;
	s16 =	smov.u32 s3  }
0x146: {  	v0 =	vld [tilespmem:s16+$0x10020]  }
0x147: {  	v3 =	vadd.f32 v4, v3;
	v4 =	vld [tilespmem:s16+$0x2030];
	[tilespmem:s16+$0x2C70] =	vst v1  }
0x148: {  	v1 =	vld [tilespmem:s16+$0x10030]  }
0x149: {  	[tilespmem:s16+$0x2000] =	vst v3;
	v2 =	vadd.f32 v2, v5;
	v3 =	vld [tilespmem:s16+$0x2040]  }
0x14a: {  	v5 =	vld [tilespmem:s16+$0x10040]  }
0x14b: {  	[tilespmem:s16+$0x2010] =	vst v2;
	v0 =	vadd.f32 v0, v6;
	v2 =	vld [tilespmem:s16+$0x2050]  }
0x14c: {  	v6 =	vld [tilespmem:s16+$0x10050]  }
0x14d: {  	[tilespmem:s16+$0x2020] =	vst v0;
	v0 =	vadd.f32 v1, v4;
	v1 =	vld [tilespmem:s16+$0x2060]  }
0x14e: {  	v4 =	vld [tilespmem:s16+$0x10060]  }
0x14f: {  	[tilespmem:s16+$0x2030] =	vst v0;
	v0 =	vadd.f32 v5, v3;
	v3 =	vld [tilespmem:s16+$0x2070]  }
0x150: {  	v5 =	vld [tilespmem:s16+$0x10070]  }
0x151: {  	[tilespmem:s16+$0x2040] =	vst v0;
	v0 =	vadd.f32 v6, v2;
	v2 =	vld [tilespmem:s16+$0x2400]  }
0x152: {  	v6 =	vld [tilespmem:s16+$0x10400]  }
0x153: {  	[tilespmem:s16+$0x2050] =	vst v0;
	v0 =	vadd.f32 v4, v1;
	v1 =	vld [tilespmem:s16+$0x2410]  }
0x154: {  	v4 =	vld [tilespmem:s16+$0x10410]  }
0x155: {  	[tilespmem:s16+$0x2060] =	vst v0;
	v0 =	vadd.f32 v5, v3;
	v3 =	vld [tilespmem:s16+$0x2420]  }
0x156: {  	v5 =	vld [tilespmem:s16+$0x10420]  }
0x157: {  	[tilespmem:s16+$0x2070] =	vst v0;
	v0 =	vadd.f32 v6, v2;
	v2 =	vld [tilespmem:s16+$0x2430]  }
0x158: {  	v6 =	vld [tilespmem:s16+$0x10430]  }
0x159: {  	[tilespmem:s16+$0x2400] =	vst v0;
	v0 =	vadd.f32 v4, v1;
	v1 =	vld [tilespmem:s16+$0x2440]  }
0x15a: {  	v4 =	vld [tilespmem:s16+$0x10440]  }
0x15b: {  	[tilespmem:s16+$0x2410] =	vst v0;
	v0 =	vadd.f32 v5, v3;
	v3 =	vld [tilespmem:s16+$0x2450]  }
0x15c: {  	v5 =	vld [tilespmem:s16+$0x10450]  }
0x15d: {  	[tilespmem:s16+$0x2420] =	vst v0;
	v0 =	vadd.f32 v6, v2;
	v2 =	vld [tilespmem:s16+$0x2460]  }
0x15e: {  	v6 =	vld [tilespmem:s16+$0x10460]  }
0x15f: {  	[tilespmem:s16+$0x2430] =	vst v0;
	v0 =	vadd.f32 v4, v1;
	v1 =	vld [tilespmem:s16+$0x2470]  }
0x160: {  	v4 =	vld [tilespmem:s16+$0x10470]  }
0x161: {  	[tilespmem:s16+$0x2440] =	vst v0;
	v0 =	vadd.f32 v5, v3;
	v3 =	vld [tilespmem:s16+$0x2800]  }
0x162: {  	v5 =	vld [tilespmem:s16+$0x10800]  }
0x163: {  	[tilespmem:s16+$0x2450] =	vst v0;
	v0 =	vadd.f32 v6, v2;
	v2 =	vld [tilespmem:s16+$0x2810]  }
0x164: {  	v6 =	vld [tilespmem:s16+$0x10810]  }
0x165: {  	[tilespmem:s16+$0x2460] =	vst v0;
	v0 =	vadd.f32 v4, v1;
	v1 =	vld [tilespmem:s16+$0x2820]  }
0x166: {  	v4 =	vld [tilespmem:s16+$0x10820]  }
0x167: {  	[tilespmem:s16+$0x2470] =	vst v0;
	v0 =	vadd.f32 v5, v3;
	v3 =	vld [tilespmem:s16+$0x2830]  }
0x168: {  	v5 =	vld [tilespmem:s16+$0x10830]  }
0x169: {  	[tilespmem:s16+$0x2800] =	vst v0;
	v0 =	vadd.f32 v6, v2;
	v2 =	vld [tilespmem:s16+$0x2840]  }
0x16a: {  	v6 =	vld [tilespmem:s16+$0x10840]  }
0x16b: {  	[tilespmem:s16+$0x2810] =	vst v0;
	v0 =	vadd.f32 v4, v1;
	v1 =	vld [tilespmem:s16+$0x2850]  }
0x16c: {  	v4 =	vld [tilespmem:s16+$0x10850]  }
0x16d: {  	[tilespmem:s16+$0x2820] =	vst v0;
	v0 =	vadd.f32 v5, v3;
	v3 =	vld [tilespmem:s16+$0x2860]  }
0x16e: {  	v5 =	vld [tilespmem:s16+$0x10860]  }
0x16f: {  	[tilespmem:s16+$0x2830] =	vst v0;
	v0 =	vadd.f32 v6, v2;
	v2 =	vld [tilespmem:s16+$0x2870]  }
0x170: {  	v6 =	vld [tilespmem:s16+$0x10870]  }
0x171: {  	[tilespmem:s16+$0x2840] =	vst v0;
	v0 =	vadd.f32 v4, v1;
	v1 =	vld [tilespmem:s16+$0x2C00]  }
0x172: {  	v4 =	vld [tilespmem:s16+$0x10C00]  }
0x173: {  	[tilespmem:s16+$0x2850] =	vst v0;
	v0 =	vadd.f32 v5, v3;
	v3 =	vld [tilespmem:s16+$0x2C10]  }
0x174: {  	v5 =	vld [tilespmem:s16+$0x10C10]  }
0x175: {  	[tilespmem:s16+$0x2860] =	vst v0;
	v0 =	vadd.f32 v6, v2;
	v6 =	vld [tilespmem:s16+$0x2C20]  }
0x176: {  	v7 =	vld [tilespmem:s16+$0x10C20]  }
0x177: {  	[tilespmem:s16+$0x2870] =	vst v0;
	v1 =	vadd.f32 v4, v1;
	v0 =	vld [tilespmem:s16+$0x2C30]  }
.Ltmp1:
0x178: {  	v2 =	vld [tilespmem:s16+$0x10C30];
	(pc) =	sbr.rel @p1 .LBB2_5-.Ltmp1, $4  }
0x179: {  	[tilespmem:s16+$0x2C00] =	vst v1;
	v4 =	vadd.f32 v5, v3;
	v1 =	vld [tilespmem:s16+$0x2C40]  }
0x17a: {  	v3 =	vld [tilespmem:s16+$0x10C40]  }
0x17b: {  	[tilespmem:s16+$0x2C10] =	vst v4;
	v6 =	vadd.f32 v7, v6;
	v4 =	vld [tilespmem:s16+$0x2C50]  }
0x17c: {  	s7 =	sadd.s32 $0x40, s7;
	s13 =	sadd.s32 $0x1000, s13;
	v5 =	vld [tilespmem:s16+$0x10C50]  }
0x17d: {  	[tilespmem:s16+$0x2C20] =	vst v6;
	v6 =	vld [tilespmem:s16+$0x2C60]  }
0x17e: {  	v7 =	vld [tilespmem:s16+$0x10C60];
	_ =	sdelay $0x1  }
0x17f: {  	v0 =	vadd.f32 v2, v0  }
0x180: {  	v1 =	vadd.f32 v3, v1  }
0x181: {  	[tilespmem:s16+$0x2C30] =	vst v0;
	v0 =	vadd.f32 v5, v4  }
0x182: {  	s0 =	sadd.s32 s6, s2;
	[tilespmem:s16+$0x2C40] =	vst v1;
	v1 =	vadd.f32 v7, v6  }
0x183: {  	s0 =	sshll.u32 s0, $0x7;
	[tilespmem:s16+$0x2C50] =	vst v0  }
0x184: {  	s3 =	simm.s32 $0x2000;
	s0 =	sadd.s32 s12, s0;
	[tilespmem:s16+$0x2C60] =	vst v1  }
0x185: {  	[hbm4b:s0+s5] =	stream.linear.scatter [tilespmem:s3], [sflag:$0xC], $0x2000, $0x38;
	[tilespmem:$0x14000] =	vst v63  }
0x186: {  	s0 =	simm.s32 @!p0 $0x10  }
0x187: {  	s3 =	sadd.s32 @!p0 s6, s26;
	_ =	swait.ge @!p0 [sflag:s0], $0x2000  }
0x188: {  	s29 =	simm.s32 $0x0;
	s3 =	sshll.u32 @!p0 s3, $0x7;
	[sflag:s0] =	ssyncset.done @!p0 $0x0  }
0x189: {  	s3 =	sadd.s32 @!p0 s10, s3;
	[sflag:s0] =	ssyncadd.s32 @!p0 $0xFFFFE000;
	s0 =	rddreg [dreg:$0xa]  }
0x18a: {  	s4 =	simm.s32 $0xA000;
	s30 =	simm.s32 $0x3;
	s3 =	smov.u32 @p0 s0  }
0x18b: {  	[tilespmem:s4], [sflag:$0x6] =	stream.linear.gather [hbm4b:s3+s29], $0x2000, $0x38;
	[tilespmem:$0x14000] =	vst v63  }
0x18c: {  	_ =	swait.ge [sflag:s30], $0x2000  }
0x18d: {  	s31 =	sand.u32 $0x1000, s29;
	s0 =	sand.u32 $0x380, s29;
	[sflag:s30] =	ssyncset.done $0x0  }
0x18e: {  	s16 =	sor.u32 s0, s31;
	[sflag:s30] =	ssyncadd.s32 $0xFFFFE000  }
0x18f: {  	v0 =	vld [tilespmem:s16+$0x4000]  }
0x190: {  	v1 =	vld [tilespmem:s16+$0x10000]  }
0x191: {  	v2 =	vld [tilespmem:s16+$0x4010]  }
0x192: {  	v3 =	vld [tilespmem:s16+$0x10010]  }
0x193: {  	v4 =	vld [tilespmem:s16+$0x4020]  }
0x194: {  	v5 =	vld [tilespmem:s16+$0x10020]  }
0x195: {  	v6 =	vld [tilespmem:s16+$0x10030]  }
0x196: {  	v7 =	vld [tilespmem:s16+$0x4C70]  }
0x197: {  	v8 =	vld [tilespmem:s16+$0x10C70]  }
0x198: {  	v9 =	vld [tilespmem:s16+$0x10060]  }
0x199: {  	v10 =	vld [tilespmem:s16+$0x4400]  }
0x19a: {  	v11 =	vld [tilespmem:s16+$0x10400]  }
0x19b: {  	v12 =	vld [tilespmem:s16+$0x4410]  }
0x19c: {  	v13 =	vld [tilespmem:s16+$0x10410]  }
0x19d: {  	v14 =	vld [tilespmem:s16+$0x4420]  }
0x19e: {  	v46 =	vld [tilespmem:s16+$0x4430]  }
0x19f: {  	v15 =	vld [tilespmem:s16+$0x4070]  }
0x1a0: {  	v48 =	vld [tilespmem:s16+$0x4440]  }
0x1a1: {  	v49 =	vld [tilespmem:s16+$0x10440]  }
0x1a2: {  	v16 =	vld [tilespmem:s16+$0x10070]  }
0x1a3: {  	v50 =	vld [tilespmem:s16+$0x4450]  }
0x1a4: {  	v17 =	vld [tilespmem:s16+$0x10450]  }
0x1a5: {  	v18 =	vld [tilespmem:s16+$0x4800]  }
0x1a6: {  	v19 =	vld [tilespmem:s16+$0x10800]  }
0x1a7: {  	v20 =	vld [tilespmem:s16+$0x4810]  }
0x1a8: {  	v21 =	vld [tilespmem:s16+$0x10810]  }
0x1a9: {  	v22 =	vld [tilespmem:s16+$0x4820]  }
0x1aa: {  	v51 =	vld [tilespmem:s16+$0x10820]  }
0x1ab: {  	v52 =	vld [tilespmem:s16+$0x4830]  }
0x1ac: {  	v23 =	vld [tilespmem:s16+$0x4460]  }
0x1ad: {  	v54 =	vld [tilespmem:s16+$0x4840]  }
0x1ae: {  	v0 =	vadd.f32 v1, v0;
	v1 =	vld [tilespmem:s16+$0x4030]  }
0x1af: {  	v55 =	vld [tilespmem:s16+$0x10840]  }
0x1b0: {  	v56 =	vld [tilespmem:s16+$0x10460]  }
0x1b1: {  	v57 =	vld [tilespmem:s16+$0x4850];
	v10 =	vadd.f32 v11, v10  }
0x1b2: {  	v47 =	vadd.f32 v13, v12;
	[tilespmem:s16+$0x4000] =	vst v0;
	v0 =	vadd.f32 v3, v2;
	v2 =	vld [tilespmem:s16+$0x4040]  }
0x1b3: {  	[tilespmem:s16+$0x4400] =	vst v10;
	v1 =	vadd.f32 v6, v1;
	v6 =	vld [tilespmem:s16+$0x10420]  }
0x1b4: {  	v18 =	vadd.f32 v19, v18;
	v3 =	vld [tilespmem:s16+$0x10040];
	[tilespmem:s16+$0x4410] =	vst v47  }
0x1b5: {  	v53 =	vadd.f32 v21, v20;
	[tilespmem:s16+$0x4010] =	vst v0;
	v0 =	vadd.f32 v5, v4;
	v4 =	vld [tilespmem:s16+$0x4050]  }
0x1b6: {  	[tilespmem:s16+$0x4800] =	vst v18;
	v5 =	vld [tilespmem:s16+$0x10050]  }
0x1b7: {  	v58 =	vld [tilespmem:s16+$0x4470];
	v7 =	vadd.f32 v8, v7;
	[tilespmem:s16+$0x4810] =	vst v53  }
0x1b8: {  	[tilespmem:s16+$0x4020] =	vst v0;
	v0 =	vld [tilespmem:s16+$0x4060];
	v6 =	vadd.f32 v6, v14  }
0x1b9: {  	v59 =	vld [tilespmem:s16+$0x4860];
	[tilespmem:s16+$0x4C70] =	vst v7  }
0x1ba: {  	v2 =	vadd.f32 v3, v2;
	[tilespmem:s16+$0x4420] =	vst v6;
	v6 =	vld [tilespmem:s16+$0x10830]  }
0x1bb: {  	[tilespmem:s16+$0x4030] =	vst v1;
	v1 =	vld [tilespmem:s16+$0x10430];
	v3 =	vadd.f32 v5, v4  }
0x1bc: {  	v8 =	vld [tilespmem:s16+$0x4870];
	[tilespmem:s16+$0x4040] =	vst v2;
	v14 =	vadd.f32 v51, v22  }
0x1bd: {  	v2 =	vld [tilespmem:s16+$0x4C00];
	v0 =	vadd.f32 v9, v0;
	[tilespmem:s16+$0x4050] =	vst v3  }
0x1be: {  	v5 =	vld [tilespmem:s16+$0x10C00];
	v3 =	vadd.f32 v16, v15;
	[tilespmem:s16+$0x4820] =	vst v14  }
0x1bf: {  	v4 =	vld [tilespmem:s16+$0x10870];
	[tilespmem:s16+$0x4060] =	vst v0;
	v6 =	vadd.f32 v6, v52  }
0x1c0: {  	v61 =	vld [tilespmem:s16+$0x10C10];
	v1 =	vadd.f32 v1, v46;
	[tilespmem:s16+$0x4070] =	vst v3  }
0x1c1: {  	v0 =	vadd.f32 v49, v48;
	[tilespmem:s16+$0x4830] =	vst v6;
	v6 =	vld [tilespmem:s16+$0x10470]  }
0x1c2: {  	v7 =	vld [tilespmem:s16+$0x4C10];
	v3 =	vadd.f32 v17, v50;
	[tilespmem:s16+$0x4430] =	vst v1  }
0x1c3: {  	v60 =	vld [tilespmem:s16+$0x10860];
	v5 =	vadd.f32 v5, v2;
	[tilespmem:s16+$0x4440] =	vst v0  }
0x1c4: {  	v1 =	vld [tilespmem:s16+$0x10850];
	v8 =	vadd.f32 v4, v8;
	[tilespmem:s16+$0x4450] =	vst v3  }
0x1c5: {  	v62 =	vld [tilespmem:s16+$0x4C20];
	v0 =	vadd.f32 v56, v23;
	[tilespmem:s16+$0x4C00] =	vst v5  }
0x1c6: {  	[tilespmem:s16+$0x4870] =	vst v8;
	v3 =	vadd.f32 v6, v58;
	v6 =	vld [tilespmem:s16+$0x10C20]  }
0x1c7: {  	v2 =	vld [tilespmem:s16+$0x10C30];
	v5 =	vadd.f32 v61, v7;
	[tilespmem:s16+$0x4460] =	vst v0  }
0x1c8: {  	v0 =	vld [tilespmem:s16+$0x4C30];
	[tilespmem:s16+$0x4470] =	vst v3;
	v3 =	vadd.f32 v55, v54  }
0x1c9: {  	v7 =	vadd.f32 v60, v59;
	[tilespmem:s16+$0x4C10] =	vst v5;
	v63 =	vadd.f32 v1, v57;
	v1 =	vld [tilespmem:s16+$0x4C40]  }
0x1ca: {  	[tilespmem:s16+$0x4840] =	vst v3;
	v3 =	vld [tilespmem:s16+$0x10C40]  }
0x1cb: {  	s9 =	smov.u32 s6;
	s7 =	simm.s32 $0x40;
	v4 =	vld [tilespmem:s16+$0x4C50];
	[tilespmem:s16+$0x4860] =	vst v7;
	v6 =	vadd.f32 v6, v62  }
0x1cc: {  	s13 =	simm.s32 $0x1000;
	s17 =	simm.s32 $0xE000;
	s0 =	simm.s32 $0x0;
	v5 =	vld [tilespmem:s16+$0x10C50];
	[tilespmem:s16+$0x4850] =	vst v63  }
.LBB2_7:
0x1cd: {  	s3 =	sand.u32 $0x1000, s13;
	s8 =	sand.u32 $0x380, s7;
	[tilespmem:s16+$0x4C20] =	vst v6;
	v0 =	vadd.f32 v2, v0;
	v2 =	vld [tilespmem:s16+$0x4C60]  }
0x1ce: {  	s0 =	sadd.s32 $0x4, s0;
	s3 =	sor.u32 s8, s3;
	v6 =	vld [tilespmem:s16+$0x10C60]  }
0x1cf: {  	p1 =	slt.u32 s0, $0x3C;
	v7 =	vld [tilespmem:s3+$0x4C70];
	[tilespmem:s16+$0x4C30] =	vst v0;
	v0 =	vadd.f32 v3, v1  }
0x1d0: {  	v1 =	vld [tilespmem:s3+$0x10C70]  }
0x1d1: {  	v3 =	vld [tilespmem:s3+$0x4000];
	[tilespmem:s16+$0x4C40] =	vst v0;
	v0 =	vadd.f32 v5, v4  }
0x1d2: {  	v4 =	vld [tilespmem:s3+$0x10000]  }
0x1d3: {  	v5 =	vld [tilespmem:s3+$0x4010];
	[tilespmem:s16+$0x4C50] =	vst v0;
	v0 =	vadd.f32 v6, v2  }
0x1d4: {  	v2 =	vld [tilespmem:s3+$0x10010]  }
0x1d5: {  	v6 =	vld [tilespmem:s3+$0x4020];
	v1 =	vadd.f32 v1, v7;
	[tilespmem:s16+$0x4C60] =	vst v0;
	s16 =	smov.u32 s3  }
0x1d6: {  	v0 =	vld [tilespmem:s16+$0x10020]  }
0x1d7: {  	v3 =	vadd.f32 v4, v3;
	v4 =	vld [tilespmem:s16+$0x4030];
	[tilespmem:s16+$0x4C70] =	vst v1  }
0x1d8: {  	v1 =	vld [tilespmem:s16+$0x10030]  }
0x1d9: {  	[tilespmem:s16+$0x4000] =	vst v3;
	v2 =	vadd.f32 v2, v5;
	v3 =	vld [tilespmem:s16+$0x4040]  }
0x1da: {  	v5 =	vld [tilespmem:s16+$0x10040]  }
0x1db: {  	[tilespmem:s16+$0x4010] =	vst v2;
	v0 =	vadd.f32 v0, v6;
	v2 =	vld [tilespmem:s16+$0x4050]  }
0x1dc: {  	v6 =	vld [tilespmem:s16+$0x10050]  }
0x1dd: {  	[tilespmem:s16+$0x4020] =	vst v0;
	v0 =	vadd.f32 v1, v4;
	v1 =	vld [tilespmem:s16+$0x4060]  }
0x1de: {  	v4 =	vld [tilespmem:s16+$0x10060]  }
0x1df: {  	[tilespmem:s16+$0x4030] =	vst v0;
	v0 =	vadd.f32 v5, v3;
	v3 =	vld [tilespmem:s16+$0x4070]  }
0x1e0: {  	v5 =	vld [tilespmem:s16+$0x10070]  }
0x1e1: {  	[tilespmem:s16+$0x4040] =	vst v0;
	v0 =	vadd.f32 v6, v2;
	v2 =	vld [tilespmem:s16+$0x4400]  }
0x1e2: {  	v6 =	vld [tilespmem:s16+$0x10400]  }
0x1e3: {  	[tilespmem:s16+$0x4050] =	vst v0;
	v0 =	vadd.f32 v4, v1;
	v1 =	vld [tilespmem:s16+$0x4410]  }
0x1e4: {  	v4 =	vld [tilespmem:s16+$0x10410]  }
0x1e5: {  	[tilespmem:s16+$0x4060] =	vst v0;
	v0 =	vadd.f32 v5, v3;
	v3 =	vld [tilespmem:s16+$0x4420]  }
0x1e6: {  	v5 =	vld [tilespmem:s16+$0x10420]  }
0x1e7: {  	[tilespmem:s16+$0x4070] =	vst v0;
	v0 =	vadd.f32 v6, v2;
	v2 =	vld [tilespmem:s16+$0x4430]  }
0x1e8: {  	v6 =	vld [tilespmem:s16+$0x10430]  }
0x1e9: {  	[tilespmem:s16+$0x4400] =	vst v0;
	v0 =	vadd.f32 v4, v1;
	v1 =	vld [tilespmem:s16+$0x4440]  }
0x1ea: {  	v4 =	vld [tilespmem:s16+$0x10440]  }
0x1eb: {  	[tilespmem:s16+$0x4410] =	vst v0;
	v0 =	vadd.f32 v5, v3;
	v3 =	vld [tilespmem:s16+$0x4450]  }
0x1ec: {  	v5 =	vld [tilespmem:s16+$0x10450]  }
0x1ed: {  	[tilespmem:s16+$0x4420] =	vst v0;
	v0 =	vadd.f32 v6, v2;
	v2 =	vld [tilespmem:s16+$0x4460]  }
0x1ee: {  	v6 =	vld [tilespmem:s16+$0x10460]  }
0x1ef: {  	[tilespmem:s16+$0x4430] =	vst v0;
	v0 =	vadd.f32 v4, v1;
	v1 =	vld [tilespmem:s16+$0x4470]  }
0x1f0: {  	v4 =	vld [tilespmem:s16+$0x10470]  }
0x1f1: {  	[tilespmem:s16+$0x4440] =	vst v0;
	v0 =	vadd.f32 v5, v3;
	v3 =	vld [tilespmem:s16+$0x4800]  }
0x1f2: {  	v5 =	vld [tilespmem:s16+$0x10800]  }
0x1f3: {  	[tilespmem:s16+$0x4450] =	vst v0;
	v0 =	vadd.f32 v6, v2;
	v2 =	vld [tilespmem:s16+$0x4810]  }
0x1f4: {  	v6 =	vld [tilespmem:s16+$0x10810]  }
0x1f5: {  	[tilespmem:s16+$0x4460] =	vst v0;
	v0 =	vadd.f32 v4, v1;
	v1 =	vld [tilespmem:s16+$0x4820]  }
0x1f6: {  	v4 =	vld [tilespmem:s16+$0x10820]  }
0x1f7: {  	[tilespmem:s16+$0x4470] =	vst v0;
	v0 =	vadd.f32 v5, v3;
	v3 =	vld [tilespmem:s16+$0x4830]  }
0x1f8: {  	v5 =	vld [tilespmem:s16+$0x10830]  }
0x1f9: {  	[tilespmem:s16+$0x4800] =	vst v0;
	v0 =	vadd.f32 v6, v2;
	v2 =	vld [tilespmem:s16+$0x4840]  }
0x1fa: {  	v6 =	vld [tilespmem:s16+$0x10840]  }
0x1fb: {  	[tilespmem:s16+$0x4810] =	vst v0;
	v0 =	vadd.f32 v4, v1;
	v1 =	vld [tilespmem:s16+$0x4850]  }
0x1fc: {  	v4 =	vld [tilespmem:s16+$0x10850]  }
0x1fd: {  	[tilespmem:s16+$0x4820] =	vst v0;
	v0 =	vadd.f32 v5, v3;
	v3 =	vld [tilespmem:s16+$0x4860]  }
0x1fe: {  	v5 =	vld [tilespmem:s16+$0x10860]  }
0x1ff: {  	[tilespmem:s16+$0x4830] =	vst v0;
	v0 =	vadd.f32 v6, v2;
	v2 =	vld [tilespmem:s16+$0x4870]  }
0x200: {  	v6 =	vld [tilespmem:s16+$0x10870]  }
0x201: {  	[tilespmem:s16+$0x4840] =	vst v0;
	v0 =	vadd.f32 v4, v1;
	v1 =	vld [tilespmem:s16+$0x4C00]  }
0x202: {  	v4 =	vld [tilespmem:s16+$0x10C00]  }
0x203: {  	[tilespmem:s16+$0x4850] =	vst v0;
	v0 =	vadd.f32 v5, v3;
	v3 =	vld [tilespmem:s16+$0x4C10]  }
0x204: {  	v5 =	vld [tilespmem:s16+$0x10C10]  }
0x205: {  	[tilespmem:s16+$0x4860] =	vst v0;
	v0 =	vadd.f32 v6, v2;
	v6 =	vld [tilespmem:s16+$0x4C20]  }
0x206: {  	v7 =	vld [tilespmem:s16+$0x10C20]  }
0x207: {  	[tilespmem:s16+$0x4870] =	vst v0;
	v1 =	vadd.f32 v4, v1;
	v0 =	vld [tilespmem:s16+$0x4C30]  }
.Ltmp2:
0x208: {  	v2 =	vld [tilespmem:s16+$0x10C30];
	(pc) =	sbr.rel @p1 .LBB2_7-.Ltmp2, $4  }
0x209: {  	[tilespmem:s16+$0x4C00] =	vst v1;
	v4 =	vadd.f32 v5, v3;
	v1 =	vld [tilespmem:s16+$0x4C40]  }
0x20a: {  	v3 =	vld [tilespmem:s16+$0x10C40]  }
0x20b: {  	[tilespmem:s16+$0x4C10] =	vst v4;
	v6 =	vadd.f32 v7, v6;
	v4 =	vld [tilespmem:s16+$0x4C50]  }
0x20c: {  	s7 =	sadd.s32 $0x40, s7;
	s13 =	sadd.s32 $0x1000, s13;
	v5 =	vld [tilespmem:s16+$0x10C50]  }
0x20d: {  	[tilespmem:s16+$0x4C20] =	vst v6;
	v6 =	vld [tilespmem:s16+$0x4C60]  }
0x20e: {  	v7 =	vld [tilespmem:s16+$0x10C60];
	_ =	sdelay $0x1  }
0x20f: {  	v0 =	vadd.f32 v2, v0  }
0x210: {  	v1 =	vadd.f32 v3, v1  }
0x211: {  	[tilespmem:s16+$0x4C30] =	vst v0;
	v0 =	vadd.f32 v5, v4  }
0x212: {  	s0 =	sadd.s32 s1, s2;
	[tilespmem:s16+$0x4C40] =	vst v1;
	v1 =	vadd.f32 v7, v6  }
0x213: {  	s0 =	sshll.u32 s0, $0x7;
	[tilespmem:s16+$0x4C50] =	vst v0  }
0x214: {  	s25 =	simm.s32 $0x4000;
	s0 =	sadd.s32 s12, s0;
	[tilespmem:s16+$0x4C60] =	vst v1  }
0x215: {  	[hbm4b:s0+s5] =	stream.linear.scatter [tilespmem:s25], [sflag:$0xD], $0x2000, $0x38;
	[tilespmem:$0x14000] =	vst v63  }
0x216: {  	s6 =	smov.u32 s1;
	s0 =	simm.s32 @!p0 $0x11  }
0x217: {  	s3 =	sadd.s32 @!p0 s6, s26;
	_ =	swait.ge @!p0 [sflag:s0], $0x2000  }
0x218: {  	s3 =	sshll.u32 @!p0 s3, $0x7;
	[sflag:s0] =	ssyncset.done @!p0 $0x0  }
0x219: {  	s3 =	sadd.s32 @!p0 s10, s3;
	[sflag:s0] =	ssyncadd.s32 @!p0 $0xFFFFE000;
	s0 =	rddreg [dreg:$0xc]  }
0x21a: {  	s29 =	simm.s32 $0x0;
	s30 =	simm.s32 $0x4;
	s3 =	smov.u32 @p0 s0  }
0x21b: {  	[tilespmem:s14], [sflag:$0x7] =	stream.linear.gather [hbm4b:s3+s29], $0x2000, $0x38;
	[tilespmem:$0x14000] =	vst v63  }
0x21c: {  	_ =	swait.ge [sflag:s30], $0x2000  }
0x21d: {  	s31 =	sand.u32 $0x1000, s29;
	s0 =	sand.u32 $0x380, s29;
	[sflag:s30] =	ssyncset.done $0x0  }
0x21e: {  	s16 =	sor.u32 s0, s31;
	[sflag:s30] =	ssyncadd.s32 $0xFFFFE000  }
0x21f: {  	v0 =	vld [tilespmem:s16+$0x6000]  }
0x220: {  	v1 =	vld [tilespmem:s16+$0x10000]  }
0x221: {  	v2 =	vld [tilespmem:s16+$0x6010]  }
0x222: {  	v3 =	vld [tilespmem:s16+$0x10010]  }
0x223: {  	v4 =	vld [tilespmem:s16+$0x6020]  }
0x224: {  	v5 =	vld [tilespmem:s16+$0x10020]  }
0x225: {  	v6 =	vld [tilespmem:s16+$0x10030]  }
0x226: {  	v7 =	vld [tilespmem:s16+$0x6C70]  }
0x227: {  	v8 =	vld [tilespmem:s16+$0x10C70]  }
0x228: {  	v9 =	vld [tilespmem:s16+$0x10060]  }
0x229: {  	v10 =	vld [tilespmem:s16+$0x6400]  }
0x22a: {  	v11 =	vld [tilespmem:s16+$0x10400]  }
0x22b: {  	v12 =	vld [tilespmem:s16+$0x6410]  }
0x22c: {  	v13 =	vld [tilespmem:s16+$0x10410]  }
0x22d: {  	v14 =	vld [tilespmem:s16+$0x6420]  }
0x22e: {  	v46 =	vld [tilespmem:s16+$0x6430]  }
0x22f: {  	v15 =	vld [tilespmem:s16+$0x6070]  }
0x230: {  	v48 =	vld [tilespmem:s16+$0x6440]  }
0x231: {  	v49 =	vld [tilespmem:s16+$0x10440]  }
0x232: {  	v16 =	vld [tilespmem:s16+$0x10070]  }
0x233: {  	v50 =	vld [tilespmem:s16+$0x6450]  }
0x234: {  	v17 =	vld [tilespmem:s16+$0x10450]  }
0x235: {  	v18 =	vld [tilespmem:s16+$0x6800]  }
0x236: {  	v19 =	vld [tilespmem:s16+$0x10800]  }
0x237: {  	v20 =	vld [tilespmem:s16+$0x6810]  }
0x238: {  	v21 =	vld [tilespmem:s16+$0x10810]  }
0x239: {  	v22 =	vld [tilespmem:s16+$0x6820]  }
0x23a: {  	v51 =	vld [tilespmem:s16+$0x10820]  }
0x23b: {  	v52 =	vld [tilespmem:s16+$0x6830]  }
0x23c: {  	v23 =	vld [tilespmem:s16+$0x6460]  }
0x23d: {  	v54 =	vld [tilespmem:s16+$0x6840]  }
0x23e: {  	v0 =	vadd.f32 v1, v0;
	v1 =	vld [tilespmem:s16+$0x6030]  }
0x23f: {  	v55 =	vld [tilespmem:s16+$0x10840]  }
0x240: {  	v56 =	vld [tilespmem:s16+$0x10460]  }
0x241: {  	v57 =	vld [tilespmem:s16+$0x6850];
	v10 =	vadd.f32 v11, v10  }
0x242: {  	v47 =	vadd.f32 v13, v12;
	[tilespmem:s16+$0x6000] =	vst v0;
	v0 =	vadd.f32 v3, v2;
	v2 =	vld [tilespmem:s16+$0x6040]  }
0x243: {  	[tilespmem:s16+$0x6400] =	vst v10;
	v1 =	vadd.f32 v6, v1;
	v6 =	vld [tilespmem:s16+$0x10420]  }
0x244: {  	v18 =	vadd.f32 v19, v18;
	v3 =	vld [tilespmem:s16+$0x10040];
	[tilespmem:s16+$0x6410] =	vst v47  }
0x245: {  	v53 =	vadd.f32 v21, v20;
	[tilespmem:s16+$0x6010] =	vst v0;
	v0 =	vadd.f32 v5, v4;
	v4 =	vld [tilespmem:s16+$0x6050]  }
0x246: {  	[tilespmem:s16+$0x6800] =	vst v18;
	v5 =	vld [tilespmem:s16+$0x10050]  }
0x247: {  	v58 =	vld [tilespmem:s16+$0x6470];
	v7 =	vadd.f32 v8, v7;
	[tilespmem:s16+$0x6810] =	vst v53  }
0x248: {  	[tilespmem:s16+$0x6020] =	vst v0;
	v0 =	vld [tilespmem:s16+$0x6060];
	v6 =	vadd.f32 v6, v14  }
0x249: {  	v59 =	vld [tilespmem:s16+$0x6860];
	[tilespmem:s16+$0x6C70] =	vst v7  }
0x24a: {  	v2 =	vadd.f32 v3, v2;
	[tilespmem:s16+$0x6420] =	vst v6;
	v6 =	vld [tilespmem:s16+$0x10830]  }
0x24b: {  	[tilespmem:s16+$0x6030] =	vst v1;
	v1 =	vld [tilespmem:s16+$0x10430];
	v3 =	vadd.f32 v5, v4  }
0x24c: {  	v8 =	vld [tilespmem:s16+$0x6870];
	[tilespmem:s16+$0x6040] =	vst v2;
	v14 =	vadd.f32 v51, v22  }
0x24d: {  	v2 =	vld [tilespmem:s16+$0x6C00];
	v0 =	vadd.f32 v9, v0;
	[tilespmem:s16+$0x6050] =	vst v3  }
0x24e: {  	v5 =	vld [tilespmem:s16+$0x10C00];
	v3 =	vadd.f32 v16, v15;
	[tilespmem:s16+$0x6820] =	vst v14  }
0x24f: {  	v4 =	vld [tilespmem:s16+$0x10870];
	[tilespmem:s16+$0x6060] =	vst v0;
	v6 =	vadd.f32 v6, v52  }
0x250: {  	v61 =	vld [tilespmem:s16+$0x10C10];
	v1 =	vadd.f32 v1, v46;
	[tilespmem:s16+$0x6070] =	vst v3  }
0x251: {  	v0 =	vadd.f32 v49, v48;
	[tilespmem:s16+$0x6830] =	vst v6;
	v6 =	vld [tilespmem:s16+$0x10470]  }
0x252: {  	v7 =	vld [tilespmem:s16+$0x6C10];
	v3 =	vadd.f32 v17, v50;
	[tilespmem:s16+$0x6430] =	vst v1  }
0x253: {  	v60 =	vld [tilespmem:s16+$0x10860];
	v5 =	vadd.f32 v5, v2;
	[tilespmem:s16+$0x6440] =	vst v0  }
0x254: {  	v1 =	vld [tilespmem:s16+$0x10850];
	v8 =	vadd.f32 v4, v8;
	[tilespmem:s16+$0x6450] =	vst v3  }
0x255: {  	v62 =	vld [tilespmem:s16+$0x6C20];
	v0 =	vadd.f32 v56, v23;
	[tilespmem:s16+$0x6C00] =	vst v5  }
0x256: {  	[tilespmem:s16+$0x6870] =	vst v8;
	v3 =	vadd.f32 v6, v58;
	v6 =	vld [tilespmem:s16+$0x10C20]  }
0x257: {  	v2 =	vld [tilespmem:s16+$0x10C30];
	v5 =	vadd.f32 v61, v7;
	[tilespmem:s16+$0x6460] =	vst v0  }
0x258: {  	v0 =	vld [tilespmem:s16+$0x6C30];
	[tilespmem:s16+$0x6470] =	vst v3;
	v3 =	vadd.f32 v55, v54  }
0x259: {  	v7 =	vadd.f32 v60, v59;
	[tilespmem:s16+$0x6C10] =	vst v5;
	v63 =	vadd.f32 v1, v57;
	v1 =	vld [tilespmem:s16+$0x6C40]  }
0x25a: {  	[tilespmem:s16+$0x6840] =	vst v3;
	v3 =	vld [tilespmem:s16+$0x10C40]  }
0x25b: {  	v4 =	vld [tilespmem:s16+$0x6C50];
	[tilespmem:s16+$0x6860] =	vst v7;
	v6 =	vadd.f32 v6, v62  }
0x25c: {  	s7 =	simm.s32 $0x40;
	s13 =	simm.s32 $0x1000;
	s0 =	simm.s32 $0x0;
	v5 =	vld [tilespmem:s16+$0x10C50];
	[tilespmem:s16+$0x6850] =	vst v63  }
.LBB2_9:
0x25d: {  	s3 =	sand.u32 $0x1000, s13;
	s8 =	sand.u32 $0x380, s7;
	[tilespmem:s16+$0x6C20] =	vst v6;
	v0 =	vadd.f32 v2, v0;
	v2 =	vld [tilespmem:s16+$0x6C60]  }
0x25e: {  	s0 =	sadd.s32 $0x4, s0;
	s3 =	sor.u32 s8, s3;
	v6 =	vld [tilespmem:s16+$0x10C60]  }
0x25f: {  	p0 =	slt.u32 s0, $0x3C;
	v7 =	vld [tilespmem:s3+$0x6C70];
	[tilespmem:s16+$0x6C30] =	vst v0;
	v0 =	vadd.f32 v3, v1  }
0x260: {  	v1 =	vld [tilespmem:s3+$0x10C70]  }
0x261: {  	v3 =	vld [tilespmem:s3+$0x6000];
	[tilespmem:s16+$0x6C40] =	vst v0;
	v0 =	vadd.f32 v5, v4  }
0x262: {  	v4 =	vld [tilespmem:s3+$0x10000]  }
0x263: {  	v5 =	vld [tilespmem:s3+$0x6010];
	[tilespmem:s16+$0x6C50] =	vst v0;
	v0 =	vadd.f32 v6, v2  }
0x264: {  	v2 =	vld [tilespmem:s3+$0x10010]  }
0x265: {  	v6 =	vld [tilespmem:s3+$0x6020];
	v1 =	vadd.f32 v1, v7;
	[tilespmem:s16+$0x6C60] =	vst v0;
	s16 =	smov.u32 s3  }
0x266: {  	v0 =	vld [tilespmem:s16+$0x10020]  }
0x267: {  	v3 =	vadd.f32 v4, v3;
	v4 =	vld [tilespmem:s16+$0x6030];
	[tilespmem:s16+$0x6C70] =	vst v1  }
0x268: {  	v1 =	vld [tilespmem:s16+$0x10030]  }
0x269: {  	[tilespmem:s16+$0x6000] =	vst v3;
	v2 =	vadd.f32 v2, v5;
	v3 =	vld [tilespmem:s16+$0x6040]  }
0x26a: {  	v5 =	vld [tilespmem:s16+$0x10040]  }
0x26b: {  	[tilespmem:s16+$0x6010] =	vst v2;
	v0 =	vadd.f32 v0, v6;
	v2 =	vld [tilespmem:s16+$0x6050]  }
0x26c: {  	v6 =	vld [tilespmem:s16+$0x10050]  }
0x26d: {  	[tilespmem:s16+$0x6020] =	vst v0;
	v0 =	vadd.f32 v1, v4;
	v1 =	vld [tilespmem:s16+$0x6060]  }
0x26e: {  	v4 =	vld [tilespmem:s16+$0x10060]  }
0x26f: {  	[tilespmem:s16+$0x6030] =	vst v0;
	v0 =	vadd.f32 v5, v3;
	v3 =	vld [tilespmem:s16+$0x6070]  }
0x270: {  	v5 =	vld [tilespmem:s16+$0x10070]  }
0x271: {  	[tilespmem:s16+$0x6040] =	vst v0;
	v0 =	vadd.f32 v6, v2;
	v2 =	vld [tilespmem:s16+$0x6400]  }
0x272: {  	v6 =	vld [tilespmem:s16+$0x10400]  }
0x273: {  	[tilespmem:s16+$0x6050] =	vst v0;
	v0 =	vadd.f32 v4, v1;
	v1 =	vld [tilespmem:s16+$0x6410]  }
0x274: {  	v4 =	vld [tilespmem:s16+$0x10410]  }
0x275: {  	[tilespmem:s16+$0x6060] =	vst v0;
	v0 =	vadd.f32 v5, v3;
	v3 =	vld [tilespmem:s16+$0x6420]  }
0x276: {  	v5 =	vld [tilespmem:s16+$0x10420]  }
0x277: {  	[tilespmem:s16+$0x6070] =	vst v0;
	v0 =	vadd.f32 v6, v2;
	v2 =	vld [tilespmem:s16+$0x6430]  }
0x278: {  	v6 =	vld [tilespmem:s16+$0x10430]  }
0x279: {  	[tilespmem:s16+$0x6400] =	vst v0;
	v0 =	vadd.f32 v4, v1;
	v1 =	vld [tilespmem:s16+$0x6440]  }
0x27a: {  	v4 =	vld [tilespmem:s16+$0x10440]  }
0x27b: {  	[tilespmem:s16+$0x6410] =	vst v0;
	v0 =	vadd.f32 v5, v3;
	v3 =	vld [tilespmem:s16+$0x6450]  }
0x27c: {  	v5 =	vld [tilespmem:s16+$0x10450]  }
0x27d: {  	[tilespmem:s16+$0x6420] =	vst v0;
	v0 =	vadd.f32 v6, v2;
	v2 =	vld [tilespmem:s16+$0x6460]  }
0x27e: {  	v6 =	vld [tilespmem:s16+$0x10460]  }
0x27f: {  	[tilespmem:s16+$0x6430] =	vst v0;
	v0 =	vadd.f32 v4, v1;
	v1 =	vld [tilespmem:s16+$0x6470]  }
0x280: {  	v4 =	vld [tilespmem:s16+$0x10470]  }
0x281: {  	[tilespmem:s16+$0x6440] =	vst v0;
	v0 =	vadd.f32 v5, v3;
	v3 =	vld [tilespmem:s16+$0x6800]  }
0x282: {  	v5 =	vld [tilespmem:s16+$0x10800]  }
0x283: {  	[tilespmem:s16+$0x6450] =	vst v0;
	v0 =	vadd.f32 v6, v2;
	v2 =	vld [tilespmem:s16+$0x6810]  }
0x284: {  	v6 =	vld [tilespmem:s16+$0x10810]  }
0x285: {  	[tilespmem:s16+$0x6460] =	vst v0;
	v0 =	vadd.f32 v4, v1;
	v1 =	vld [tilespmem:s16+$0x6820]  }
0x286: {  	v4 =	vld [tilespmem:s16+$0x10820]  }
0x287: {  	[tilespmem:s16+$0x6470] =	vst v0;
	v0 =	vadd.f32 v5, v3;
	v3 =	vld [tilespmem:s16+$0x6830]  }
0x288: {  	v5 =	vld [tilespmem:s16+$0x10830]  }
0x289: {  	[tilespmem:s16+$0x6800] =	vst v0;
	v0 =	vadd.f32 v6, v2;
	v2 =	vld [tilespmem:s16+$0x6840]  }
0x28a: {  	v6 =	vld [tilespmem:s16+$0x10840]  }
0x28b: {  	[tilespmem:s16+$0x6810] =	vst v0;
	v0 =	vadd.f32 v4, v1;
	v1 =	vld [tilespmem:s16+$0x6850]  }
0x28c: {  	v4 =	vld [tilespmem:s16+$0x10850]  }
0x28d: {  	[tilespmem:s16+$0x6820] =	vst v0;
	v0 =	vadd.f32 v5, v3;
	v3 =	vld [tilespmem:s16+$0x6860]  }
0x28e: {  	v5 =	vld [tilespmem:s16+$0x10860]  }
0x28f: {  	[tilespmem:s16+$0x6830] =	vst v0;
	v0 =	vadd.f32 v6, v2;
	v2 =	vld [tilespmem:s16+$0x6870]  }
0x290: {  	v6 =	vld [tilespmem:s16+$0x10870]  }
0x291: {  	[tilespmem:s16+$0x6840] =	vst v0;
	v0 =	vadd.f32 v4, v1;
	v1 =	vld [tilespmem:s16+$0x6C00]  }
0x292: {  	v4 =	vld [tilespmem:s16+$0x10C00]  }
0x293: {  	[tilespmem:s16+$0x6850] =	vst v0;
	v0 =	vadd.f32 v5, v3;
	v3 =	vld [tilespmem:s16+$0x6C10]  }
0x294: {  	v5 =	vld [tilespmem:s16+$0x10C10]  }
0x295: {  	[tilespmem:s16+$0x6860] =	vst v0;
	v0 =	vadd.f32 v6, v2;
	v6 =	vld [tilespmem:s16+$0x6C20]  }
0x296: {  	v7 =	vld [tilespmem:s16+$0x10C20]  }
0x297: {  	[tilespmem:s16+$0x6870] =	vst v0;
	v1 =	vadd.f32 v4, v1;
	v0 =	vld [tilespmem:s16+$0x6C30]  }
.Ltmp3:
0x298: {  	v2 =	vld [tilespmem:s16+$0x10C30];
	(pc) =	sbr.rel @p0 .LBB2_9-.Ltmp3, $4  }
0x299: {  	[tilespmem:s16+$0x6C00] =	vst v1;
	v4 =	vadd.f32 v5, v3;
	v1 =	vld [tilespmem:s16+$0x6C40]  }
0x29a: {  	v3 =	vld [tilespmem:s16+$0x10C40]  }
0x29b: {  	[tilespmem:s16+$0x6C10] =	vst v4;
	v6 =	vadd.f32 v7, v6;
	v4 =	vld [tilespmem:s16+$0x6C50]  }
0x29c: {  	s7 =	sadd.s32 $0x40, s7;
	s13 =	sadd.s32 $0x1000, s13;
	v5 =	vld [tilespmem:s16+$0x10C50]  }
0x29d: {  	v61 =	vld [tilespmem:s16+$0x6C60]  }
0x29e: {  	v7 =	vld [tilespmem:s16+$0x10C60];
	v0 =	vadd.f32 v2, v0  }
0x29f: {  	[tilespmem:s16+$0x6C20] =	vst v6;
	v1 =	vadd.f32 v3, v1  }
0x2a0: {  	[tilespmem:s16+$0x6C30] =	vst v0  }
0x2a1: {  	p0 =	sne.s32 s28, $0x0;
	[tilespmem:s16+$0x6C40] =	vst v1  }
.Ltmp4:
0x2a2: {  	v62 =	vadd.f32 v5, v4;
	s1 =	rddreg [dreg:$0x6];
	(pc) =	sbr.rel @!p0 .LBB2_11-.Ltmp4, $4  }
0x2a3: {  	v63 =	vadd.f32 v7, v61;
	s0 =	sadd.s32 s1, s2  }
0x2a4: {  	[tilespmem:s16+$0x6C50] =	vst v62;
	s0 =	sshll.u32 s0, $0x7  }
0x2a5: {  	s3 =	simm.s32 $0x6000;
	[tilespmem:s16+$0x6C60] =	vst v63;
	s0 =	sadd.s32 s12, s0  }
0x2a6: {  	[hbm4b:s0+s5] =	stream.linear.scatter [tilespmem:s3], [sflag:$0xE], $0x2000, $0x38;
	[tilespmem:$0x14000] =	vst v63  }
0x2a7: {  	s15 =	sor.u32 $0x1, s15  }
0x2a8: {  	p1 =	sgt.u32 s15, $0xE  }
.Ltmp5:
0x2a9: {  	s3 =	simm.s32 $0x12;
	(pc) =	sbr.rel @p1 .LBB2_14-.Ltmp5, $4  }
.Ltmp6:
0x2aa: {  	s0 =	sadd.s32 s1, s26;
	_ =	swait.ge [sflag:s3], $0x2000;
	(pc) =	sbr.rel @!p1 .LBB2_13-.Ltmp6, $4  }
0x2ab: {  	s0 =	sshll.u32 s0, $0x7;
	[sflag:s3] =	ssyncset.done $0x0  }
0x2ac: {  	p0 =	por $0x0, $0x0;
	s0 =	sadd.s32 s10, s0;
	[sflag:s3] =	ssyncadd.s32 $0xFFFFE000  }
0x2ad: {  	[tilespmem:s17], [sflag:$0x8] =	stream.linear.gather [hbm4b:s0+s5], $0x2000, $0x38;
	[tilespmem:$0x14000] =	vst v63  }
0x2ae: {  	_ = 	snop  }
.LBB2_11:
0x2af: {  	s0 =	rddreg [dreg:$0xd];
	s15 =	simm.s32 $0x1  }
0x2b0: {  	[tilespmem:s17], [sflag:$0x8] =	stream.linear.gather [hbm4b:s0+s5], $0x2000, $0x38;
	[tilespmem:$0x14000] =	vst v63  }
.LBB2_13:
0x2b1: {  	s0 =	rddreg [dreg:$0xe]  }
0x2b2: {  	s0 =	sadd.s32 s2, s0  }
0x2b3: {  	s3 =	rddreg [dreg:$0x1];
	s0 =	sshll.u32 s0, $0x7  }
0x2b4: {  	s31 =	simm.s32 $0x10000;
	p0 =	por $0x1, $0x1;
	s0 =	sadd.s32 s3, s0  }
0x2b5: {  	[tilespmem:s31], [sflag:$0x9] =	stream.linear.gather [hbm4b:s0+s5], $0x2000, $0x38;
	[tilespmem:$0x14000] =	vst v63  }
.LBB2_14:
0x2b6: {  	s0 =	simm.s32 $0xA  }
0x2b7: {  	_ =	swait.ge [sflag:s0], $0x2000  }
0x2b8: {  	[sflag:s0] =	ssyncset.done $0x0  }
0x2b9: {  	s7 =	simm.s32 $0x5;
	[sflag:s0] =	ssyncadd.s32 $0xFFFFE000  }
0x2ba: {  	s31 =	simm.s32 $0x0;
	_ =	swait.ge [sflag:s7], $0x2000  }
0x2bb: {  	s3 =	sand.u32 $0x1000, s31;
	s0 =	sand.u32 $0x380, s31;
	[sflag:s7] =	ssyncset.done $0x0  }
0x2bc: {  	s16 =	sor.u32 s0, s3;
	[sflag:s7] =	ssyncadd.s32 $0xFFFFE000  }
0x2bd: {  	v0 =	vld [tilespmem:s16+$0x8000]  }
0x2be: {  	v1 =	vld [tilespmem:s16+$0x12000]  }
0x2bf: {  	v2 =	vld [tilespmem:s16+$0x8010]  }
0x2c0: {  	v3 =	vld [tilespmem:s16+$0x12010]  }
0x2c1: {  	v4 =	vld [tilespmem:s16+$0x8020]  }
0x2c2: {  	v5 =	vld [tilespmem:s16+$0x12020]  }
0x2c3: {  	v6 =	vld [tilespmem:s16+$0x12030]  }
0x2c4: {  	v7 =	vld [tilespmem:s16+$0x8C70]  }
0x2c5: {  	v8 =	vld [tilespmem:s16+$0x12C70]  }
0x2c6: {  	v9 =	vld [tilespmem:s16+$0x12060]  }
0x2c7: {  	v10 =	vld [tilespmem:s16+$0x8400]  }
0x2c8: {  	v11 =	vld [tilespmem:s16+$0x12400]  }
0x2c9: {  	v12 =	vld [tilespmem:s16+$0x8410]  }
0x2ca: {  	v13 =	vld [tilespmem:s16+$0x12410]  }
0x2cb: {  	v14 =	vld [tilespmem:s16+$0x8420]  }
0x2cc: {  	v46 =	vld [tilespmem:s16+$0x8430]  }
0x2cd: {  	v15 =	vld [tilespmem:s16+$0x8070]  }
0x2ce: {  	v48 =	vld [tilespmem:s16+$0x8440]  }
0x2cf: {  	v49 =	vld [tilespmem:s16+$0x12440]  }
0x2d0: {  	v16 =	vld [tilespmem:s16+$0x12070]  }
0x2d1: {  	v50 =	vld [tilespmem:s16+$0x8450]  }
0x2d2: {  	v17 =	vld [tilespmem:s16+$0x12450]  }
0x2d3: {  	v18 =	vld [tilespmem:s16+$0x8800]  }
0x2d4: {  	v19 =	vld [tilespmem:s16+$0x12800]  }
0x2d5: {  	v20 =	vld [tilespmem:s16+$0x8810]  }
0x2d6: {  	v21 =	vld [tilespmem:s16+$0x12810]  }
0x2d7: {  	v22 =	vld [tilespmem:s16+$0x8820]  }
0x2d8: {  	v51 =	vld [tilespmem:s16+$0x12820]  }
0x2d9: {  	v52 =	vld [tilespmem:s16+$0x8830]  }
0x2da: {  	v23 =	vld [tilespmem:s16+$0x8460]  }
0x2db: {  	v54 =	vld [tilespmem:s16+$0x8840]  }
0x2dc: {  	v0 =	vadd.f32 v1, v0;
	v1 =	vld [tilespmem:s16+$0x8030]  }
0x2dd: {  	v55 =	vld [tilespmem:s16+$0x12840]  }
0x2de: {  	v56 =	vld [tilespmem:s16+$0x12460]  }
0x2df: {  	v57 =	vld [tilespmem:s16+$0x8850];
	v10 =	vadd.f32 v11, v10  }
0x2e0: {  	v47 =	vadd.f32 v13, v12;
	[tilespmem:s16+$0x8000] =	vst v0;
	v0 =	vadd.f32 v3, v2;
	v2 =	vld [tilespmem:s16+$0x8040]  }
0x2e1: {  	[tilespmem:s16+$0x8400] =	vst v10;
	v1 =	vadd.f32 v6, v1;
	v6 =	vld [tilespmem:s16+$0x12420]  }
0x2e2: {  	v18 =	vadd.f32 v19, v18;
	v3 =	vld [tilespmem:s16+$0x12040];
	[tilespmem:s16+$0x8410] =	vst v47  }
0x2e3: {  	v53 =	vadd.f32 v21, v20;
	[tilespmem:s16+$0x8010] =	vst v0;
	v0 =	vadd.f32 v5, v4;
	v4 =	vld [tilespmem:s16+$0x8050]  }
0x2e4: {  	[tilespmem:s16+$0x8800] =	vst v18;
	v5 =	vld [tilespmem:s16+$0x12050]  }
0x2e5: {  	v58 =	vld [tilespmem:s16+$0x8470];
	v7 =	vadd.f32 v8, v7;
	[tilespmem:s16+$0x8810] =	vst v53  }
0x2e6: {  	[tilespmem:s16+$0x8020] =	vst v0;
	v0 =	vld [tilespmem:s16+$0x8060];
	v6 =	vadd.f32 v6, v14  }
0x2e7: {  	v59 =	vld [tilespmem:s16+$0x8860];
	[tilespmem:s16+$0x8C70] =	vst v7  }
0x2e8: {  	v2 =	vadd.f32 v3, v2;
	[tilespmem:s16+$0x8420] =	vst v6;
	v6 =	vld [tilespmem:s16+$0x12830]  }
0x2e9: {  	[tilespmem:s16+$0x8030] =	vst v1;
	v1 =	vld [tilespmem:s16+$0x12430];
	v3 =	vadd.f32 v5, v4  }
0x2ea: {  	v8 =	vld [tilespmem:s16+$0x8870];
	[tilespmem:s16+$0x8040] =	vst v2;
	v14 =	vadd.f32 v51, v22  }
0x2eb: {  	v2 =	vld [tilespmem:s16+$0x8C00];
	v0 =	vadd.f32 v9, v0;
	[tilespmem:s16+$0x8050] =	vst v3  }
0x2ec: {  	v5 =	vld [tilespmem:s16+$0x12C00];
	v3 =	vadd.f32 v16, v15;
	[tilespmem:s16+$0x8820] =	vst v14  }
0x2ed: {  	v4 =	vld [tilespmem:s16+$0x12870];
	[tilespmem:s16+$0x8060] =	vst v0;
	v6 =	vadd.f32 v6, v52  }
0x2ee: {  	v61 =	vld [tilespmem:s16+$0x12C10];
	v1 =	vadd.f32 v1, v46;
	[tilespmem:s16+$0x8070] =	vst v3  }
0x2ef: {  	v0 =	vadd.f32 v49, v48;
	[tilespmem:s16+$0x8830] =	vst v6;
	v6 =	vld [tilespmem:s16+$0x12470]  }
0x2f0: {  	v7 =	vld [tilespmem:s16+$0x8C10];
	v3 =	vadd.f32 v17, v50;
	[tilespmem:s16+$0x8430] =	vst v1  }
0x2f1: {  	v60 =	vld [tilespmem:s16+$0x12860];
	v5 =	vadd.f32 v5, v2;
	[tilespmem:s16+$0x8440] =	vst v0  }
0x2f2: {  	v1 =	vld [tilespmem:s16+$0x12850];
	v8 =	vadd.f32 v4, v8;
	[tilespmem:s16+$0x8450] =	vst v3  }
0x2f3: {  	v62 =	vld [tilespmem:s16+$0x8C20];
	v0 =	vadd.f32 v56, v23;
	[tilespmem:s16+$0x8C00] =	vst v5  }
0x2f4: {  	[tilespmem:s16+$0x8870] =	vst v8;
	v3 =	vadd.f32 v6, v58;
	v6 =	vld [tilespmem:s16+$0x12C20]  }
0x2f5: {  	v2 =	vld [tilespmem:s16+$0x12C30];
	v5 =	vadd.f32 v61, v7;
	[tilespmem:s16+$0x8460] =	vst v0  }
0x2f6: {  	v0 =	vld [tilespmem:s16+$0x8C30];
	[tilespmem:s16+$0x8470] =	vst v3;
	v3 =	vadd.f32 v55, v54  }
0x2f7: {  	v7 =	vadd.f32 v60, v59;
	[tilespmem:s16+$0x8C10] =	vst v5;
	v63 =	vadd.f32 v1, v57;
	v1 =	vld [tilespmem:s16+$0x8C40]  }
0x2f8: {  	[tilespmem:s16+$0x8840] =	vst v3;
	v3 =	vld [tilespmem:s16+$0x12C40]  }
0x2f9: {  	v4 =	vld [tilespmem:s16+$0x8C50];
	[tilespmem:s16+$0x8860] =	vst v7;
	v6 =	vadd.f32 v6, v62  }
0x2fa: {  	s13 =	simm.s32 $0x1000;
	s0 =	simm.s32 $0x0;
	s7 =	simm.s32 $0x40;
	v5 =	vld [tilespmem:s16+$0x12C50];
	[tilespmem:s16+$0x8850] =	vst v63  }
.LBB2_15:
0x2fb: {  	s3 =	sand.u32 $0x1000, s13;
	s8 =	sand.u32 $0x380, s7;
	[tilespmem:s16+$0x8C20] =	vst v6;
	v0 =	vadd.f32 v2, v0;
	v2 =	vld [tilespmem:s16+$0x8C60]  }
0x2fc: {  	s0 =	sadd.s32 $0x4, s0;
	s3 =	sor.u32 s8, s3;
	v6 =	vld [tilespmem:s16+$0x12C60]  }
0x2fd: {  	p1 =	slt.u32 s0, $0x3C;
	v7 =	vld [tilespmem:s3+$0x8C70];
	[tilespmem:s16+$0x8C30] =	vst v0;
	v0 =	vadd.f32 v3, v1  }
0x2fe: {  	v1 =	vld [tilespmem:s3+$0x12C70]  }
0x2ff: {  	v3 =	vld [tilespmem:s3+$0x8000];
	[tilespmem:s16+$0x8C40] =	vst v0;
	v0 =	vadd.f32 v5, v4  }
0x300: {  	v4 =	vld [tilespmem:s3+$0x12000]  }
0x301: {  	v5 =	vld [tilespmem:s3+$0x8010];
	[tilespmem:s16+$0x8C50] =	vst v0;
	v0 =	vadd.f32 v6, v2  }
0x302: {  	v2 =	vld [tilespmem:s3+$0x12010]  }
0x303: {  	v6 =	vld [tilespmem:s3+$0x8020];
	v1 =	vadd.f32 v1, v7;
	[tilespmem:s16+$0x8C60] =	vst v0;
	s16 =	smov.u32 s3  }
0x304: {  	v0 =	vld [tilespmem:s16+$0x12020]  }
0x305: {  	v3 =	vadd.f32 v4, v3;
	v4 =	vld [tilespmem:s16+$0x8030];
	[tilespmem:s16+$0x8C70] =	vst v1  }
0x306: {  	v1 =	vld [tilespmem:s16+$0x12030]  }
0x307: {  	[tilespmem:s16+$0x8000] =	vst v3;
	v2 =	vadd.f32 v2, v5;
	v3 =	vld [tilespmem:s16+$0x8040]  }
0x308: {  	v5 =	vld [tilespmem:s16+$0x12040]  }
0x309: {  	[tilespmem:s16+$0x8010] =	vst v2;
	v0 =	vadd.f32 v0, v6;
	v2 =	vld [tilespmem:s16+$0x8050]  }
0x30a: {  	v6 =	vld [tilespmem:s16+$0x12050]  }
0x30b: {  	[tilespmem:s16+$0x8020] =	vst v0;
	v0 =	vadd.f32 v1, v4;
	v1 =	vld [tilespmem:s16+$0x8060]  }
0x30c: {  	v4 =	vld [tilespmem:s16+$0x12060]  }
0x30d: {  	[tilespmem:s16+$0x8030] =	vst v0;
	v0 =	vadd.f32 v5, v3;
	v3 =	vld [tilespmem:s16+$0x8070]  }
0x30e: {  	v5 =	vld [tilespmem:s16+$0x12070]  }
0x30f: {  	[tilespmem:s16+$0x8040] =	vst v0;
	v0 =	vadd.f32 v6, v2;
	v2 =	vld [tilespmem:s16+$0x8400]  }
0x310: {  	v6 =	vld [tilespmem:s16+$0x12400]  }
0x311: {  	[tilespmem:s16+$0x8050] =	vst v0;
	v0 =	vadd.f32 v4, v1;
	v1 =	vld [tilespmem:s16+$0x8410]  }
0x312: {  	v4 =	vld [tilespmem:s16+$0x12410]  }
0x313: {  	[tilespmem:s16+$0x8060] =	vst v0;
	v0 =	vadd.f32 v5, v3;
	v3 =	vld [tilespmem:s16+$0x8420]  }
0x314: {  	v5 =	vld [tilespmem:s16+$0x12420]  }
0x315: {  	[tilespmem:s16+$0x8070] =	vst v0;
	v0 =	vadd.f32 v6, v2;
	v2 =	vld [tilespmem:s16+$0x8430]  }
0x316: {  	v6 =	vld [tilespmem:s16+$0x12430]  }
0x317: {  	[tilespmem:s16+$0x8400] =	vst v0;
	v0 =	vadd.f32 v4, v1;
	v1 =	vld [tilespmem:s16+$0x8440]  }
0x318: {  	v4 =	vld [tilespmem:s16+$0x12440]  }
0x319: {  	[tilespmem:s16+$0x8410] =	vst v0;
	v0 =	vadd.f32 v5, v3;
	v3 =	vld [tilespmem:s16+$0x8450]  }
0x31a: {  	v5 =	vld [tilespmem:s16+$0x12450]  }
0x31b: {  	[tilespmem:s16+$0x8420] =	vst v0;
	v0 =	vadd.f32 v6, v2;
	v2 =	vld [tilespmem:s16+$0x8460]  }
0x31c: {  	v6 =	vld [tilespmem:s16+$0x12460]  }
0x31d: {  	[tilespmem:s16+$0x8430] =	vst v0;
	v0 =	vadd.f32 v4, v1;
	v1 =	vld [tilespmem:s16+$0x8470]  }
0x31e: {  	v4 =	vld [tilespmem:s16+$0x12470]  }
0x31f: {  	[tilespmem:s16+$0x8440] =	vst v0;
	v0 =	vadd.f32 v5, v3;
	v3 =	vld [tilespmem:s16+$0x8800]  }
0x320: {  	v5 =	vld [tilespmem:s16+$0x12800]  }
0x321: {  	[tilespmem:s16+$0x8450] =	vst v0;
	v0 =	vadd.f32 v6, v2;
	v2 =	vld [tilespmem:s16+$0x8810]  }
0x322: {  	v6 =	vld [tilespmem:s16+$0x12810]  }
0x323: {  	[tilespmem:s16+$0x8460] =	vst v0;
	v0 =	vadd.f32 v4, v1;
	v1 =	vld [tilespmem:s16+$0x8820]  }
0x324: {  	v4 =	vld [tilespmem:s16+$0x12820]  }
0x325: {  	[tilespmem:s16+$0x8470] =	vst v0;
	v0 =	vadd.f32 v5, v3;
	v3 =	vld [tilespmem:s16+$0x8830]  }
0x326: {  	v5 =	vld [tilespmem:s16+$0x12830]  }
0x327: {  	[tilespmem:s16+$0x8800] =	vst v0;
	v0 =	vadd.f32 v6, v2;
	v2 =	vld [tilespmem:s16+$0x8840]  }
0x328: {  	v6 =	vld [tilespmem:s16+$0x12840]  }
0x329: {  	[tilespmem:s16+$0x8810] =	vst v0;
	v0 =	vadd.f32 v4, v1;
	v1 =	vld [tilespmem:s16+$0x8850]  }
0x32a: {  	v4 =	vld [tilespmem:s16+$0x12850]  }
0x32b: {  	[tilespmem:s16+$0x8820] =	vst v0;
	v0 =	vadd.f32 v5, v3;
	v3 =	vld [tilespmem:s16+$0x8860]  }
0x32c: {  	v5 =	vld [tilespmem:s16+$0x12860]  }
0x32d: {  	[tilespmem:s16+$0x8830] =	vst v0;
	v0 =	vadd.f32 v6, v2;
	v2 =	vld [tilespmem:s16+$0x8870]  }
0x32e: {  	v6 =	vld [tilespmem:s16+$0x12870]  }
0x32f: {  	[tilespmem:s16+$0x8840] =	vst v0;
	v0 =	vadd.f32 v4, v1;
	v1 =	vld [tilespmem:s16+$0x8C00]  }
0x330: {  	v4 =	vld [tilespmem:s16+$0x12C00]  }
0x331: {  	[tilespmem:s16+$0x8850] =	vst v0;
	v0 =	vadd.f32 v5, v3;
	v3 =	vld [tilespmem:s16+$0x8C10]  }
0x332: {  	v5 =	vld [tilespmem:s16+$0x12C10]  }
0x333: {  	[tilespmem:s16+$0x8860] =	vst v0;
	v0 =	vadd.f32 v6, v2;
	v6 =	vld [tilespmem:s16+$0x8C20]  }
0x334: {  	v7 =	vld [tilespmem:s16+$0x12C20]  }
0x335: {  	[tilespmem:s16+$0x8870] =	vst v0;
	v1 =	vadd.f32 v4, v1;
	v0 =	vld [tilespmem:s16+$0x8C30]  }
.Ltmp7:
0x336: {  	v2 =	vld [tilespmem:s16+$0x12C30];
	(pc) =	sbr.rel @p1 .LBB2_15-.Ltmp7, $4  }
0x337: {  	[tilespmem:s16+$0x8C00] =	vst v1;
	v4 =	vadd.f32 v5, v3;
	v1 =	vld [tilespmem:s16+$0x8C40]  }
0x338: {  	v3 =	vld [tilespmem:s16+$0x12C40]  }
0x339: {  	[tilespmem:s16+$0x8C10] =	vst v4;
	v6 =	vadd.f32 v7, v6;
	v4 =	vld [tilespmem:s16+$0x8C50]  }
0x33a: {  	s7 =	sadd.s32 $0x40, s7;
	s13 =	sadd.s32 $0x1000, s13;
	v5 =	vld [tilespmem:s16+$0x12C50]  }
0x33b: {  	[tilespmem:s16+$0x8C20] =	vst v6;
	v6 =	vld [tilespmem:s16+$0x8C60]  }
0x33c: {  	v7 =	vld [tilespmem:s16+$0x12C60];
	_ =	sdelay $0x1  }
0x33d: {  	v0 =	vadd.f32 v2, v0  }
0x33e: {  	v1 =	vadd.f32 v3, v1  }
0x33f: {  	s26 =	sshll.u32 s15, $0x3;
	[tilespmem:s16+$0x8C30] =	vst v0;
	v0 =	vadd.f32 v5, v4  }
0x340: {  	s0 =	sadd.s32 s11, s26;
	[tilespmem:s16+$0x8C40] =	vst v1;
	v1 =	vadd.f32 v7, v6  }
0x341: {  	s0 =	sshll.u32 s0, $0x7;
	[tilespmem:s16+$0x8C50] =	vst v0  }
0x342: {  	s3 =	simm.s32 $0x8000;
	s0 =	sadd.s32 s12, s0;
	[tilespmem:s16+$0x8C60] =	vst v1  }
0x343: {  	[hbm4b:s0+s5] =	stream.linear.scatter [tilespmem:s3], [sflag:$0xF], $0x2000, $0x38;
	[tilespmem:$0x14000] =	vst v63  }
0x344: {  	s0 =	simm.s32 @p0 $0xB  }
0x345: {  	_ =	swait.ge @p0 [sflag:s0], $0x2000  }
0x346: {  	s3 =	rddreg [dreg:$0xe]  }
0x347: {  	s3 =	sadd.s32 @p0 s2, s3  }
0x348: {  	s7 =	simm.s32 $0x6;
	[sflag:s0] =	ssyncset.done @p0 $0x0;
	s3 =	sshll.u32 @p0 s3, $0x7  }
0x349: {  	[sflag:s0] =	ssyncadd.s32 @p0 $0xFFFFE000;
	s0 =	sadd.s32 @p0 s10, s3;
	s3 =	simm.s32 @p0 $0x0  }
0x34a: {  	[tilespmem:s3], [sflag:$0x1] =	stream.linear.gather @p0 [hbm4b:s0+s3], $0x2000, $0x38;
	[tilespmem:$0x14000] =	vst v63  }
0x34b: {  	s30 =	simm.s32 $0x0;
	_ =	swait.ge [sflag:s7], $0x2000  }
0x34c: {  	s31 =	sand.u32 $0x1000, s30;
	s0 =	sand.u32 $0x380, s30;
	[sflag:s7] =	ssyncset.done $0x0  }
0x34d: {  	s15 =	sor.u32 s0, s31;
	[sflag:s7] =	ssyncadd.s32 $0xFFFFE000  }
0x34e: {  	v0 =	vld [tilespmem:s15+$0xA000]  }
0x34f: {  	v1 =	vld [tilespmem:s15+$0x12000]  }
0x350: {  	v2 =	vld [tilespmem:s15+$0xA010]  }
0x351: {  	v3 =	vld [tilespmem:s15+$0x12010]  }
0x352: {  	v4 =	vld [tilespmem:s15+$0xA020]  }
0x353: {  	v5 =	vld [tilespmem:s15+$0x12020]  }
0x354: {  	v6 =	vld [tilespmem:s15+$0x12030]  }
0x355: {  	v7 =	vld [tilespmem:s15+$0xAC70]  }
0x356: {  	v8 =	vld [tilespmem:s15+$0x12C70]  }
0x357: {  	v9 =	vld [tilespmem:s15+$0x12060]  }
0x358: {  	v10 =	vld [tilespmem:s15+$0xA400]  }
0x359: {  	v11 =	vld [tilespmem:s15+$0x12400]  }
0x35a: {  	v12 =	vld [tilespmem:s15+$0xA410]  }
0x35b: {  	v13 =	vld [tilespmem:s15+$0x12410]  }
0x35c: {  	v14 =	vld [tilespmem:s15+$0xA420]  }
0x35d: {  	v46 =	vld [tilespmem:s15+$0xA430]  }
0x35e: {  	v15 =	vld [tilespmem:s15+$0xA070]  }
0x35f: {  	v48 =	vld [tilespmem:s15+$0xA440]  }
0x360: {  	v49 =	vld [tilespmem:s15+$0x12440]  }
0x361: {  	v16 =	vld [tilespmem:s15+$0x12070]  }
0x362: {  	v50 =	vld [tilespmem:s15+$0xA450]  }
0x363: {  	v17 =	vld [tilespmem:s15+$0x12450]  }
0x364: {  	v18 =	vld [tilespmem:s15+$0xA800]  }
0x365: {  	v19 =	vld [tilespmem:s15+$0x12800]  }
0x366: {  	v20 =	vld [tilespmem:s15+$0xA810]  }
0x367: {  	v21 =	vld [tilespmem:s15+$0x12810]  }
0x368: {  	v22 =	vld [tilespmem:s15+$0xA820]  }
0x369: {  	v51 =	vld [tilespmem:s15+$0x12820]  }
0x36a: {  	v52 =	vld [tilespmem:s15+$0xA830]  }
0x36b: {  	v23 =	vld [tilespmem:s15+$0xA460]  }
0x36c: {  	v54 =	vld [tilespmem:s15+$0xA840]  }
0x36d: {  	v0 =	vadd.f32 v1, v0;
	v1 =	vld [tilespmem:s15+$0xA030]  }
0x36e: {  	v55 =	vld [tilespmem:s15+$0x12840]  }
0x36f: {  	v56 =	vld [tilespmem:s15+$0x12460]  }
0x370: {  	v57 =	vld [tilespmem:s15+$0xA850];
	v10 =	vadd.f32 v11, v10  }
0x371: {  	v47 =	vadd.f32 v13, v12;
	[tilespmem:s15+$0xA000] =	vst v0;
	v0 =	vadd.f32 v3, v2;
	v2 =	vld [tilespmem:s15+$0xA040]  }
0x372: {  	[tilespmem:s15+$0xA400] =	vst v10;
	v1 =	vadd.f32 v6, v1;
	v6 =	vld [tilespmem:s15+$0x12420]  }
0x373: {  	v18 =	vadd.f32 v19, v18;
	v3 =	vld [tilespmem:s15+$0x12040];
	[tilespmem:s15+$0xA410] =	vst v47  }
0x374: {  	v53 =	vadd.f32 v21, v20;
	[tilespmem:s15+$0xA010] =	vst v0;
	v0 =	vadd.f32 v5, v4;
	v4 =	vld [tilespmem:s15+$0xA050]  }
0x375: {  	[tilespmem:s15+$0xA800] =	vst v18;
	v5 =	vld [tilespmem:s15+$0x12050]  }
0x376: {  	v58 =	vld [tilespmem:s15+$0xA470];
	v7 =	vadd.f32 v8, v7;
	[tilespmem:s15+$0xA810] =	vst v53  }
0x377: {  	[tilespmem:s15+$0xA020] =	vst v0;
	v0 =	vld [tilespmem:s15+$0xA060];
	v6 =	vadd.f32 v6, v14  }
0x378: {  	v59 =	vld [tilespmem:s15+$0xA860];
	[tilespmem:s15+$0xAC70] =	vst v7  }
0x379: {  	v2 =	vadd.f32 v3, v2;
	[tilespmem:s15+$0xA420] =	vst v6;
	v6 =	vld [tilespmem:s15+$0x12830]  }
0x37a: {  	[tilespmem:s15+$0xA030] =	vst v1;
	v1 =	vld [tilespmem:s15+$0x12430];
	v3 =	vadd.f32 v5, v4  }
0x37b: {  	v8 =	vld [tilespmem:s15+$0xA870];
	[tilespmem:s15+$0xA040] =	vst v2;
	v14 =	vadd.f32 v51, v22  }
0x37c: {  	v2 =	vld [tilespmem:s15+$0xAC00];
	v0 =	vadd.f32 v9, v0;
	[tilespmem:s15+$0xA050] =	vst v3  }
0x37d: {  	v5 =	vld [tilespmem:s15+$0x12C00];
	v3 =	vadd.f32 v16, v15;
	[tilespmem:s15+$0xA820] =	vst v14  }
0x37e: {  	v4 =	vld [tilespmem:s15+$0x12870];
	[tilespmem:s15+$0xA060] =	vst v0;
	v6 =	vadd.f32 v6, v52  }
0x37f: {  	v61 =	vld [tilespmem:s15+$0x12C10];
	v1 =	vadd.f32 v1, v46;
	[tilespmem:s15+$0xA070] =	vst v3  }
0x380: {  	v0 =	vadd.f32 v49, v48;
	[tilespmem:s15+$0xA830] =	vst v6;
	v6 =	vld [tilespmem:s15+$0x12470]  }
0x381: {  	v7 =	vld [tilespmem:s15+$0xAC10];
	v3 =	vadd.f32 v17, v50;
	[tilespmem:s15+$0xA430] =	vst v1  }
0x382: {  	v60 =	vld [tilespmem:s15+$0x12860];
	v5 =	vadd.f32 v5, v2;
	[tilespmem:s15+$0xA440] =	vst v0  }
0x383: {  	v1 =	vld [tilespmem:s15+$0x12850];
	v8 =	vadd.f32 v4, v8;
	[tilespmem:s15+$0xA450] =	vst v3  }
0x384: {  	v62 =	vld [tilespmem:s15+$0xAC20];
	v0 =	vadd.f32 v56, v23;
	[tilespmem:s15+$0xAC00] =	vst v5  }
0x385: {  	[tilespmem:s15+$0xA870] =	vst v8;
	v3 =	vadd.f32 v6, v58;
	v6 =	vld [tilespmem:s15+$0x12C20]  }
0x386: {  	v2 =	vld [tilespmem:s15+$0x12C30];
	v5 =	vadd.f32 v61, v7;
	[tilespmem:s15+$0xA460] =	vst v0  }
0x387: {  	v0 =	vld [tilespmem:s15+$0xAC30];
	[tilespmem:s15+$0xA470] =	vst v3;
	v3 =	vadd.f32 v55, v54  }
0x388: {  	v7 =	vadd.f32 v60, v59;
	[tilespmem:s15+$0xAC10] =	vst v5;
	v63 =	vadd.f32 v1, v57;
	v1 =	vld [tilespmem:s15+$0xAC40]  }
0x389: {  	[tilespmem:s15+$0xA840] =	vst v3;
	v3 =	vld [tilespmem:s15+$0x12C40]  }
0x38a: {  	v4 =	vld [tilespmem:s15+$0xAC50];
	[tilespmem:s15+$0xA860] =	vst v7;
	v6 =	vadd.f32 v6, v62  }
0x38b: {  	s13 =	simm.s32 $0x1000;
	s0 =	simm.s32 $0x0;
	s7 =	simm.s32 $0x40;
	v5 =	vld [tilespmem:s15+$0x12C50];
	[tilespmem:s15+$0xA850] =	vst v63  }
.LBB2_17:
0x38c: {  	s3 =	sand.u32 $0x1000, s13;
	s8 =	sand.u32 $0x380, s7;
	[tilespmem:s15+$0xAC20] =	vst v6;
	v0 =	vadd.f32 v2, v0;
	v2 =	vld [tilespmem:s15+$0xAC60]  }
0x38d: {  	s0 =	sadd.s32 $0x4, s0;
	s3 =	sor.u32 s8, s3;
	v6 =	vld [tilespmem:s15+$0x12C60]  }
0x38e: {  	p1 =	slt.u32 s0, $0x3C;
	v7 =	vld [tilespmem:s3+$0xAC70];
	[tilespmem:s15+$0xAC30] =	vst v0;
	v0 =	vadd.f32 v3, v1  }
0x38f: {  	v1 =	vld [tilespmem:s3+$0x12C70]  }
0x390: {  	v3 =	vld [tilespmem:s3+$0xA000];
	[tilespmem:s15+$0xAC40] =	vst v0;
	v0 =	vadd.f32 v5, v4  }
0x391: {  	v4 =	vld [tilespmem:s3+$0x12000]  }
0x392: {  	v5 =	vld [tilespmem:s3+$0xA010];
	[tilespmem:s15+$0xAC50] =	vst v0;
	v0 =	vadd.f32 v6, v2  }
0x393: {  	v2 =	vld [tilespmem:s3+$0x12010]  }
0x394: {  	v6 =	vld [tilespmem:s3+$0xA020];
	v1 =	vadd.f32 v1, v7;
	[tilespmem:s15+$0xAC60] =	vst v0;
	s15 =	smov.u32 s3  }
0x395: {  	v0 =	vld [tilespmem:s15+$0x12020]  }
0x396: {  	v3 =	vadd.f32 v4, v3;
	v4 =	vld [tilespmem:s15+$0xA030];
	[tilespmem:s15+$0xAC70] =	vst v1  }
0x397: {  	v1 =	vld [tilespmem:s15+$0x12030]  }
0x398: {  	[tilespmem:s15+$0xA000] =	vst v3;
	v2 =	vadd.f32 v2, v5;
	v3 =	vld [tilespmem:s15+$0xA040]  }
0x399: {  	v5 =	vld [tilespmem:s15+$0x12040]  }
0x39a: {  	[tilespmem:s15+$0xA010] =	vst v2;
	v0 =	vadd.f32 v0, v6;
	v2 =	vld [tilespmem:s15+$0xA050]  }
0x39b: {  	v6 =	vld [tilespmem:s15+$0x12050]  }
0x39c: {  	[tilespmem:s15+$0xA020] =	vst v0;
	v0 =	vadd.f32 v1, v4;
	v1 =	vld [tilespmem:s15+$0xA060]  }
0x39d: {  	v4 =	vld [tilespmem:s15+$0x12060]  }
0x39e: {  	[tilespmem:s15+$0xA030] =	vst v0;
	v0 =	vadd.f32 v5, v3;
	v3 =	vld [tilespmem:s15+$0xA070]  }
0x39f: {  	v5 =	vld [tilespmem:s15+$0x12070]  }
0x3a0: {  	[tilespmem:s15+$0xA040] =	vst v0;
	v0 =	vadd.f32 v6, v2;
	v2 =	vld [tilespmem:s15+$0xA400]  }
0x3a1: {  	v6 =	vld [tilespmem:s15+$0x12400]  }
0x3a2: {  	[tilespmem:s15+$0xA050] =	vst v0;
	v0 =	vadd.f32 v4, v1;
	v1 =	vld [tilespmem:s15+$0xA410]  }
0x3a3: {  	v4 =	vld [tilespmem:s15+$0x12410]  }
0x3a4: {  	[tilespmem:s15+$0xA060] =	vst v0;
	v0 =	vadd.f32 v5, v3;
	v3 =	vld [tilespmem:s15+$0xA420]  }
0x3a5: {  	v5 =	vld [tilespmem:s15+$0x12420]  }
0x3a6: {  	[tilespmem:s15+$0xA070] =	vst v0;
	v0 =	vadd.f32 v6, v2;
	v2 =	vld [tilespmem:s15+$0xA430]  }
0x3a7: {  	v6 =	vld [tilespmem:s15+$0x12430]  }
0x3a8: {  	[tilespmem:s15+$0xA400] =	vst v0;
	v0 =	vadd.f32 v4, v1;
	v1 =	vld [tilespmem:s15+$0xA440]  }
0x3a9: {  	v4 =	vld [tilespmem:s15+$0x12440]  }
0x3aa: {  	[tilespmem:s15+$0xA410] =	vst v0;
	v0 =	vadd.f32 v5, v3;
	v3 =	vld [tilespmem:s15+$0xA450]  }
0x3ab: {  	v5 =	vld [tilespmem:s15+$0x12450]  }
0x3ac: {  	[tilespmem:s15+$0xA420] =	vst v0;
	v0 =	vadd.f32 v6, v2;
	v2 =	vld [tilespmem:s15+$0xA460]  }
0x3ad: {  	v6 =	vld [tilespmem:s15+$0x12460]  }
0x3ae: {  	[tilespmem:s15+$0xA430] =	vst v0;
	v0 =	vadd.f32 v4, v1;
	v1 =	vld [tilespmem:s15+$0xA470]  }
0x3af: {  	v4 =	vld [tilespmem:s15+$0x12470]  }
0x3b0: {  	[tilespmem:s15+$0xA440] =	vst v0;
	v0 =	vadd.f32 v5, v3;
	v3 =	vld [tilespmem:s15+$0xA800]  }
0x3b1: {  	v5 =	vld [tilespmem:s15+$0x12800]  }
0x3b2: {  	[tilespmem:s15+$0xA450] =	vst v0;
	v0 =	vadd.f32 v6, v2;
	v2 =	vld [tilespmem:s15+$0xA810]  }
0x3b3: {  	v6 =	vld [tilespmem:s15+$0x12810]  }
0x3b4: {  	[tilespmem:s15+$0xA460] =	vst v0;
	v0 =	vadd.f32 v4, v1;
	v1 =	vld [tilespmem:s15+$0xA820]  }
0x3b5: {  	v4 =	vld [tilespmem:s15+$0x12820]  }
0x3b6: {  	[tilespmem:s15+$0xA470] =	vst v0;
	v0 =	vadd.f32 v5, v3;
	v3 =	vld [tilespmem:s15+$0xA830]  }
0x3b7: {  	v5 =	vld [tilespmem:s15+$0x12830]  }
0x3b8: {  	[tilespmem:s15+$0xA800] =	vst v0;
	v0 =	vadd.f32 v6, v2;
	v2 =	vld [tilespmem:s15+$0xA840]  }
0x3b9: {  	v6 =	vld [tilespmem:s15+$0x12840]  }
0x3ba: {  	[tilespmem:s15+$0xA810] =	vst v0;
	v0 =	vadd.f32 v4, v1;
	v1 =	vld [tilespmem:s15+$0xA850]  }
0x3bb: {  	v4 =	vld [tilespmem:s15+$0x12850]  }
0x3bc: {  	[tilespmem:s15+$0xA820] =	vst v0;
	v0 =	vadd.f32 v5, v3;
	v3 =	vld [tilespmem:s15+$0xA860]  }
0x3bd: {  	v5 =	vld [tilespmem:s15+$0x12860]  }
0x3be: {  	[tilespmem:s15+$0xA830] =	vst v0;
	v0 =	vadd.f32 v6, v2;
	v2 =	vld [tilespmem:s15+$0xA870]  }
0x3bf: {  	v6 =	vld [tilespmem:s15+$0x12870]  }
0x3c0: {  	[tilespmem:s15+$0xA840] =	vst v0;
	v0 =	vadd.f32 v4, v1;
	v1 =	vld [tilespmem:s15+$0xAC00]  }
0x3c1: {  	v4 =	vld [tilespmem:s15+$0x12C00]  }
0x3c2: {  	[tilespmem:s15+$0xA850] =	vst v0;
	v0 =	vadd.f32 v5, v3;
	v3 =	vld [tilespmem:s15+$0xAC10]  }
0x3c3: {  	v5 =	vld [tilespmem:s15+$0x12C10]  }
0x3c4: {  	[tilespmem:s15+$0xA860] =	vst v0;
	v0 =	vadd.f32 v6, v2;
	v6 =	vld [tilespmem:s15+$0xAC20]  }
0x3c5: {  	v7 =	vld [tilespmem:s15+$0x12C20]  }
0x3c6: {  	[tilespmem:s15+$0xA870] =	vst v0;
	v1 =	vadd.f32 v4, v1;
	v0 =	vld [tilespmem:s15+$0xAC30]  }
.Ltmp8:
0x3c7: {  	v2 =	vld [tilespmem:s15+$0x12C30];
	(pc) =	sbr.rel @p1 .LBB2_17-.Ltmp8, $4  }
0x3c8: {  	[tilespmem:s15+$0xAC00] =	vst v1;
	v4 =	vadd.f32 v5, v3;
	v1 =	vld [tilespmem:s15+$0xAC40]  }
0x3c9: {  	v3 =	vld [tilespmem:s15+$0x12C40]  }
0x3ca: {  	[tilespmem:s15+$0xAC10] =	vst v4;
	v6 =	vadd.f32 v7, v6;
	v4 =	vld [tilespmem:s15+$0xAC50]  }
0x3cb: {  	s7 =	sadd.s32 $0x40, s7;
	s13 =	sadd.s32 $0x1000, s13;
	v5 =	vld [tilespmem:s15+$0x12C50]  }
0x3cc: {  	[tilespmem:s15+$0xAC20] =	vst v6;
	v6 =	vld [tilespmem:s15+$0xAC60]  }
0x3cd: {  	v7 =	vld [tilespmem:s15+$0x12C60];
	_ =	sdelay $0x1  }
0x3ce: {  	v0 =	vadd.f32 v2, v0  }
0x3cf: {  	v1 =	vadd.f32 v3, v1  }
0x3d0: {  	[tilespmem:s15+$0xAC30] =	vst v0;
	v0 =	vadd.f32 v5, v4  }
0x3d1: {  	s0 =	sadd.s32 s9, s26;
	[tilespmem:s15+$0xAC40] =	vst v1;
	v1 =	vadd.f32 v7, v6  }
0x3d2: {  	s0 =	sshll.u32 s0, $0x7;
	[tilespmem:s15+$0xAC50] =	vst v0  }
0x3d3: {  	s0 =	sadd.s32 s12, s0;
	[tilespmem:s15+$0xAC60] =	vst v1  }
0x3d4: {  	[hbm4b:s0+s5] =	stream.linear.scatter [tilespmem:s4], [sflag:$0x10], $0x2000, $0x38;
	[tilespmem:$0x14000] =	vst v63  }
0x3d5: {  	s0 =	simm.s32 @p0 $0xC  }
0x3d6: {  	_ =	swait.ge @p0 [sflag:s0], $0x2000  }
0x3d7: {  	s3 =	rddreg [dreg:$0xf]  }
0x3d8: {  	[sflag:s0] =	ssyncset.done @p0 $0x0;
	s3 =	sadd.s32 @p0 s2, s3  }
0x3d9: {  	s7 =	simm.s32 @p0 $0x2000;
	[sflag:s0] =	ssyncadd.s32 @p0 $0xFFFFE000;
	s0 =	sshll.u32 @p0 s3, $0x7  }
0x3da: {  	s29 =	simm.s32 $0x7;
	s3 =	simm.s32 @p0 $0x0;
	s0 =	sadd.s32 @p0 s10, s0  }
0x3db: {  	[tilespmem:s7], [sflag:$0x2] =	stream.linear.gather @p0 [hbm4b:s0+s3], $0x2000, $0x38;
	[tilespmem:$0x14000] =	vst v63  }
0x3dc: {  	s30 =	simm.s32 $0x0;
	_ =	swait.ge [sflag:s29], $0x2000  }
0x3dd: {  	s31 =	sand.u32 $0x1000, s30;
	s0 =	sand.u32 $0x380, s30;
	[sflag:s29] =	ssyncset.done $0x0  }
0x3de: {  	s15 =	sor.u32 s0, s31;
	[sflag:s29] =	ssyncadd.s32 $0xFFFFE000  }
0x3df: {  	v0 =	vld [tilespmem:s15+$0xC000]  }
0x3e0: {  	v1 =	vld [tilespmem:s15+$0x12000]  }
0x3e1: {  	v2 =	vld [tilespmem:s15+$0xC010]  }
0x3e2: {  	v3 =	vld [tilespmem:s15+$0x12010]  }
0x3e3: {  	v4 =	vld [tilespmem:s15+$0xC020]  }
0x3e4: {  	v5 =	vld [tilespmem:s15+$0x12020]  }
0x3e5: {  	v6 =	vld [tilespmem:s15+$0x12030]  }
0x3e6: {  	v7 =	vld [tilespmem:s15+$0xCC70]  }
0x3e7: {  	v8 =	vld [tilespmem:s15+$0x12C70]  }
0x3e8: {  	v9 =	vld [tilespmem:s15+$0x12060]  }
0x3e9: {  	v10 =	vld [tilespmem:s15+$0xC400]  }
0x3ea: {  	v11 =	vld [tilespmem:s15+$0x12400]  }
0x3eb: {  	v12 =	vld [tilespmem:s15+$0xC410]  }
0x3ec: {  	v13 =	vld [tilespmem:s15+$0x12410]  }
0x3ed: {  	v14 =	vld [tilespmem:s15+$0xC420]  }
0x3ee: {  	v46 =	vld [tilespmem:s15+$0xC430]  }
0x3ef: {  	v15 =	vld [tilespmem:s15+$0xC070]  }
0x3f0: {  	v48 =	vld [tilespmem:s15+$0xC440]  }
0x3f1: {  	v49 =	vld [tilespmem:s15+$0x12440]  }
0x3f2: {  	v16 =	vld [tilespmem:s15+$0x12070]  }
0x3f3: {  	v50 =	vld [tilespmem:s15+$0xC450]  }
0x3f4: {  	v17 =	vld [tilespmem:s15+$0x12450]  }
0x3f5: {  	v18 =	vld [tilespmem:s15+$0xC800]  }
0x3f6: {  	v19 =	vld [tilespmem:s15+$0x12800]  }
0x3f7: {  	v20 =	vld [tilespmem:s15+$0xC810]  }
0x3f8: {  	v21 =	vld [tilespmem:s15+$0x12810]  }
0x3f9: {  	v22 =	vld [tilespmem:s15+$0xC820]  }
0x3fa: {  	v51 =	vld [tilespmem:s15+$0x12820]  }
0x3fb: {  	v52 =	vld [tilespmem:s15+$0xC830]  }
0x3fc: {  	v23 =	vld [tilespmem:s15+$0xC460]  }
0x3fd: {  	v54 =	vld [tilespmem:s15+$0xC840]  }
0x3fe: {  	v0 =	vadd.f32 v1, v0;
	v1 =	vld [tilespmem:s15+$0xC030]  }
0x3ff: {  	v55 =	vld [tilespmem:s15+$0x12840]  }
0x400: {  	v56 =	vld [tilespmem:s15+$0x12460]  }
0x401: {  	v57 =	vld [tilespmem:s15+$0xC850];
	v10 =	vadd.f32 v11, v10  }
0x402: {  	v47 =	vadd.f32 v13, v12;
	[tilespmem:s15+$0xC000] =	vst v0;
	v0 =	vadd.f32 v3, v2;
	v2 =	vld [tilespmem:s15+$0xC040]  }
0x403: {  	[tilespmem:s15+$0xC400] =	vst v10;
	v1 =	vadd.f32 v6, v1;
	v6 =	vld [tilespmem:s15+$0x12420]  }
0x404: {  	v18 =	vadd.f32 v19, v18;
	v3 =	vld [tilespmem:s15+$0x12040];
	[tilespmem:s15+$0xC410] =	vst v47  }
0x405: {  	v53 =	vadd.f32 v21, v20;
	[tilespmem:s15+$0xC010] =	vst v0;
	v0 =	vadd.f32 v5, v4;
	v4 =	vld [tilespmem:s15+$0xC050]  }
0x406: {  	[tilespmem:s15+$0xC800] =	vst v18;
	v5 =	vld [tilespmem:s15+$0x12050]  }
0x407: {  	v58 =	vld [tilespmem:s15+$0xC470];
	v7 =	vadd.f32 v8, v7;
	[tilespmem:s15+$0xC810] =	vst v53  }
0x408: {  	[tilespmem:s15+$0xC020] =	vst v0;
	v0 =	vld [tilespmem:s15+$0xC060];
	v6 =	vadd.f32 v6, v14  }
0x409: {  	v59 =	vld [tilespmem:s15+$0xC860];
	[tilespmem:s15+$0xCC70] =	vst v7  }
0x40a: {  	v2 =	vadd.f32 v3, v2;
	[tilespmem:s15+$0xC420] =	vst v6;
	v6 =	vld [tilespmem:s15+$0x12830]  }
0x40b: {  	[tilespmem:s15+$0xC030] =	vst v1;
	v1 =	vld [tilespmem:s15+$0x12430];
	v3 =	vadd.f32 v5, v4  }
0x40c: {  	v8 =	vld [tilespmem:s15+$0xC870];
	[tilespmem:s15+$0xC040] =	vst v2;
	v14 =	vadd.f32 v51, v22  }
0x40d: {  	v2 =	vld [tilespmem:s15+$0xCC00];
	v0 =	vadd.f32 v9, v0;
	[tilespmem:s15+$0xC050] =	vst v3  }
0x40e: {  	v5 =	vld [tilespmem:s15+$0x12C00];
	v3 =	vadd.f32 v16, v15;
	[tilespmem:s15+$0xC820] =	vst v14  }
0x40f: {  	v4 =	vld [tilespmem:s15+$0x12870];
	[tilespmem:s15+$0xC060] =	vst v0;
	v6 =	vadd.f32 v6, v52  }
0x410: {  	v61 =	vld [tilespmem:s15+$0x12C10];
	v1 =	vadd.f32 v1, v46;
	[tilespmem:s15+$0xC070] =	vst v3  }
0x411: {  	v0 =	vadd.f32 v49, v48;
	[tilespmem:s15+$0xC830] =	vst v6;
	v6 =	vld [tilespmem:s15+$0x12470]  }
0x412: {  	v7 =	vld [tilespmem:s15+$0xCC10];
	v3 =	vadd.f32 v17, v50;
	[tilespmem:s15+$0xC430] =	vst v1  }
0x413: {  	v60 =	vld [tilespmem:s15+$0x12860];
	v5 =	vadd.f32 v5, v2;
	[tilespmem:s15+$0xC440] =	vst v0  }
0x414: {  	v1 =	vld [tilespmem:s15+$0x12850];
	v8 =	vadd.f32 v4, v8;
	[tilespmem:s15+$0xC450] =	vst v3  }
0x415: {  	v62 =	vld [tilespmem:s15+$0xCC20];
	v0 =	vadd.f32 v56, v23;
	[tilespmem:s15+$0xCC00] =	vst v5  }
0x416: {  	[tilespmem:s15+$0xC870] =	vst v8;
	v3 =	vadd.f32 v6, v58;
	v6 =	vld [tilespmem:s15+$0x12C20]  }
0x417: {  	v2 =	vld [tilespmem:s15+$0x12C30];
	v5 =	vadd.f32 v61, v7;
	[tilespmem:s15+$0xC460] =	vst v0  }
0x418: {  	v0 =	vld [tilespmem:s15+$0xCC30];
	[tilespmem:s15+$0xC470] =	vst v3;
	v3 =	vadd.f32 v55, v54  }
0x419: {  	v7 =	vadd.f32 v60, v59;
	[tilespmem:s15+$0xCC10] =	vst v5;
	v63 =	vadd.f32 v1, v57;
	v1 =	vld [tilespmem:s15+$0xCC40]  }
0x41a: {  	[tilespmem:s15+$0xC840] =	vst v3;
	v3 =	vld [tilespmem:s15+$0x12C40]  }
0x41b: {  	v4 =	vld [tilespmem:s15+$0xCC50];
	[tilespmem:s15+$0xC860] =	vst v7;
	v6 =	vadd.f32 v6, v62  }
0x41c: {  	s13 =	simm.s32 $0x1000;
	s7 =	simm.s32 $0x40;
	s0 =	simm.s32 $0x0;
	v5 =	vld [tilespmem:s15+$0x12C50];
	[tilespmem:s15+$0xC850] =	vst v63  }
.LBB2_19:
0x41d: {  	s3 =	sand.u32 $0x1000, s13;
	s8 =	sand.u32 $0x380, s7;
	[tilespmem:s15+$0xCC20] =	vst v6;
	v0 =	vadd.f32 v2, v0;
	v2 =	vld [tilespmem:s15+$0xCC60]  }
0x41e: {  	s0 =	sadd.s32 $0x4, s0;
	s3 =	sor.u32 s8, s3;
	v6 =	vld [tilespmem:s15+$0x12C60]  }
0x41f: {  	p1 =	slt.u32 s0, $0x3C;
	v7 =	vld [tilespmem:s3+$0xCC70];
	[tilespmem:s15+$0xCC30] =	vst v0;
	v0 =	vadd.f32 v3, v1  }
0x420: {  	v1 =	vld [tilespmem:s3+$0x12C70]  }
0x421: {  	v3 =	vld [tilespmem:s3+$0xC000];
	[tilespmem:s15+$0xCC40] =	vst v0;
	v0 =	vadd.f32 v5, v4  }
0x422: {  	v4 =	vld [tilespmem:s3+$0x12000]  }
0x423: {  	v5 =	vld [tilespmem:s3+$0xC010];
	[tilespmem:s15+$0xCC50] =	vst v0;
	v0 =	vadd.f32 v6, v2  }
0x424: {  	v2 =	vld [tilespmem:s3+$0x12010]  }
0x425: {  	v6 =	vld [tilespmem:s3+$0xC020];
	v1 =	vadd.f32 v1, v7;
	[tilespmem:s15+$0xCC60] =	vst v0;
	s15 =	smov.u32 s3  }
0x426: {  	v0 =	vld [tilespmem:s15+$0x12020]  }
0x427: {  	v3 =	vadd.f32 v4, v3;
	v4 =	vld [tilespmem:s15+$0xC030];
	[tilespmem:s15+$0xCC70] =	vst v1  }
0x428: {  	v1 =	vld [tilespmem:s15+$0x12030]  }
0x429: {  	[tilespmem:s15+$0xC000] =	vst v3;
	v2 =	vadd.f32 v2, v5;
	v3 =	vld [tilespmem:s15+$0xC040]  }
0x42a: {  	v5 =	vld [tilespmem:s15+$0x12040]  }
0x42b: {  	[tilespmem:s15+$0xC010] =	vst v2;
	v0 =	vadd.f32 v0, v6;
	v2 =	vld [tilespmem:s15+$0xC050]  }
0x42c: {  	v6 =	vld [tilespmem:s15+$0x12050]  }
0x42d: {  	[tilespmem:s15+$0xC020] =	vst v0;
	v0 =	vadd.f32 v1, v4;
	v1 =	vld [tilespmem:s15+$0xC060]  }
0x42e: {  	v4 =	vld [tilespmem:s15+$0x12060]  }
0x42f: {  	[tilespmem:s15+$0xC030] =	vst v0;
	v0 =	vadd.f32 v5, v3;
	v3 =	vld [tilespmem:s15+$0xC070]  }
0x430: {  	v5 =	vld [tilespmem:s15+$0x12070]  }
0x431: {  	[tilespmem:s15+$0xC040] =	vst v0;
	v0 =	vadd.f32 v6, v2;
	v2 =	vld [tilespmem:s15+$0xC400]  }
0x432: {  	v6 =	vld [tilespmem:s15+$0x12400]  }
0x433: {  	[tilespmem:s15+$0xC050] =	vst v0;
	v0 =	vadd.f32 v4, v1;
	v1 =	vld [tilespmem:s15+$0xC410]  }
0x434: {  	v4 =	vld [tilespmem:s15+$0x12410]  }
0x435: {  	[tilespmem:s15+$0xC060] =	vst v0;
	v0 =	vadd.f32 v5, v3;
	v3 =	vld [tilespmem:s15+$0xC420]  }
0x436: {  	v5 =	vld [tilespmem:s15+$0x12420]  }
0x437: {  	[tilespmem:s15+$0xC070] =	vst v0;
	v0 =	vadd.f32 v6, v2;
	v2 =	vld [tilespmem:s15+$0xC430]  }
0x438: {  	v6 =	vld [tilespmem:s15+$0x12430]  }
0x439: {  	[tilespmem:s15+$0xC400] =	vst v0;
	v0 =	vadd.f32 v4, v1;
	v1 =	vld [tilespmem:s15+$0xC440]  }
0x43a: {  	v4 =	vld [tilespmem:s15+$0x12440]  }
0x43b: {  	[tilespmem:s15+$0xC410] =	vst v0;
	v0 =	vadd.f32 v5, v3;
	v3 =	vld [tilespmem:s15+$0xC450]  }
0x43c: {  	v5 =	vld [tilespmem:s15+$0x12450]  }
0x43d: {  	[tilespmem:s15+$0xC420] =	vst v0;
	v0 =	vadd.f32 v6, v2;
	v2 =	vld [tilespmem:s15+$0xC460]  }
0x43e: {  	v6 =	vld [tilespmem:s15+$0x12460]  }
0x43f: {  	[tilespmem:s15+$0xC430] =	vst v0;
	v0 =	vadd.f32 v4, v1;
	v1 =	vld [tilespmem:s15+$0xC470]  }
0x440: {  	v4 =	vld [tilespmem:s15+$0x12470]  }
0x441: {  	[tilespmem:s15+$0xC440] =	vst v0;
	v0 =	vadd.f32 v5, v3;
	v3 =	vld [tilespmem:s15+$0xC800]  }
0x442: {  	v5 =	vld [tilespmem:s15+$0x12800]  }
0x443: {  	[tilespmem:s15+$0xC450] =	vst v0;
	v0 =	vadd.f32 v6, v2;
	v2 =	vld [tilespmem:s15+$0xC810]  }
0x444: {  	v6 =	vld [tilespmem:s15+$0x12810]  }
0x445: {  	[tilespmem:s15+$0xC460] =	vst v0;
	v0 =	vadd.f32 v4, v1;
	v1 =	vld [tilespmem:s15+$0xC820]  }
0x446: {  	v4 =	vld [tilespmem:s15+$0x12820]  }
0x447: {  	[tilespmem:s15+$0xC470] =	vst v0;
	v0 =	vadd.f32 v5, v3;
	v3 =	vld [tilespmem:s15+$0xC830]  }
0x448: {  	v5 =	vld [tilespmem:s15+$0x12830]  }
0x449: {  	[tilespmem:s15+$0xC800] =	vst v0;
	v0 =	vadd.f32 v6, v2;
	v2 =	vld [tilespmem:s15+$0xC840]  }
0x44a: {  	v6 =	vld [tilespmem:s15+$0x12840]  }
0x44b: {  	[tilespmem:s15+$0xC810] =	vst v0;
	v0 =	vadd.f32 v4, v1;
	v1 =	vld [tilespmem:s15+$0xC850]  }
0x44c: {  	v4 =	vld [tilespmem:s15+$0x12850]  }
0x44d: {  	[tilespmem:s15+$0xC820] =	vst v0;
	v0 =	vadd.f32 v5, v3;
	v3 =	vld [tilespmem:s15+$0xC860]  }
0x44e: {  	v5 =	vld [tilespmem:s15+$0x12860]  }
0x44f: {  	[tilespmem:s15+$0xC830] =	vst v0;
	v0 =	vadd.f32 v6, v2;
	v2 =	vld [tilespmem:s15+$0xC870]  }
0x450: {  	v6 =	vld [tilespmem:s15+$0x12870]  }
0x451: {  	[tilespmem:s15+$0xC840] =	vst v0;
	v0 =	vadd.f32 v4, v1;
	v1 =	vld [tilespmem:s15+$0xCC00]  }
0x452: {  	v4 =	vld [tilespmem:s15+$0x12C00]  }
0x453: {  	[tilespmem:s15+$0xC850] =	vst v0;
	v0 =	vadd.f32 v5, v3;
	v3 =	vld [tilespmem:s15+$0xCC10]  }
0x454: {  	v5 =	vld [tilespmem:s15+$0x12C10]  }
0x455: {  	[tilespmem:s15+$0xC860] =	vst v0;
	v0 =	vadd.f32 v6, v2;
	v6 =	vld [tilespmem:s15+$0xCC20]  }
0x456: {  	v7 =	vld [tilespmem:s15+$0x12C20]  }
0x457: {  	[tilespmem:s15+$0xC870] =	vst v0;
	v1 =	vadd.f32 v4, v1;
	v0 =	vld [tilespmem:s15+$0xCC30]  }
.Ltmp9:
0x458: {  	v2 =	vld [tilespmem:s15+$0x12C30];
	(pc) =	sbr.rel @p1 .LBB2_19-.Ltmp9, $4  }
0x459: {  	[tilespmem:s15+$0xCC00] =	vst v1;
	v4 =	vadd.f32 v5, v3;
	v1 =	vld [tilespmem:s15+$0xCC40]  }
0x45a: {  	v3 =	vld [tilespmem:s15+$0x12C40]  }
0x45b: {  	[tilespmem:s15+$0xCC10] =	vst v4;
	v6 =	vadd.f32 v7, v6;
	v4 =	vld [tilespmem:s15+$0xCC50]  }
0x45c: {  	s7 =	sadd.s32 $0x40, s7;
	s13 =	sadd.s32 $0x1000, s13;
	v5 =	vld [tilespmem:s15+$0x12C50]  }
0x45d: {  	[tilespmem:s15+$0xCC20] =	vst v6;
	v6 =	vld [tilespmem:s15+$0xCC60]  }
0x45e: {  	v7 =	vld [tilespmem:s15+$0x12C60];
	_ =	sdelay $0x1  }
0x45f: {  	v0 =	vadd.f32 v2, v0  }
0x460: {  	v1 =	vadd.f32 v3, v1  }
0x461: {  	[tilespmem:s15+$0xCC30] =	vst v0;
	v0 =	vadd.f32 v5, v4  }
0x462: {  	s0 =	sadd.s32 s6, s26;
	[tilespmem:s15+$0xCC40] =	vst v1;
	v1 =	vadd.f32 v7, v6  }
0x463: {  	s0 =	sshll.u32 s0, $0x7;
	[tilespmem:s15+$0xCC50] =	vst v0  }
0x464: {  	s0 =	sadd.s32 s12, s0;
	[tilespmem:s15+$0xCC60] =	vst v1  }
0x465: {  	[hbm4b:s0+s5] =	stream.linear.scatter [tilespmem:s14], [sflag:$0x11], $0x2000, $0x38;
	[tilespmem:$0x14000] =	vst v63  }
0x466: {  	s0 =	simm.s32 @p0 $0xD  }
0x467: {  	_ =	swait.ge @p0 [sflag:s0], $0x2000  }
0x468: {  	s3 =	rddreg [dreg:$0x10]  }
0x469: {  	[sflag:s0] =	ssyncset.done @p0 $0x0;
	s3 =	sadd.s32 @p0 s2, s3  }
0x46a: {  	s7 =	simm.s32 @p0 $0x4000;
	[sflag:s0] =	ssyncadd.s32 @p0 $0xFFFFE000;
	s0 =	sshll.u32 @p0 s3, $0x7  }
0x46b: {  	s4 =	simm.s32 $0x8;
	s3 =	simm.s32 @p0 $0x0;
	s0 =	sadd.s32 @p0 s10, s0  }
0x46c: {  	[tilespmem:s7], [sflag:$0x3] =	stream.linear.gather @p0 [hbm4b:s0+s3], $0x2000, $0x38;
	[tilespmem:$0x14000] =	vst v63  }
0x46d: {  	s30 =	simm.s32 $0x0;
	_ =	swait.ge [sflag:s4], $0x2000  }
0x46e: {  	s31 =	sand.u32 $0x1000, s30;
	s0 =	sand.u32 $0x380, s30;
	[sflag:s4] =	ssyncset.done $0x0  }
0x46f: {  	s15 =	sor.u32 s0, s31;
	[sflag:s4] =	ssyncadd.s32 $0xFFFFE000  }
0x470: {  	v0 =	vld [tilespmem:s15+$0xE000]  }
0x471: {  	v1 =	vld [tilespmem:s15+$0x12000]  }
0x472: {  	v2 =	vld [tilespmem:s15+$0xE010]  }
0x473: {  	v3 =	vld [tilespmem:s15+$0x12010]  }
0x474: {  	v4 =	vld [tilespmem:s15+$0xE020]  }
0x475: {  	v5 =	vld [tilespmem:s15+$0x12020]  }
0x476: {  	v6 =	vld [tilespmem:s15+$0x12030]  }
0x477: {  	v7 =	vld [tilespmem:s15+$0xEC70]  }
0x478: {  	v8 =	vld [tilespmem:s15+$0x12C70]  }
0x479: {  	v9 =	vld [tilespmem:s15+$0x12060]  }
0x47a: {  	v10 =	vld [tilespmem:s15+$0xE400]  }
0x47b: {  	v11 =	vld [tilespmem:s15+$0x12400]  }
0x47c: {  	v12 =	vld [tilespmem:s15+$0xE410]  }
0x47d: {  	v13 =	vld [tilespmem:s15+$0x12410]  }
0x47e: {  	v14 =	vld [tilespmem:s15+$0xE420]  }
0x47f: {  	v46 =	vld [tilespmem:s15+$0xE430]  }
0x480: {  	v15 =	vld [tilespmem:s15+$0xE070]  }
0x481: {  	v48 =	vld [tilespmem:s15+$0xE440]  }
0x482: {  	v49 =	vld [tilespmem:s15+$0x12440]  }
0x483: {  	v16 =	vld [tilespmem:s15+$0x12070]  }
0x484: {  	v50 =	vld [tilespmem:s15+$0xE450]  }
0x485: {  	v17 =	vld [tilespmem:s15+$0x12450]  }
0x486: {  	v18 =	vld [tilespmem:s15+$0xE800]  }
0x487: {  	v19 =	vld [tilespmem:s15+$0x12800]  }
0x488: {  	v20 =	vld [tilespmem:s15+$0xE810]  }
0x489: {  	v21 =	vld [tilespmem:s15+$0x12810]  }
0x48a: {  	v22 =	vld [tilespmem:s15+$0xE820]  }
0x48b: {  	v51 =	vld [tilespmem:s15+$0x12820]  }
0x48c: {  	v52 =	vld [tilespmem:s15+$0xE830]  }
0x48d: {  	v23 =	vld [tilespmem:s15+$0xE460]  }
0x48e: {  	v54 =	vld [tilespmem:s15+$0xE840]  }
0x48f: {  	v0 =	vadd.f32 v1, v0;
	v1 =	vld [tilespmem:s15+$0xE030]  }
0x490: {  	v55 =	vld [tilespmem:s15+$0x12840]  }
0x491: {  	v56 =	vld [tilespmem:s15+$0x12460]  }
0x492: {  	v57 =	vld [tilespmem:s15+$0xE850];
	v10 =	vadd.f32 v11, v10  }
0x493: {  	v47 =	vadd.f32 v13, v12;
	[tilespmem:s15+$0xE000] =	vst v0;
	v0 =	vadd.f32 v3, v2;
	v2 =	vld [tilespmem:s15+$0xE040]  }
0x494: {  	[tilespmem:s15+$0xE400] =	vst v10;
	v1 =	vadd.f32 v6, v1;
	v6 =	vld [tilespmem:s15+$0x12420]  }
0x495: {  	v18 =	vadd.f32 v19, v18;
	v3 =	vld [tilespmem:s15+$0x12040];
	[tilespmem:s15+$0xE410] =	vst v47  }
0x496: {  	v53 =	vadd.f32 v21, v20;
	[tilespmem:s15+$0xE010] =	vst v0;
	v0 =	vadd.f32 v5, v4;
	v4 =	vld [tilespmem:s15+$0xE050]  }
0x497: {  	[tilespmem:s15+$0xE800] =	vst v18;
	v5 =	vld [tilespmem:s15+$0x12050]  }
0x498: {  	v58 =	vld [tilespmem:s15+$0xE470];
	v7 =	vadd.f32 v8, v7;
	[tilespmem:s15+$0xE810] =	vst v53  }
0x499: {  	[tilespmem:s15+$0xE020] =	vst v0;
	v0 =	vld [tilespmem:s15+$0xE060];
	v6 =	vadd.f32 v6, v14  }
0x49a: {  	v59 =	vld [tilespmem:s15+$0xE860];
	[tilespmem:s15+$0xEC70] =	vst v7  }
0x49b: {  	v2 =	vadd.f32 v3, v2;
	[tilespmem:s15+$0xE420] =	vst v6;
	v6 =	vld [tilespmem:s15+$0x12830]  }
0x49c: {  	[tilespmem:s15+$0xE030] =	vst v1;
	v1 =	vld [tilespmem:s15+$0x12430];
	v3 =	vadd.f32 v5, v4  }
0x49d: {  	v8 =	vld [tilespmem:s15+$0xE870];
	[tilespmem:s15+$0xE040] =	vst v2;
	v14 =	vadd.f32 v51, v22  }
0x49e: {  	v2 =	vld [tilespmem:s15+$0xEC00];
	v0 =	vadd.f32 v9, v0;
	[tilespmem:s15+$0xE050] =	vst v3  }
0x49f: {  	v5 =	vld [tilespmem:s15+$0x12C00];
	v3 =	vadd.f32 v16, v15;
	[tilespmem:s15+$0xE820] =	vst v14  }
0x4a0: {  	v4 =	vld [tilespmem:s15+$0x12870];
	[tilespmem:s15+$0xE060] =	vst v0;
	v6 =	vadd.f32 v6, v52  }
0x4a1: {  	v61 =	vld [tilespmem:s15+$0x12C10];
	v1 =	vadd.f32 v1, v46;
	[tilespmem:s15+$0xE070] =	vst v3  }
0x4a2: {  	v0 =	vadd.f32 v49, v48;
	[tilespmem:s15+$0xE830] =	vst v6;
	v6 =	vld [tilespmem:s15+$0x12470]  }
0x4a3: {  	v7 =	vld [tilespmem:s15+$0xEC10];
	v3 =	vadd.f32 v17, v50;
	[tilespmem:s15+$0xE430] =	vst v1  }
0x4a4: {  	v60 =	vld [tilespmem:s15+$0x12860];
	v5 =	vadd.f32 v5, v2;
	[tilespmem:s15+$0xE440] =	vst v0  }
0x4a5: {  	v1 =	vld [tilespmem:s15+$0x12850];
	v8 =	vadd.f32 v4, v8;
	[tilespmem:s15+$0xE450] =	vst v3  }
0x4a6: {  	v62 =	vld [tilespmem:s15+$0xEC20];
	v0 =	vadd.f32 v56, v23;
	[tilespmem:s15+$0xEC00] =	vst v5  }
0x4a7: {  	[tilespmem:s15+$0xE870] =	vst v8;
	v3 =	vadd.f32 v6, v58;
	v6 =	vld [tilespmem:s15+$0x12C20]  }
0x4a8: {  	v2 =	vld [tilespmem:s15+$0x12C30];
	v5 =	vadd.f32 v61, v7;
	[tilespmem:s15+$0xE460] =	vst v0  }
0x4a9: {  	v0 =	vld [tilespmem:s15+$0xEC30];
	[tilespmem:s15+$0xE470] =	vst v3;
	v3 =	vadd.f32 v55, v54  }
0x4aa: {  	v7 =	vadd.f32 v60, v59;
	[tilespmem:s15+$0xEC10] =	vst v5;
	v63 =	vadd.f32 v1, v57;
	v1 =	vld [tilespmem:s15+$0xEC40]  }
0x4ab: {  	[tilespmem:s15+$0xE840] =	vst v3;
	v3 =	vld [tilespmem:s15+$0x12C40]  }
0x4ac: {  	v4 =	vld [tilespmem:s15+$0xEC50];
	[tilespmem:s15+$0xE860] =	vst v7;
	v6 =	vadd.f32 v6, v62  }
0x4ad: {  	s13 =	simm.s32 $0x1000;
	s7 =	simm.s32 $0x40;
	s0 =	simm.s32 $0x0;
	v5 =	vld [tilespmem:s15+$0x12C50];
	[tilespmem:s15+$0xE850] =	vst v63  }
.LBB2_21:
0x4ae: {  	s3 =	sand.u32 $0x1000, s13;
	s8 =	sand.u32 $0x380, s7;
	[tilespmem:s15+$0xEC20] =	vst v6;
	v0 =	vadd.f32 v2, v0;
	v2 =	vld [tilespmem:s15+$0xEC60]  }
0x4af: {  	s0 =	sadd.s32 $0x4, s0;
	s3 =	sor.u32 s8, s3;
	v6 =	vld [tilespmem:s15+$0x12C60]  }
0x4b0: {  	p1 =	slt.u32 s0, $0x3C;
	v7 =	vld [tilespmem:s3+$0xEC70];
	[tilespmem:s15+$0xEC30] =	vst v0;
	v0 =	vadd.f32 v3, v1  }
0x4b1: {  	v1 =	vld [tilespmem:s3+$0x12C70]  }
0x4b2: {  	v3 =	vld [tilespmem:s3+$0xE000];
	[tilespmem:s15+$0xEC40] =	vst v0;
	v0 =	vadd.f32 v5, v4  }
0x4b3: {  	v4 =	vld [tilespmem:s3+$0x12000]  }
0x4b4: {  	v5 =	vld [tilespmem:s3+$0xE010];
	[tilespmem:s15+$0xEC50] =	vst v0;
	v0 =	vadd.f32 v6, v2  }
0x4b5: {  	v2 =	vld [tilespmem:s3+$0x12010]  }
0x4b6: {  	v6 =	vld [tilespmem:s3+$0xE020];
	v1 =	vadd.f32 v1, v7;
	[tilespmem:s15+$0xEC60] =	vst v0;
	s15 =	smov.u32 s3  }
0x4b7: {  	v0 =	vld [tilespmem:s15+$0x12020]  }
0x4b8: {  	v3 =	vadd.f32 v4, v3;
	v4 =	vld [tilespmem:s15+$0xE030];
	[tilespmem:s15+$0xEC70] =	vst v1  }
0x4b9: {  	v1 =	vld [tilespmem:s15+$0x12030]  }
0x4ba: {  	[tilespmem:s15+$0xE000] =	vst v3;
	v2 =	vadd.f32 v2, v5;
	v3 =	vld [tilespmem:s15+$0xE040]  }
0x4bb: {  	v5 =	vld [tilespmem:s15+$0x12040]  }
0x4bc: {  	[tilespmem:s15+$0xE010] =	vst v2;
	v0 =	vadd.f32 v0, v6;
	v2 =	vld [tilespmem:s15+$0xE050]  }
0x4bd: {  	v6 =	vld [tilespmem:s15+$0x12050]  }
0x4be: {  	[tilespmem:s15+$0xE020] =	vst v0;
	v0 =	vadd.f32 v1, v4;
	v1 =	vld [tilespmem:s15+$0xE060]  }
0x4bf: {  	v4 =	vld [tilespmem:s15+$0x12060]  }
0x4c0: {  	[tilespmem:s15+$0xE030] =	vst v0;
	v0 =	vadd.f32 v5, v3;
	v3 =	vld [tilespmem:s15+$0xE070]  }
0x4c1: {  	v5 =	vld [tilespmem:s15+$0x12070]  }
0x4c2: {  	[tilespmem:s15+$0xE040] =	vst v0;
	v0 =	vadd.f32 v6, v2;
	v2 =	vld [tilespmem:s15+$0xE400]  }
0x4c3: {  	v6 =	vld [tilespmem:s15+$0x12400]  }
0x4c4: {  	[tilespmem:s15+$0xE050] =	vst v0;
	v0 =	vadd.f32 v4, v1;
	v1 =	vld [tilespmem:s15+$0xE410]  }
0x4c5: {  	v4 =	vld [tilespmem:s15+$0x12410]  }
0x4c6: {  	[tilespmem:s15+$0xE060] =	vst v0;
	v0 =	vadd.f32 v5, v3;
	v3 =	vld [tilespmem:s15+$0xE420]  }
0x4c7: {  	v5 =	vld [tilespmem:s15+$0x12420]  }
0x4c8: {  	[tilespmem:s15+$0xE070] =	vst v0;
	v0 =	vadd.f32 v6, v2;
	v2 =	vld [tilespmem:s15+$0xE430]  }
0x4c9: {  	v6 =	vld [tilespmem:s15+$0x12430]  }
0x4ca: {  	[tilespmem:s15+$0xE400] =	vst v0;
	v0 =	vadd.f32 v4, v1;
	v1 =	vld [tilespmem:s15+$0xE440]  }
0x4cb: {  	v4 =	vld [tilespmem:s15+$0x12440]  }
0x4cc: {  	[tilespmem:s15+$0xE410] =	vst v0;
	v0 =	vadd.f32 v5, v3;
	v3 =	vld [tilespmem:s15+$0xE450]  }
0x4cd: {  	v5 =	vld [tilespmem:s15+$0x12450]  }
0x4ce: {  	[tilespmem:s15+$0xE420] =	vst v0;
	v0 =	vadd.f32 v6, v2;
	v2 =	vld [tilespmem:s15+$0xE460]  }
0x4cf: {  	v6 =	vld [tilespmem:s15+$0x12460]  }
0x4d0: {  	[tilespmem:s15+$0xE430] =	vst v0;
	v0 =	vadd.f32 v4, v1;
	v1 =	vld [tilespmem:s15+$0xE470]  }
0x4d1: {  	v4 =	vld [tilespmem:s15+$0x12470]  }
0x4d2: {  	[tilespmem:s15+$0xE440] =	vst v0;
	v0 =	vadd.f32 v5, v3;
	v3 =	vld [tilespmem:s15+$0xE800]  }
0x4d3: {  	v5 =	vld [tilespmem:s15+$0x12800]  }
0x4d4: {  	[tilespmem:s15+$0xE450] =	vst v0;
	v0 =	vadd.f32 v6, v2;
	v2 =	vld [tilespmem:s15+$0xE810]  }
0x4d5: {  	v6 =	vld [tilespmem:s15+$0x12810]  }
0x4d6: {  	[tilespmem:s15+$0xE460] =	vst v0;
	v0 =	vadd.f32 v4, v1;
	v1 =	vld [tilespmem:s15+$0xE820]  }
0x4d7: {  	v4 =	vld [tilespmem:s15+$0x12820]  }
0x4d8: {  	[tilespmem:s15+$0xE470] =	vst v0;
	v0 =	vadd.f32 v5, v3;
	v3 =	vld [tilespmem:s15+$0xE830]  }
0x4d9: {  	v5 =	vld [tilespmem:s15+$0x12830]  }
0x4da: {  	[tilespmem:s15+$0xE800] =	vst v0;
	v0 =	vadd.f32 v6, v2;
	v2 =	vld [tilespmem:s15+$0xE840]  }
0x4db: {  	v6 =	vld [tilespmem:s15+$0x12840]  }
0x4dc: {  	[tilespmem:s15+$0xE810] =	vst v0;
	v0 =	vadd.f32 v4, v1;
	v1 =	vld [tilespmem:s15+$0xE850]  }
0x4dd: {  	v4 =	vld [tilespmem:s15+$0x12850]  }
0x4de: {  	[tilespmem:s15+$0xE820] =	vst v0;
	v0 =	vadd.f32 v5, v3;
	v3 =	vld [tilespmem:s15+$0xE860]  }
0x4df: {  	v5 =	vld [tilespmem:s15+$0x12860]  }
0x4e0: {  	[tilespmem:s15+$0xE830] =	vst v0;
	v0 =	vadd.f32 v6, v2;
	v2 =	vld [tilespmem:s15+$0xE870]  }
0x4e1: {  	v6 =	vld [tilespmem:s15+$0x12870]  }
0x4e2: {  	[tilespmem:s15+$0xE840] =	vst v0;
	v0 =	vadd.f32 v4, v1;
	v1 =	vld [tilespmem:s15+$0xEC00]  }
0x4e3: {  	v4 =	vld [tilespmem:s15+$0x12C00]  }
0x4e4: {  	[tilespmem:s15+$0xE850] =	vst v0;
	v0 =	vadd.f32 v5, v3;
	v3 =	vld [tilespmem:s15+$0xEC10]  }
0x4e5: {  	v5 =	vld [tilespmem:s15+$0x12C10]  }
0x4e6: {  	[tilespmem:s15+$0xE860] =	vst v0;
	v0 =	vadd.f32 v6, v2;
	v6 =	vld [tilespmem:s15+$0xEC20]  }
0x4e7: {  	v7 =	vld [tilespmem:s15+$0x12C20]  }
0x4e8: {  	[tilespmem:s15+$0xE870] =	vst v0;
	v1 =	vadd.f32 v4, v1;
	v0 =	vld [tilespmem:s15+$0xEC30]  }
.Ltmp10:
0x4e9: {  	v2 =	vld [tilespmem:s15+$0x12C30];
	(pc) =	sbr.rel @p1 .LBB2_21-.Ltmp10, $4  }
0x4ea: {  	[tilespmem:s15+$0xEC00] =	vst v1;
	v4 =	vadd.f32 v5, v3;
	v1 =	vld [tilespmem:s15+$0xEC40]  }
0x4eb: {  	v3 =	vld [tilespmem:s15+$0x12C40]  }
0x4ec: {  	[tilespmem:s15+$0xEC10] =	vst v4;
	v6 =	vadd.f32 v7, v6;
	v4 =	vld [tilespmem:s15+$0xEC50]  }
0x4ed: {  	s7 =	sadd.s32 $0x40, s7;
	s13 =	sadd.s32 $0x1000, s13;
	v5 =	vld [tilespmem:s15+$0x12C50]  }
0x4ee: {  	v61 =	vld [tilespmem:s15+$0xEC60]  }
0x4ef: {  	v7 =	vld [tilespmem:s15+$0x12C60];
	_ =	sdelay $0x1  }
0x4f0: {  	v0 =	vadd.f32 v2, v0  }
0x4f1: {  	[tilespmem:s15+$0xEC20] =	vst v6;
	v1 =	vadd.f32 v3, v1  }
0x4f2: {  	[tilespmem:s15+$0xEC30] =	vst v0;
	v62 =	vadd.f32 v5, v4  }
0x4f3: {  	s0 =	sadd.s32 s1, s26;
	[tilespmem:s15+$0xEC40] =	vst v1;
	v63 =	vadd.f32 v7, v61  }
0x4f4: {  	s0 =	sshll.u32 s0, $0x7;
	[tilespmem:s15+$0xEC50] =	vst v62  }
0x4f5: {  	s0 =	sadd.s32 s12, s0;
	[tilespmem:s15+$0xEC60] =	vst v63  }
0x4f6: {  	[hbm4b:s0+s5] =	stream.linear.scatter [tilespmem:s17], [sflag:$0x12], $0x2000, $0x38;
	[tilespmem:$0x14000] =	vst v63  }
0x4f7: {  	s0 =	simm.s32 @p0 $0xE  }
0x4f8: {  	_ =	swait.ge @p0 [sflag:s0], $0x2000  }
0x4f9: {  	s3 =	rddreg [dreg:$0x11]  }
0x4fa: {  	[sflag:s0] =	ssyncset.done @p0 $0x0;
	s2 =	sadd.s32 @p0 s2, s3  }
0x4fb: {  	s28 =	sadd.s32 $0x1, s28;
	[sflag:s0] =	ssyncadd.s32 @p0 $0xFFFFE000;
	s0 =	sshll.u32 @p0 s2, $0x7  }
0x4fc: {  	s3 =	simm.s32 @p0 $0x6000;
	s2 =	simm.s32 @p0 $0x0;
	s0 =	sadd.s32 @p0 s10, s0  }
0x4fd: {  	[tilespmem:s3], [sflag:$0x4] =	stream.linear.gather @p0 [hbm4b:s0+s2], $0x2000, $0x38;
	[tilespmem:$0x14000] =	vst v63  }
0x4fe: {  	p0 =	sne.s32 s28, $0x8  }
.Ltmp11:
0x4ff: {  	_ = 	snop;
	(pc) =	sbr.rel @p0 .LBB2_2-.Ltmp11, $1  }
0x500: {  	_ =	sdelay $0x3  }
0x501: {  	s0 =	simm.s32 $0xB  }
0x502: {  	_ =	swait.ge [sflag:s0], $0x2000  }
0x503: {  	[sflag:s0] =	ssyncset.done $0x0  }
0x504: {  	s24 =	simm.s32 $0xF;
	[sflag:s0] =	ssyncadd.s32 $0xFFFFE000  }
0x505: {  	_ =	swait.ge [sflag:s24], $0x2000  }
0x506: {  	[sflag:s24] =	ssyncset.done $0x0  }
0x507: {  	s25 =	simm.s32 $0xC;
	[sflag:s24] =	ssyncadd.s32 $0xFFFFE000  }
0x508: {  	_ =	swait.ge [sflag:s25], $0x2000  }
0x509: {  	[sflag:s25] =	ssyncset.done $0x0  }
0x50a: {  	s26 =	simm.s32 $0x10;
	[sflag:s25] =	ssyncadd.s32 $0xFFFFE000  }
0x50b: {  	_ =	swait.ge [sflag:s26], $0x2000  }
0x50c: {  	[sflag:s26] =	ssyncset.done $0x0  }
0x50d: {  	s28 =	simm.s32 $0xD;
	[sflag:s26] =	ssyncadd.s32 $0xFFFFE000  }
0x50e: {  	_ =	swait.ge [sflag:s28], $0x2000  }
0x50f: {  	[sflag:s28] =	ssyncset.done $0x0  }
0x510: {  	s29 =	simm.s32 $0x11;
	[sflag:s28] =	ssyncadd.s32 $0xFFFFE000  }
0x511: {  	_ =	swait.ge [sflag:s29], $0x2000  }
0x512: {  	[sflag:s29] =	ssyncset.done $0x0  }
0x513: {  	s30 =	simm.s32 $0xE;
	[sflag:s29] =	ssyncadd.s32 $0xFFFFE000  }
0x514: {  	_ =	swait.ge [sflag:s30], $0x2000  }
0x515: {  	[sflag:s30] =	ssyncset.done $0x0  }
0x516: {  	s2 =	simm.s32 $0x12;
	[sflag:s30] =	ssyncadd.s32 $0xFFFFE000  }
0x517: {  	_ =	swait.ge [sflag:s2], $0x2000  }
0x518: {  	s3 =	rddreg [dreg:$0x13]  }
0x519: {  	s31 =	rddreg [dreg:$0x12];
	s3 =	sadd.s32 $0x1, s3  }
0x51a: {  	p0 =	sne.s32 s3, s31  }
.Ltmp12:
0x51b: {  	_ = 	snop;
	(pc) =	sbr.rel @p0 .LBB2_1-.Ltmp12, $3  }
0x51c: {  	_ =	sdelay $0x1  }
0x51d: {  	[sflag:s2] =	ssyncset.done $0x0  }
0x51e: {  	[sflag:s2] =	ssyncadd.s32 $0xFFFFE000  }
0x51f: {  	_ =	sfence.sel $0x180000  }
0x520: {  	[bflag:$0x0] =	sbarrier.arrive $0xFFFF  }
0x521: {  	_ =	strace $0x90000047  }
0x522: {  	s0 =	stileid.u32;
	[bflag:$0x2] =	sbarrier.arrive $0xFFFF  }
0x523: {  	p0 =	sne.s32 s0, $0x0;
	s0 =	rddreg [dreg:$0x3]  }
0x524: {  	s0 =	sadd.s32 @!p0 $0x100000, s0  }
0x525: {  	[sflag:s0] =	ssyncadd.tile.s32 @!p0 $0x1;
	_ =	shalt  }
.Lfunc_end2:
_tile_overlayer_lowered:
.L_overlay_start_2:
0x526: {  	(tag) =	ssettag $0x2  }
0x527: {  	s0 =	rddreg [dreg:$0x0];
	s2 =	stileid.u32  }
0x528: {  	s1 =	rddreg [dreg:$0x1];
	p0 =	sne.s32 s2, $0x0  }
0x529: {  	s3 =	rddreg [dreg:$0x2];
	[bflag:$0x3] =	sbarrier.arrive $0xFFFF;
	s2 =	simm.s32 @!p0 $0x1C13  }
0x52a: {  	[timem:s3], [sflag:s2] =	dma.local @!p0 [hbm:s0], s1  }
0x52b: {  	s0 =	simm.s32 @!p0 $0x13  }
0x52c: {  	_ =	swait.ge @!p0 [sflag:s0], s1  }
0x52d: {  	s1 =	ssub.s32 @!p0 $0x0, s1;
	[sflag:s0] =	ssyncset.done @!p0 $0x0  }
0x52e: {  	[sflag:s0] =	ssyncadd.s32 @!p0 s1  }
0x52f: {  	[bflag:$0x3] =	sbarrier.arrive $0xFFFF  }
0x530: {  	_ =	shalt  }

</sc_bundles>
